<compile_context>
chip_gen: v7x
topology: tpu7x:2x2x1
jax: 0.10.2.dev20260603
libtpu: 0.0.44.dev20260713+nightly
codegen_flags: <defaults>
</compile_context>

<pallas_src>
import functools

import jax
import jax.numpy as jnp
from jax import lax
from jax.experimental import pallas as pl
from jax.experimental.pallas import tpu as pltpu
from jax.experimental.pallas import tpu_sc as plsc

N_NODES = 10000
N_EDGES = 320000
D_FEAT = 128
HID = 16
N_CLS = 10
N_GRAPHS = 64

NP = 10240
PAD_NODE = N_NODES
N_TILES = 32
CHUNK = 128
EPT = 10112
E_PAD = EPT * N_TILES
NCH = EPT // CHUNK
ROWS_PER_TILE = NP // 16


E_PAD2 = E_PAD // 2
GRID = E_PAD2 // CHUNK
CHUNKR = CHUNK
GRIDR = NP // CHUNKR
DF = 128


@functools.lru_cache(maxsize=None)
def _sc_kernels():
    mesh = plsc.VectorSubcoreMesh(core_axis_name="c", subcore_axis_name="s")

    def _zero_pipe(rows_hbm, zbuf, acc_sh):
        def zbody(ridx):
            pltpu.sync_copy(zbuf.at[pl.ds(0, CHUNKR)], acc_sh.at[ridx.at[0]])

        pltpu.emit_pipeline(
            zbody,
            grid=(GRIDR,),
            in_specs=[pl.BlockSpec((1, CHUNKR), lambda i: (0, i))],
            out_specs=[],
            core_axis_name="s",
            dimension_semantics=(pltpu.PARALLEL,),
        )(rows_hbm)

    STEPS_PER_TILE = GRIDR // 16

    def _drain_pipe(rows_hbm, ridx_v, rows, acc_sh, out_hbm, c, s):
        @pl.loop(0, STEPS_PER_TILE)
        def _(k):
            step = s * STEPS_PER_TILE + k
            pltpu.sync_copy(rows_hbm.at[0].at[pl.ds(step * CHUNKR, CHUNKR)],
                            ridx_v)
            pltpu.sync_copy(acc_sh.at[ridx_v], rows)
            pltpu.sync_copy(
                rows, out_hbm.at[pl.ds(c * NP + step * CHUNKR, CHUNKR)])

    def agg_body(rows_hbm, src2_hbm, dst2_hbm, tab_hbm, out_hbm,
                 rows, rows2, ridx_v, acc_sh, gsem0, gsem1):
        c = lax.axis_index("c")
        s = lax.axis_index("s")

        @pl.loop(0, CHUNKR)
        def _(i):
            rows[i, :] = jnp.full((DF,), 0.0, jnp.float32)

        _zero_pipe(rows_hbm, rows, acc_sh)
        plsc.subcore_barrier()

        def body(sidx0, didx0, sidx1, didx1):
            g0 = pltpu.async_copy(tab_hbm.at[sidx0.at[0]], rows, gsem0)
            g1 = pltpu.async_copy(tab_hbm.at[sidx1.at[0]], rows2, gsem1)
            g0.wait()
            pltpu.sync_copy(rows, acc_sh.at[didx0.at[0]], add=True)
            g1.wait()
            pltpu.sync_copy(rows2, acc_sh.at[didx1.at[0]], add=True)

        pltpu.emit_pipeline(
            body,
            grid=(GRID // 2,),
            in_specs=[
                pl.BlockSpec((1, CHUNK), lambda i: (c, 2 * i)),
                pl.BlockSpec((1, CHUNK), lambda i: (c, 2 * i)),
                pl.BlockSpec((1, CHUNK), lambda i: (c, 2 * i + 1)),
                pl.BlockSpec((1, CHUNK), lambda i: (c, 2 * i + 1)),
            ],
            out_specs=[],
            core_axis_name="s",
            dimension_semantics=(pltpu.PARALLEL,),
        )(src2_hbm, dst2_hbm, src2_hbm, dst2_hbm)

        plsc.subcore_barrier()
        _drain_pipe(rows_hbm, ridx_v, rows, acc_sh, out_hbm, c, s)

    agg_call = pl.kernel(
        agg_body,
        out_type=jax.ShapeDtypeStruct((2 * NP, DF), jnp.float32),
        mesh=mesh,
        scratch_types=[
            pltpu.VMEM((CHUNK, DF), jnp.float32),
            pltpu.VMEM((CHUNK, DF), jnp.float32),
            pltpu.VMEM((CHUNK,), jnp.int32),
            pltpu.VMEM_SHARED((NP, DF), jnp.float32),
            pltpu.SemaphoreType.DMA,
            pltpu.SemaphoreType.DMA,
        ],
    )

    def deg_body(rows_hbm, dst2_hbm, out_hbm, ones_v, ridx_v, acc_sh):
        c = lax.axis_index("c")
        s = lax.axis_index("s")

        @pl.loop(0, CHUNKR)
        def _(i):
            ones_v[i, :] = jnp.full((DF,), 0.0, jnp.float32)

        _zero_pipe(rows_hbm, ones_v, acc_sh)

        @pl.loop(0, CHUNK)
        def _(i):
            ones_v[i, :] = jnp.full((DF,), 1.0, jnp.float32)

        plsc.subcore_barrier()

        def body(didx):
            pltpu.sync_copy(ones_v, acc_sh.at[didx.at[0]], add=True)

        pltpu.emit_pipeline(
            body,
            grid=(GRID,),
            in_specs=[pl.BlockSpec((1, CHUNK), lambda i: (c, i))],
            out_specs=[],
            core_axis_name="s",
            dimension_semantics=(pltpu.PARALLEL,),
        )(dst2_hbm)

        plsc.subcore_barrier()
        _drain_pipe(rows_hbm, ridx_v, ones_v, acc_sh, out_hbm, c, s)

    deg_call = pl.kernel(
        deg_body,
        out_type=jax.ShapeDtypeStruct((2 * NP, DF), jnp.float32),
        mesh=mesh,
        scratch_types=[
            pltpu.VMEM((CHUNK, DF), jnp.float32),
            pltpu.VMEM((CHUNK,), jnp.int32),
            pltpu.VMEM_SHARED((NP, DF), jnp.float32),
        ],
    )

    return deg_call, agg_call


def _mm1_body(x_ref, dega_ref, degb_ref, xp_ref, dinv_ref):
    deg = dega_ref[...] + degb_ref[...] + 1.0
    dinv128 = lax.rsqrt(deg)
    xp_ref[...] = x_ref[...] * dinv128
    dinv_ref[...] = dinv128[:, :HID]


def _mm1(x_pad, dega, degb):
    BM = 2048
    return pl.pallas_call(
        _mm1_body,
        grid=(NP // BM,),
        in_specs=[
            pl.BlockSpec((BM, DF), lambda i: (i, 0)),
            pl.BlockSpec((BM, DF), lambda i: (i, 0)),
            pl.BlockSpec((BM, DF), lambda i: (i, 0)),
        ],
        out_specs=[
            pl.BlockSpec((BM, DF), lambda i: (i, 0)),
            pl.BlockSpec((BM, HID), lambda i: (i, 0)),
        ],
        out_shape=[
            jax.ShapeDtypeStruct((NP, DF), jnp.float32),
            jax.ShapeDtypeStruct((NP, HID), jnp.float32),
        ],
    )(x_pad, dega, degb)


def _mm2_body(agga_ref, aggb_ref, xp_ref, dinv_ref, w1_ref, b1_ref, w2_ref,
              t2_ref):
    a1 = agga_ref[...] + aggb_ref[...] + xp_ref[...]
    dinv = dinv_ref[...]
    h1 = jnp.dot(a1, w1_ref[...], preferred_element_type=jnp.float32)
    r = jnp.maximum(dinv * h1 + b1_ref[...], 0.0)
    h2 = jnp.dot(r, w2_ref[...], preferred_element_type=jnp.float32)
    h2p = h2 * dinv
    t2_ref[...] = jnp.pad(h2p, ((0, 0), (0, DF - HID)))


def _mm2(agga, aggb, xp, dinv, W1, b1r, W2):
    BM = 2048
    return pl.pallas_call(
        _mm2_body,
        grid=(NP // BM,),
        in_specs=[
            pl.BlockSpec((BM, DF), lambda i: (i, 0)),
            pl.BlockSpec((BM, DF), lambda i: (i, 0)),
            pl.BlockSpec((BM, DF), lambda i: (i, 0)),
            pl.BlockSpec((BM, HID), lambda i: (i, 0)),
            pl.BlockSpec((DF, HID), lambda i: (0, 0)),
            pl.BlockSpec((1, HID), lambda i: (0, 0)),
            pl.BlockSpec((HID, HID), lambda i: (0, 0)),
        ],
        out_specs=pl.BlockSpec((BM, DF), lambda i: (i, 0)),
        out_shape=jax.ShapeDtypeStruct((NP, DF), jnp.float32),
    )(agga, aggb, xp, dinv, W1, b1r, W2)


def _final_body(agga_ref, aggb_ref, t2_ref, dinv_ref, b2_ref, batch_ref,
                wfc_ref, bfc_ref, out_ref):
    out2 = dinv_ref[...] * (agga_ref[..., :HID] + aggb_ref[..., :HID]
                            + t2_ref[..., :HID]) + b2_ref[...]
    ids = lax.broadcasted_iota(jnp.int32, (N_GRAPHS, NP), 0)
    sel = (ids == batch_ref[...]).astype(jnp.float32)
    sums = jnp.dot(sel, out2, preferred_element_type=jnp.float32)
    counts = jnp.sum(sel, axis=1, keepdims=True)
    mean = sums / jnp.maximum(counts, 1.0)
    out_ref[...] = jnp.dot(mean, wfc_ref[...],
                           preferred_element_type=jnp.float32) + bfc_ref[...]


def _final(agga, aggb, t2, dinv, b2r, batch_pad, Wfc, bfcr):
    return pl.pallas_call(
        _final_body,
        out_shape=jax.ShapeDtypeStruct((N_GRAPHS, N_CLS), jnp.float32),
    )(agga, aggb, t2, dinv, b2r, batch_pad, Wfc, bfcr)


def kernel(x, edge_index, batch, W1, b1, W2, b2, Wfc, bfc):
    src = edge_index[0].astype(jnp.int32)
    dst = edge_index[1].astype(jnp.int32)
    pad = jnp.full((E_PAD - N_EDGES,), PAD_NODE, jnp.int32)
    src2 = jnp.concatenate([src, pad]).reshape(2, E_PAD2)
    dst2 = jnp.concatenate([dst, pad]).reshape(2, E_PAD2)
    x_pad = jnp.pad(x, ((0, NP - N_NODES), (0, 0)))
    batch_pad = jnp.concatenate(
        [batch.astype(jnp.int32),
         jnp.full((NP - N_NODES,), N_GRAPHS, jnp.int32)]).reshape(1, NP)
    row_ids = jnp.arange(NP, dtype=jnp.int32).reshape(1, NP)

    deg_call, agg_call = _sc_kernels()

    deg = deg_call(row_ids, dst2).reshape(2, NP, DF)
    xp, dinv = _mm1(x_pad, deg[0], deg[1])
    agg1 = agg_call(row_ids, src2, dst2, xp).reshape(2, NP, DF)
    t2 = _mm2(agg1[0], agg1[1], xp, dinv, W1, b1.reshape(1, HID), W2)
    agg2 = agg_call(row_ids, src2, dst2, t2).reshape(2, NP, DF)
    return _final(agg2[0], agg2[1], t2, dinv, b2.reshape(1, HID),
                  batch_pad, Wfc, bfc.reshape(1, N_CLS))

# --- scband reference (transcript-rebuilt; emitter-appended) ---
"""Pipeline reference for scband-tgnnmodel-14551349199033 (READ-ONLY COPY).

The authoritative reference and input builder live on the scoring server;
editing this copy changes nothing except your own understanding.
"""

import jax, jax.numpy as jnp
import numpy as np

NUM_NODES = 10000
NUM_EDGES = 320000
D_FEAT = 128
HIDDEN = 16
NUM_CLASSES = 10
NUM_GRAPHS = 64


def gcn_conv(x, edge_index, W, b):
    n = x.shape[0]
    src = edge_index[0]
    dst = edge_index[1]
    loop = jnp.arange(n, dtype=src.dtype)
    src = jnp.concatenate([src, loop])
    dst = jnp.concatenate([dst, loop])
    h = x @ W
    deg = jnp.zeros((n,), dtype=x.dtype).at[dst].add(1.0)
    deg_inv_sqrt = jnp.where(deg > 0, deg ** -0.5, 0.0)
    norm = deg_inv_sqrt[src] * deg_inv_sqrt[dst]
    msg = h[src] * norm[:, None]
    out = jnp.zeros((n, W.shape[1]), dtype=x.dtype).at[dst].add(msg)
    return out + b


def global_mean_pool(x, batch, num_graphs):
    sums = jax.ops.segment_sum(x, batch, num_segments=num_graphs)
    counts = jax.ops.segment_sum(jnp.ones((x.shape[0],), dtype=x.dtype), batch, num_segments=num_graphs)
    return sums / jnp.clip(counts, 1.0)[:, None]


def setup_inputs(seed: int = 0) -> dict:
    key = jax.random.key(seed)
    ks = jax.random.split(key, 10)
    x = jax.random.normal(ks[0], (NUM_NODES, D_FEAT), dtype=jnp.float32)
    edge_index = jax.random.randint(ks[1], (2, NUM_EDGES), 0, NUM_NODES, dtype=jnp.int64)
    batch = jnp.sort(jax.random.randint(ks[2], (NUM_NODES,), 0, NUM_GRAPHS, dtype=jnp.int64))
    W1 = jax.random.normal(ks[3], (D_FEAT, HIDDEN), dtype=jnp.float32) * (1.0 / np.sqrt(D_FEAT))
    b1 = jnp.zeros((HIDDEN,), dtype=jnp.float32)
    W2 = jax.random.normal(ks[4], (HIDDEN, HIDDEN), dtype=jnp.float32) * (1.0 / np.sqrt(HIDDEN))
    b2 = jnp.zeros((HIDDEN,), dtype=jnp.float32)
    Wfc = jax.random.normal(ks[5], (HIDDEN, NUM_CLASSES), dtype=jnp.float32) * (1.0 / np.sqrt(HIDDEN))
    bfc = jnp.zeros((NUM_CLASSES,), dtype=jnp.float32)
    return {"x": x, "edge_index": edge_index, "batch": batch, "W1": W1, "b1": b1, "W2": W2, "b2": b2, "Wfc": Wfc, "bfc": bfc}


def reference(x, edge_index, batch, W1, b1, W2, b2, Wfc, bfc):
    h = gcn_conv(x, edge_index, W1, b1)
    h = jax.nn.relu(h)
    h = gcn_conv(h, edge_index, W2, b2)
    g = global_mean_pool(h, batch, NUM_GRAPHS)
    return g @ Wfc + bfc

if __name__ == "__main__":
    import jax
    _d = setup_inputs()
    print(jax.jit(kernel)(*tuple(_d.values())))

</pallas_src>

<mosaic_0001>
#map = affine_map<(d0, d1) -> (0, 0)>
module attributes {stable_mosaic.version = 14 : i64} {
  func.func @agg_body(%arg0: i32, %arg1: i32, %arg2: memref<1x10240xi32, #tpu.memory_space<hbm>>, %arg3: memref<2x161792xi32, #tpu.memory_space<hbm>>, %arg4: memref<2x161792xi32, #tpu.memory_space<hbm>>, %arg5: memref<10240x128xf32, #tpu.memory_space<hbm>>, %arg6: memref<20480x128xf32, #tpu.memory_space<hbm>>, %arg7: memref<128x128xf32, #tpu.memory_space<vmem>>, %arg8: memref<128x128xf32, #tpu.memory_space<vmem>>, %arg9: memref<128xi32, #tpu.memory_space<vmem>>, %arg10: memref<10240x128xf32, #tpu.memory_space<vmem_shared>>, %arg11: memref<!tpu.dma_semaphore, #tpu.memory_space<semaphore_mem>>, %arg12: memref<!tpu.dma_semaphore, #tpu.memory_space<semaphore_mem>>) attributes {dimension_semantics = [#tpu.dimension_semantics<core_parallel>, #tpu.dimension_semantics<subcore_parallel>], iteration_bounds = array<i64: 2, 16>, scalar_prefetch = 0 : i64, scratch_operands = 6 : i64, tpu.core_type = #tpu.core_type<sc_vector_subcore>, window_params = [{transform_indices = #map}, {transform_indices = #map}, {transform_indices = #map}, {transform_indices = #map}, {transform_indices = #map}]} {
    %scan3A = arith.constant 0 : i32
    %scan3A_0 = arith.constant 128 : i32
    %scan3A_1 = arith.addi %scan3A, %scan3A_0 : i32
    %scan3A_2 = arith.constant 1 : i32
    scf.for %scan3A_22 = %scan3A to %scan3A_1 step %scan3A_2  : i32 {
      %mul3A_23 = arith.constant 1 : i32
      %mul3A_24 = arith.muli %scan3A_22, %mul3A_23 : i32
      %add3A_25 = arith.constant 0 : i32
      %add3A_26 = arith.addi %add3A_25, %mul3A_24 : i32
      %broadcast_in_dim3A = arith.constant 0.000000e+00 : f32
      %broadcast_in_dim3A_27 = vector.broadcast %broadcast_in_dim3A : f32 to vector<128xf32>
      %swap3A = arith.index_cast %add3A_26 : i32 to index
      %swap3A_28 = arith.constant 0 : index
      %swap3A_29 = tpu.vector_load %arg7[%swap3A, %swap3A_28] {strides = array<i32>} : memref<128x128xf32, #tpu.memory_space<vmem>>, vector<1x128xf32>,
      %swap3A_30 = vector.shape_cast %swap3A_29 : vector<1x128xf32> to vector<128xf32>
      %swap3A_31 = vector.shape_cast %broadcast_in_dim3A_27 : vector<128xf32> to vector<1x128xf32>
      tpu.vector_store %arg7[%swap3A, %swap3A_28], %swap3A_31 {strides = array<i32>} : memref<128x128xf32, #tpu.memory_space<vmem>>, vector<1x128xf32>,
    }
    %scan3A_3 = arith.constant 128 : i32
    %mul3A = arith.constant 5 : i32
    %mul3A_4 = arith.muli %arg1, %mul3A : i32
    "tpu.region"() ({
      %run_scoped3A = memref.alloca() : memref<2x1x128xi32, #tpu.memory_space<vmem>>
      %run_scoped3A_22 = tpu.sem_alloc : memref<2x!tpu.dma_semaphore, #tpu.memory_space<semaphore_mem>>
      %add3A_23 = arith.constant 0 : i32
      %add3A_24 = arith.addi %add3A_23, %mul3A_4 : i32
      %select_n3A_25 = arith.constant true
      %select_n3A_26 = arith.constant 0 : i32
      %select_n3A_27 = arith.constant -1 : i32
      %select_n3A_28 = arith.select %select_n3A_25, %select_n3A_27, %select_n3A_26 : i32
      %eq3A = arith.constant -1 : i32
      %eq3A_29 = arith.cmpi eq, %select_n3A_28, %eq3A : i32
      %select_n3A_30 = arith.constant 4 : i32
      %select_n3A_31 = arith.select %eq3A_29, %select_n3A_30, %select_n3A_28 : i32
      %add3A_32 = arith.addi %select_n3A_31, %mul3A_4 : i32
      %select_n3A_33 = arith.constant true
      %select_n3A_34 = arith.constant 0 : i32
      %select_n3A_35 = arith.constant 1 : i32
      %select_n3A_36 = arith.select %select_n3A_33, %select_n3A_35, %select_n3A_34 : i32
      %eq3A_37 = arith.constant 5 : i32
      %eq3A_38 = arith.cmpi eq, %select_n3A_36, %eq3A_37 : i32
      %select_n3A_39 = arith.constant 0 : i32
      %select_n3A_40 = arith.select %eq3A_38, %select_n3A_39, %select_n3A_36 : i32
      %add3A_41 = arith.addi %select_n3A_40, %mul3A_4 : i32
      %add3A_42 = arith.constant 1 : i32
      %add3A_43 = arith.addi %select_n3A_40, %add3A_42 : i32
      %select_n3A_44 = arith.constant true
      %select_n3A_45 = arith.select %select_n3A_44, %add3A_43, %select_n3A_40 : i32
      %eq3A_46 = arith.constant 5 : i32
      %eq3A_47 = arith.cmpi eq, %select_n3A_45, %eq3A_46 : i32
      %select_n3A_48 = arith.constant 0 : i32
      %select_n3A_49 = arith.select %eq3A_47, %select_n3A_48, %select_n3A_45 : i32
      %add3A_50 = arith.addi %select_n3A_49, %mul3A_4 : i32
      "tpu.trace_start"() <{level = 10 : i32, message = "ep_initialize_0"}> : () -> ()
      %rem3A = arith.constant 0 : i32
      %rem3A_51 = arith.constant 2 : i32
      %rem3A_52 = arith.remui %rem3A, %rem3A_51 : i32
      %mul3A_53 = arith.constant 128 : i32
      %mul3A_54 = arith.muli %mul3A_53, %add3A_24 : i32
      %dma_start3A = arith.constant 0 : i32
      %dma_start3A_55 = arith.constant 0 : i32
      %dma_start3A_56 = tpu.memref_slice %run_scoped3A[%rem3A_52, %dma_start3A, %dma_start3A_55] : memref<2x1x128xi32, #tpu.memory_space<vmem>> -> memref<1x1x128xi32, #tpu.memory_space<vmem>>
      %dma_start3A_57 = tpu.memref_squeeze %dma_start3A_56 : memref<1x1x128xi32, #tpu.memory_space<vmem>> -> memref<1x128xi32, #tpu.memory_space<vmem>>
      %dma_start3A_58 = arith.constant 0 : i32
      %dma_start3A_59 = tpu.memref_slice %arg2[%dma_start3A_58, %mul3A_54] : memref<1x10240xi32, #tpu.memory_space<hbm>> -> memref<1x128xi32, #tpu.memory_space<hbm>>
      %dma_start3A_60 = tpu.memref_slice %run_scoped3A_22[%rem3A_52] : memref<2x!tpu.dma_semaphore, #tpu.memory_space<semaphore_mem>> -> memref<1x!tpu.dma_semaphore, #tpu.memory_space<semaphore_mem>>
      %dma_start3A_61 = tpu.memref_squeeze %dma_start3A_60 : memref<1x!tpu.dma_semaphore, #tpu.memory_space<semaphore_mem>> -> memref<!tpu.dma_semaphore, #tpu.memory_space<semaphore_mem>>
      %dma_start3A_62 = arith.constant 0 : i32
      %dma_start3A_63 = arith.constant 0 : i32
      %dma_start3A_64 = tpu.memref_slice %run_scoped3A[%rem3A_52, %dma_start3A_62, %dma_start3A_63] : memref<2x1x128xi32, #tpu.memory_space<vmem>> -> memref<1x1x128xi32, #tpu.memory_space<vmem>>
      %dma_start3A_65 = tpu.memref_squeeze %dma_start3A_64 : memref<1x1x128xi32, #tpu.memory_space<vmem>> -> memref<1x128xi32, #tpu.memory_space<vmem>>
      %dma_start3A_66 = arith.constant 0 : i32
      %dma_start3A_67 = tpu.memref_slice %arg2[%dma_start3A_66, %mul3A_54] : memref<1x10240xi32, #tpu.memory_space<hbm>> -> memref<1x128xi32, #tpu.memory_space<hbm>>
      tpu.enqueue_dma source(%dma_start3A_67 : memref<1x128xi32, #tpu.memory_space<hbm>>) target(%dma_start3A_65 : memref<1x128xi32, #tpu.memory_space<vmem>>) target_semaphore(%dma_start3A_61 : memref<!tpu.dma_semaphore, #tpu.memory_space<semaphore_mem>>)
      %add3A_68 = arith.constant 0 : i32
      %add3A_69 = arith.constant 1 : i32
      %add3A_70 = arith.addi %add3A_68, %add3A_69 : i32
      %select_n3A_71 = arith.constant true
      %select_n3A_72 = arith.constant 0 : i32
      %select_n3A_73 = arith.select %select_n3A_71, %add3A_70, %select_n3A_72 : i32
      "tpu.trace_stop"() : () -> ()
      %scan3A_74 = arith.constant 0 : i32
      %scan3A_75 = arith.constant 0 : i32
      %scan3A_76 = arith.constant 0 : i32
      %scan3A_77 = arith.constant 5 : i32
      %scan3A_78 = arith.addi %scan3A_76, %scan3A_77 : i32
      %scan3A_79 = arith.constant 1 : i32
      %scan3A_80:3 = scf.for %scan3A_117 = %scan3A_76 to %scan3A_78 step %scan3A_79 iter_args(%scan3A_118 = %select_n3A_73, %scan3A_119 = %scan3A_74, %scan3A_120 = %scan3A_75) -> (i32, i32, i32)  : i32 {
        %eq3A_121 = arith.constant 0 : i32
        %eq3A_122 = arith.cmpi eq, %scan3A_117, %eq3A_121 : i32
        %eq3A_123 = arith.constant 4 : i32
        %eq3A_124 = arith.cmpi eq, %scan3A_117, %eq3A_123 : i32
        %add3A_125 = arith.addi %scan3A_120, %mul3A_4 : i32
        %sub3A_126 = arith.constant 1 : i32
        %sub3A_127 = arith.subi %scan3A_120, %sub3A_126 : i32
        %select_n3A_128 = arith.constant true
        %select_n3A_129 = arith.select %select_n3A_128, %sub3A_127, %scan3A_120 : i32
        %eq3A_130 = arith.constant -1 : i32
        %eq3A_131 = arith.cmpi eq, %select_n3A_129, %eq3A_130 : i32
        %select_n3A_132 = arith.constant 4 : i32
        %select_n3A_133 = arith.select %eq3A_131, %select_n3A_132, %select_n3A_129 : i32
        %add3A_134 = arith.addi %select_n3A_133, %mul3A_4 : i32
        %add3A_135 = arith.constant 1 : i32
        %add3A_136 = arith.addi %scan3A_120, %add3A_135 : i32
        %select_n3A_137 = arith.constant true
        %select_n3A_138 = arith.select %select_n3A_137, %add3A_136, %scan3A_120 : i32
        %eq3A_139 = arith.constant 5 : i32
        %eq3A_140 = arith.cmpi eq, %select_n3A_138, %eq3A_139 : i32
        %select_n3A_141 = arith.constant 0 : i32
        %select_n3A_142 = arith.select %eq3A_140, %select_n3A_141, %select_n3A_138 : i32
        %add3A_143 = arith.addi %select_n3A_142, %mul3A_4 : i32
        %add3A_144 = arith.constant 1 : i32
        %add3A_145 = arith.addi %select_n3A_142, %add3A_144 : i32
        %select_n3A_146 = arith.constant true
        %select_n3A_147 = arith.select %select_n3A_146, %add3A_145, %select_n3A_142 : i32
        %eq3A_148 = arith.constant 5 : i32
        %eq3A_149 = arith.cmpi eq, %select_n3A_147, %eq3A_148 : i32
        %select_n3A_150 = arith.constant 0 : i32
        %select_n3A_151 = arith.select %eq3A_149, %select_n3A_150, %select_n3A_147 : i32
        %add3A_152 = arith.addi %select_n3A_151, %mul3A_4 : i32
        %ne3A = arith.cmpi ne, %add3A_125, %add3A_143 : i32
        %or3A = arith.constant false
        %or3A_153 = arith.ori %or3A, %ne3A : i1
        %ge3A = arith.constant 4 : i32
        %ge3A_154 = arith.cmpi sge, %scan3A_117, %ge3A : i32
        %not3A = arith.constant true
        %not3A_155 = arith.xori %ge3A_154, %not3A : i1
        %and3A = arith.andi %or3A_153, %not3A_155 : i1
        %convert_element_type3A = arith.extui %and3A : i1 to i32
        %cond3A = arith.constant 0 : i32
        %cond3A_156 = arith.cmpi ne, %convert_element_type3A, %cond3A : i32
        scf.if %cond3A_156 {
          "tpu.trace_start"() <{level = 10 : i32, message = "ep_copy_in"}> : () -> ()
          %rem3A_207 = arith.constant 2 : i32
          %rem3A_208 = arith.remui %scan3A_118, %rem3A_207 : i32
          %mul3A_209 = arith.constant 128 : i32
          %mul3A_210 = arith.muli %mul3A_209, %add3A_143 : i32
          %dma_start3A_211 = arith.constant 0 : i32
          %dma_start3A_212 = arith.constant 0 : i32
          %dma_start3A_213 = tpu.memref_slice %run_scoped3A[%rem3A_208, %dma_start3A_211, %dma_start3A_212] : memref<2x1x128xi32, #tpu.memory_space<vmem>> -> memref<1x1x128xi32, #tpu.memory_space<vmem>>
          %dma_start3A_214 = tpu.memref_squeeze %dma_start3A_213 : memref<1x1x128xi32, #tpu.memory_space<vmem>> -> memref<1x128xi32, #tpu.memory_space<vmem>>
          %dma_start3A_215 = arith.constant 0 : i32
          %dma_start3A_216 = tpu.memref_slice %arg2[%dma_start3A_215, %mul3A_210] : memref<1x10240xi32, #tpu.memory_space<hbm>> -> memref<1x128xi32, #tpu.memory_space<hbm>>
          %dma_start3A_217 = tpu.memref_slice %run_scoped3A_22[%rem3A_208] : memref<2x!tpu.dma_semaphore, #tpu.memory_space<semaphore_mem>> -> memref<1x!tpu.dma_semaphore, #tpu.memory_space<semaphore_mem>>
          %dma_start3A_218 = tpu.memref_squeeze %dma_start3A_217 : memref<1x!tpu.dma_semaphore, #tpu.memory_space<semaphore_mem>> -> memref<!tpu.dma_semaphore, #tpu.memory_space<semaphore_mem>>
          %dma_start3A_219 = arith.constant 0 : i32
          %dma_start3A_220 = arith.constant 0 : i32
          %dma_start3A_221 = tpu.memref_slice %run_scoped3A[%rem3A_208, %dma_start3A_219, %dma_start3A_220] : memref<2x1x128xi32, #tpu.memory_space<vmem>> -> memref<1x1x128xi32, #tpu.memory_space<vmem>>
          %dma_start3A_222 = tpu.memref_squeeze %dma_start3A_221 : memref<1x1x128xi32, #tpu.memory_space<vmem>> -> memref<1x128xi32, #tpu.memory_space<vmem>>
          %dma_start3A_223 = arith.constant 0 : i32
          %dma_start3A_224 = tpu.memref_slice %arg2[%dma_start3A_223, %mul3A_210] : memref<1x10240xi32, #tpu.memory_space<hbm>> -> memref<1x128xi32, #tpu.memory_space<hbm>>
          tpu.enqueue_dma source(%dma_start3A_224 : memref<1x128xi32, #tpu.memory_space<hbm>>) target(%dma_start3A_222 : memref<1x128xi32, #tpu.memory_space<vmem>>) target_semaphore(%dma_start3A_218 : memref<!tpu.dma_semaphore, #tpu.memory_space<semaphore_mem>>)
          "tpu.trace_stop"() : () -> ()
        } else {
        }
        %and3A_157 = arith.constant true
        %and3A_158 = arith.andi %and3A, %and3A_157 : i1
        %add3A_159 = arith.constant 1 : i32
        %add3A_160 = arith.addi %scan3A_118, %add3A_159 : i32
        %select_n3A_161 = arith.select %and3A_158, %add3A_160, %scan3A_118 : i32
        %ne3A_162 = arith.cmpi ne, %add3A_125, %add3A_134 : i32
        %or3A_163 = arith.constant false
        %or3A_164 = arith.ori %or3A_163, %ne3A_162 : i1
        %or3A_165 = arith.ori %or3A_164, %eq3A_122 : i1
        %convert_element_type3A_166 = arith.extui %or3A_165 : i1 to i32
        %cond3A_167 = arith.constant 0 : i32
        %cond3A_168 = arith.cmpi ne, %convert_element_type3A_166, %cond3A_167 : i32
        scf.if %cond3A_168 {
          "tpu.trace_start"() <{level = 10 : i32, message = "ep_wait_in"}> : () -> ()
          %mul3A_207 = arith.constant 128 : i32
          %mul3A_208 = arith.muli %mul3A_207, %add3A_125 : i32
          %rem3A_209 = arith.constant 2 : i32
          %rem3A_210 = arith.remui %scan3A_119, %rem3A_209 : i32
          %dma_wait3A = arith.constant 0 : i32
          %dma_wait3A_211 = arith.constant 0 : i32
          %dma_wait3A_212 = tpu.memref_slice %run_scoped3A[%rem3A_210, %dma_wait3A, %dma_wait3A_211] : memref<2x1x128xi32, #tpu.memory_space<vmem>> -> memref<1x1x128xi32, #tpu.memory_space<vmem>>
          %dma_wait3A_213 = tpu.memref_squeeze %dma_wait3A_212 : memref<1x1x128xi32, #tpu.memory_space<vmem>> -> memref<1x128xi32, #tpu.memory_space<vmem>>
          %dma_wait3A_214 = arith.constant 0 : i32
          %dma_wait3A_215 = tpu.memref_slice %arg2[%dma_wait3A_214, %mul3A_208] : memref<1x10240xi32, #tpu.memory_space<hbm>> -> memref<1x128xi32, #tpu.memory_space<hbm>>
          %dma_wait3A_216 = tpu.memref_slice %run_scoped3A_22[%rem3A_210] : memref<2x!tpu.dma_semaphore, #tpu.memory_space<semaphore_mem>> -> memref<1x!tpu.dma_semaphore, #tpu.memory_space<semaphore_mem>>
          %dma_wait3A_217 = tpu.memref_squeeze %dma_wait3A_216 : memref<1x!tpu.dma_semaphore, #tpu.memory_space<semaphore_mem>> -> memref<!tpu.dma_semaphore, #tpu.memory_space<semaphore_mem>>
          %dma_wait3A_218 = arith.constant 0 : i32
          %dma_wait3A_219 = arith.constant 0 : i32
          %dma_wait3A_220 = tpu.memref_slice %run_scoped3A[%rem3A_210, %dma_wait3A_218, %dma_wait3A_219] : memref<2x1x128xi32, #tpu.memory_space<vmem>> -> memref<1x1x128xi32, #tpu.memory_space<vmem>>
          %dma_wait3A_221 = tpu.memref_squeeze %dma_wait3A_220 : memref<1x1x128xi32, #tpu.memory_space<vmem>> -> memref<1x128xi32, #tpu.memory_space<vmem>>
          %dma_wait3A_222 = arith.constant 0 : i32
          %dma_wait3A_223 = tpu.memref_slice %arg2[%dma_wait3A_222, %mul3A_208] : memref<1x10240xi32, #tpu.memory_space<hbm>> -> memref<1x128xi32, #tpu.memory_space<hbm>>
          tpu.wait_dma2 semaphore(%dma_wait3A_217 : memref<!tpu.dma_semaphore, #tpu.memory_space<semaphore_mem>>) src(%dma_wait3A_223 : memref<1x128xi32, #tpu.memory_space<hbm>>) dst(%dma_wait3A_221 : memref<1x128xi32, #tpu.memory_space<vmem>>)
          "tpu.trace_stop"() : () -> ()
        } else {
        }
        %rem3A_169 = arith.constant 2 : i32
        %rem3A_170 = arith.remui %scan3A_119, %rem3A_169 : i32
        %run_scoped3A_171 = arith.constant 0 : i32
        "tpu.trace_start"() <{level = 10 : i32, message = "ep_run_kernel"}> : () -> ()
        "tpu.region"() ({
          %run_scoped3A_207 = tpu.sem_alloc : memref<!tpu.dma_semaphore, #tpu.memory_space<semaphore_mem>>
          %dma_start3A_208 = arith.constant 0 : i32
          %dma_start3A_209 = arith.constant 0 : i32
          %dma_start3A_210 = tpu.memref_slice %arg7[%dma_start3A_208, %dma_start3A_209] : memref<128x128xf32, #tpu.memory_space<vmem>> -> memref<128x128xf32, #tpu.memory_space<vmem>>
          %dma_start3A_211 = arith.constant 0 : i32
          %dma_start3A_212 = arith.constant 0 : i32
          %dma_start3A_213 = tpu.memref_slice %run_scoped3A[%rem3A_170, %dma_start3A_211, %dma_start3A_212] : memref<2x1x128xi32, #tpu.memory_space<vmem>> -> memref<1x1x128xi32, #tpu.memory_space<vmem>>
          %dma_start3A_214 = tpu.memref_squeeze %dma_start3A_213 : memref<1x1x128xi32, #tpu.memory_space<vmem>> -> memref<1x128xi32, #tpu.memory_space<vmem>>
          %dma_start3A_215 = arith.constant 0 : i32
          %dma_start3A_216 = tpu.memref_slice %dma_start3A_214[%run_scoped3A_171, %dma_start3A_215] : memref<1x128xi32, #tpu.memory_space<vmem>> -> memref<1x128xi32, #tpu.memory_space<vmem>>
          %dma_start3A_217 = tpu.memref_squeeze %dma_start3A_216 : memref<1x128xi32, #tpu.memory_space<vmem>> -> memref<128xi32, #tpu.memory_space<vmem>>
          %dma_start3A_218 = arith.constant 0 : i32
          %dma_start3A_219 = arith.constant 0 : i32
          %dma_start3A_220 = tpu.memref_slice %arg10[%dma_start3A_218, %dma_start3A_219] : memref<10240x128xf32, #tpu.memory_space<vmem_shared>> -> memref<10240x128xf32, #tpu.memory_space<vmem_shared>>
          tpu.enqueue_indirect_dma source(%dma_start3A_210 : memref<128x128xf32, #tpu.memory_space<vmem>>) target(%dma_start3A_220 : memref<10240x128xf32, #tpu.memory_space<vmem_shared>>) offsets(%dma_start3A_217 : memref<128xi32, #tpu.memory_space<vmem>>) semaphore(%run_scoped3A_207 : memref<!tpu.dma_semaphore, #tpu.memory_space<semaphore_mem>>)
          %dma_wait3A = arith.constant 0 : i32
          %dma_wait3A_221 = arith.constant 0 : i32
          %dma_wait3A_222 = tpu.memref_slice %arg7[%dma_wait3A, %dma_wait3A_221] : memref<128x128xf32, #tpu.memory_space<vmem>> -> memref<128x128xf32, #tpu.memory_space<vmem>>
          %dma_wait3A_223 = arith.constant 0 : i32
          %dma_wait3A_224 = arith.constant 0 : i32
          %dma_wait3A_225 = tpu.memref_slice %run_scoped3A[%rem3A_170, %dma_wait3A_223, %dma_wait3A_224] : memref<2x1x128xi32, #tpu.memory_space<vmem>> -> memref<1x1x128xi32, #tpu.memory_space<vmem>>
          %dma_wait3A_226 = tpu.memref_squeeze %dma_wait3A_225 : memref<1x1x128xi32, #tpu.memory_space<vmem>> -> memref<1x128xi32, #tpu.memory_space<vmem>>
          %dma_wait3A_227 = arith.constant 0 : i32
          %dma_wait3A_228 = tpu.memref_slice %dma_wait3A_226[%run_scoped3A_171, %dma_wait3A_227] : memref<1x128xi32, #tpu.memory_space<vmem>> -> memref<1x128xi32, #tpu.memory_space<vmem>>
          %dma_wait3A_229 = tpu.memref_squeeze %dma_wait3A_228 : memref<1x128xi32, #tpu.memory_space<vmem>> -> memref<128xi32, #tpu.memory_space<vmem>>
          %dma_wait3A_230 = arith.constant 0 : i32
          %dma_wait3A_231 = arith.constant 0 : i32
          %dma_wait3A_232 = tpu.memref_slice %arg10[%dma_wait3A_230, %dma_wait3A_231] : memref<10240x128xf32, #tpu.memory_space<vmem_shared>> -> memref<10240x128xf32, #tpu.memory_space<vmem_shared>>
          tpu.wait_indirect_dma semaphore(%run_scoped3A_207 : memref<!tpu.dma_semaphore, #tpu.memory_space<semaphore_mem>>) src(%dma_wait3A_222 : memref<128x128xf32, #tpu.memory_space<vmem>>) dst(%dma_wait3A_232 : memref<10240x128xf32, #tpu.memory_space<vmem_shared>>)
          tpu.yield
        }) : () -> ()
        "tpu.trace_stop"() : () -> ()
        %ne3A_172 = arith.cmpi ne, %add3A_125, %add3A_143 : i32
        %or3A_173 = arith.constant false
        %or3A_174 = arith.ori %or3A_173, %ne3A_172 : i1
        %or3A_175 = arith.ori %or3A_174, %eq3A_124 : i1
        %convert_element_type3A_176 = arith.extui %or3A_175 : i1 to i32
        %cond3A_177 = arith.constant 0 : i32
        %cond3A_178 = arith.cmpi ne, %convert_element_type3A_176, %cond3A_177 : i32
        scf.if %cond3A_178 {
        } else {
        }
        %and3A_179 = arith.constant false
        %and3A_180 = arith.andi %or3A_175, %and3A_179 : i1
        %ne3A_181 = arith.cmpi ne, %add3A_125, %add3A_134 : i32
        %or3A_182 = arith.constant false
        %or3A_183 = arith.ori %or3A_182, %ne3A_181 : i1
        %not3A_184 = arith.constant true
        %not3A_185 = arith.xori %eq3A_122, %not3A_184 : i1
        %and3A_186 = arith.andi %or3A_183, %not3A_185 : i1
        %convert_element_type3A_187 = arith.extui %and3A_186 : i1 to i32
        %cond3A_188 = arith.constant 0 : i32
        %cond3A_189 = arith.cmpi ne, %convert_element_type3A_187, %cond3A_188 : i32
        scf.if %cond3A_189 {
        } else {
        }
        %and3A_190 = arith.constant false
        %and3A_191 = arith.andi %and3A_186, %and3A_190 : i1
        %ne3A_192 = arith.cmpi ne, %add3A_125, %add3A_143 : i32
        %or3A_193 = arith.constant false
        %or3A_194 = arith.ori %or3A_193, %ne3A_192 : i1
        %or3A_195 = arith.ori %or3A_194, %eq3A_124 : i1
        %add3A_196 = arith.constant 1 : i32
        %add3A_197 = arith.addi %scan3A_119, %add3A_196 : i32
        %select_n3A_198 = arith.select %or3A_195, %add3A_197, %scan3A_119 : i32
        %add3A_199 = arith.constant 1 : i32
        %add3A_200 = arith.addi %scan3A_120, %add3A_199 : i32
        %select_n3A_201 = arith.constant true
        %select_n3A_202 = arith.select %select_n3A_201, %add3A_200, %scan3A_120 : i32
        %eq3A_203 = arith.constant 5 : i32
        %eq3A_204 = arith.cmpi eq, %select_n3A_202, %eq3A_203 : i32
        %select_n3A_205 = arith.constant 0 : i32
        %select_n3A_206 = arith.select %eq3A_204, %select_n3A_205, %select_n3A_202 : i32
        scf.yield %select_n3A_161, %select_n3A_198, %select_n3A_206 : i32, i32, i32
      }
      %scan3A_81 = arith.constant 5 : i32
      %sub3A = arith.constant 1 : i32
      %sub3A_82 = arith.subi %scan3A_80#2, %sub3A : i32
      %select_n3A_83 = arith.constant true
      %select_n3A_84 = arith.select %select_n3A_83, %sub3A_82, %scan3A_80#2 : i32
      %eq3A_85 = arith.constant -1 : i32
      %eq3A_86 = arith.cmpi eq, %select_n3A_84, %eq3A_85 : i32
      %select_n3A_87 = arith.constant 4 : i32
      %select_n3A_88 = arith.select %eq3A_86, %select_n3A_87, %select_n3A_84 : i32
      %add3A_89 = arith.addi %select_n3A_88, %mul3A_4 : i32
      %sub3A_90 = arith.constant 1 : i32
      %sub3A_91 = arith.subi %select_n3A_88, %sub3A_90 : i32
      %select_n3A_92 = arith.constant true
      %select_n3A_93 = arith.select %select_n3A_92, %sub3A_91, %select_n3A_88 : i32
      %eq3A_94 = arith.constant -1 : i32
      %eq3A_95 = arith.cmpi eq, %select_n3A_93, %eq3A_94 : i32
      %select_n3A_96 = arith.constant 4 : i32
      %select_n3A_97 = arith.select %eq3A_95, %select_n3A_96, %select_n3A_93 : i32
      %add3A_98 = arith.addi %select_n3A_97, %mul3A_4 : i32
      %add3A_99 = arith.constant 1 : i32
      %add3A_100 = arith.addi %select_n3A_88, %add3A_99 : i32
      %select_n3A_101 = arith.constant true
      %select_n3A_102 = arith.select %select_n3A_101, %add3A_100, %select_n3A_88 : i32
      %eq3A_103 = arith.constant 5 : i32
      %eq3A_104 = arith.cmpi eq, %select_n3A_102, %eq3A_103 : i32
      %select_n3A_105 = arith.constant 0 : i32
      %select_n3A_106 = arith.select %eq3A_104, %select_n3A_105, %select_n3A_102 : i32
      %add3A_107 = arith.addi %select_n3A_106, %mul3A_4 : i32
      %add3A_108 = arith.constant 1 : i32
      %add3A_109 = arith.addi %select_n3A_106, %add3A_108 : i32
      %select_n3A_110 = arith.constant true
      %select_n3A_111 = arith.select %select_n3A_110, %add3A_109, %select_n3A_106 : i32
      %eq3A_112 = arith.constant 5 : i32
      %eq3A_113 = arith.cmpi eq, %select_n3A_111, %eq3A_112 : i32
      %select_n3A_114 = arith.constant 0 : i32
      %select_n3A_115 = arith.select %eq3A_113, %select_n3A_114, %select_n3A_111 : i32
      %add3A_116 = arith.addi %select_n3A_115, %mul3A_4 : i32
      tpu.yield
    }) : () -> ()
    %barrier3A = arith.constant 0 : index
    tpu.barrier barrier_id(%barrier3A)
    %lt3A = arith.constant 8 : i32
    %lt3A_5 = arith.cmpi slt, %arg1, %lt3A : i32
    %jit3A = arith.constant 40 : i32
    %jit3A_6 = arith.constant 39 : i32
    %select_n3A = arith.select %lt3A_5, %jit3A, %jit3A_6 : i32
    %lt3A_7 = arith.constant 8 : i32
    %lt3A_8 = arith.cmpi slt, %arg1, %lt3A_7 : i32
    %mul3A_9 = arith.muli %arg1, %select_n3A : i32
    %mul3A_10 = arith.constant 39 : i32
    %mul3A_11 = arith.muli %arg1, %mul3A_10 : i32
    %add3A = arith.constant 8 : i32
    %add3A_12 = arith.addi %mul3A_11, %add3A : i32
    %select_n3A_13 = arith.select %lt3A_8, %mul3A_9, %add3A_12 : i32
    %mul3A_14 = arith.constant 1 : i32
    %mul3A_15 = arith.muli %mul3A_14, %select_n3A : i32
    "tpu.region"() ({
      %run_scoped3A = memref.alloca() : memref<2x1x128xi32, #tpu.memory_space<vmem>>
      %run_scoped3A_22 = tpu.sem_alloc : memref<2x!tpu.dma_semaphore, #tpu.memory_space<semaphore_mem>>
      %run_scoped3A_23 = memref.alloca() : memref<2x1x128xi32, #tpu.memory_space<vmem>>
      %run_scoped3A_24 = tpu.sem_alloc : memref<2x!tpu.dma_semaphore, #tpu.memory_space<semaphore_mem>>
      %run_scoped3A_25 = memref.alloca() : memref<2x1x128xi32, #tpu.memory_space<vmem>>
      %run_scoped3A_26 = tpu.sem_alloc : memref<2x!tpu.dma_semaphore, #tpu.memory_space<semaphore_mem>>
      %run_scoped3A_27 = memref.alloca() : memref<2x1x128xi32, #tpu.memory_space<vmem>>
      %run_scoped3A_28 = tpu.sem_alloc : memref<2x!tpu.dma_semaphore, #tpu.memory_space<semaphore_mem>>
      %gt3A = arith.constant 0 : i32
      %gt3A_29 = arith.cmpi sgt, %mul3A_15, %gt3A : i32
      %convert_element_type3A = arith.extui %gt3A_29 : i1 to i32
      %cond3A = arith.constant 0 : i32
      %cond3A_30 = arith.cmpi ne, %convert_element_type3A, %cond3A : i32
      scf.if %cond3A_30 {
        %mul3A_31 = arith.constant 1 : i32
        %mul3A_32 = arith.muli %mul3A_31, %select_n3A : i32
        %sub3A = arith.constant 1 : i32
        %sub3A_33 = arith.subi %mul3A_32, %sub3A : i32
        %eq3A = arith.constant 0 : i32
        %eq3A_34 = arith.cmpi eq, %sub3A_33, %eq3A : i32
        %add3A_35 = arith.constant 0 : i32
        %add3A_36 = arith.addi %add3A_35, %select_n3A_13 : i32
        %select_n3A_37 = arith.constant true
        %select_n3A_38 = arith.constant 0 : i32
        %select_n3A_39 = arith.constant -1 : i32
        %select_n3A_40 = arith.select %select_n3A_37, %select_n3A_39, %select_n3A_38 : i32
        %eq3A_41 = arith.constant -1 : i32
        %eq3A_42 = arith.cmpi eq, %select_n3A_40, %eq3A_41 : i32
        %sub3A_43 = arith.constant 1 : i32
        %sub3A_44 = arith.subi %select_n3A, %sub3A_43 : i32
        %select_n3A_45 = arith.select %eq3A_42, %sub3A_44, %select_n3A_40 : i32
        %add3A_46 = arith.addi %select_n3A_45, %select_n3A_13 : i32
        %select_n3A_47 = arith.constant true
        %select_n3A_48 = arith.constant 0 : i32
        %select_n3A_49 = arith.constant 1 : i32
        %select_n3A_50 = arith.select %select_n3A_47, %select_n3A_49, %select_n3A_48 : i32
        %eq3A_51 = arith.cmpi eq, %select_n3A_50, %select_n3A : i32
        %select_n3A_52 = arith.constant 0 : i32
        %select_n3A_53 = arith.select %eq3A_51, %select_n3A_52, %select_n3A_50 : i32
        %add3A_54 = arith.addi %select_n3A_53, %select_n3A_13 : i32
        %add3A_55 = arith.constant 1 : i32
        %add3A_56 = arith.addi %select_n3A_53, %add3A_55 : i32
        %select_n3A_57 = arith.constant true
        %select_n3A_58 = arith.select %select_n3A_57, %add3A_56, %select_n3A_53 : i32
        %eq3A_59 = arith.cmpi eq, %select_n3A_58, %select_n3A : i32
        %select_n3A_60 = arith.constant 0 : i32
        %select_n3A_61 = arith.select %eq3A_59, %select_n3A_60, %select_n3A_58 : i32
        %add3A_62 = arith.addi %select_n3A_61, %select_n3A_13 : i32
        "tpu.trace_start"() <{level = 10 : i32, message = "ep_initialize_0"}> : () -> ()
        %rem3A = arith.constant 0 : i32
        %rem3A_63 = arith.constant 2 : i32
        %rem3A_64 = arith.remui %rem3A, %rem3A_63 : i32
        %mul3A_65 = arith.constant 2 : i32
        %mul3A_66 = arith.muli %mul3A_65, %add3A_36 : i32
        %mul3A_67 = arith.constant 1 : i32
        %mul3A_68 = arith.muli %mul3A_67, %arg0 : i32
        %mul3A_69 = arith.constant 128 : i32
        %mul3A_70 = arith.muli %mul3A_69, %mul3A_66 : i32
        %dma_start3A = arith.constant 0 : i32
        %dma_start3A_71 = arith.constant 0 : i32
        %dma_start3A_72 = tpu.memref_slice %run_scoped3A[%rem3A_64, %dma_start3A, %dma_start3A_71] : memref<2x1x128xi32, #tpu.memory_space<vmem>> -> memref<1x1x128xi32, #tpu.memory_space<vmem>>
        %dma_start3A_73 = tpu.memref_squeeze %dma_start3A_72 : memref<1x1x128xi32, #tpu.memory_space<vmem>> -> memref<1x128xi32, #tpu.memory_space<vmem>>
        %dma_start3A_74 = tpu.memref_slice %arg3[%mul3A_68, %mul3A_70] : memref<2x161792xi32, #tpu.memory_space<hbm>> -> memref<1x128xi32, #tpu.memory_space<hbm>>
        %dma_start3A_75 = tpu.memref_slice %run_scoped3A_22[%rem3A_64] : memref<2x!tpu.dma_semaphore, #tpu.memory_space<semaphore_mem>> -> memref<1x!tpu.dma_semaphore, #tpu.memory_space<semaphore_mem>>
        %dma_start3A_76 = tpu.memref_squeeze %dma_start3A_75 : memref<1x!tpu.dma_semaphore, #tpu.memory_space<semaphore_mem>> -> memref<!tpu.dma_semaphore, #tpu.memory_space<semaphore_mem>>
        %dma_start3A_77 = arith.constant 0 : i32
        %dma_start3A_78 = arith.constant 0 : i32
        %dma_start3A_79 = tpu.memref_slice %run_scoped3A[%rem3A_64, %dma_start3A_77, %dma_start3A_78] : memref<2x1x128xi32, #tpu.memory_space<vmem>> -> memref<1x1x128xi32, #tpu.memory_space<vmem>>
        %dma_start3A_80 = tpu.memref_squeeze %dma_start3A_79 : memref<1x1x128xi32, #tpu.memory_space<vmem>> -> memref<1x128xi32, #tpu.memory_space<vmem>>
        %dma_start3A_81 = tpu.memref_slice %arg3[%mul3A_68, %mul3A_70] : memref<2x161792xi32, #tpu.memory_space<hbm>> -> memref<1x128xi32, #tpu.memory_space<hbm>>
        tpu.enqueue_dma source(%dma_start3A_81 : memref<1x128xi32, #tpu.memory_space<hbm>>) target(%dma_start3A_80 : memref<1x128xi32, #tpu.memory_space<vmem>>) target_semaphore(%dma_start3A_76 : memref<!tpu.dma_semaphore, #tpu.memory_space<semaphore_mem>>)
        %add3A_82 = arith.constant 0 : i32
        %add3A_83 = arith.constant 1 : i32
        %add3A_84 = arith.addi %add3A_82, %add3A_83 : i32
        %select_n3A_85 = arith.constant true
        %select_n3A_86 = arith.constant 0 : i32
        %select_n3A_87 = arith.select %select_n3A_85, %add3A_84, %select_n3A_86 : i32
        %rem3A_88 = arith.constant 0 : i32
        %rem3A_89 = arith.constant 2 : i32
        %rem3A_90 = arith.remui %rem3A_88, %rem3A_89 : i32
        %mul3A_91 = arith.constant 2 : i32
        %mul3A_92 = arith.muli %mul3A_91, %add3A_36 : i32
        %mul3A_93 = arith.constant 1 : i32
        %mul3A_94 = arith.muli %mul3A_93, %arg0 : i32
        %mul3A_95 = arith.constant 128 : i32
        %mul3A_96 = arith.muli %mul3A_95, %mul3A_92 : i32
        %dma_start3A_97 = arith.constant 0 : i32
        %dma_start3A_98 = arith.constant 0 : i32
        %dma_start3A_99 = tpu.memref_slice %run_scoped3A_23[%rem3A_90, %dma_start3A_97, %dma_start3A_98] : memref<2x1x128xi32, #tpu.memory_space<vmem>> -> memref<1x1x128xi32, #tpu.memory_space<vmem>>
        %dma_start3A_100 = tpu.memref_squeeze %dma_start3A_99 : memref<1x1x128xi32, #tpu.memory_space<vmem>> -> memref<1x128xi32, #tpu.memory_space<vmem>>
        %dma_start3A_101 = tpu.memref_slice %arg4[%mul3A_94, %mul3A_96] : memref<2x161792xi32, #tpu.memory_space<hbm>> -> memref<1x128xi32, #tpu.memory_space<hbm>>
        %dma_start3A_102 = tpu.memref_slice %run_scoped3A_24[%rem3A_90] : memref<2x!tpu.dma_semaphore, #tpu.memory_space<semaphore_mem>> -> memref<1x!tpu.dma_semaphore, #tpu.memory_space<semaphore_mem>>
        %dma_start3A_103 = tpu.memref_squeeze %dma_start3A_102 : memref<1x!tpu.dma_semaphore, #tpu.memory_space<semaphore_mem>> -> memref<!tpu.dma_semaphore, #tpu.memory_space<semaphore_mem>>
        %dma_start3A_104 = arith.constant 0 : i32
        %dma_start3A_105 = arith.constant 0 : i32
        %dma_start3A_106 = tpu.memref_slice %run_scoped3A_23[%rem3A_90, %dma_start3A_104, %dma_start3A_105] : memref<2x1x128xi32, #tpu.memory_space<vmem>> -> memref<1x1x128xi32, #tpu.memory_space<vmem>>
        %dma_start3A_107 = tpu.memref_squeeze %dma_start3A_106 : memref<1x1x128xi32, #tpu.memory_space<vmem>> -> memref<1x128xi32, #tpu.memory_space<vmem>>
        %dma_start3A_108 = tpu.memref_slice %arg4[%mul3A_94, %mul3A_96] : memref<2x161792xi32, #tpu.memory_space<hbm>> -> memref<1x128xi32, #tpu.memory_space<hbm>>
        tpu.enqueue_dma source(%dma_start3A_108 : memref<1x128xi32, #tpu.memory_space<hbm>>) target(%dma_start3A_107 : memref<1x128xi32, #tpu.memory_space<vmem>>) target_semaphore(%dma_start3A_103 : memref<!tpu.dma_semaphore, #tpu.memory_space<semaphore_mem>>)
        %add3A_109 = arith.constant 0 : i32
        %add3A_110 = arith.constant 1 : i32
        %add3A_111 = arith.addi %add3A_109, %add3A_110 : i32
        %select_n3A_112 = arith.constant true
        %select_n3A_113 = arith.constant 0 : i32
        %select_n3A_114 = arith.select %select_n3A_112, %add3A_111, %select_n3A_113 : i32
        %rem3A_115 = arith.constant 0 : i32
        %rem3A_116 = arith.constant 2 : i32
        %rem3A_117 = arith.remui %rem3A_115, %rem3A_116 : i32
        %mul3A_118 = arith.constant 2 : i32
        %mul3A_119 = arith.muli %mul3A_118, %add3A_36 : i32
        %add3A_120 = arith.constant 1 : i32
        %add3A_121 = arith.addi %mul3A_119, %add3A_120 : i32
        %mul3A_122 = arith.constant 1 : i32
        %mul3A_123 = arith.muli %mul3A_122, %arg0 : i32
        %mul3A_124 = arith.constant 128 : i32
        %mul3A_125 = arith.muli %mul3A_124, %add3A_121 : i32
        %dma_start3A_126 = arith.constant 0 : i32
        %dma_start3A_127 = arith.constant 0 : i32
        %dma_start3A_128 = tpu.memref_slice %run_scoped3A_25[%rem3A_117, %dma_start3A_126, %dma_start3A_127] : memref<2x1x128xi32, #tpu.memory_space<vmem>> -> memref<1x1x128xi32, #tpu.memory_space<vmem>>
        %dma_start3A_129 = tpu.memref_squeeze %dma_start3A_128 : memref<1x1x128xi32, #tpu.memory_space<vmem>> -> memref<1x128xi32, #tpu.memory_space<vmem>>
        %dma_start3A_130 = tpu.memref_slice %arg3[%mul3A_123, %mul3A_125] : memref<2x161792xi32, #tpu.memory_space<hbm>> -> memref<1x128xi32, #tpu.memory_space<hbm>>
        %dma_start3A_131 = tpu.memref_slice %run_scoped3A_26[%rem3A_117] : memref<2x!tpu.dma_semaphore, #tpu.memory_space<semaphore_mem>> -> memref<1x!tpu.dma_semaphore, #tpu.memory_space<semaphore_mem>>
        %dma_start3A_132 = tpu.memref_squeeze %dma_start3A_131 : memref<1x!tpu.dma_semaphore, #tpu.memory_space<semaphore_mem>> -> memref<!tpu.dma_semaphore, #tpu.memory_space<semaphore_mem>>
        %dma_start3A_133 = arith.constant 0 : i32
        %dma_start3A_134 = arith.constant 0 : i32
        %dma_start3A_135 = tpu.memref_slice %run_scoped3A_25[%rem3A_117, %dma_start3A_133, %dma_start3A_134] : memref<2x1x128xi32, #tpu.memory_space<vmem>> -> memref<1x1x128xi32, #tpu.memory_space<vmem>>
        %dma_start3A_136 = tpu.memref_squeeze %dma_start3A_135 : memref<1x1x128xi32, #tpu.memory_space<vmem>> -> memref<1x128xi32, #tpu.memory_space<vmem>>
        %dma_start3A_137 = tpu.memref_slice %arg3[%mul3A_123, %mul3A_125] : memref<2x161792xi32, #tpu.memory_space<hbm>> -> memref<1x128xi32, #tpu.memory_space<hbm>>
        tpu.enqueue_dma source(%dma_start3A_137 : memref<1x128xi32, #tpu.memory_space<hbm>>) target(%dma_start3A_136 : memref<1x128xi32, #tpu.memory_space<vmem>>) target_semaphore(%dma_start3A_132 : memref<!tpu.dma_semaphore, #tpu.memory_space<semaphore_mem>>)
        %add3A_138 = arith.constant 0 : i32
        %add3A_139 = arith.constant 1 : i32
        %add3A_140 = arith.addi %add3A_138, %add3A_139 : i32
        %select_n3A_141 = arith.constant true
        %select_n3A_142 = arith.constant 0 : i32
        %select_n3A_143 = arith.select %select_n3A_141, %add3A_140, %select_n3A_142 : i32
        %rem3A_144 = arith.constant 0 : i32
        %rem3A_145 = arith.constant 2 : i32
        %rem3A_146 = arith.remui %rem3A_144, %rem3A_145 : i32
        %mul3A_147 = arith.constant 2 : i32
        %mul3A_148 = arith.muli %mul3A_147, %add3A_36 : i32
        %add3A_149 = arith.constant 1 : i32
        %add3A_150 = arith.addi %mul3A_148, %add3A_149 : i32
        %mul3A_151 = arith.constant 1 : i32
        %mul3A_152 = arith.muli %mul3A_151, %arg0 : i32
        %mul3A_153 = arith.constant 128 : i32
        %mul3A_154 = arith.muli %mul3A_153, %add3A_150 : i32
        %dma_start3A_155 = arith.constant 0 : i32
        %dma_start3A_156 = arith.constant 0 : i32
        %dma_start3A_157 = tpu.memref_slice %run_scoped3A_27[%rem3A_146, %dma_start3A_155, %dma_start3A_156] : memref<2x1x128xi32, #tpu.memory_space<vmem>> -> memref<1x1x128xi32, #tpu.memory_space<vmem>>
        %dma_start3A_158 = tpu.memref_squeeze %dma_start3A_157 : memref<1x1x128xi32, #tpu.memory_space<vmem>> -> memref<1x128xi32, #tpu.memory_space<vmem>>
        %dma_start3A_159 = tpu.memref_slice %arg4[%mul3A_152, %mul3A_154] : memref<2x161792xi32, #tpu.memory_space<hbm>> -> memref<1x128xi32, #tpu.memory_space<hbm>>
        %dma_start3A_160 = tpu.memref_slice %run_scoped3A_28[%rem3A_146] : memref<2x!tpu.dma_semaphore, #tpu.memory_space<semaphore_mem>> -> memref<1x!tpu.dma_semaphore, #tpu.memory_space<semaphore_mem>>
        %dma_start3A_161 = tpu.memref_squeeze %dma_start3A_160 : memref<1x!tpu.dma_semaphore, #tpu.memory_space<semaphore_mem>> -> memref<!tpu.dma_semaphore, #tpu.memory_space<semaphore_mem>>
        %dma_start3A_162 = arith.constant 0 : i32
        %dma_start3A_163 = arith.constant 0 : i32
        %dma_start3A_164 = tpu.memref_slice %run_scoped3A_27[%rem3A_146, %dma_start3A_162, %dma_start3A_163] : memref<2x1x128xi32, #tpu.memory_space<vmem>> -> memref<1x1x128xi32, #tpu.memory_space<vmem>>
        %dma_start3A_165 = tpu.memref_squeeze %dma_start3A_164 : memref<1x1x128xi32, #tpu.memory_space<vmem>> -> memref<1x128xi32, #tpu.memory_space<vmem>>
        %dma_start3A_166 = tpu.memref_slice %arg4[%mul3A_152, %mul3A_154] : memref<2x161792xi32, #tpu.memory_space<hbm>> -> memref<1x128xi32, #tpu.memory_space<hbm>>
        tpu.enqueue_dma source(%dma_start3A_166 : memref<1x128xi32, #tpu.memory_space<hbm>>) target(%dma_start3A_165 : memref<1x128xi32, #tpu.memory_space<vmem>>) target_semaphore(%dma_start3A_161 : memref<!tpu.dma_semaphore, #tpu.memory_space<semaphore_mem>>)
        %add3A_167 = arith.constant 0 : i32
        %add3A_168 = arith.constant 1 : i32
        %add3A_169 = arith.addi %add3A_167, %add3A_168 : i32
        %select_n3A_170 = arith.constant true
        %select_n3A_171 = arith.constant 0 : i32
        %select_n3A_172 = arith.select %select_n3A_170, %add3A_169, %select_n3A_171 : i32
        %while3A = arith.constant 0 : i32
        %while3A_173 = arith.constant 0 : i32
        %while3A_174 = arith.constant 0 : i32
        %while3A_175 = arith.constant 0 : i32
        %while3A_176 = arith.constant 0 : i32
        %while3A_177 = arith.constant 0 : i32
        "tpu.trace_stop"() : () -> ()
        %while3A_178 = arith.subi %mul3A_15, %while3A : i32
        %while3A_179 = arith.addi %while3A, %while3A_178 : i32
        %while3A_180 = arith.constant 1 : i32
        %while3A_181 = arith.divsi %while3A_178, %while3A_180 : i32
        %while3A_182 = arith.muli %while3A_181, %while3A_180 : i32
        %while3A_183 = arith.addi %while3A, %while3A_182 : i32
        %while3A_184 = arith.constant 1 : i32
        %while3A_185:9 = scf.for %while3A_245 = %while3A to %while3A_183 step %while3A_184 iter_args(%while3A_246 = %select_n3A_87, %while3A_247 = %while3A_173, %while3A_248 = %select_n3A_114, %while3A_249 = %while3A_174, %while3A_250 = %select_n3A_143, %while3A_251 = %while3A_175, %while3A_252 = %select_n3A_172, %while3A_253 = %while3A_176, %while3A_254 = %while3A_177) -> (i32, i32, i32, i32, i32, i32, i32, i32, i32)  : i32 {
          %mul3A_255 = arith.constant 1 : i32
          %mul3A_256 = arith.muli %mul3A_255, %select_n3A : i32
          %eq3A_257 = arith.constant 0 : i32
          %eq3A_258 = arith.cmpi eq, %while3A_245, %eq3A_257 : i32
          %sub3A_259 = arith.constant 1 : i32
          %sub3A_260 = arith.subi %mul3A_256, %sub3A_259 : i32
          %eq3A_261 = arith.cmpi eq, %while3A_245, %sub3A_260 : i32
          %add3A_262 = arith.addi %while3A_254, %select_n3A_13 : i32
          %sub3A_263 = arith.constant 1 : i32
          %sub3A_264 = arith.subi %while3A_254, %sub3A_263 : i32
          %select_n3A_265 = arith.constant true
          %select_n3A_266 = arith.select %select_n3A_265, %sub3A_264, %while3A_254 : i32
          %eq3A_267 = arith.constant -1 : i32
          %eq3A_268 = arith.cmpi eq, %select_n3A_266, %eq3A_267 : i32
          %sub3A_269 = arith.constant 1 : i32
          %sub3A_270 = arith.subi %select_n3A, %sub3A_269 : i32
          %select_n3A_271 = arith.select %eq3A_268, %sub3A_270, %select_n3A_266 : i32
          %add3A_272 = arith.addi %select_n3A_271, %select_n3A_13 : i32
          %add3A_273 = arith.constant 1 : i32
          %add3A_274 = arith.addi %while3A_254, %add3A_273 : i32
          %select_n3A_275 = arith.constant true
          %select_n3A_276 = arith.select %select_n3A_275, %add3A_274, %while3A_254 : i32
          %eq3A_277 = arith.cmpi eq, %select_n3A_276, %select_n3A : i32
          %select_n3A_278 = arith.constant 0 : i32
          %select_n3A_279 = arith.select %eq3A_277, %select_n3A_278, %select_n3A_276 : i32
          %add3A_280 = arith.addi %select_n3A_279, %select_n3A_13 : i32
          %add3A_281 = arith.constant 1 : i32
          %add3A_282 = arith.addi %select_n3A_279, %add3A_281 : i32
          %select_n3A_283 = arith.constant true
          %select_n3A_284 = arith.select %select_n3A_283, %add3A_282, %select_n3A_279 : i32
          %eq3A_285 = arith.cmpi eq, %select_n3A_284, %select_n3A : i32
          %select_n3A_286 = arith.constant 0 : i32
          %select_n3A_287 = arith.select %eq3A_285, %select_n3A_286, %select_n3A_284 : i32
          %add3A_288 = arith.addi %select_n3A_287, %select_n3A_13 : i32
          %mul3A_289 = arith.constant 2 : i32
          %mul3A_290 = arith.muli %mul3A_289, %add3A_262 : i32
          %mul3A_291 = arith.constant 2 : i32
          %mul3A_292 = arith.muli %mul3A_291, %add3A_280 : i32
          %ne3A = arith.cmpi ne, %arg0, %arg0 : i32
          %ne3A_293 = arith.cmpi ne, %mul3A_290, %mul3A_292 : i32
          %or3A = arith.constant false
          %or3A_294 = arith.ori %or3A, %ne3A : i1
          %or3A_295 = arith.ori %or3A_294, %ne3A_293 : i1
          %sub3A_296 = arith.constant 2 : i32
          %sub3A_297 = arith.subi %mul3A_256, %sub3A_296 : i32
          %add3A_298 = arith.constant 1 : i32
          %add3A_299 = arith.addi %sub3A_297, %add3A_298 : i32
          %ge3A = arith.cmpi sge, %while3A_245, %add3A_299 : i32
          %not3A = arith.constant true
          %not3A_300 = arith.xori %ge3A, %not3A : i1
          %and3A = arith.andi %or3A_295, %not3A_300 : i1
          %convert_element_type3A_301 = arith.extui %and3A : i1 to i32
          %cond3A_302 = arith.constant 0 : i32
          %cond3A_303 = arith.cmpi ne, %convert_element_type3A_301, %cond3A_302 : i32
          scf.if %cond3A_303 {
            "tpu.trace_start"() <{level = 10 : i32, message = "ep_copy_in"}> : () -> ()
            %rem3A_716 = arith.constant 2 : i32
            %rem3A_717 = arith.remui %while3A_246, %rem3A_716 : i32
            %mul3A_718 = arith.constant 2 : i32
            %mul3A_719 = arith.muli %mul3A_718, %add3A_280 : i32
            %mul3A_720 = arith.constant 1 : i32
            %mul3A_721 = arith.muli %mul3A_720, %arg0 : i32
            %mul3A_722 = arith.constant 128 : i32
            %mul3A_723 = arith.muli %mul3A_722, %mul3A_719 : i32
            %dma_start3A_724 = arith.constant 0 : i32
            %dma_start3A_725 = arith.constant 0 : i32
            %dma_start3A_726 = tpu.memref_slice %run_scoped3A[%rem3A_717, %dma_start3A_724, %dma_start3A_725] : memref<2x1x128xi32, #tpu.memory_space<vmem>> -> memref<1x1x128xi32, #tpu.memory_space<vmem>>
            %dma_start3A_727 = tpu.memref_squeeze %dma_start3A_726 : memref<1x1x128xi32, #tpu.memory_space<vmem>> -> memref<1x128xi32, #tpu.memory_space<vmem>>
            %dma_start3A_728 = tpu.memref_slice %arg3[%mul3A_721, %mul3A_723] : memref<2x161792xi32, #tpu.memory_space<hbm>> -> memref<1x128xi32, #tpu.memory_space<hbm>>
            %dma_start3A_729 = tpu.memref_slice %run_scoped3A_22[%rem3A_717] : memref<2x!tpu.dma_semaphore, #tpu.memory_space<semaphore_mem>> -> memref<1x!tpu.dma_semaphore, #tpu.memory_space<semaphore_mem>>
            %dma_start3A_730 = tpu.memref_squeeze %dma_start3A_729 : memref<1x!tpu.dma_semaphore, #tpu.memory_space<semaphore_mem>> -> memref<!tpu.dma_semaphore, #tpu.memory_space<semaphore_mem>>
            %dma_start3A_731 = arith.constant 0 : i32
            %dma_start3A_732 = arith.constant 0 : i32
            %dma_start3A_733 = tpu.memref_slice %run_scoped3A[%rem3A_717, %dma_start3A_731, %dma_start3A_732] : memref<2x1x128xi32, #tpu.memory_space<vmem>> -> memref<1x1x128xi32, #tpu.memory_space<vmem>>
            %dma_start3A_734 = tpu.memref_squeeze %dma_start3A_733 : memref<1x1x128xi32, #tpu.memory_space<vmem>> -> memref<1x128xi32, #tpu.memory_space<vmem>>
            %dma_start3A_735 = tpu.memref_slice %arg3[%mul3A_721, %mul3A_723] : memref<2x161792xi32, #tpu.memory_space<hbm>> -> memref<1x128xi32, #tpu.memory_space<hbm>>
            tpu.enqueue_dma source(%dma_start3A_735 : memref<1x128xi32, #tpu.memory_space<hbm>>) target(%dma_start3A_734 : memref<1x128xi32, #tpu.memory_space<vmem>>) target_semaphore(%dma_start3A_730 : memref<!tpu.dma_semaphore, #tpu.memory_space<semaphore_mem>>)
            "tpu.trace_stop"() : () -> ()
          } else {
          }
          %and3A_304 = arith.constant true
          %and3A_305 = arith.andi %and3A, %and3A_304 : i1
          %add3A_306 = arith.constant 1 : i32
          %add3A_307 = arith.addi %while3A_246, %add3A_306 : i32
          %select_n3A_308 = arith.select %and3A_305, %add3A_307, %while3A_246 : i32
          %mul3A_309 = arith.constant 2 : i32
          %mul3A_310 = arith.muli %mul3A_309, %add3A_262 : i32
          %mul3A_311 = arith.constant 2 : i32
          %mul3A_312 = arith.muli %mul3A_311, %add3A_280 : i32
          %ne3A_313 = arith.cmpi ne, %arg0, %arg0 : i32
          %ne3A_314 = arith.cmpi ne, %mul3A_310, %mul3A_312 : i32
          %or3A_315 = arith.constant false
          %or3A_316 = arith.ori %or3A_315, %ne3A_313 : i1
          %or3A_317 = arith.ori %or3A_316, %ne3A_314 : i1
          %sub3A_318 = arith.constant 2 : i32
          %sub3A_319 = arith.subi %mul3A_256, %sub3A_318 : i32
          %add3A_320 = arith.constant 1 : i32
          %add3A_321 = arith.addi %sub3A_319, %add3A_320 : i32
          %ge3A_322 = arith.cmpi sge, %while3A_245, %add3A_321 : i32
          %not3A_323 = arith.constant true
          %not3A_324 = arith.xori %ge3A_322, %not3A_323 : i1
          %and3A_325 = arith.andi %or3A_317, %not3A_324 : i1
          %convert_element_type3A_326 = arith.extui %and3A_325 : i1 to i32
          %cond3A_327 = arith.constant 0 : i32
          %cond3A_328 = arith.cmpi ne, %convert_element_type3A_326, %cond3A_327 : i32
          scf.if %cond3A_328 {
            "tpu.trace_start"() <{level = 10 : i32, message = "ep_copy_in"}> : () -> ()
            %rem3A_716 = arith.constant 2 : i32
            %rem3A_717 = arith.remui %while3A_248, %rem3A_716 : i32
            %mul3A_718 = arith.constant 2 : i32
            %mul3A_719 = arith.muli %mul3A_718, %add3A_280 : i32
            %mul3A_720 = arith.constant 1 : i32
            %mul3A_721 = arith.muli %mul3A_720, %arg0 : i32
            %mul3A_722 = arith.constant 128 : i32
            %mul3A_723 = arith.muli %mul3A_722, %mul3A_719 : i32
            %dma_start3A_724 = arith.constant 0 : i32
            %dma_start3A_725 = arith.constant 0 : i32
            %dma_start3A_726 = tpu.memref_slice %run_scoped3A_23[%rem3A_717, %dma_start3A_724, %dma_start3A_725] : memref<2x1x128xi32, #tpu.memory_space<vmem>> -> memref<1x1x128xi32, #tpu.memory_space<vmem>>
            %dma_start3A_727 = tpu.memref_squeeze %dma_start3A_726 : memref<1x1x128xi32, #tpu.memory_space<vmem>> -> memref<1x128xi32, #tpu.memory_space<vmem>>
            %dma_start3A_728 = tpu.memref_slice %arg4[%mul3A_721, %mul3A_723] : memref<2x161792xi32, #tpu.memory_space<hbm>> -> memref<1x128xi32, #tpu.memory_space<hbm>>
            %dma_start3A_729 = tpu.memref_slice %run_scoped3A_24[%rem3A_717] : memref<2x!tpu.dma_semaphore, #tpu.memory_space<semaphore_mem>> -> memref<1x!tpu.dma_semaphore, #tpu.memory_space<semaphore_mem>>
            %dma_start3A_730 = tpu.memref_squeeze %dma_start3A_729 : memref<1x!tpu.dma_semaphore, #tpu.memory_space<semaphore_mem>> -> memref<!tpu.dma_semaphore, #tpu.memory_space<semaphore_mem>>
            %dma_start3A_731 = arith.constant 0 : i32
            %dma_start3A_732 = arith.constant 0 : i32
            %dma_start3A_733 = tpu.memref_slice %run_scoped3A_23[%rem3A_717, %dma_start3A_731, %dma_start3A_732] : memref<2x1x128xi32, #tpu.memory_space<vmem>> -> memref<1x1x128xi32, #tpu.memory_space<vmem>>
            %dma_start3A_734 = tpu.memref_squeeze %dma_start3A_733 : memref<1x1x128xi32, #tpu.memory_space<vmem>> -> memref<1x128xi32, #tpu.memory_space<vmem>>
            %dma_start3A_735 = tpu.memref_slice %arg4[%mul3A_721, %mul3A_723] : memref<2x161792xi32, #tpu.memory_space<hbm>> -> memref<1x128xi32, #tpu.memory_space<hbm>>
            tpu.enqueue_dma source(%dma_start3A_735 : memref<1x128xi32, #tpu.memory_space<hbm>>) target(%dma_start3A_734 : memref<1x128xi32, #tpu.memory_space<vmem>>) target_semaphore(%dma_start3A_730 : memref<!tpu.dma_semaphore, #tpu.memory_space<semaphore_mem>>)
            "tpu.trace_stop"() : () -> ()
          } else {
          }
          %and3A_329 = arith.constant true
          %and3A_330 = arith.andi %and3A_325, %and3A_329 : i1
          %add3A_331 = arith.constant 1 : i32
          %add3A_332 = arith.addi %while3A_248, %add3A_331 : i32
          %select_n3A_333 = arith.select %and3A_330, %add3A_332, %while3A_248 : i32
          %mul3A_334 = arith.constant 2 : i32
          %mul3A_335 = arith.muli %mul3A_334, %add3A_262 : i32
          %add3A_336 = arith.constant 1 : i32
          %add3A_337 = arith.addi %mul3A_335, %add3A_336 : i32
          %mul3A_338 = arith.constant 2 : i32
          %mul3A_339 = arith.muli %mul3A_338, %add3A_280 : i32
          %add3A_340 = arith.constant 1 : i32
          %add3A_341 = arith.addi %mul3A_339, %add3A_340 : i32
          %ne3A_342 = arith.cmpi ne, %arg0, %arg0 : i32
          %ne3A_343 = arith.cmpi ne, %add3A_337, %add3A_341 : i32
          %or3A_344 = arith.constant false
          %or3A_345 = arith.ori %or3A_344, %ne3A_342 : i1
          %or3A_346 = arith.ori %or3A_345, %ne3A_343 : i1
          %sub3A_347 = arith.constant 2 : i32
          %sub3A_348 = arith.subi %mul3A_256, %sub3A_347 : i32
          %add3A_349 = arith.constant 1 : i32
          %add3A_350 = arith.addi %sub3A_348, %add3A_349 : i32
          %ge3A_351 = arith.cmpi sge, %while3A_245, %add3A_350 : i32
          %not3A_352 = arith.constant true
          %not3A_353 = arith.xori %ge3A_351, %not3A_352 : i1
          %and3A_354 = arith.andi %or3A_346, %not3A_353 : i1
          %convert_element_type3A_355 = arith.extui %and3A_354 : i1 to i32
          %cond3A_356 = arith.constant 0 : i32
          %cond3A_357 = arith.cmpi ne, %convert_element_type3A_355, %cond3A_356 : i32
          scf.if %cond3A_357 {
            "tpu.trace_start"() <{level = 10 : i32, message = "ep_copy_in"}> : () -> ()
            %rem3A_716 = arith.constant 2 : i32
            %rem3A_717 = arith.remui %while3A_250, %rem3A_716 : i32
            %mul3A_718 = arith.constant 2 : i32
            %mul3A_719 = arith.muli %mul3A_718, %add3A_280 : i32
            %add3A_720 = arith.constant 1 : i32
            %add3A_721 = arith.addi %mul3A_719, %add3A_720 : i32
            %mul3A_722 = arith.constant 1 : i32
            %mul3A_723 = arith.muli %mul3A_722, %arg0 : i32
            %mul3A_724 = arith.constant 128 : i32
            %mul3A_725 = arith.muli %mul3A_724, %add3A_721 : i32
            %dma_start3A_726 = arith.constant 0 : i32
            %dma_start3A_727 = arith.constant 0 : i32
            %dma_start3A_728 = tpu.memref_slice %run_scoped3A_25[%rem3A_717, %dma_start3A_726, %dma_start3A_727] : memref<2x1x128xi32, #tpu.memory_space<vmem>> -> memref<1x1x128xi32, #tpu.memory_space<vmem>>
            %dma_start3A_729 = tpu.memref_squeeze %dma_start3A_728 : memref<1x1x128xi32, #tpu.memory_space<vmem>> -> memref<1x128xi32, #tpu.memory_space<vmem>>
            %dma_start3A_730 = tpu.memref_slice %arg3[%mul3A_723, %mul3A_725] : memref<2x161792xi32, #tpu.memory_space<hbm>> -> memref<1x128xi32, #tpu.memory_space<hbm>>
            %dma_start3A_731 = tpu.memref_slice %run_scoped3A_26[%rem3A_717] : memref<2x!tpu.dma_semaphore, #tpu.memory_space<semaphore_mem>> -> memref<1x!tpu.dma_semaphore, #tpu.memory_space<semaphore_mem>>
            %dma_start3A_732 = tpu.memref_squeeze %dma_start3A_731 : memref<1x!tpu.dma_semaphore, #tpu.memory_space<semaphore_mem>> -> memref<!tpu.dma_semaphore, #tpu.memory_space<semaphore_mem>>
            %dma_start3A_733 = arith.constant 0 : i32
            %dma_start3A_734 = arith.constant 0 : i32
            %dma_start3A_735 = tpu.memref_slice %run_scoped3A_25[%rem3A_717, %dma_start3A_733, %dma_start3A_734] : memref<2x1x128xi32, #tpu.memory_space<vmem>> -> memref<1x1x128xi32, #tpu.memory_space<vmem>>
            %dma_start3A_736 = tpu.memref_squeeze %dma_start3A_735 : memref<1x1x128xi32, #tpu.memory_space<vmem>> -> memref<1x128xi32, #tpu.memory_space<vmem>>
            %dma_start3A_737 = tpu.memref_slice %arg3[%mul3A_723, %mul3A_725] : memref<2x161792xi32, #tpu.memory_space<hbm>> -> memref<1x128xi32, #tpu.memory_space<hbm>>
            tpu.enqueue_dma source(%dma_start3A_737 : memref<1x128xi32, #tpu.memory_space<hbm>>) target(%dma_start3A_736 : memref<1x128xi32, #tpu.memory_space<vmem>>) target_semaphore(%dma_start3A_732 : memref<!tpu.dma_semaphore, #tpu.memory_space<semaphore_mem>>)
            "tpu.trace_stop"() : () -> ()
          } else {
          }
          %and3A_358 = arith.constant true
          %and3A_359 = arith.andi %and3A_354, %and3A_358 : i1
          %add3A_360 = arith.constant 1 : i32
          %add3A_361 = arith.addi %while3A_250, %add3A_360 : i32
          %select_n3A_362 = arith.select %and3A_359, %add3A_361, %while3A_250 : i32
          %mul3A_363 = arith.constant 2 : i32
          %mul3A_364 = arith.muli %mul3A_363, %add3A_262 : i32
          %add3A_365 = arith.constant 1 : i32
          %add3A_366 = arith.addi %mul3A_364, %add3A_365 : i32
          %mul3A_367 = arith.constant 2 : i32
          %mul3A_368 = arith.muli %mul3A_367, %add3A_280 : i32
          %add3A_369 = arith.constant 1 : i32
          %add3A_370 = arith.addi %mul3A_368, %add3A_369 : i32
          %ne3A_371 = arith.cmpi ne, %arg0, %arg0 : i32
          %ne3A_372 = arith.cmpi ne, %add3A_366, %add3A_370 : i32
          %or3A_373 = arith.constant false
          %or3A_374 = arith.ori %or3A_373, %ne3A_371 : i1
          %or3A_375 = arith.ori %or3A_374, %ne3A_372 : i1
          %sub3A_376 = arith.constant 2 : i32
          %sub3A_377 = arith.subi %mul3A_256, %sub3A_376 : i32
          %add3A_378 = arith.constant 1 : i32
          %add3A_379 = arith.addi %sub3A_377, %add3A_378 : i32
          %ge3A_380 = arith.cmpi sge, %while3A_245, %add3A_379 : i32
          %not3A_381 = arith.constant true
          %not3A_382 = arith.xori %ge3A_380, %not3A_381 : i1
          %and3A_383 = arith.andi %or3A_375, %not3A_382 : i1
          %convert_element_type3A_384 = arith.extui %and3A_383 : i1 to i32
          %cond3A_385 = arith.constant 0 : i32
          %cond3A_386 = arith.cmpi ne, %convert_element_type3A_384, %cond3A_385 : i32
          scf.if %cond3A_386 {
            "tpu.trace_start"() <{level = 10 : i32, message = "ep_copy_in"}> : () -> ()
            %rem3A_716 = arith.constant 2 : i32
            %rem3A_717 = arith.remui %while3A_252, %rem3A_716 : i32
            %mul3A_718 = arith.constant 2 : i32
            %mul3A_719 = arith.muli %mul3A_718, %add3A_280 : i32
            %add3A_720 = arith.constant 1 : i32
            %add3A_721 = arith.addi %mul3A_719, %add3A_720 : i32
            %mul3A_722 = arith.constant 1 : i32
            %mul3A_723 = arith.muli %mul3A_722, %arg0 : i32
            %mul3A_724 = arith.constant 128 : i32
            %mul3A_725 = arith.muli %mul3A_724, %add3A_721 : i32
            %dma_start3A_726 = arith.constant 0 : i32
            %dma_start3A_727 = arith.constant 0 : i32
            %dma_start3A_728 = tpu.memref_slice %run_scoped3A_27[%rem3A_717, %dma_start3A_726, %dma_start3A_727] : memref<2x1x128xi32, #tpu.memory_space<vmem>> -> memref<1x1x128xi32, #tpu.memory_space<vmem>>
            %dma_start3A_729 = tpu.memref_squeeze %dma_start3A_728 : memref<1x1x128xi32, #tpu.memory_space<vmem>> -> memref<1x128xi32, #tpu.memory_space<vmem>>
            %dma_start3A_730 = tpu.memref_slice %arg4[%mul3A_723, %mul3A_725] : memref<2x161792xi32, #tpu.memory_space<hbm>> -> memref<1x128xi32, #tpu.memory_space<hbm>>
            %dma_start3A_731 = tpu.memref_slice %run_scoped3A_28[%rem3A_717] : memref<2x!tpu.dma_semaphore, #tpu.memory_space<semaphore_mem>> -> memref<1x!tpu.dma_semaphore, #tpu.memory_space<semaphore_mem>>
            %dma_start3A_732 = tpu.memref_squeeze %dma_start3A_731 : memref<1x!tpu.dma_semaphore, #tpu.memory_space<semaphore_mem>> -> memref<!tpu.dma_semaphore, #tpu.memory_space<semaphore_mem>>
            %dma_start3A_733 = arith.constant 0 : i32
            %dma_start3A_734 = arith.constant 0 : i32
            %dma_start3A_735 = tpu.memref_slice %run_scoped3A_27[%rem3A_717, %dma_start3A_733, %dma_start3A_734] : memref<2x1x128xi32, #tpu.memory_space<vmem>> -> memref<1x1x128xi32, #tpu.memory_space<vmem>>
            %dma_start3A_736 = tpu.memref_squeeze %dma_start3A_735 : memref<1x1x128xi32, #tpu.memory_space<vmem>> -> memref<1x128xi32, #tpu.memory_space<vmem>>
            %dma_start3A_737 = tpu.memref_slice %arg4[%mul3A_723, %mul3A_725] : memref<2x161792xi32, #tpu.memory_space<hbm>> -> memref<1x128xi32, #tpu.memory_space<hbm>>
            tpu.enqueue_dma source(%dma_start3A_737 : memref<1x128xi32, #tpu.memory_space<hbm>>) target(%dma_start3A_736 : memref<1x128xi32, #tpu.memory_space<vmem>>) target_semaphore(%dma_start3A_732 : memref<!tpu.dma_semaphore, #tpu.memory_space<semaphore_mem>>)
            "tpu.trace_stop"() : () -> ()
          } else {
          }
          %and3A_387 = arith.constant true
          %and3A_388 = arith.andi %and3A_383, %and3A_387 : i1
          %add3A_389 = arith.constant 1 : i32
          %add3A_390 = arith.addi %while3A_252, %add3A_389 : i32
          %select_n3A_391 = arith.select %and3A_388, %add3A_390, %while3A_252 : i32
          %mul3A_392 = arith.constant 2 : i32
          %mul3A_393 = arith.muli %mul3A_392, %add3A_262 : i32
          %mul3A_394 = arith.constant 2 : i32
          %mul3A_395 = arith.muli %mul3A_394, %add3A_272 : i32
          %ne3A_396 = arith.cmpi ne, %arg0, %arg0 : i32
          %ne3A_397 = arith.cmpi ne, %mul3A_393, %mul3A_395 : i32
          %or3A_398 = arith.constant false
          %or3A_399 = arith.ori %or3A_398, %ne3A_396 : i1
          %or3A_400 = arith.ori %or3A_399, %ne3A_397 : i1
          %or3A_401 = arith.ori %or3A_400, %eq3A_258 : i1
          %convert_element_type3A_402 = arith.extui %or3A_401 : i1 to i32
          %cond3A_403 = arith.constant 0 : i32
          %cond3A_404 = arith.cmpi ne, %convert_element_type3A_402, %cond3A_403 : i32
          scf.if %cond3A_404 {
            "tpu.trace_start"() <{level = 10 : i32, message = "ep_wait_in"}> : () -> ()
            %mul3A_716 = arith.constant 2 : i32
            %mul3A_717 = arith.muli %mul3A_716, %add3A_262 : i32
            %mul3A_718 = arith.constant 1 : i32
            %mul3A_719 = arith.muli %mul3A_718, %arg0 : i32
            %mul3A_720 = arith.constant 128 : i32
            %mul3A_721 = arith.muli %mul3A_720, %mul3A_717 : i32
            %rem3A_722 = arith.constant 2 : i32
            %rem3A_723 = arith.remui %while3A_247, %rem3A_722 : i32
            %dma_wait3A_724 = arith.constant 0 : i32
            %dma_wait3A_725 = arith.constant 0 : i32
            %dma_wait3A_726 = tpu.memref_slice %run_scoped3A[%rem3A_723, %dma_wait3A_724, %dma_wait3A_725] : memref<2x1x128xi32, #tpu.memory_space<vmem>> -> memref<1x1x128xi32, #tpu.memory_space<vmem>>
            %dma_wait3A_727 = tpu.memref_squeeze %dma_wait3A_726 : memref<1x1x128xi32, #tpu.memory_space<vmem>> -> memref<1x128xi32, #tpu.memory_space<vmem>>
            %dma_wait3A_728 = tpu.memref_slice %arg3[%mul3A_719, %mul3A_721] : memref<2x161792xi32, #tpu.memory_space<hbm>> -> memref<1x128xi32, #tpu.memory_space<hbm>>
            %dma_wait3A_729 = tpu.memref_slice %run_scoped3A_22[%rem3A_723] : memref<2x!tpu.dma_semaphore, #tpu.memory_space<semaphore_mem>> -> memref<1x!tpu.dma_semaphore, #tpu.memory_space<semaphore_mem>>
            %dma_wait3A_730 = tpu.memref_squeeze %dma_wait3A_729 : memref<1x!tpu.dma_semaphore, #tpu.memory_space<semaphore_mem>> -> memref<!tpu.dma_semaphore, #tpu.memory_space<semaphore_mem>>
            %dma_wait3A_731 = arith.constant 0 : i32
            %dma_wait3A_732 = arith.constant 0 : i32
            %dma_wait3A_733 = tpu.memref_slice %run_scoped3A[%rem3A_723, %dma_wait3A_731, %dma_wait3A_732] : memref<2x1x128xi32, #tpu.memory_space<vmem>> -> memref<1x1x128xi32, #tpu.memory_space<vmem>>
            %dma_wait3A_734 = tpu.memref_squeeze %dma_wait3A_733 : memref<1x1x128xi32, #tpu.memory_space<vmem>> -> memref<1x128xi32, #tpu.memory_space<vmem>>
            %dma_wait3A_735 = tpu.memref_slice %arg3[%mul3A_719, %mul3A_721] : memref<2x161792xi32, #tpu.memory_space<hbm>> -> memref<1x128xi32, #tpu.memory_space<hbm>>
            tpu.wait_dma2 semaphore(%dma_wait3A_730 : memref<!tpu.dma_semaphore, #tpu.memory_space<semaphore_mem>>) src(%dma_wait3A_735 : memref<1x128xi32, #tpu.memory_space<hbm>>) dst(%dma_wait3A_734 : memref<1x128xi32, #tpu.memory_space<vmem>>)
            "tpu.trace_stop"() : () -> ()
          } else {
          }
          %mul3A_405 = arith.constant 2 : i32
          %mul3A_406 = arith.muli %mul3A_405, %add3A_262 : i32
          %mul3A_407 = arith.constant 2 : i32
          %mul3A_408 = arith.muli %mul3A_407, %add3A_272 : i32
          %ne3A_409 = arith.cmpi ne, %arg0, %arg0 : i32
          %ne3A_410 = arith.cmpi ne, %mul3A_406, %mul3A_408 : i32
          %or3A_411 = arith.constant false
          %or3A_412 = arith.ori %or3A_411, %ne3A_409 : i1
          %or3A_413 = arith.ori %or3A_412, %ne3A_410 : i1
          %or3A_414 = arith.ori %or3A_413, %eq3A_258 : i1
          %convert_element_type3A_415 = arith.extui %or3A_414 : i1 to i32
          %cond3A_416 = arith.constant 0 : i32
          %cond3A_417 = arith.cmpi ne, %convert_element_type3A_415, %cond3A_416 : i32
          scf.if %cond3A_417 {
            "tpu.trace_start"() <{level = 10 : i32, message = "ep_wait_in"}> : () -> ()
            %mul3A_716 = arith.constant 2 : i32
            %mul3A_717 = arith.muli %mul3A_716, %add3A_262 : i32
            %mul3A_718 = arith.constant 1 : i32
            %mul3A_719 = arith.muli %mul3A_718, %arg0 : i32
            %mul3A_720 = arith.constant 128 : i32
            %mul3A_721 = arith.muli %mul3A_720, %mul3A_717 : i32
            %rem3A_722 = arith.constant 2 : i32
            %rem3A_723 = arith.remui %while3A_249, %rem3A_722 : i32
            %dma_wait3A_724 = arith.constant 0 : i32
            %dma_wait3A_725 = arith.constant 0 : i32
            %dma_wait3A_726 = tpu.memref_slice %run_scoped3A_23[%rem3A_723, %dma_wait3A_724, %dma_wait3A_725] : memref<2x1x128xi32, #tpu.memory_space<vmem>> -> memref<1x1x128xi32, #tpu.memory_space<vmem>>
            %dma_wait3A_727 = tpu.memref_squeeze %dma_wait3A_726 : memref<1x1x128xi32, #tpu.memory_space<vmem>> -> memref<1x128xi32, #tpu.memory_space<vmem>>
            %dma_wait3A_728 = tpu.memref_slice %arg4[%mul3A_719, %mul3A_721] : memref<2x161792xi32, #tpu.memory_space<hbm>> -> memref<1x128xi32, #tpu.memory_space<hbm>>
            %dma_wait3A_729 = tpu.memref_slice %run_scoped3A_24[%rem3A_723] : memref<2x!tpu.dma_semaphore, #tpu.memory_space<semaphore_mem>> -> memref<1x!tpu.dma_semaphore, #tpu.memory_space<semaphore_mem>>
            %dma_wait3A_730 = tpu.memref_squeeze %dma_wait3A_729 : memref<1x!tpu.dma_semaphore, #tpu.memory_space<semaphore_mem>> -> memref<!tpu.dma_semaphore, #tpu.memory_space<semaphore_mem>>
            %dma_wait3A_731 = arith.constant 0 : i32
            %dma_wait3A_732 = arith.constant 0 : i32
            %dma_wait3A_733 = tpu.memref_slice %run_scoped3A_23[%rem3A_723, %dma_wait3A_731, %dma_wait3A_732] : memref<2x1x128xi32, #tpu.memory_space<vmem>> -> memref<1x1x128xi32, #tpu.memory_space<vmem>>
            %dma_wait3A_734 = tpu.memref_squeeze %dma_wait3A_733 : memref<1x1x128xi32, #tpu.memory_space<vmem>> -> memref<1x128xi32, #tpu.memory_space<vmem>>
            %dma_wait3A_735 = tpu.memref_slice %arg4[%mul3A_719, %mul3A_721] : memref<2x161792xi32, #tpu.memory_space<hbm>> -> memref<1x128xi32, #tpu.memory_space<hbm>>
            tpu.wait_dma2 semaphore(%dma_wait3A_730 : memref<!tpu.dma_semaphore, #tpu.memory_space<semaphore_mem>>) src(%dma_wait3A_735 : memref<1x128xi32, #tpu.memory_space<hbm>>) dst(%dma_wait3A_734 : memref<1x128xi32, #tpu.memory_space<vmem>>)
            "tpu.trace_stop"() : () -> ()
          } else {
          }
          %mul3A_418 = arith.constant 2 : i32
          %mul3A_419 = arith.muli %mul3A_418, %add3A_262 : i32
          %add3A_420 = arith.constant 1 : i32
          %add3A_421 = arith.addi %mul3A_419, %add3A_420 : i32
          %mul3A_422 = arith.constant 2 : i32
          %mul3A_423 = arith.muli %mul3A_422, %add3A_272 : i32
          %add3A_424 = arith.constant 1 : i32
          %add3A_425 = arith.addi %mul3A_423, %add3A_424 : i32
          %ne3A_426 = arith.cmpi ne, %arg0, %arg0 : i32
          %ne3A_427 = arith.cmpi ne, %add3A_421, %add3A_425 : i32
          %or3A_428 = arith.constant false
          %or3A_429 = arith.ori %or3A_428, %ne3A_426 : i1
          %or3A_430 = arith.ori %or3A_429, %ne3A_427 : i1
          %or3A_431 = arith.ori %or3A_430, %eq3A_258 : i1
          %convert_element_type3A_432 = arith.extui %or3A_431 : i1 to i32
          %cond3A_433 = arith.constant 0 : i32
          %cond3A_434 = arith.cmpi ne, %convert_element_type3A_432, %cond3A_433 : i32
          scf.if %cond3A_434 {
            "tpu.trace_start"() <{level = 10 : i32, message = "ep_wait_in"}> : () -> ()
            %mul3A_716 = arith.constant 2 : i32
            %mul3A_717 = arith.muli %mul3A_716, %add3A_262 : i32
            %add3A_718 = arith.constant 1 : i32
            %add3A_719 = arith.addi %mul3A_717, %add3A_718 : i32
            %mul3A_720 = arith.constant 1 : i32
            %mul3A_721 = arith.muli %mul3A_720, %arg0 : i32
            %mul3A_722 = arith.constant 128 : i32
            %mul3A_723 = arith.muli %mul3A_722, %add3A_719 : i32
            %rem3A_724 = arith.constant 2 : i32
            %rem3A_725 = arith.remui %while3A_251, %rem3A_724 : i32
            %dma_wait3A_726 = arith.constant 0 : i32
            %dma_wait3A_727 = arith.constant 0 : i32
            %dma_wait3A_728 = tpu.memref_slice %run_scoped3A_25[%rem3A_725, %dma_wait3A_726, %dma_wait3A_727] : memref<2x1x128xi32, #tpu.memory_space<vmem>> -> memref<1x1x128xi32, #tpu.memory_space<vmem>>
            %dma_wait3A_729 = tpu.memref_squeeze %dma_wait3A_728 : memref<1x1x128xi32, #tpu.memory_space<vmem>> -> memref<1x128xi32, #tpu.memory_space<vmem>>
            %dma_wait3A_730 = tpu.memref_slice %arg3[%mul3A_721, %mul3A_723] : memref<2x161792xi32, #tpu.memory_space<hbm>> -> memref<1x128xi32, #tpu.memory_space<hbm>>
            %dma_wait3A_731 = tpu.memref_slice %run_scoped3A_26[%rem3A_725] : memref<2x!tpu.dma_semaphore, #tpu.memory_space<semaphore_mem>> -> memref<1x!tpu.dma_semaphore, #tpu.memory_space<semaphore_mem>>
            %dma_wait3A_732 = tpu.memref_squeeze %dma_wait3A_731 : memref<1x!tpu.dma_semaphore, #tpu.memory_space<semaphore_mem>> -> memref<!tpu.dma_semaphore, #tpu.memory_space<semaphore_mem>>
            %dma_wait3A_733 = arith.constant 0 : i32
            %dma_wait3A_734 = arith.constant 0 : i32
            %dma_wait3A_735 = tpu.memref_slice %run_scoped3A_25[%rem3A_725, %dma_wait3A_733, %dma_wait3A_734] : memref<2x1x128xi32, #tpu.memory_space<vmem>> -> memref<1x1x128xi32, #tpu.memory_space<vmem>>
            %dma_wait3A_736 = tpu.memref_squeeze %dma_wait3A_735 : memref<1x1x128xi32, #tpu.memory_space<vmem>> -> memref<1x128xi32, #tpu.memory_space<vmem>>
            %dma_wait3A_737 = tpu.memref_slice %arg3[%mul3A_721, %mul3A_723] : memref<2x161792xi32, #tpu.memory_space<hbm>> -> memref<1x128xi32, #tpu.memory_space<hbm>>
            tpu.wait_dma2 semaphore(%dma_wait3A_732 : memref<!tpu.dma_semaphore, #tpu.memory_space<semaphore_mem>>) src(%dma_wait3A_737 : memref<1x128xi32, #tpu.memory_space<hbm>>) dst(%dma_wait3A_736 : memref<1x128xi32, #tpu.memory_space<vmem>>)
            "tpu.trace_stop"() : () -> ()
          } else {
          }
          %mul3A_435 = arith.constant 2 : i32
          %mul3A_436 = arith.muli %mul3A_435, %add3A_262 : i32
          %add3A_437 = arith.constant 1 : i32
          %add3A_438 = arith.addi %mul3A_436, %add3A_437 : i32
          %mul3A_439 = arith.constant 2 : i32
          %mul3A_440 = arith.muli %mul3A_439, %add3A_272 : i32
          %add3A_441 = arith.constant 1 : i32
          %add3A_442 = arith.addi %mul3A_440, %add3A_441 : i32
          %ne3A_443 = arith.cmpi ne, %arg0, %arg0 : i32
          %ne3A_444 = arith.cmpi ne, %add3A_438, %add3A_442 : i32
          %or3A_445 = arith.constant false
          %or3A_446 = arith.ori %or3A_445, %ne3A_443 : i1
          %or3A_447 = arith.ori %or3A_446, %ne3A_444 : i1
          %or3A_448 = arith.ori %or3A_447, %eq3A_258 : i1
          %convert_element_type3A_449 = arith.extui %or3A_448 : i1 to i32
          %cond3A_450 = arith.constant 0 : i32
          %cond3A_451 = arith.cmpi ne, %convert_element_type3A_449, %cond3A_450 : i32
          scf.if %cond3A_451 {
            "tpu.trace_start"() <{level = 10 : i32, message = "ep_wait_in"}> : () -> ()
            %mul3A_716 = arith.constant 2 : i32
            %mul3A_717 = arith.muli %mul3A_716, %add3A_262 : i32
            %add3A_718 = arith.constant 1 : i32
            %add3A_719 = arith.addi %mul3A_717, %add3A_718 : i32
            %mul3A_720 = arith.constant 1 : i32
            %mul3A_721 = arith.muli %mul3A_720, %arg0 : i32
            %mul3A_722 = arith.constant 128 : i32
            %mul3A_723 = arith.muli %mul3A_722, %add3A_719 : i32
            %rem3A_724 = arith.constant 2 : i32
            %rem3A_725 = arith.remui %while3A_253, %rem3A_724 : i32
            %dma_wait3A_726 = arith.constant 0 : i32
            %dma_wait3A_727 = arith.constant 0 : i32
            %dma_wait3A_728 = tpu.memref_slice %run_scoped3A_27[%rem3A_725, %dma_wait3A_726, %dma_wait3A_727] : memref<2x1x128xi32, #tpu.memory_space<vmem>> -> memref<1x1x128xi32, #tpu.memory_space<vmem>>
            %dma_wait3A_729 = tpu.memref_squeeze %dma_wait3A_728 : memref<1x1x128xi32, #tpu.memory_space<vmem>> -> memref<1x128xi32, #tpu.memory_space<vmem>>
            %dma_wait3A_730 = tpu.memref_slice %arg4[%mul3A_721, %mul3A_723] : memref<2x161792xi32, #tpu.memory_space<hbm>> -> memref<1x128xi32, #tpu.memory_space<hbm>>
            %dma_wait3A_731 = tpu.memref_slice %run_scoped3A_28[%rem3A_725] : memref<2x!tpu.dma_semaphore, #tpu.memory_space<semaphore_mem>> -> memref<1x!tpu.dma_semaphore, #tpu.memory_space<semaphore_mem>>
            %dma_wait3A_732 = tpu.memref_squeeze %dma_wait3A_731 : memref<1x!tpu.dma_semaphore, #tpu.memory_space<semaphore_mem>> -> memref<!tpu.dma_semaphore, #tpu.memory_space<semaphore_mem>>
            %dma_wait3A_733 = arith.constant 0 : i32
            %dma_wait3A_734 = arith.constant 0 : i32
            %dma_wait3A_735 = tpu.memref_slice %run_scoped3A_27[%rem3A_725, %dma_wait3A_733, %dma_wait3A_734] : memref<2x1x128xi32, #tpu.memory_space<vmem>> -> memref<1x1x128xi32, #tpu.memory_space<vmem>>
            %dma_wait3A_736 = tpu.memref_squeeze %dma_wait3A_735 : memref<1x1x128xi32, #tpu.memory_space<vmem>> -> memref<1x128xi32, #tpu.memory_space<vmem>>
            %dma_wait3A_737 = tpu.memref_slice %arg4[%mul3A_721, %mul3A_723] : memref<2x161792xi32, #tpu.memory_space<hbm>> -> memref<1x128xi32, #tpu.memory_space<hbm>>
            tpu.wait_dma2 semaphore(%dma_wait3A_732 : memref<!tpu.dma_semaphore, #tpu.memory_space<semaphore_mem>>) src(%dma_wait3A_737 : memref<1x128xi32, #tpu.memory_space<hbm>>) dst(%dma_wait3A_736 : memref<1x128xi32, #tpu.memory_space<vmem>>)
            "tpu.trace_stop"() : () -> ()
          } else {
          }
          %rem3A_452 = arith.constant 2 : i32
          %rem3A_453 = arith.remui %while3A_247, %rem3A_452 : i32
          %rem3A_454 = arith.constant 2 : i32
          %rem3A_455 = arith.remui %while3A_249, %rem3A_454 : i32
          %rem3A_456 = arith.constant 2 : i32
          %rem3A_457 = arith.remui %while3A_251, %rem3A_456 : i32
          %rem3A_458 = arith.constant 2 : i32
          %rem3A_459 = arith.remui %while3A_253, %rem3A_458 : i32
          %dma_start3A_460 = arith.constant 0 : i32
          "tpu.trace_start"() <{level = 10 : i32, message = "ep_run_kernel"}> : () -> ()
          %dma_start3A_461 = arith.constant 0 : i32
          %dma_start3A_462 = arith.constant 0 : i32
          %dma_start3A_463 = tpu.memref_slice %run_scoped3A[%rem3A_453, %dma_start3A_461, %dma_start3A_462] : memref<2x1x128xi32, #tpu.memory_space<vmem>> -> memref<1x1x128xi32, #tpu.memory_space<vmem>>
          %dma_start3A_464 = tpu.memref_squeeze %dma_start3A_463 : memref<1x1x128xi32, #tpu.memory_space<vmem>> -> memref<1x128xi32, #tpu.memory_space<vmem>>
          %dma_start3A_465 = arith.constant 0 : i32
          %dma_start3A_466 = tpu.memref_slice %dma_start3A_464[%dma_start3A_460, %dma_start3A_465] : memref<1x128xi32, #tpu.memory_space<vmem>> -> memref<1x128xi32, #tpu.memory_space<vmem>>
          %dma_start3A_467 = tpu.memref_squeeze %dma_start3A_466 : memref<1x128xi32, #tpu.memory_space<vmem>> -> memref<128xi32, #tpu.memory_space<vmem>>
          %dma_start3A_468 = arith.constant 0 : i32
          %dma_start3A_469 = arith.constant 0 : i32
          %dma_start3A_470 = tpu.memref_slice %arg5[%dma_start3A_468, %dma_start3A_469] : memref<10240x128xf32, #tpu.memory_space<hbm>> -> memref<10240x128xf32, #tpu.memory_space<hbm>>
          tpu.enqueue_indirect_dma source(%dma_start3A_470 : memref<10240x128xf32, #tpu.memory_space<hbm>>) target(%arg7 : memref<128x128xf32, #tpu.memory_space<vmem>>) offsets(%dma_start3A_467 : memref<128xi32, #tpu.memory_space<vmem>>) semaphore(%arg11 : memref<!tpu.dma_semaphore, #tpu.memory_space<semaphore_mem>>)
          %dma_start3A_471 = arith.constant 0 : i32
          %dma_start3A_472 = arith.constant 0 : i32
          %dma_start3A_473 = arith.constant 0 : i32
          %dma_start3A_474 = tpu.memref_slice %run_scoped3A_25[%rem3A_457, %dma_start3A_472, %dma_start3A_473] : memref<2x1x128xi32, #tpu.memory_space<vmem>> -> memref<1x1x128xi32, #tpu.memory_space<vmem>>
          %dma_start3A_475 = tpu.memref_squeeze %dma_start3A_474 : memref<1x1x128xi32, #tpu.memory_space<vmem>> -> memref<1x128xi32, #tpu.memory_space<vmem>>
          %dma_start3A_476 = arith.constant 0 : i32
          %dma_start3A_477 = tpu.memref_slice %dma_start3A_475[%dma_start3A_471, %dma_start3A_476] : memref<1x128xi32, #tpu.memory_space<vmem>> -> memref<1x128xi32, #tpu.memory_space<vmem>>
          %dma_start3A_478 = tpu.memref_squeeze %dma_start3A_477 : memref<1x128xi32, #tpu.memory_space<vmem>> -> memref<128xi32, #tpu.memory_space<vmem>>
          %dma_start3A_479 = arith.constant 0 : i32
          %dma_start3A_480 = arith.constant 0 : i32
          %dma_start3A_481 = tpu.memref_slice %arg5[%dma_start3A_479, %dma_start3A_480] : memref<10240x128xf32, #tpu.memory_space<hbm>> -> memref<10240x128xf32, #tpu.memory_space<hbm>>
          tpu.enqueue_indirect_dma source(%dma_start3A_481 : memref<10240x128xf32, #tpu.memory_space<hbm>>) target(%arg8 : memref<128x128xf32, #tpu.memory_space<vmem>>) offsets(%dma_start3A_478 : memref<128xi32, #tpu.memory_space<vmem>>) semaphore(%arg12 : memref<!tpu.dma_semaphore, #tpu.memory_space<semaphore_mem>>)
          %dma_wait3A = arith.constant 0 : i32
          %dma_wait3A_482 = arith.constant 0 : i32
          %dma_wait3A_483 = arith.constant 0 : i32
          %dma_wait3A_484 = tpu.memref_slice %run_scoped3A[%rem3A_453, %dma_wait3A_482, %dma_wait3A_483] : memref<2x1x128xi32, #tpu.memory_space<vmem>> -> memref<1x1x128xi32, #tpu.memory_space<vmem>>
          %dma_wait3A_485 = tpu.memref_squeeze %dma_wait3A_484 : memref<1x1x128xi32, #tpu.memory_space<vmem>> -> memref<1x128xi32, #tpu.memory_space<vmem>>
          %dma_wait3A_486 = arith.constant 0 : i32
          %dma_wait3A_487 = tpu.memref_slice %dma_wait3A_485[%dma_wait3A, %dma_wait3A_486] : memref<1x128xi32, #tpu.memory_space<vmem>> -> memref<1x128xi32, #tpu.memory_space<vmem>>
          %dma_wait3A_488 = tpu.memref_squeeze %dma_wait3A_487 : memref<1x128xi32, #tpu.memory_space<vmem>> -> memref<128xi32, #tpu.memory_space<vmem>>
          %dma_wait3A_489 = arith.constant 0 : i32
          %dma_wait3A_490 = arith.constant 0 : i32
          %dma_wait3A_491 = tpu.memref_slice %arg5[%dma_wait3A_489, %dma_wait3A_490] : memref<10240x128xf32, #tpu.memory_space<hbm>> -> memref<10240x128xf32, #tpu.memory_space<hbm>>
          tpu.wait_indirect_dma semaphore(%arg11 : memref<!tpu.dma_semaphore, #tpu.memory_space<semaphore_mem>>) src(%dma_wait3A_491 : memref<10240x128xf32, #tpu.memory_space<hbm>>) dst(%arg7 : memref<128x128xf32, #tpu.memory_space<vmem>>)
          %run_scoped3A_492 = arith.constant 0 : i32
          "tpu.region"() ({
            %run_scoped3A_716 = tpu.sem_alloc : memref<!tpu.dma_semaphore, #tpu.memory_space<semaphore_mem>>
            %dma_start3A_717 = arith.constant 0 : i32
            %dma_start3A_718 = arith.constant 0 : i32
            %dma_start3A_719 = tpu.memref_slice %run_scoped3A_23[%rem3A_455, %dma_start3A_717, %dma_start3A_718] : memref<2x1x128xi32, #tpu.memory_space<vmem>> -> memref<1x1x128xi32, #tpu.memory_space<vmem>>
            %dma_start3A_720 = tpu.memref_squeeze %dma_start3A_719 : memref<1x1x128xi32, #tpu.memory_space<vmem>> -> memref<1x128xi32, #tpu.memory_space<vmem>>
            %dma_start3A_721 = arith.constant 0 : i32
            %dma_start3A_722 = tpu.memref_slice %dma_start3A_720[%run_scoped3A_492, %dma_start3A_721] : memref<1x128xi32, #tpu.memory_space<vmem>> -> memref<1x128xi32, #tpu.memory_space<vmem>>
            %dma_start3A_723 = tpu.memref_squeeze %dma_start3A_722 : memref<1x128xi32, #tpu.memory_space<vmem>> -> memref<128xi32, #tpu.memory_space<vmem>>
            %dma_start3A_724 = arith.constant 0 : i32
            %dma_start3A_725 = arith.constant 0 : i32
            %dma_start3A_726 = tpu.memref_slice %arg10[%dma_start3A_724, %dma_start3A_725] : memref<10240x128xf32, #tpu.memory_space<vmem_shared>> -> memref<10240x128xf32, #tpu.memory_space<vmem_shared>>
            tpu.enqueue_indirect_dma source(%arg7 : memref<128x128xf32, #tpu.memory_space<vmem>>) target(%dma_start3A_726 : memref<10240x128xf32, #tpu.memory_space<vmem_shared>>) offsets(%dma_start3A_723 : memref<128xi32, #tpu.memory_space<vmem>>) semaphore(%run_scoped3A_716 : memref<!tpu.dma_semaphore, #tpu.memory_space<semaphore_mem>>) {add = true}
            %dma_wait3A_727 = arith.constant 0 : i32
            %dma_wait3A_728 = arith.constant 0 : i32
            %dma_wait3A_729 = tpu.memref_slice %run_scoped3A_23[%rem3A_455, %dma_wait3A_727, %dma_wait3A_728] : memref<2x1x128xi32, #tpu.memory_space<vmem>> -> memref<1x1x128xi32, #tpu.memory_space<vmem>>
            %dma_wait3A_730 = tpu.memref_squeeze %dma_wait3A_729 : memref<1x1x128xi32, #tpu.memory_space<vmem>> -> memref<1x128xi32, #tpu.memory_space<vmem>>
            %dma_wait3A_731 = arith.constant 0 : i32
            %dma_wait3A_732 = tpu.memref_slice %dma_wait3A_730[%run_scoped3A_492, %dma_wait3A_731] : memref<1x128xi32, #tpu.memory_space<vmem>> -> memref<1x128xi32, #tpu.memory_space<vmem>>
            %dma_wait3A_733 = tpu.memref_squeeze %dma_wait3A_732 : memref<1x128xi32, #tpu.memory_space<vmem>> -> memref<128xi32, #tpu.memory_space<vmem>>
            %dma_wait3A_734 = arith.constant 0 : i32
            %dma_wait3A_735 = arith.constant 0 : i32
            %dma_wait3A_736 = tpu.memref_slice %arg10[%dma_wait3A_734, %dma_wait3A_735] : memref<10240x128xf32, #tpu.memory_space<vmem_shared>> -> memref<10240x128xf32, #tpu.memory_space<vmem_shared>>
            tpu.wait_indirect_dma semaphore(%run_scoped3A_716 : memref<!tpu.dma_semaphore, #tpu.memory_space<semaphore_mem>>) src(%arg7 : memref<128x128xf32, #tpu.memory_space<vmem>>) dst(%dma_wait3A_736 : memref<10240x128xf32, #tpu.memory_space<vmem_shared>>)
            tpu.yield
          }) : () -> ()
          %dma_wait3A_493 = arith.constant 0 : i32
          %dma_wait3A_494 = arith.constant 0 : i32
          %dma_wait3A_495 = arith.constant 0 : i32
          %dma_wait3A_496 = tpu.memref_slice %run_scoped3A_25[%rem3A_457, %dma_wait3A_494, %dma_wait3A_495] : memref<2x1x128xi32, #tpu.memory_space<vmem>> -> memref<1x1x128xi32, #tpu.memory_space<vmem>>
          %dma_wait3A_497 = tpu.memref_squeeze %dma_wait3A_496 : memref<1x1x128xi32, #tpu.memory_space<vmem>> -> memref<1x128xi32, #tpu.memory_space<vmem>>
          %dma_wait3A_498 = arith.constant 0 : i32
          %dma_wait3A_499 = tpu.memref_slice %dma_wait3A_497[%dma_wait3A_493, %dma_wait3A_498] : memref<1x128xi32, #tpu.memory_space<vmem>> -> memref<1x128xi32, #tpu.memory_space<vmem>>
          %dma_wait3A_500 = tpu.memref_squeeze %dma_wait3A_499 : memref<1x128xi32, #tpu.memory_space<vmem>> -> memref<128xi32, #tpu.memory_space<vmem>>
          %dma_wait3A_501 = arith.constant 0 : i32
          %dma_wait3A_502 = arith.constant 0 : i32
          %dma_wait3A_503 = tpu.memref_slice %arg5[%dma_wait3A_501, %dma_wait3A_502] : memref<10240x128xf32, #tpu.memory_space<hbm>> -> memref<10240x128xf32, #tpu.memory_space<hbm>>
          tpu.wait_indirect_dma semaphore(%arg12 : memref<!tpu.dma_semaphore, #tpu.memory_space<semaphore_mem>>) src(%dma_wait3A_503 : memref<10240x128xf32, #tpu.memory_space<hbm>>) dst(%arg8 : memref<128x128xf32, #tpu.memory_space<vmem>>)
          %run_scoped3A_504 = arith.constant 0 : i32
          "tpu.region"() ({
            %run_scoped3A_716 = tpu.sem_alloc : memref<!tpu.dma_semaphore, #tpu.memory_space<semaphore_mem>>
            %dma_start3A_717 = arith.constant 0 : i32
            %dma_start3A_718 = arith.constant 0 : i32
            %dma_start3A_719 = tpu.memref_slice %run_scoped3A_27[%rem3A_459, %dma_start3A_717, %dma_start3A_718] : memref<2x1x128xi32, #tpu.memory_space<vmem>> -> memref<1x1x128xi32, #tpu.memory_space<vmem>>
            %dma_start3A_720 = tpu.memref_squeeze %dma_start3A_719 : memref<1x1x128xi32, #tpu.memory_space<vmem>> -> memref<1x128xi32, #tpu.memory_space<vmem>>
            %dma_start3A_721 = arith.constant 0 : i32
            %dma_start3A_722 = tpu.memref_slice %dma_start3A_720[%run_scoped3A_504, %dma_start3A_721] : memref<1x128xi32, #tpu.memory_space<vmem>> -> memref<1x128xi32, #tpu.memory_space<vmem>>
            %dma_start3A_723 = tpu.memref_squeeze %dma_start3A_722 : memref<1x128xi32, #tpu.memory_space<vmem>> -> memref<128xi32, #tpu.memory_space<vmem>>
            %dma_start3A_724 = arith.constant 0 : i32
            %dma_start3A_725 = arith.constant 0 : i32
            %dma_start3A_726 = tpu.memref_slice %arg10[%dma_start3A_724, %dma_start3A_725] : memref<10240x128xf32, #tpu.memory_space<vmem_shared>> -> memref<10240x128xf32, #tpu.memory_space<vmem_shared>>
            tpu.enqueue_indirect_dma source(%arg8 : memref<128x128xf32, #tpu.memory_space<vmem>>) target(%dma_start3A_726 : memref<10240x128xf32, #tpu.memory_space<vmem_shared>>) offsets(%dma_start3A_723 : memref<128xi32, #tpu.memory_space<vmem>>) semaphore(%run_scoped3A_716 : memref<!tpu.dma_semaphore, #tpu.memory_space<semaphore_mem>>) {add = true}
            %dma_wait3A_727 = arith.constant 0 : i32
            %dma_wait3A_728 = arith.constant 0 : i32
            %dma_wait3A_729 = tpu.memref_slice %run_scoped3A_27[%rem3A_459, %dma_wait3A_727, %dma_wait3A_728] : memref<2x1x128xi32, #tpu.memory_space<vmem>> -> memref<1x1x128xi32, #tpu.memory_space<vmem>>
            %dma_wait3A_730 = tpu.memref_squeeze %dma_wait3A_729 : memref<1x1x128xi32, #tpu.memory_space<vmem>> -> memref<1x128xi32, #tpu.memory_space<vmem>>
            %dma_wait3A_731 = arith.constant 0 : i32
            %dma_wait3A_732 = tpu.memref_slice %dma_wait3A_730[%run_scoped3A_504, %dma_wait3A_731] : memref<1x128xi32, #tpu.memory_space<vmem>> -> memref<1x128xi32, #tpu.memory_space<vmem>>
            %dma_wait3A_733 = tpu.memref_squeeze %dma_wait3A_732 : memref<1x128xi32, #tpu.memory_space<vmem>> -> memref<128xi32, #tpu.memory_space<vmem>>
            %dma_wait3A_734 = arith.constant 0 : i32
            %dma_wait3A_735 = arith.constant 0 : i32
            %dma_wait3A_736 = tpu.memref_slice %arg10[%dma_wait3A_734, %dma_wait3A_735] : memref<10240x128xf32, #tpu.memory_space<vmem_shared>> -> memref<10240x128xf32, #tpu.memory_space<vmem_shared>>
            tpu.wait_indirect_dma semaphore(%run_scoped3A_716 : memref<!tpu.dma_semaphore, #tpu.memory_space<semaphore_mem>>) src(%arg8 : memref<128x128xf32, #tpu.memory_space<vmem>>) dst(%dma_wait3A_736 : memref<10240x128xf32, #tpu.memory_space<vmem_shared>>)
            tpu.yield
          }) : () -> ()
          "tpu.trace_stop"() : () -> ()
          %mul3A_505 = arith.constant 2 : i32
          %mul3A_506 = arith.muli %mul3A_505, %add3A_262 : i32
          %mul3A_507 = arith.constant 2 : i32
          %mul3A_508 = arith.muli %mul3A_507, %add3A_280 : i32
          %ne3A_509 = arith.cmpi ne, %arg0, %arg0 : i32
          %ne3A_510 = arith.cmpi ne, %mul3A_506, %mul3A_508 : i32
          %or3A_511 = arith.constant false
          %or3A_512 = arith.ori %or3A_511, %ne3A_509 : i1
          %or3A_513 = arith.ori %or3A_512, %ne3A_510 : i1
          %or3A_514 = arith.ori %or3A_513, %eq3A_261 : i1
          %convert_element_type3A_515 = arith.extui %or3A_514 : i1 to i32
          %cond3A_516 = arith.constant 0 : i32
          %cond3A_517 = arith.cmpi ne, %convert_element_type3A_515, %cond3A_516 : i32
          scf.if %cond3A_517 {
          } else {
          }
          %and3A_518 = arith.constant false
          %and3A_519 = arith.andi %or3A_514, %and3A_518 : i1
          %mul3A_520 = arith.constant 2 : i32
          %mul3A_521 = arith.muli %mul3A_520, %add3A_262 : i32
          %mul3A_522 = arith.constant 2 : i32
          %mul3A_523 = arith.muli %mul3A_522, %add3A_280 : i32
          %ne3A_524 = arith.cmpi ne, %arg0, %arg0 : i32
          %ne3A_525 = arith.cmpi ne, %mul3A_521, %mul3A_523 : i32
          %or3A_526 = arith.constant false
          %or3A_527 = arith.ori %or3A_526, %ne3A_524 : i1
          %or3A_528 = arith.ori %or3A_527, %ne3A_525 : i1
          %or3A_529 = arith.ori %or3A_528, %eq3A_261 : i1
          %convert_element_type3A_530 = arith.extui %or3A_529 : i1 to i32
          %cond3A_531 = arith.constant 0 : i32
          %cond3A_532 = arith.cmpi ne, %convert_element_type3A_530, %cond3A_531 : i32
          scf.if %cond3A_532 {
          } else {
          }
          %and3A_533 = arith.constant false
          %and3A_534 = arith.andi %or3A_529, %and3A_533 : i1
          %mul3A_535 = arith.constant 2 : i32
          %mul3A_536 = arith.muli %mul3A_535, %add3A_262 : i32
          %add3A_537 = arith.constant 1 : i32
          %add3A_538 = arith.addi %mul3A_536, %add3A_537 : i32
          %mul3A_539 = arith.constant 2 : i32
          %mul3A_540 = arith.muli %mul3A_539, %add3A_280 : i32
          %add3A_541 = arith.constant 1 : i32
          %add3A_542 = arith.addi %mul3A_540, %add3A_541 : i32
          %ne3A_543 = arith.cmpi ne, %arg0, %arg0 : i32
          %ne3A_544 = arith.cmpi ne, %add3A_538, %add3A_542 : i32
          %or3A_545 = arith.constant false
          %or3A_546 = arith.ori %or3A_545, %ne3A_543 : i1
          %or3A_547 = arith.ori %or3A_546, %ne3A_544 : i1
          %or3A_548 = arith.ori %or3A_547, %eq3A_261 : i1
          %convert_element_type3A_549 = arith.extui %or3A_548 : i1 to i32
          %cond3A_550 = arith.constant 0 : i32
          %cond3A_551 = arith.cmpi ne, %convert_element_type3A_549, %cond3A_550 : i32
          scf.if %cond3A_551 {
          } else {
          }
          %and3A_552 = arith.constant false
          %and3A_553 = arith.andi %or3A_548, %and3A_552 : i1
          %mul3A_554 = arith.constant 2 : i32
          %mul3A_555 = arith.muli %mul3A_554, %add3A_262 : i32
          %add3A_556 = arith.constant 1 : i32
          %add3A_557 = arith.addi %mul3A_555, %add3A_556 : i32
          %mul3A_558 = arith.constant 2 : i32
          %mul3A_559 = arith.muli %mul3A_558, %add3A_280 : i32
          %add3A_560 = arith.constant 1 : i32
          %add3A_561 = arith.addi %mul3A_559, %add3A_560 : i32
          %ne3A_562 = arith.cmpi ne, %arg0, %arg0 : i32
          %ne3A_563 = arith.cmpi ne, %add3A_557, %add3A_561 : i32
          %or3A_564 = arith.constant false
          %or3A_565 = arith.ori %or3A_564, %ne3A_562 : i1
          %or3A_566 = arith.ori %or3A_565, %ne3A_563 : i1
          %or3A_567 = arith.ori %or3A_566, %eq3A_261 : i1
          %convert_element_type3A_568 = arith.extui %or3A_567 : i1 to i32
          %cond3A_569 = arith.constant 0 : i32
          %cond3A_570 = arith.cmpi ne, %convert_element_type3A_568, %cond3A_569 : i32
          scf.if %cond3A_570 {
          } else {
          }
          %and3A_571 = arith.constant false
          %and3A_572 = arith.andi %or3A_567, %and3A_571 : i1
          %mul3A_573 = arith.constant 2 : i32
          %mul3A_574 = arith.muli %mul3A_573, %add3A_262 : i32
          %mul3A_575 = arith.constant 2 : i32
          %mul3A_576 = arith.muli %mul3A_575, %add3A_272 : i32
          %ne3A_577 = arith.cmpi ne, %arg0, %arg0 : i32
          %ne3A_578 = arith.cmpi ne, %mul3A_574, %mul3A_576 : i32
          %or3A_579 = arith.constant false
          %or3A_580 = arith.ori %or3A_579, %ne3A_577 : i1
          %or3A_581 = arith.ori %or3A_580, %ne3A_578 : i1
          %not3A_582 = arith.constant true
          %not3A_583 = arith.xori %eq3A_258, %not3A_582 : i1
          %and3A_584 = arith.andi %or3A_581, %not3A_583 : i1
          %convert_element_type3A_585 = arith.extui %and3A_584 : i1 to i32
          %cond3A_586 = arith.constant 0 : i32
          %cond3A_587 = arith.cmpi ne, %convert_element_type3A_585, %cond3A_586 : i32
          scf.if %cond3A_587 {
          } else {
          }
          %and3A_588 = arith.constant false
          %and3A_589 = arith.andi %and3A_584, %and3A_588 : i1
          %mul3A_590 = arith.constant 2 : i32
          %mul3A_591 = arith.muli %mul3A_590, %add3A_262 : i32
          %mul3A_592 = arith.constant 2 : i32
          %mul3A_593 = arith.muli %mul3A_592, %add3A_272 : i32
          %ne3A_594 = arith.cmpi ne, %arg0, %arg0 : i32
          %ne3A_595 = arith.cmpi ne, %mul3A_591, %mul3A_593 : i32
          %or3A_596 = arith.constant false
          %or3A_597 = arith.ori %or3A_596, %ne3A_594 : i1
          %or3A_598 = arith.ori %or3A_597, %ne3A_595 : i1
          %not3A_599 = arith.constant true
          %not3A_600 = arith.xori %eq3A_258, %not3A_599 : i1
          %and3A_601 = arith.andi %or3A_598, %not3A_600 : i1
          %convert_element_type3A_602 = arith.extui %and3A_601 : i1 to i32
          %cond3A_603 = arith.constant 0 : i32
          %cond3A_604 = arith.cmpi ne, %convert_element_type3A_602, %cond3A_603 : i32
          scf.if %cond3A_604 {
          } else {
          }
          %and3A_605 = arith.constant false
          %and3A_606 = arith.andi %and3A_601, %and3A_605 : i1
          %mul3A_607 = arith.constant 2 : i32
          %mul3A_608 = arith.muli %mul3A_607, %add3A_262 : i32
          %add3A_609 = arith.constant 1 : i32
          %add3A_610 = arith.addi %mul3A_608, %add3A_609 : i32
          %mul3A_611 = arith.constant 2 : i32
          %mul3A_612 = arith.muli %mul3A_611, %add3A_272 : i32
          %add3A_613 = arith.constant 1 : i32
          %add3A_614 = arith.addi %mul3A_612, %add3A_613 : i32
          %ne3A_615 = arith.cmpi ne, %arg0, %arg0 : i32
          %ne3A_616 = arith.cmpi ne, %add3A_610, %add3A_614 : i32
          %or3A_617 = arith.constant false
          %or3A_618 = arith.ori %or3A_617, %ne3A_615 : i1
          %or3A_619 = arith.ori %or3A_618, %ne3A_616 : i1
          %not3A_620 = arith.constant true
          %not3A_621 = arith.xori %eq3A_258, %not3A_620 : i1
          %and3A_622 = arith.andi %or3A_619, %not3A_621 : i1
          %convert_element_type3A_623 = arith.extui %and3A_622 : i1 to i32
          %cond3A_624 = arith.constant 0 : i32
          %cond3A_625 = arith.cmpi ne, %convert_element_type3A_623, %cond3A_624 : i32
          scf.if %cond3A_625 {
          } else {
          }
          %and3A_626 = arith.constant false
          %and3A_627 = arith.andi %and3A_622, %and3A_626 : i1
          %mul3A_628 = arith.constant 2 : i32
          %mul3A_629 = arith.muli %mul3A_628, %add3A_262 : i32
          %add3A_630 = arith.constant 1 : i32
          %add3A_631 = arith.addi %mul3A_629, %add3A_630 : i32
          %mul3A_632 = arith.constant 2 : i32
          %mul3A_633 = arith.muli %mul3A_632, %add3A_272 : i32
          %add3A_634 = arith.constant 1 : i32
          %add3A_635 = arith.addi %mul3A_633, %add3A_634 : i32
          %ne3A_636 = arith.cmpi ne, %arg0, %arg0 : i32
          %ne3A_637 = arith.cmpi ne, %add3A_631, %add3A_635 : i32
          %or3A_638 = arith.constant false
          %or3A_639 = arith.ori %or3A_638, %ne3A_636 : i1
          %or3A_640 = arith.ori %or3A_639, %ne3A_637 : i1
          %not3A_641 = arith.constant true
          %not3A_642 = arith.xori %eq3A_258, %not3A_641 : i1
          %and3A_643 = arith.andi %or3A_640, %not3A_642 : i1
          %convert_element_type3A_644 = arith.extui %and3A_643 : i1 to i32
          %cond3A_645 = arith.constant 0 : i32
          %cond3A_646 = arith.cmpi ne, %convert_element_type3A_644, %cond3A_645 : i32
          scf.if %cond3A_646 {
          } else {
          }
          %and3A_647 = arith.constant false
          %and3A_648 = arith.andi %and3A_643, %and3A_647 : i1
          %mul3A_649 = arith.constant 2 : i32
          %mul3A_650 = arith.muli %mul3A_649, %add3A_262 : i32
          %mul3A_651 = arith.constant 2 : i32
          %mul3A_652 = arith.muli %mul3A_651, %add3A_280 : i32
          %ne3A_653 = arith.cmpi ne, %arg0, %arg0 : i32
          %ne3A_654 = arith.cmpi ne, %mul3A_650, %mul3A_652 : i32
          %or3A_655 = arith.constant false
          %or3A_656 = arith.ori %or3A_655, %ne3A_653 : i1
          %or3A_657 = arith.ori %or3A_656, %ne3A_654 : i1
          %or3A_658 = arith.ori %or3A_657, %eq3A_261 : i1
          %add3A_659 = arith.constant 1 : i32
          %add3A_660 = arith.addi %while3A_247, %add3A_659 : i32
          %select_n3A_661 = arith.select %or3A_658, %add3A_660, %while3A_247 : i32
          %mul3A_662 = arith.constant 2 : i32
          %mul3A_663 = arith.muli %mul3A_662, %add3A_262 : i32
          %mul3A_664 = arith.constant 2 : i32
          %mul3A_665 = arith.muli %mul3A_664, %add3A_280 : i32
          %ne3A_666 = arith.cmpi ne, %arg0, %arg0 : i32
          %ne3A_667 = arith.cmpi ne, %mul3A_663, %mul3A_665 : i32
          %or3A_668 = arith.constant false
          %or3A_669 = arith.ori %or3A_668, %ne3A_666 : i1
          %or3A_670 = arith.ori %or3A_669, %ne3A_667 : i1
          %or3A_671 = arith.ori %or3A_670, %eq3A_261 : i1
          %add3A_672 = arith.constant 1 : i32
          %add3A_673 = arith.addi %while3A_249, %add3A_672 : i32
          %select_n3A_674 = arith.select %or3A_671, %add3A_673, %while3A_249 : i32
          %mul3A_675 = arith.constant 2 : i32
          %mul3A_676 = arith.muli %mul3A_675, %add3A_262 : i32
          %add3A_677 = arith.constant 1 : i32
          %add3A_678 = arith.addi %mul3A_676, %add3A_677 : i32
          %mul3A_679 = arith.constant 2 : i32
          %mul3A_680 = arith.muli %mul3A_679, %add3A_280 : i32
          %add3A_681 = arith.constant 1 : i32
          %add3A_682 = arith.addi %mul3A_680, %add3A_681 : i32
          %ne3A_683 = arith.cmpi ne, %arg0, %arg0 : i32
          %ne3A_684 = arith.cmpi ne, %add3A_678, %add3A_682 : i32
          %or3A_685 = arith.constant false
          %or3A_686 = arith.ori %or3A_685, %ne3A_683 : i1
          %or3A_687 = arith.ori %or3A_686, %ne3A_684 : i1
          %or3A_688 = arith.ori %or3A_687, %eq3A_261 : i1
          %add3A_689 = arith.constant 1 : i32
          %add3A_690 = arith.addi %while3A_251, %add3A_689 : i32
          %select_n3A_691 = arith.select %or3A_688, %add3A_690, %while3A_251 : i32
          %mul3A_692 = arith.constant 2 : i32
          %mul3A_693 = arith.muli %mul3A_692, %add3A_262 : i32
          %add3A_694 = arith.constant 1 : i32
          %add3A_695 = arith.addi %mul3A_693, %add3A_694 : i32
          %mul3A_696 = arith.constant 2 : i32
          %mul3A_697 = arith.muli %mul3A_696, %add3A_280 : i32
          %add3A_698 = arith.constant 1 : i32
          %add3A_699 = arith.addi %mul3A_697, %add3A_698 : i32
          %ne3A_700 = arith.cmpi ne, %arg0, %arg0 : i32
          %ne3A_701 = arith.cmpi ne, %add3A_695, %add3A_699 : i32
          %or3A_702 = arith.constant false
          %or3A_703 = arith.ori %or3A_702, %ne3A_700 : i1
          %or3A_704 = arith.ori %or3A_703, %ne3A_701 : i1
          %or3A_705 = arith.ori %or3A_704, %eq3A_261 : i1
          %add3A_706 = arith.constant 1 : i32
          %add3A_707 = arith.addi %while3A_253, %add3A_706 : i32
          %select_n3A_708 = arith.select %or3A_705, %add3A_707, %while3A_253 : i32
          %add3A_709 = arith.constant 1 : i32
          %add3A_710 = arith.addi %while3A_254, %add3A_709 : i32
          %select_n3A_711 = arith.constant true
          %select_n3A_712 = arith.select %select_n3A_711, %add3A_710, %while3A_254 : i32
          %eq3A_713 = arith.cmpi eq, %select_n3A_712, %select_n3A : i32
          %select_n3A_714 = arith.constant 0 : i32
          %select_n3A_715 = arith.select %eq3A_713, %select_n3A_714, %select_n3A_712 : i32
          scf.yield %select_n3A_308, %select_n3A_661, %select_n3A_333, %select_n3A_674, %select_n3A_362, %select_n3A_691, %select_n3A_391, %select_n3A_708, %select_n3A_715 : i32, i32, i32, i32, i32, i32, i32, i32, i32
        }
        %while3A_186 = arith.constant 1 : i32
        %while3A_187:9 = scf.for %while3A_245 = %while3A_183 to %while3A_179 step %while3A_186 iter_args(%while3A_246 = %while3A_185#0, %while3A_247 = %while3A_185#1, %while3A_248 = %while3A_185#2, %while3A_249 = %while3A_185#3, %while3A_250 = %while3A_185#4, %while3A_251 = %while3A_185#5, %while3A_252 = %while3A_185#6, %while3A_253 = %while3A_185#7, %while3A_254 = %while3A_185#8) -> (i32, i32, i32, i32, i32, i32, i32, i32, i32)  : i32 {
          %mul3A_255 = arith.constant 1 : i32
          %mul3A_256 = arith.muli %mul3A_255, %select_n3A : i32
          %eq3A_257 = arith.constant 0 : i32
          %eq3A_258 = arith.cmpi eq, %while3A_245, %eq3A_257 : i32
          %sub3A_259 = arith.constant 1 : i32
          %sub3A_260 = arith.subi %mul3A_256, %sub3A_259 : i32
          %eq3A_261 = arith.cmpi eq, %while3A_245, %sub3A_260 : i32
          %add3A_262 = arith.addi %while3A_254, %select_n3A_13 : i32
          %sub3A_263 = arith.constant 1 : i32
          %sub3A_264 = arith.subi %while3A_254, %sub3A_263 : i32
          %select_n3A_265 = arith.constant true
          %select_n3A_266 = arith.select %select_n3A_265, %sub3A_264, %while3A_254 : i32
          %eq3A_267 = arith.constant -1 : i32
          %eq3A_268 = arith.cmpi eq, %select_n3A_266, %eq3A_267 : i32
          %sub3A_269 = arith.constant 1 : i32
          %sub3A_270 = arith.subi %select_n3A, %sub3A_269 : i32
          %select_n3A_271 = arith.select %eq3A_268, %sub3A_270, %select_n3A_266 : i32
          %add3A_272 = arith.addi %select_n3A_271, %select_n3A_13 : i32
          %add3A_273 = arith.constant 1 : i32
          %add3A_274 = arith.addi %while3A_254, %add3A_273 : i32
          %select_n3A_275 = arith.constant true
          %select_n3A_276 = arith.select %select_n3A_275, %add3A_274, %while3A_254 : i32
          %eq3A_277 = arith.cmpi eq, %select_n3A_276, %select_n3A : i32
          %select_n3A_278 = arith.constant 0 : i32
          %select_n3A_279 = arith.select %eq3A_277, %select_n3A_278, %select_n3A_276 : i32
          %add3A_280 = arith.addi %select_n3A_279, %select_n3A_13 : i32
          %add3A_281 = arith.constant 1 : i32
          %add3A_282 = arith.addi %select_n3A_279, %add3A_281 : i32
          %select_n3A_283 = arith.constant true
          %select_n3A_284 = arith.select %select_n3A_283, %add3A_282, %select_n3A_279 : i32
          %eq3A_285 = arith.cmpi eq, %select_n3A_284, %select_n3A : i32
          %select_n3A_286 = arith.constant 0 : i32
          %select_n3A_287 = arith.select %eq3A_285, %select_n3A_286, %select_n3A_284 : i32
          %add3A_288 = arith.addi %select_n3A_287, %select_n3A_13 : i32
          %mul3A_289 = arith.constant 2 : i32
          %mul3A_290 = arith.muli %mul3A_289, %add3A_262 : i32
          %mul3A_291 = arith.constant 2 : i32
          %mul3A_292 = arith.muli %mul3A_291, %add3A_280 : i32
          %ne3A = arith.cmpi ne, %arg0, %arg0 : i32
          %ne3A_293 = arith.cmpi ne, %mul3A_290, %mul3A_292 : i32
          %or3A = arith.constant false
          %or3A_294 = arith.ori %or3A, %ne3A : i1
          %or3A_295 = arith.ori %or3A_294, %ne3A_293 : i1
          %sub3A_296 = arith.constant 2 : i32
          %sub3A_297 = arith.subi %mul3A_256, %sub3A_296 : i32
          %add3A_298 = arith.constant 1 : i32
          %add3A_299 = arith.addi %sub3A_297, %add3A_298 : i32
          %ge3A = arith.cmpi sge, %while3A_245, %add3A_299 : i32
          %not3A = arith.constant true
          %not3A_300 = arith.xori %ge3A, %not3A : i1
          %and3A = arith.andi %or3A_295, %not3A_300 : i1
          %convert_element_type3A_301 = arith.extui %and3A : i1 to i32
          %cond3A_302 = arith.constant 0 : i32
          %cond3A_303 = arith.cmpi ne, %convert_element_type3A_301, %cond3A_302 : i32
          scf.if %cond3A_303 {
            "tpu.trace_start"() <{level = 10 : i32, message = "ep_copy_in"}> : () -> ()
            %rem3A_716 = arith.constant 2 : i32
            %rem3A_717 = arith.remui %while3A_246, %rem3A_716 : i32
            %mul3A_718 = arith.constant 2 : i32
            %mul3A_719 = arith.muli %mul3A_718, %add3A_280 : i32
            %mul3A_720 = arith.constant 1 : i32
            %mul3A_721 = arith.muli %mul3A_720, %arg0 : i32
            %mul3A_722 = arith.constant 128 : i32
            %mul3A_723 = arith.muli %mul3A_722, %mul3A_719 : i32
            %dma_start3A_724 = arith.constant 0 : i32
            %dma_start3A_725 = arith.constant 0 : i32
            %dma_start3A_726 = tpu.memref_slice %run_scoped3A[%rem3A_717, %dma_start3A_724, %dma_start3A_725] : memref<2x1x128xi32, #tpu.memory_space<vmem>> -> memref<1x1x128xi32, #tpu.memory_space<vmem>>
            %dma_start3A_727 = tpu.memref_squeeze %dma_start3A_726 : memref<1x1x128xi32, #tpu.memory_space<vmem>> -> memref<1x128xi32, #tpu.memory_space<vmem>>
            %dma_start3A_728 = tpu.memref_slice %arg3[%mul3A_721, %mul3A_723] : memref<2x161792xi32, #tpu.memory_space<hbm>> -> memref<1x128xi32, #tpu.memory_space<hbm>>
            %dma_start3A_729 = tpu.memref_slice %run_scoped3A_22[%rem3A_717] : memref<2x!tpu.dma_semaphore, #tpu.memory_space<semaphore_mem>> -> memref<1x!tpu.dma_semaphore, #tpu.memory_space<semaphore_mem>>
            %dma_start3A_730 = tpu.memref_squeeze %dma_start3A_729 : memref<1x!tpu.dma_semaphore, #tpu.memory_space<semaphore_mem>> -> memref<!tpu.dma_semaphore, #tpu.memory_space<semaphore_mem>>
            %dma_start3A_731 = arith.constant 0 : i32
            %dma_start3A_732 = arith.constant 0 : i32
            %dma_start3A_733 = tpu.memref_slice %run_scoped3A[%rem3A_717, %dma_start3A_731, %dma_start3A_732] : memref<2x1x128xi32, #tpu.memory_space<vmem>> -> memref<1x1x128xi32, #tpu.memory_space<vmem>>
            %dma_start3A_734 = tpu.memref_squeeze %dma_start3A_733 : memref<1x1x128xi32, #tpu.memory_space<vmem>> -> memref<1x128xi32, #tpu.memory_space<vmem>>
            %dma_start3A_735 = tpu.memref_slice %arg3[%mul3A_721, %mul3A_723] : memref<2x161792xi32, #tpu.memory_space<hbm>> -> memref<1x128xi32, #tpu.memory_space<hbm>>
            tpu.enqueue_dma source(%dma_start3A_735 : memref<1x128xi32, #tpu.memory_space<hbm>>) target(%dma_start3A_734 : memref<1x128xi32, #tpu.memory_space<vmem>>) target_semaphore(%dma_start3A_730 : memref<!tpu.dma_semaphore, #tpu.memory_space<semaphore_mem>>)
            "tpu.trace_stop"() : () -> ()
          } else {
          }
          %and3A_304 = arith.constant true
          %and3A_305 = arith.andi %and3A, %and3A_304 : i1
          %add3A_306 = arith.constant 1 : i32
          %add3A_307 = arith.addi %while3A_246, %add3A_306 : i32
          %select_n3A_308 = arith.select %and3A_305, %add3A_307, %while3A_246 : i32
          %mul3A_309 = arith.constant 2 : i32
          %mul3A_310 = arith.muli %mul3A_309, %add3A_262 : i32
          %mul3A_311 = arith.constant 2 : i32
          %mul3A_312 = arith.muli %mul3A_311, %add3A_280 : i32
          %ne3A_313 = arith.cmpi ne, %arg0, %arg0 : i32
          %ne3A_314 = arith.cmpi ne, %mul3A_310, %mul3A_312 : i32
          %or3A_315 = arith.constant false
          %or3A_316 = arith.ori %or3A_315, %ne3A_313 : i1
          %or3A_317 = arith.ori %or3A_316, %ne3A_314 : i1
          %sub3A_318 = arith.constant 2 : i32
          %sub3A_319 = arith.subi %mul3A_256, %sub3A_318 : i32
          %add3A_320 = arith.constant 1 : i32
          %add3A_321 = arith.addi %sub3A_319, %add3A_320 : i32
          %ge3A_322 = arith.cmpi sge, %while3A_245, %add3A_321 : i32
          %not3A_323 = arith.constant true
          %not3A_324 = arith.xori %ge3A_322, %not3A_323 : i1
          %and3A_325 = arith.andi %or3A_317, %not3A_324 : i1
          %convert_element_type3A_326 = arith.extui %and3A_325 : i1 to i32
          %cond3A_327 = arith.constant 0 : i32
          %cond3A_328 = arith.cmpi ne, %convert_element_type3A_326, %cond3A_327 : i32
          scf.if %cond3A_328 {
            "tpu.trace_start"() <{level = 10 : i32, message = "ep_copy_in"}> : () -> ()
            %rem3A_716 = arith.constant 2 : i32
            %rem3A_717 = arith.remui %while3A_248, %rem3A_716 : i32
            %mul3A_718 = arith.constant 2 : i32
            %mul3A_719 = arith.muli %mul3A_718, %add3A_280 : i32
            %mul3A_720 = arith.constant 1 : i32
            %mul3A_721 = arith.muli %mul3A_720, %arg0 : i32
            %mul3A_722 = arith.constant 128 : i32
            %mul3A_723 = arith.muli %mul3A_722, %mul3A_719 : i32
            %dma_start3A_724 = arith.constant 0 : i32
            %dma_start3A_725 = arith.constant 0 : i32
            %dma_start3A_726 = tpu.memref_slice %run_scoped3A_23[%rem3A_717, %dma_start3A_724, %dma_start3A_725] : memref<2x1x128xi32, #tpu.memory_space<vmem>> -> memref<1x1x128xi32, #tpu.memory_space<vmem>>
            %dma_start3A_727 = tpu.memref_squeeze %dma_start3A_726 : memref<1x1x128xi32, #tpu.memory_space<vmem>> -> memref<1x128xi32, #tpu.memory_space<vmem>>
            %dma_start3A_728 = tpu.memref_slice %arg4[%mul3A_721, %mul3A_723] : memref<2x161792xi32, #tpu.memory_space<hbm>> -> memref<1x128xi32, #tpu.memory_space<hbm>>
            %dma_start3A_729 = tpu.memref_slice %run_scoped3A_24[%rem3A_717] : memref<2x!tpu.dma_semaphore, #tpu.memory_space<semaphore_mem>> -> memref<1x!tpu.dma_semaphore, #tpu.memory_space<semaphore_mem>>
            %dma_start3A_730 = tpu.memref_squeeze %dma_start3A_729 : memref<1x!tpu.dma_semaphore, #tpu.memory_space<semaphore_mem>> -> memref<!tpu.dma_semaphore, #tpu.memory_space<semaphore_mem>>
            %dma_start3A_731 = arith.constant 0 : i32
            %dma_start3A_732 = arith.constant 0 : i32
            %dma_start3A_733 = tpu.memref_slice %run_scoped3A_23[%rem3A_717, %dma_start3A_731, %dma_start3A_732] : memref<2x1x128xi32, #tpu.memory_space<vmem>> -> memref<1x1x128xi32, #tpu.memory_space<vmem>>
            %dma_start3A_734 = tpu.memref_squeeze %dma_start3A_733 : memref<1x1x128xi32, #tpu.memory_space<vmem>> -> memref<1x128xi32, #tpu.memory_space<vmem>>
            %dma_start3A_735 = tpu.memref_slice %arg4[%mul3A_721, %mul3A_723] : memref<2x161792xi32, #tpu.memory_space<hbm>> -> memref<1x128xi32, #tpu.memory_space<hbm>>
            tpu.enqueue_dma source(%dma_start3A_735 : memref<1x128xi32, #tpu.memory_space<hbm>>) target(%dma_start3A_734 : memref<1x128xi32, #tpu.memory_space<vmem>>) target_semaphore(%dma_start3A_730 : memref<!tpu.dma_semaphore, #tpu.memory_space<semaphore_mem>>)
            "tpu.trace_stop"() : () -> ()
          } else {
          }
          %and3A_329 = arith.constant true
          %and3A_330 = arith.andi %and3A_325, %and3A_329 : i1
          %add3A_331 = arith.constant 1 : i32
          %add3A_332 = arith.addi %while3A_248, %add3A_331 : i32
          %select_n3A_333 = arith.select %and3A_330, %add3A_332, %while3A_248 : i32
          %mul3A_334 = arith.constant 2 : i32
          %mul3A_335 = arith.muli %mul3A_334, %add3A_262 : i32
          %add3A_336 = arith.constant 1 : i32
          %add3A_337 = arith.addi %mul3A_335, %add3A_336 : i32
          %mul3A_338 = arith.constant 2 : i32
          %mul3A_339 = arith.muli %mul3A_338, %add3A_280 : i32
          %add3A_340 = arith.constant 1 : i32
          %add3A_341 = arith.addi %mul3A_339, %add3A_340 : i32
          %ne3A_342 = arith.cmpi ne, %arg0, %arg0 : i32
          %ne3A_343 = arith.cmpi ne, %add3A_337, %add3A_341 : i32
          %or3A_344 = arith.constant false
          %or3A_345 = arith.ori %or3A_344, %ne3A_342 : i1
          %or3A_346 = arith.ori %or3A_345, %ne3A_343 : i1
          %sub3A_347 = arith.constant 2 : i32
          %sub3A_348 = arith.subi %mul3A_256, %sub3A_347 : i32
          %add3A_349 = arith.constant 1 : i32
          %add3A_350 = arith.addi %sub3A_348, %add3A_349 : i32
          %ge3A_351 = arith.cmpi sge, %while3A_245, %add3A_350 : i32
          %not3A_352 = arith.constant true
          %not3A_353 = arith.xori %ge3A_351, %not3A_352 : i1
          %and3A_354 = arith.andi %or3A_346, %not3A_353 : i1
          %convert_element_type3A_355 = arith.extui %and3A_354 : i1 to i32
          %cond3A_356 = arith.constant 0 : i32
          %cond3A_357 = arith.cmpi ne, %convert_element_type3A_355, %cond3A_356 : i32
          scf.if %cond3A_357 {
            "tpu.trace_start"() <{level = 10 : i32, message = "ep_copy_in"}> : () -> ()
            %rem3A_716 = arith.constant 2 : i32
            %rem3A_717 = arith.remui %while3A_250, %rem3A_716 : i32
            %mul3A_718 = arith.constant 2 : i32
            %mul3A_719 = arith.muli %mul3A_718, %add3A_280 : i32
            %add3A_720 = arith.constant 1 : i32
            %add3A_721 = arith.addi %mul3A_719, %add3A_720 : i32
            %mul3A_722 = arith.constant 1 : i32
            %mul3A_723 = arith.muli %mul3A_722, %arg0 : i32
            %mul3A_724 = arith.constant 128 : i32
            %mul3A_725 = arith.muli %mul3A_724, %add3A_721 : i32
            %dma_start3A_726 = arith.constant 0 : i32
            %dma_start3A_727 = arith.constant 0 : i32
            %dma_start3A_728 = tpu.memref_slice %run_scoped3A_25[%rem3A_717, %dma_start3A_726, %dma_start3A_727] : memref<2x1x128xi32, #tpu.memory_space<vmem>> -> memref<1x1x128xi32, #tpu.memory_space<vmem>>
            %dma_start3A_729 = tpu.memref_squeeze %dma_start3A_728 : memref<1x1x128xi32, #tpu.memory_space<vmem>> -> memref<1x128xi32, #tpu.memory_space<vmem>>
            %dma_start3A_730 = tpu.memref_slice %arg3[%mul3A_723, %mul3A_725] : memref<2x161792xi32, #tpu.memory_space<hbm>> -> memref<1x128xi32, #tpu.memory_space<hbm>>
            %dma_start3A_731 = tpu.memref_slice %run_scoped3A_26[%rem3A_717] : memref<2x!tpu.dma_semaphore, #tpu.memory_space<semaphore_mem>> -> memref<1x!tpu.dma_semaphore, #tpu.memory_space<semaphore_mem>>
            %dma_start3A_732 = tpu.memref_squeeze %dma_start3A_731 : memref<1x!tpu.dma_semaphore, #tpu.memory_space<semaphore_mem>> -> memref<!tpu.dma_semaphore, #tpu.memory_space<semaphore_mem>>
            %dma_start3A_733 = arith.constant 0 : i32
            %dma_start3A_734 = arith.constant 0 : i32
            %dma_start3A_735 = tpu.memref_slice %run_scoped3A_25[%rem3A_717, %dma_start3A_733, %dma_start3A_734] : memref<2x1x128xi32, #tpu.memory_space<vmem>> -> memref<1x1x128xi32, #tpu.memory_space<vmem>>
            %dma_start3A_736 = tpu.memref_squeeze %dma_start3A_735 : memref<1x1x128xi32, #tpu.memory_space<vmem>> -> memref<1x128xi32, #tpu.memory_space<vmem>>
            %dma_start3A_737 = tpu.memref_slice %arg3[%mul3A_723, %mul3A_725] : memref<2x161792xi32, #tpu.memory_space<hbm>> -> memref<1x128xi32, #tpu.memory_space<hbm>>
            tpu.enqueue_dma source(%dma_start3A_737 : memref<1x128xi32, #tpu.memory_space<hbm>>) target(%dma_start3A_736 : memref<1x128xi32, #tpu.memory_space<vmem>>) target_semaphore(%dma_start3A_732 : memref<!tpu.dma_semaphore, #tpu.memory_space<semaphore_mem>>)
            "tpu.trace_stop"() : () -> ()
          } else {
          }
          %and3A_358 = arith.constant true
          %and3A_359 = arith.andi %and3A_354, %and3A_358 : i1
          %add3A_360 = arith.constant 1 : i32
          %add3A_361 = arith.addi %while3A_250, %add3A_360 : i32
          %select_n3A_362 = arith.select %and3A_359, %add3A_361, %while3A_250 : i32
          %mul3A_363 = arith.constant 2 : i32
          %mul3A_364 = arith.muli %mul3A_363, %add3A_262 : i32
          %add3A_365 = arith.constant 1 : i32
          %add3A_366 = arith.addi %mul3A_364, %add3A_365 : i32
          %mul3A_367 = arith.constant 2 : i32
          %mul3A_368 = arith.muli %mul3A_367, %add3A_280 : i32
          %add3A_369 = arith.constant 1 : i32
          %add3A_370 = arith.addi %mul3A_368, %add3A_369 : i32
          %ne3A_371 = arith.cmpi ne, %arg0, %arg0 : i32
          %ne3A_372 = arith.cmpi ne, %add3A_366, %add3A_370 : i32
          %or3A_373 = arith.constant false
          %or3A_374 = arith.ori %or3A_373, %ne3A_371 : i1
          %or3A_375 = arith.ori %or3A_374, %ne3A_372 : i1
          %sub3A_376 = arith.constant 2 : i32
          %sub3A_377 = arith.subi %mul3A_256, %sub3A_376 : i32
          %add3A_378 = arith.constant 1 : i32
          %add3A_379 = arith.addi %sub3A_377, %add3A_378 : i32
          %ge3A_380 = arith.cmpi sge, %while3A_245, %add3A_379 : i32
          %not3A_381 = arith.constant true
          %not3A_382 = arith.xori %ge3A_380, %not3A_381 : i1
          %and3A_383 = arith.andi %or3A_375, %not3A_382 : i1
          %convert_element_type3A_384 = arith.extui %and3A_383 : i1 to i32
          %cond3A_385 = arith.constant 0 : i32
          %cond3A_386 = arith.cmpi ne, %convert_element_type3A_384, %cond3A_385 : i32
          scf.if %cond3A_386 {
            "tpu.trace_start"() <{level = 10 : i32, message = "ep_copy_in"}> : () -> ()
            %rem3A_716 = arith.constant 2 : i32
            %rem3A_717 = arith.remui %while3A_252, %rem3A_716 : i32
            %mul3A_718 = arith.constant 2 : i32
            %mul3A_719 = arith.muli %mul3A_718, %add3A_280 : i32
            %add3A_720 = arith.constant 1 : i32
            %add3A_721 = arith.addi %mul3A_719, %add3A_720 : i32
            %mul3A_722 = arith.constant 1 : i32
            %mul3A_723 = arith.muli %mul3A_722, %arg0 : i32
            %mul3A_724 = arith.constant 128 : i32
            %mul3A_725 = arith.muli %mul3A_724, %add3A_721 : i32
            %dma_start3A_726 = arith.constant 0 : i32
            %dma_start3A_727 = arith.constant 0 : i32
            %dma_start3A_728 = tpu.memref_slice %run_scoped3A_27[%rem3A_717, %dma_start3A_726, %dma_start3A_727] : memref<2x1x128xi32, #tpu.memory_space<vmem>> -> memref<1x1x128xi32, #tpu.memory_space<vmem>>
            %dma_start3A_729 = tpu.memref_squeeze %dma_start3A_728 : memref<1x1x128xi32, #tpu.memory_space<vmem>> -> memref<1x128xi32, #tpu.memory_space<vmem>>
            %dma_start3A_730 = tpu.memref_slice %arg4[%mul3A_723, %mul3A_725] : memref<2x161792xi32, #tpu.memory_space<hbm>> -> memref<1x128xi32, #tpu.memory_space<hbm>>
            %dma_start3A_731 = tpu.memref_slice %run_scoped3A_28[%rem3A_717] : memref<2x!tpu.dma_semaphore, #tpu.memory_space<semaphore_mem>> -> memref<1x!tpu.dma_semaphore, #tpu.memory_space<semaphore_mem>>
            %dma_start3A_732 = tpu.memref_squeeze %dma_start3A_731 : memref<1x!tpu.dma_semaphore, #tpu.memory_space<semaphore_mem>> -> memref<!tpu.dma_semaphore, #tpu.memory_space<semaphore_mem>>
            %dma_start3A_733 = arith.constant 0 : i32
            %dma_start3A_734 = arith.constant 0 : i32
            %dma_start3A_735 = tpu.memref_slice %run_scoped3A_27[%rem3A_717, %dma_start3A_733, %dma_start3A_734] : memref<2x1x128xi32, #tpu.memory_space<vmem>> -> memref<1x1x128xi32, #tpu.memory_space<vmem>>
            %dma_start3A_736 = tpu.memref_squeeze %dma_start3A_735 : memref<1x1x128xi32, #tpu.memory_space<vmem>> -> memref<1x128xi32, #tpu.memory_space<vmem>>
            %dma_start3A_737 = tpu.memref_slice %arg4[%mul3A_723, %mul3A_725] : memref<2x161792xi32, #tpu.memory_space<hbm>> -> memref<1x128xi32, #tpu.memory_space<hbm>>
            tpu.enqueue_dma source(%dma_start3A_737 : memref<1x128xi32, #tpu.memory_space<hbm>>) target(%dma_start3A_736 : memref<1x128xi32, #tpu.memory_space<vmem>>) target_semaphore(%dma_start3A_732 : memref<!tpu.dma_semaphore, #tpu.memory_space<semaphore_mem>>)
            "tpu.trace_stop"() : () -> ()
          } else {
          }
          %and3A_387 = arith.constant true
          %and3A_388 = arith.andi %and3A_383, %and3A_387 : i1
          %add3A_389 = arith.constant 1 : i32
          %add3A_390 = arith.addi %while3A_252, %add3A_389 : i32
          %select_n3A_391 = arith.select %and3A_388, %add3A_390, %while3A_252 : i32
          %mul3A_392 = arith.constant 2 : i32
          %mul3A_393 = arith.muli %mul3A_392, %add3A_262 : i32
          %mul3A_394 = arith.constant 2 : i32
          %mul3A_395 = arith.muli %mul3A_394, %add3A_272 : i32
          %ne3A_396 = arith.cmpi ne, %arg0, %arg0 : i32
          %ne3A_397 = arith.cmpi ne, %mul3A_393, %mul3A_395 : i32
          %or3A_398 = arith.constant false
          %or3A_399 = arith.ori %or3A_398, %ne3A_396 : i1
          %or3A_400 = arith.ori %or3A_399, %ne3A_397 : i1
          %or3A_401 = arith.ori %or3A_400, %eq3A_258 : i1
          %convert_element_type3A_402 = arith.extui %or3A_401 : i1 to i32
          %cond3A_403 = arith.constant 0 : i32
          %cond3A_404 = arith.cmpi ne, %convert_element_type3A_402, %cond3A_403 : i32
          scf.if %cond3A_404 {
            "tpu.trace_start"() <{level = 10 : i32, message = "ep_wait_in"}> : () -> ()
            %mul3A_716 = arith.constant 2 : i32
            %mul3A_717 = arith.muli %mul3A_716, %add3A_262 : i32
            %mul3A_718 = arith.constant 1 : i32
            %mul3A_719 = arith.muli %mul3A_718, %arg0 : i32
            %mul3A_720 = arith.constant 128 : i32
            %mul3A_721 = arith.muli %mul3A_720, %mul3A_717 : i32
            %rem3A_722 = arith.constant 2 : i32
            %rem3A_723 = arith.remui %while3A_247, %rem3A_722 : i32
            %dma_wait3A_724 = arith.constant 0 : i32
            %dma_wait3A_725 = arith.constant 0 : i32
            %dma_wait3A_726 = tpu.memref_slice %run_scoped3A[%rem3A_723, %dma_wait3A_724, %dma_wait3A_725] : memref<2x1x128xi32, #tpu.memory_space<vmem>> -> memref<1x1x128xi32, #tpu.memory_space<vmem>>
            %dma_wait3A_727 = tpu.memref_squeeze %dma_wait3A_726 : memref<1x1x128xi32, #tpu.memory_space<vmem>> -> memref<1x128xi32, #tpu.memory_space<vmem>>
            %dma_wait3A_728 = tpu.memref_slice %arg3[%mul3A_719, %mul3A_721] : memref<2x161792xi32, #tpu.memory_space<hbm>> -> memref<1x128xi32, #tpu.memory_space<hbm>>
            %dma_wait3A_729 = tpu.memref_slice %run_scoped3A_22[%rem3A_723] : memref<2x!tpu.dma_semaphore, #tpu.memory_space<semaphore_mem>> -> memref<1x!tpu.dma_semaphore, #tpu.memory_space<semaphore_mem>>
            %dma_wait3A_730 = tpu.memref_squeeze %dma_wait3A_729 : memref<1x!tpu.dma_semaphore, #tpu.memory_space<semaphore_mem>> -> memref<!tpu.dma_semaphore, #tpu.memory_space<semaphore_mem>>
            %dma_wait3A_731 = arith.constant 0 : i32
            %dma_wait3A_732 = arith.constant 0 : i32
            %dma_wait3A_733 = tpu.memref_slice %run_scoped3A[%rem3A_723, %dma_wait3A_731, %dma_wait3A_732] : memref<2x1x128xi32, #tpu.memory_space<vmem>> -> memref<1x1x128xi32, #tpu.memory_space<vmem>>
            %dma_wait3A_734 = tpu.memref_squeeze %dma_wait3A_733 : memref<1x1x128xi32, #tpu.memory_space<vmem>> -> memref<1x128xi32, #tpu.memory_space<vmem>>
            %dma_wait3A_735 = tpu.memref_slice %arg3[%mul3A_719, %mul3A_721] : memref<2x161792xi32, #tpu.memory_space<hbm>> -> memref<1x128xi32, #tpu.memory_space<hbm>>
            tpu.wait_dma2 semaphore(%dma_wait3A_730 : memref<!tpu.dma_semaphore, #tpu.memory_space<semaphore_mem>>) src(%dma_wait3A_735 : memref<1x128xi32, #tpu.memory_space<hbm>>) dst(%dma_wait3A_734 : memref<1x128xi32, #tpu.memory_space<vmem>>)
            "tpu.trace_stop"() : () -> ()
          } else {
          }
          %mul3A_405 = arith.constant 2 : i32
          %mul3A_406 = arith.muli %mul3A_405, %add3A_262 : i32
          %mul3A_407 = arith.constant 2 : i32
          %mul3A_408 = arith.muli %mul3A_407, %add3A_272 : i32
          %ne3A_409 = arith.cmpi ne, %arg0, %arg0 : i32
          %ne3A_410 = arith.cmpi ne, %mul3A_406, %mul3A_408 : i32
          %or3A_411 = arith.constant false
          %or3A_412 = arith.ori %or3A_411, %ne3A_409 : i1
          %or3A_413 = arith.ori %or3A_412, %ne3A_410 : i1
          %or3A_414 = arith.ori %or3A_413, %eq3A_258 : i1
          %convert_element_type3A_415 = arith.extui %or3A_414 : i1 to i32
          %cond3A_416 = arith.constant 0 : i32
          %cond3A_417 = arith.cmpi ne, %convert_element_type3A_415, %cond3A_416 : i32
          scf.if %cond3A_417 {
            "tpu.trace_start"() <{level = 10 : i32, message = "ep_wait_in"}> : () -> ()
            %mul3A_716 = arith.constant 2 : i32
            %mul3A_717 = arith.muli %mul3A_716, %add3A_262 : i32
            %mul3A_718 = arith.constant 1 : i32
            %mul3A_719 = arith.muli %mul3A_718, %arg0 : i32
            %mul3A_720 = arith.constant 128 : i32
            %mul3A_721 = arith.muli %mul3A_720, %mul3A_717 : i32
            %rem3A_722 = arith.constant 2 : i32
            %rem3A_723 = arith.remui %while3A_249, %rem3A_722 : i32
            %dma_wait3A_724 = arith.constant 0 : i32
            %dma_wait3A_725 = arith.constant 0 : i32
            %dma_wait3A_726 = tpu.memref_slice %run_scoped3A_23[%rem3A_723, %dma_wait3A_724, %dma_wait3A_725] : memref<2x1x128xi32, #tpu.memory_space<vmem>> -> memref<1x1x128xi32, #tpu.memory_space<vmem>>
            %dma_wait3A_727 = tpu.memref_squeeze %dma_wait3A_726 : memref<1x1x128xi32, #tpu.memory_space<vmem>> -> memref<1x128xi32, #tpu.memory_space<vmem>>
            %dma_wait3A_728 = tpu.memref_slice %arg4[%mul3A_719, %mul3A_721] : memref<2x161792xi32, #tpu.memory_space<hbm>> -> memref<1x128xi32, #tpu.memory_space<hbm>>
            %dma_wait3A_729 = tpu.memref_slice %run_scoped3A_24[%rem3A_723] : memref<2x!tpu.dma_semaphore, #tpu.memory_space<semaphore_mem>> -> memref<1x!tpu.dma_semaphore, #tpu.memory_space<semaphore_mem>>
            %dma_wait3A_730 = tpu.memref_squeeze %dma_wait3A_729 : memref<1x!tpu.dma_semaphore, #tpu.memory_space<semaphore_mem>> -> memref<!tpu.dma_semaphore, #tpu.memory_space<semaphore_mem>>
            %dma_wait3A_731 = arith.constant 0 : i32
            %dma_wait3A_732 = arith.constant 0 : i32
            %dma_wait3A_733 = tpu.memref_slice %run_scoped3A_23[%rem3A_723, %dma_wait3A_731, %dma_wait3A_732] : memref<2x1x128xi32, #tpu.memory_space<vmem>> -> memref<1x1x128xi32, #tpu.memory_space<vmem>>
            %dma_wait3A_734 = tpu.memref_squeeze %dma_wait3A_733 : memref<1x1x128xi32, #tpu.memory_space<vmem>> -> memref<1x128xi32, #tpu.memory_space<vmem>>
            %dma_wait3A_735 = tpu.memref_slice %arg4[%mul3A_719, %mul3A_721] : memref<2x161792xi32, #tpu.memory_space<hbm>> -> memref<1x128xi32, #tpu.memory_space<hbm>>
            tpu.wait_dma2 semaphore(%dma_wait3A_730 : memref<!tpu.dma_semaphore, #tpu.memory_space<semaphore_mem>>) src(%dma_wait3A_735 : memref<1x128xi32, #tpu.memory_space<hbm>>) dst(%dma_wait3A_734 : memref<1x128xi32, #tpu.memory_space<vmem>>)
            "tpu.trace_stop"() : () -> ()
          } else {
          }
          %mul3A_418 = arith.constant 2 : i32
          %mul3A_419 = arith.muli %mul3A_418, %add3A_262 : i32
          %add3A_420 = arith.constant 1 : i32
          %add3A_421 = arith.addi %mul3A_419, %add3A_420 : i32
          %mul3A_422 = arith.constant 2 : i32
          %mul3A_423 = arith.muli %mul3A_422, %add3A_272 : i32
          %add3A_424 = arith.constant 1 : i32
          %add3A_425 = arith.addi %mul3A_423, %add3A_424 : i32
          %ne3A_426 = arith.cmpi ne, %arg0, %arg0 : i32
          %ne3A_427 = arith.cmpi ne, %add3A_421, %add3A_425 : i32
          %or3A_428 = arith.constant false
          %or3A_429 = arith.ori %or3A_428, %ne3A_426 : i1
          %or3A_430 = arith.ori %or3A_429, %ne3A_427 : i1
          %or3A_431 = arith.ori %or3A_430, %eq3A_258 : i1
          %convert_element_type3A_432 = arith.extui %or3A_431 : i1 to i32
          %cond3A_433 = arith.constant 0 : i32
          %cond3A_434 = arith.cmpi ne, %convert_element_type3A_432, %cond3A_433 : i32
          scf.if %cond3A_434 {
            "tpu.trace_start"() <{level = 10 : i32, message = "ep_wait_in"}> : () -> ()
            %mul3A_716 = arith.constant 2 : i32
            %mul3A_717 = arith.muli %mul3A_716, %add3A_262 : i32
            %add3A_718 = arith.constant 1 : i32
            %add3A_719 = arith.addi %mul3A_717, %add3A_718 : i32
            %mul3A_720 = arith.constant 1 : i32
            %mul3A_721 = arith.muli %mul3A_720, %arg0 : i32
            %mul3A_722 = arith.constant 128 : i32
            %mul3A_723 = arith.muli %mul3A_722, %add3A_719 : i32
            %rem3A_724 = arith.constant 2 : i32
            %rem3A_725 = arith.remui %while3A_251, %rem3A_724 : i32
            %dma_wait3A_726 = arith.constant 0 : i32
            %dma_wait3A_727 = arith.constant 0 : i32
            %dma_wait3A_728 = tpu.memref_slice %run_scoped3A_25[%rem3A_725, %dma_wait3A_726, %dma_wait3A_727] : memref<2x1x128xi32, #tpu.memory_space<vmem>> -> memref<1x1x128xi32, #tpu.memory_space<vmem>>
            %dma_wait3A_729 = tpu.memref_squeeze %dma_wait3A_728 : memref<1x1x128xi32, #tpu.memory_space<vmem>> -> memref<1x128xi32, #tpu.memory_space<vmem>>
            %dma_wait3A_730 = tpu.memref_slice %arg3[%mul3A_721, %mul3A_723] : memref<2x161792xi32, #tpu.memory_space<hbm>> -> memref<1x128xi32, #tpu.memory_space<hbm>>
            %dma_wait3A_731 = tpu.memref_slice %run_scoped3A_26[%rem3A_725] : memref<2x!tpu.dma_semaphore, #tpu.memory_space<semaphore_mem>> -> memref<1x!tpu.dma_semaphore, #tpu.memory_space<semaphore_mem>>
            %dma_wait3A_732 = tpu.memref_squeeze %dma_wait3A_731 : memref<1x!tpu.dma_semaphore, #tpu.memory_space<semaphore_mem>> -> memref<!tpu.dma_semaphore, #tpu.memory_space<semaphore_mem>>
            %dma_wait3A_733 = arith.constant 0 : i32
            %dma_wait3A_734 = arith.constant 0 : i32
            %dma_wait3A_735 = tpu.memref_slice %run_scoped3A_25[%rem3A_725, %dma_wait3A_733, %dma_wait3A_734] : memref<2x1x128xi32, #tpu.memory_space<vmem>> -> memref<1x1x128xi32, #tpu.memory_space<vmem>>
            %dma_wait3A_736 = tpu.memref_squeeze %dma_wait3A_735 : memref<1x1x128xi32, #tpu.memory_space<vmem>> -> memref<1x128xi32, #tpu.memory_space<vmem>>
            %dma_wait3A_737 = tpu.memref_slice %arg3[%mul3A_721, %mul3A_723] : memref<2x161792xi32, #tpu.memory_space<hbm>> -> memref<1x128xi32, #tpu.memory_space<hbm>>
            tpu.wait_dma2 semaphore(%dma_wait3A_732 : memref<!tpu.dma_semaphore, #tpu.memory_space<semaphore_mem>>) src(%dma_wait3A_737 : memref<1x128xi32, #tpu.memory_space<hbm>>) dst(%dma_wait3A_736 : memref<1x128xi32, #tpu.memory_space<vmem>>)
            "tpu.trace_stop"() : () -> ()
          } else {
          }
          %mul3A_435 = arith.constant 2 : i32
          %mul3A_436 = arith.muli %mul3A_435, %add3A_262 : i32
          %add3A_437 = arith.constant 1 : i32
          %add3A_438 = arith.addi %mul3A_436, %add3A_437 : i32
          %mul3A_439 = arith.constant 2 : i32
          %mul3A_440 = arith.muli %mul3A_439, %add3A_272 : i32
          %add3A_441 = arith.constant 1 : i32
          %add3A_442 = arith.addi %mul3A_440, %add3A_441 : i32
          %ne3A_443 = arith.cmpi ne, %arg0, %arg0 : i32
          %ne3A_444 = arith.cmpi ne, %add3A_438, %add3A_442 : i32
          %or3A_445 = arith.constant false
          %or3A_446 = arith.ori %or3A_445, %ne3A_443 : i1
          %or3A_447 = arith.ori %or3A_446, %ne3A_444 : i1
          %or3A_448 = arith.ori %or3A_447, %eq3A_258 : i1
          %convert_element_type3A_449 = arith.extui %or3A_448 : i1 to i32
          %cond3A_450 = arith.constant 0 : i32
          %cond3A_451 = arith.cmpi ne, %convert_element_type3A_449, %cond3A_450 : i32
          scf.if %cond3A_451 {
            "tpu.trace_start"() <{level = 10 : i32, message = "ep_wait_in"}> : () -> ()
            %mul3A_716 = arith.constant 2 : i32
            %mul3A_717 = arith.muli %mul3A_716, %add3A_262 : i32
            %add3A_718 = arith.constant 1 : i32
            %add3A_719 = arith.addi %mul3A_717, %add3A_718 : i32
            %mul3A_720 = arith.constant 1 : i32
            %mul3A_721 = arith.muli %mul3A_720, %arg0 : i32
            %mul3A_722 = arith.constant 128 : i32
            %mul3A_723 = arith.muli %mul3A_722, %add3A_719 : i32
            %rem3A_724 = arith.constant 2 : i32
            %rem3A_725 = arith.remui %while3A_253, %rem3A_724 : i32
            %dma_wait3A_726 = arith.constant 0 : i32
            %dma_wait3A_727 = arith.constant 0 : i32
            %dma_wait3A_728 = tpu.memref_slice %run_scoped3A_27[%rem3A_725, %dma_wait3A_726, %dma_wait3A_727] : memref<2x1x128xi32, #tpu.memory_space<vmem>> -> memref<1x1x128xi32, #tpu.memory_space<vmem>>
            %dma_wait3A_729 = tpu.memref_squeeze %dma_wait3A_728 : memref<1x1x128xi32, #tpu.memory_space<vmem>> -> memref<1x128xi32, #tpu.memory_space<vmem>>
            %dma_wait3A_730 = tpu.memref_slice %arg4[%mul3A_721, %mul3A_723] : memref<2x161792xi32, #tpu.memory_space<hbm>> -> memref<1x128xi32, #tpu.memory_space<hbm>>
            %dma_wait3A_731 = tpu.memref_slice %run_scoped3A_28[%rem3A_725] : memref<2x!tpu.dma_semaphore, #tpu.memory_space<semaphore_mem>> -> memref<1x!tpu.dma_semaphore, #tpu.memory_space<semaphore_mem>>
            %dma_wait3A_732 = tpu.memref_squeeze %dma_wait3A_731 : memref<1x!tpu.dma_semaphore, #tpu.memory_space<semaphore_mem>> -> memref<!tpu.dma_semaphore, #tpu.memory_space<semaphore_mem>>
            %dma_wait3A_733 = arith.constant 0 : i32
            %dma_wait3A_734 = arith.constant 0 : i32
            %dma_wait3A_735 = tpu.memref_slice %run_scoped3A_27[%rem3A_725, %dma_wait3A_733, %dma_wait3A_734] : memref<2x1x128xi32, #tpu.memory_space<vmem>> -> memref<1x1x128xi32, #tpu.memory_space<vmem>>
            %dma_wait3A_736 = tpu.memref_squeeze %dma_wait3A_735 : memref<1x1x128xi32, #tpu.memory_space<vmem>> -> memref<1x128xi32, #tpu.memory_space<vmem>>
            %dma_wait3A_737 = tpu.memref_slice %arg4[%mul3A_721, %mul3A_723] : memref<2x161792xi32, #tpu.memory_space<hbm>> -> memref<1x128xi32, #tpu.memory_space<hbm>>
            tpu.wait_dma2 semaphore(%dma_wait3A_732 : memref<!tpu.dma_semaphore, #tpu.memory_space<semaphore_mem>>) src(%dma_wait3A_737 : memref<1x128xi32, #tpu.memory_space<hbm>>) dst(%dma_wait3A_736 : memref<1x128xi32, #tpu.memory_space<vmem>>)
            "tpu.trace_stop"() : () -> ()
          } else {
          }
          %rem3A_452 = arith.constant 2 : i32
          %rem3A_453 = arith.remui %while3A_247, %rem3A_452 : i32
          %rem3A_454 = arith.constant 2 : i32
          %rem3A_455 = arith.remui %while3A_249, %rem3A_454 : i32
          %rem3A_456 = arith.constant 2 : i32
          %rem3A_457 = arith.remui %while3A_251, %rem3A_456 : i32
          %rem3A_458 = arith.constant 2 : i32
          %rem3A_459 = arith.remui %while3A_253, %rem3A_458 : i32
          %dma_start3A_460 = arith.constant 0 : i32
          "tpu.trace_start"() <{level = 10 : i32, message = "ep_run_kernel"}> : () -> ()
          %dma_start3A_461 = arith.constant 0 : i32
          %dma_start3A_462 = arith.constant 0 : i32
          %dma_start3A_463 = tpu.memref_slice %run_scoped3A[%rem3A_453, %dma_start3A_461, %dma_start3A_462] : memref<2x1x128xi32, #tpu.memory_space<vmem>> -> memref<1x1x128xi32, #tpu.memory_space<vmem>>
          %dma_start3A_464 = tpu.memref_squeeze %dma_start3A_463 : memref<1x1x128xi32, #tpu.memory_space<vmem>> -> memref<1x128xi32, #tpu.memory_space<vmem>>
          %dma_start3A_465 = arith.constant 0 : i32
          %dma_start3A_466 = tpu.memref_slice %dma_start3A_464[%dma_start3A_460, %dma_start3A_465] : memref<1x128xi32, #tpu.memory_space<vmem>> -> memref<1x128xi32, #tpu.memory_space<vmem>>
          %dma_start3A_467 = tpu.memref_squeeze %dma_start3A_466 : memref<1x128xi32, #tpu.memory_space<vmem>> -> memref<128xi32, #tpu.memory_space<vmem>>
          %dma_start3A_468 = arith.constant 0 : i32
          %dma_start3A_469 = arith.constant 0 : i32
          %dma_start3A_470 = tpu.memref_slice %arg5[%dma_start3A_468, %dma_start3A_469] : memref<10240x128xf32, #tpu.memory_space<hbm>> -> memref<10240x128xf32, #tpu.memory_space<hbm>>
          tpu.enqueue_indirect_dma source(%dma_start3A_470 : memref<10240x128xf32, #tpu.memory_space<hbm>>) target(%arg7 : memref<128x128xf32, #tpu.memory_space<vmem>>) offsets(%dma_start3A_467 : memref<128xi32, #tpu.memory_space<vmem>>) semaphore(%arg11 : memref<!tpu.dma_semaphore, #tpu.memory_space<semaphore_mem>>)
          %dma_start3A_471 = arith.constant 0 : i32
          %dma_start3A_472 = arith.constant 0 : i32
          %dma_start3A_473 = arith.constant 0 : i32
          %dma_start3A_474 = tpu.memref_slice %run_scoped3A_25[%rem3A_457, %dma_start3A_472, %dma_start3A_473] : memref<2x1x128xi32, #tpu.memory_space<vmem>> -> memref<1x1x128xi32, #tpu.memory_space<vmem>>
          %dma_start3A_475 = tpu.memref_squeeze %dma_start3A_474 : memref<1x1x128xi32, #tpu.memory_space<vmem>> -> memref<1x128xi32, #tpu.memory_space<vmem>>
          %dma_start3A_476 = arith.constant 0 : i32
          %dma_start3A_477 = tpu.memref_slice %dma_start3A_475[%dma_start3A_471, %dma_start3A_476] : memref<1x128xi32, #tpu.memory_space<vmem>> -> memref<1x128xi32, #tpu.memory_space<vmem>>
          %dma_start3A_478 = tpu.memref_squeeze %dma_start3A_477 : memref<1x128xi32, #tpu.memory_space<vmem>> -> memref<128xi32, #tpu.memory_space<vmem>>
          %dma_start3A_479 = arith.constant 0 : i32
          %dma_start3A_480 = arith.constant 0 : i32
          %dma_start3A_481 = tpu.memref_slice %arg5[%dma_start3A_479, %dma_start3A_480] : memref<10240x128xf32, #tpu.memory_space<hbm>> -> memref<10240x128xf32, #tpu.memory_space<hbm>>
          tpu.enqueue_indirect_dma source(%dma_start3A_481 : memref<10240x128xf32, #tpu.memory_space<hbm>>) target(%arg8 : memref<128x128xf32, #tpu.memory_space<vmem>>) offsets(%dma_start3A_478 : memref<128xi32, #tpu.memory_space<vmem>>) semaphore(%arg12 : memref<!tpu.dma_semaphore, #tpu.memory_space<semaphore_mem>>)
          %dma_wait3A = arith.constant 0 : i32
          %dma_wait3A_482 = arith.constant 0 : i32
          %dma_wait3A_483 = arith.constant 0 : i32
          %dma_wait3A_484 = tpu.memref_slice %run_scoped3A[%rem3A_453, %dma_wait3A_482, %dma_wait3A_483] : memref<2x1x128xi32, #tpu.memory_space<vmem>> -> memref<1x1x128xi32, #tpu.memory_space<vmem>>
          %dma_wait3A_485 = tpu.memref_squeeze %dma_wait3A_484 : memref<1x1x128xi32, #tpu.memory_space<vmem>> -> memref<1x128xi32, #tpu.memory_space<vmem>>
          %dma_wait3A_486 = arith.constant 0 : i32
          %dma_wait3A_487 = tpu.memref_slice %dma_wait3A_485[%dma_wait3A, %dma_wait3A_486] : memref<1x128xi32, #tpu.memory_space<vmem>> -> memref<1x128xi32, #tpu.memory_space<vmem>>
          %dma_wait3A_488 = tpu.memref_squeeze %dma_wait3A_487 : memref<1x128xi32, #tpu.memory_space<vmem>> -> memref<128xi32, #tpu.memory_space<vmem>>
          %dma_wait3A_489 = arith.constant 0 : i32
          %dma_wait3A_490 = arith.constant 0 : i32
          %dma_wait3A_491 = tpu.memref_slice %arg5[%dma_wait3A_489, %dma_wait3A_490] : memref<10240x128xf32, #tpu.memory_space<hbm>> -> memref<10240x128xf32, #tpu.memory_space<hbm>>
          tpu.wait_indirect_dma semaphore(%arg11 : memref<!tpu.dma_semaphore, #tpu.memory_space<semaphore_mem>>) src(%dma_wait3A_491 : memref<10240x128xf32, #tpu.memory_space<hbm>>) dst(%arg7 : memref<128x128xf32, #tpu.memory_space<vmem>>)
          %run_scoped3A_492 = arith.constant 0 : i32
          "tpu.region"() ({
            %run_scoped3A_716 = tpu.sem_alloc : memref<!tpu.dma_semaphore, #tpu.memory_space<semaphore_mem>>
            %dma_start3A_717 = arith.constant 0 : i32
            %dma_start3A_718 = arith.constant 0 : i32
            %dma_start3A_719 = tpu.memref_slice %run_scoped3A_23[%rem3A_455, %dma_start3A_717, %dma_start3A_718] : memref<2x1x128xi32, #tpu.memory_space<vmem>> -> memref<1x1x128xi32, #tpu.memory_space<vmem>>
            %dma_start3A_720 = tpu.memref_squeeze %dma_start3A_719 : memref<1x1x128xi32, #tpu.memory_space<vmem>> -> memref<1x128xi32, #tpu.memory_space<vmem>>
            %dma_start3A_721 = arith.constant 0 : i32
            %dma_start3A_722 = tpu.memref_slice %dma_start3A_720[%run_scoped3A_492, %dma_start3A_721] : memref<1x128xi32, #tpu.memory_space<vmem>> -> memref<1x128xi32, #tpu.memory_space<vmem>>
            %dma_start3A_723 = tpu.memref_squeeze %dma_start3A_722 : memref<1x128xi32, #tpu.memory_space<vmem>> -> memref<128xi32, #tpu.memory_space<vmem>>
            %dma_start3A_724 = arith.constant 0 : i32
            %dma_start3A_725 = arith.constant 0 : i32
            %dma_start3A_726 = tpu.memref_slice %arg10[%dma_start3A_724, %dma_start3A_725] : memref<10240x128xf32, #tpu.memory_space<vmem_shared>> -> memref<10240x128xf32, #tpu.memory_space<vmem_shared>>
            tpu.enqueue_indirect_dma source(%arg7 : memref<128x128xf32, #tpu.memory_space<vmem>>) target(%dma_start3A_726 : memref<10240x128xf32, #tpu.memory_space<vmem_shared>>) offsets(%dma_start3A_723 : memref<128xi32, #tpu.memory_space<vmem>>) semaphore(%run_scoped3A_716 : memref<!tpu.dma_semaphore, #tpu.memory_space<semaphore_mem>>) {add = true}
            %dma_wait3A_727 = arith.constant 0 : i32
            %dma_wait3A_728 = arith.constant 0 : i32
            %dma_wait3A_729 = tpu.memref_slice %run_scoped3A_23[%rem3A_455, %dma_wait3A_727, %dma_wait3A_728] : memref<2x1x128xi32, #tpu.memory_space<vmem>> -> memref<1x1x128xi32, #tpu.memory_space<vmem>>
            %dma_wait3A_730 = tpu.memref_squeeze %dma_wait3A_729 : memref<1x1x128xi32, #tpu.memory_space<vmem>> -> memref<1x128xi32, #tpu.memory_space<vmem>>
            %dma_wait3A_731 = arith.constant 0 : i32
            %dma_wait3A_732 = tpu.memref_slice %dma_wait3A_730[%run_scoped3A_492, %dma_wait3A_731] : memref<1x128xi32, #tpu.memory_space<vmem>> -> memref<1x128xi32, #tpu.memory_space<vmem>>
            %dma_wait3A_733 = tpu.memref_squeeze %dma_wait3A_732 : memref<1x128xi32, #tpu.memory_space<vmem>> -> memref<128xi32, #tpu.memory_space<vmem>>
            %dma_wait3A_734 = arith.constant 0 : i32
            %dma_wait3A_735 = arith.constant 0 : i32
            %dma_wait3A_736 = tpu.memref_slice %arg10[%dma_wait3A_734, %dma_wait3A_735] : memref<10240x128xf32, #tpu.memory_space<vmem_shared>> -> memref<10240x128xf32, #tpu.memory_space<vmem_shared>>
            tpu.wait_indirect_dma semaphore(%run_scoped3A_716 : memref<!tpu.dma_semaphore, #tpu.memory_space<semaphore_mem>>) src(%arg7 : memref<128x128xf32, #tpu.memory_space<vmem>>) dst(%dma_wait3A_736 : memref<10240x128xf32, #tpu.memory_space<vmem_shared>>)
            tpu.yield
          }) : () -> ()
          %dma_wait3A_493 = arith.constant 0 : i32
          %dma_wait3A_494 = arith.constant 0 : i32
          %dma_wait3A_495 = arith.constant 0 : i32
          %dma_wait3A_496 = tpu.memref_slice %run_scoped3A_25[%rem3A_457, %dma_wait3A_494, %dma_wait3A_495] : memref<2x1x128xi32, #tpu.memory_space<vmem>> -> memref<1x1x128xi32, #tpu.memory_space<vmem>>
          %dma_wait3A_497 = tpu.memref_squeeze %dma_wait3A_496 : memref<1x1x128xi32, #tpu.memory_space<vmem>> -> memref<1x128xi32, #tpu.memory_space<vmem>>
          %dma_wait3A_498 = arith.constant 0 : i32
          %dma_wait3A_499 = tpu.memref_slice %dma_wait3A_497[%dma_wait3A_493, %dma_wait3A_498] : memref<1x128xi32, #tpu.memory_space<vmem>> -> memref<1x128xi32, #tpu.memory_space<vmem>>
          %dma_wait3A_500 = tpu.memref_squeeze %dma_wait3A_499 : memref<1x128xi32, #tpu.memory_space<vmem>> -> memref<128xi32, #tpu.memory_space<vmem>>
          %dma_wait3A_501 = arith.constant 0 : i32
          %dma_wait3A_502 = arith.constant 0 : i32
          %dma_wait3A_503 = tpu.memref_slice %arg5[%dma_wait3A_501, %dma_wait3A_502] : memref<10240x128xf32, #tpu.memory_space<hbm>> -> memref<10240x128xf32, #tpu.memory_space<hbm>>
          tpu.wait_indirect_dma semaphore(%arg12 : memref<!tpu.dma_semaphore, #tpu.memory_space<semaphore_mem>>) src(%dma_wait3A_503 : memref<10240x128xf32, #tpu.memory_space<hbm>>) dst(%arg8 : memref<128x128xf32, #tpu.memory_space<vmem>>)
          %run_scoped3A_504 = arith.constant 0 : i32
          "tpu.region"() ({
            %run_scoped3A_716 = tpu.sem_alloc : memref<!tpu.dma_semaphore, #tpu.memory_space<semaphore_mem>>
            %dma_start3A_717 = arith.constant 0 : i32
            %dma_start3A_718 = arith.constant 0 : i32
            %dma_start3A_719 = tpu.memref_slice %run_scoped3A_27[%rem3A_459, %dma_start3A_717, %dma_start3A_718] : memref<2x1x128xi32, #tpu.memory_space<vmem>> -> memref<1x1x128xi32, #tpu.memory_space<vmem>>
            %dma_start3A_720 = tpu.memref_squeeze %dma_start3A_719 : memref<1x1x128xi32, #tpu.memory_space<vmem>> -> memref<1x128xi32, #tpu.memory_space<vmem>>
            %dma_start3A_721 = arith.constant 0 : i32
            %dma_start3A_722 = tpu.memref_slice %dma_start3A_720[%run_scoped3A_504, %dma_start3A_721] : memref<1x128xi32, #tpu.memory_space<vmem>> -> memref<1x128xi32, #tpu.memory_space<vmem>>
            %dma_start3A_723 = tpu.memref_squeeze %dma_start3A_722 : memref<1x128xi32, #tpu.memory_space<vmem>> -> memref<128xi32, #tpu.memory_space<vmem>>
            %dma_start3A_724 = arith.constant 0 : i32
            %dma_start3A_725 = arith.constant 0 : i32
            %dma_start3A_726 = tpu.memref_slice %arg10[%dma_start3A_724, %dma_start3A_725] : memref<10240x128xf32, #tpu.memory_space<vmem_shared>> -> memref<10240x128xf32, #tpu.memory_space<vmem_shared>>
            tpu.enqueue_indirect_dma source(%arg8 : memref<128x128xf32, #tpu.memory_space<vmem>>) target(%dma_start3A_726 : memref<10240x128xf32, #tpu.memory_space<vmem_shared>>) offsets(%dma_start3A_723 : memref<128xi32, #tpu.memory_space<vmem>>) semaphore(%run_scoped3A_716 : memref<!tpu.dma_semaphore, #tpu.memory_space<semaphore_mem>>) {add = true}
            %dma_wait3A_727 = arith.constant 0 : i32
            %dma_wait3A_728 = arith.constant 0 : i32
            %dma_wait3A_729 = tpu.memref_slice %run_scoped3A_27[%rem3A_459, %dma_wait3A_727, %dma_wait3A_728] : memref<2x1x128xi32, #tpu.memory_space<vmem>> -> memref<1x1x128xi32, #tpu.memory_space<vmem>>
            %dma_wait3A_730 = tpu.memref_squeeze %dma_wait3A_729 : memref<1x1x128xi32, #tpu.memory_space<vmem>> -> memref<1x128xi32, #tpu.memory_space<vmem>>
            %dma_wait3A_731 = arith.constant 0 : i32
            %dma_wait3A_732 = tpu.memref_slice %dma_wait3A_730[%run_scoped3A_504, %dma_wait3A_731] : memref<1x128xi32, #tpu.memory_space<vmem>> -> memref<1x128xi32, #tpu.memory_space<vmem>>
            %dma_wait3A_733 = tpu.memref_squeeze %dma_wait3A_732 : memref<1x128xi32, #tpu.memory_space<vmem>> -> memref<128xi32, #tpu.memory_space<vmem>>
            %dma_wait3A_734 = arith.constant 0 : i32
            %dma_wait3A_735 = arith.constant 0 : i32
            %dma_wait3A_736 = tpu.memref_slice %arg10[%dma_wait3A_734, %dma_wait3A_735] : memref<10240x128xf32, #tpu.memory_space<vmem_shared>> -> memref<10240x128xf32, #tpu.memory_space<vmem_shared>>
            tpu.wait_indirect_dma semaphore(%run_scoped3A_716 : memref<!tpu.dma_semaphore, #tpu.memory_space<semaphore_mem>>) src(%arg8 : memref<128x128xf32, #tpu.memory_space<vmem>>) dst(%dma_wait3A_736 : memref<10240x128xf32, #tpu.memory_space<vmem_shared>>)
            tpu.yield
          }) : () -> ()
          "tpu.trace_stop"() : () -> ()
          %mul3A_505 = arith.constant 2 : i32
          %mul3A_506 = arith.muli %mul3A_505, %add3A_262 : i32
          %mul3A_507 = arith.constant 2 : i32
          %mul3A_508 = arith.muli %mul3A_507, %add3A_280 : i32
          %ne3A_509 = arith.cmpi ne, %arg0, %arg0 : i32
          %ne3A_510 = arith.cmpi ne, %mul3A_506, %mul3A_508 : i32
          %or3A_511 = arith.constant false
          %or3A_512 = arith.ori %or3A_511, %ne3A_509 : i1
          %or3A_513 = arith.ori %or3A_512, %ne3A_510 : i1
          %or3A_514 = arith.ori %or3A_513, %eq3A_261 : i1
          %convert_element_type3A_515 = arith.extui %or3A_514 : i1 to i32
          %cond3A_516 = arith.constant 0 : i32
          %cond3A_517 = arith.cmpi ne, %convert_element_type3A_515, %cond3A_516 : i32
          scf.if %cond3A_517 {
          } else {
          }
          %and3A_518 = arith.constant false
          %and3A_519 = arith.andi %or3A_514, %and3A_518 : i1
          %mul3A_520 = arith.constant 2 : i32
          %mul3A_521 = arith.muli %mul3A_520, %add3A_262 : i32
          %mul3A_522 = arith.constant 2 : i32
          %mul3A_523 = arith.muli %mul3A_522, %add3A_280 : i32
          %ne3A_524 = arith.cmpi ne, %arg0, %arg0 : i32
          %ne3A_525 = arith.cmpi ne, %mul3A_521, %mul3A_523 : i32
          %or3A_526 = arith.constant false
          %or3A_527 = arith.ori %or3A_526, %ne3A_524 : i1
          %or3A_528 = arith.ori %or3A_527, %ne3A_525 : i1
          %or3A_529 = arith.ori %or3A_528, %eq3A_261 : i1
          %convert_element_type3A_530 = arith.extui %or3A_529 : i1 to i32
          %cond3A_531 = arith.constant 0 : i32
          %cond3A_532 = arith.cmpi ne, %convert_element_type3A_530, %cond3A_531 : i32
          scf.if %cond3A_532 {
          } else {
          }
          %and3A_533 = arith.constant false
          %and3A_534 = arith.andi %or3A_529, %and3A_533 : i1
          %mul3A_535 = arith.constant 2 : i32
          %mul3A_536 = arith.muli %mul3A_535, %add3A_262 : i32
          %add3A_537 = arith.constant 1 : i32
          %add3A_538 = arith.addi %mul3A_536, %add3A_537 : i32
          %mul3A_539 = arith.constant 2 : i32
          %mul3A_540 = arith.muli %mul3A_539, %add3A_280 : i32
          %add3A_541 = arith.constant 1 : i32
          %add3A_542 = arith.addi %mul3A_540, %add3A_541 : i32
          %ne3A_543 = arith.cmpi ne, %arg0, %arg0 : i32
          %ne3A_544 = arith.cmpi ne, %add3A_538, %add3A_542 : i32
          %or3A_545 = arith.constant false
          %or3A_546 = arith.ori %or3A_545, %ne3A_543 : i1
          %or3A_547 = arith.ori %or3A_546, %ne3A_544 : i1
          %or3A_548 = arith.ori %or3A_547, %eq3A_261 : i1
          %convert_element_type3A_549 = arith.extui %or3A_548 : i1 to i32
          %cond3A_550 = arith.constant 0 : i32
          %cond3A_551 = arith.cmpi ne, %convert_element_type3A_549, %cond3A_550 : i32
          scf.if %cond3A_551 {
          } else {
          }
          %and3A_552 = arith.constant false
          %and3A_553 = arith.andi %or3A_548, %and3A_552 : i1
          %mul3A_554 = arith.constant 2 : i32
          %mul3A_555 = arith.muli %mul3A_554, %add3A_262 : i32
          %add3A_556 = arith.constant 1 : i32
          %add3A_557 = arith.addi %mul3A_555, %add3A_556 : i32
          %mul3A_558 = arith.constant 2 : i32
          %mul3A_559 = arith.muli %mul3A_558, %add3A_280 : i32
          %add3A_560 = arith.constant 1 : i32
          %add3A_561 = arith.addi %mul3A_559, %add3A_560 : i32
          %ne3A_562 = arith.cmpi ne, %arg0, %arg0 : i32
          %ne3A_563 = arith.cmpi ne, %add3A_557, %add3A_561 : i32
          %or3A_564 = arith.constant false
          %or3A_565 = arith.ori %or3A_564, %ne3A_562 : i1
          %or3A_566 = arith.ori %or3A_565, %ne3A_563 : i1
          %or3A_567 = arith.ori %or3A_566, %eq3A_261 : i1
          %convert_element_type3A_568 = arith.extui %or3A_567 : i1 to i32
          %cond3A_569 = arith.constant 0 : i32
          %cond3A_570 = arith.cmpi ne, %convert_element_type3A_568, %cond3A_569 : i32
          scf.if %cond3A_570 {
          } else {
          }
          %and3A_571 = arith.constant false
          %and3A_572 = arith.andi %or3A_567, %and3A_571 : i1
          %mul3A_573 = arith.constant 2 : i32
          %mul3A_574 = arith.muli %mul3A_573, %add3A_262 : i32
          %mul3A_575 = arith.constant 2 : i32
          %mul3A_576 = arith.muli %mul3A_575, %add3A_272 : i32
          %ne3A_577 = arith.cmpi ne, %arg0, %arg0 : i32
          %ne3A_578 = arith.cmpi ne, %mul3A_574, %mul3A_576 : i32
          %or3A_579 = arith.constant false
          %or3A_580 = arith.ori %or3A_579, %ne3A_577 : i1
          %or3A_581 = arith.ori %or3A_580, %ne3A_578 : i1
          %not3A_582 = arith.constant true
          %not3A_583 = arith.xori %eq3A_258, %not3A_582 : i1
          %and3A_584 = arith.andi %or3A_581, %not3A_583 : i1
          %convert_element_type3A_585 = arith.extui %and3A_584 : i1 to i32
          %cond3A_586 = arith.constant 0 : i32
          %cond3A_587 = arith.cmpi ne, %convert_element_type3A_585, %cond3A_586 : i32
          scf.if %cond3A_587 {
          } else {
          }
          %and3A_588 = arith.constant false
          %and3A_589 = arith.andi %and3A_584, %and3A_588 : i1
          %mul3A_590 = arith.constant 2 : i32
          %mul3A_591 = arith.muli %mul3A_590, %add3A_262 : i32
          %mul3A_592 = arith.constant 2 : i32
          %mul3A_593 = arith.muli %mul3A_592, %add3A_272 : i32
          %ne3A_594 = arith.cmpi ne, %arg0, %arg0 : i32
          %ne3A_595 = arith.cmpi ne, %mul3A_591, %mul3A_593 : i32
          %or3A_596 = arith.constant false
          %or3A_597 = arith.ori %or3A_596, %ne3A_594 : i1
          %or3A_598 = arith.ori %or3A_597, %ne3A_595 : i1
          %not3A_599 = arith.constant true
          %not3A_600 = arith.xori %eq3A_258, %not3A_599 : i1
          %and3A_601 = arith.andi %or3A_598, %not3A_600 : i1
          %convert_element_type3A_602 = arith.extui %and3A_601 : i1 to i32
          %cond3A_603 = arith.constant 0 : i32
          %cond3A_604 = arith.cmpi ne, %convert_element_type3A_602, %cond3A_603 : i32
          scf.if %cond3A_604 {
          } else {
          }
          %and3A_605 = arith.constant false
          %and3A_606 = arith.andi %and3A_601, %and3A_605 : i1
          %mul3A_607 = arith.constant 2 : i32
          %mul3A_608 = arith.muli %mul3A_607, %add3A_262 : i32
          %add3A_609 = arith.constant 1 : i32
          %add3A_610 = arith.addi %mul3A_608, %add3A_609 : i32
          %mul3A_611 = arith.constant 2 : i32
          %mul3A_612 = arith.muli %mul3A_611, %add3A_272 : i32
          %add3A_613 = arith.constant 1 : i32
          %add3A_614 = arith.addi %mul3A_612, %add3A_613 : i32
          %ne3A_615 = arith.cmpi ne, %arg0, %arg0 : i32
          %ne3A_616 = arith.cmpi ne, %add3A_610, %add3A_614 : i32
          %or3A_617 = arith.constant false
          %or3A_618 = arith.ori %or3A_617, %ne3A_615 : i1
          %or3A_619 = arith.ori %or3A_618, %ne3A_616 : i1
          %not3A_620 = arith.constant true
          %not3A_621 = arith.xori %eq3A_258, %not3A_620 : i1
          %and3A_622 = arith.andi %or3A_619, %not3A_621 : i1
          %convert_element_type3A_623 = arith.extui %and3A_622 : i1 to i32
          %cond3A_624 = arith.constant 0 : i32
          %cond3A_625 = arith.cmpi ne, %convert_element_type3A_623, %cond3A_624 : i32
          scf.if %cond3A_625 {
          } else {
          }
          %and3A_626 = arith.constant false
          %and3A_627 = arith.andi %and3A_622, %and3A_626 : i1
          %mul3A_628 = arith.constant 2 : i32
          %mul3A_629 = arith.muli %mul3A_628, %add3A_262 : i32
          %add3A_630 = arith.constant 1 : i32
          %add3A_631 = arith.addi %mul3A_629, %add3A_630 : i32
          %mul3A_632 = arith.constant 2 : i32
          %mul3A_633 = arith.muli %mul3A_632, %add3A_272 : i32
          %add3A_634 = arith.constant 1 : i32
          %add3A_635 = arith.addi %mul3A_633, %add3A_634 : i32
          %ne3A_636 = arith.cmpi ne, %arg0, %arg0 : i32
          %ne3A_637 = arith.cmpi ne, %add3A_631, %add3A_635 : i32
          %or3A_638 = arith.constant false
          %or3A_639 = arith.ori %or3A_638, %ne3A_636 : i1
          %or3A_640 = arith.ori %or3A_639, %ne3A_637 : i1
          %not3A_641 = arith.constant true
          %not3A_642 = arith.xori %eq3A_258, %not3A_641 : i1
          %and3A_643 = arith.andi %or3A_640, %not3A_642 : i1
          %convert_element_type3A_644 = arith.extui %and3A_643 : i1 to i32
          %cond3A_645 = arith.constant 0 : i32
          %cond3A_646 = arith.cmpi ne, %convert_element_type3A_644, %cond3A_645 : i32
          scf.if %cond3A_646 {
          } else {
          }
          %and3A_647 = arith.constant false
          %and3A_648 = arith.andi %and3A_643, %and3A_647 : i1
          %mul3A_649 = arith.constant 2 : i32
          %mul3A_650 = arith.muli %mul3A_649, %add3A_262 : i32
          %mul3A_651 = arith.constant 2 : i32
          %mul3A_652 = arith.muli %mul3A_651, %add3A_280 : i32
          %ne3A_653 = arith.cmpi ne, %arg0, %arg0 : i32
          %ne3A_654 = arith.cmpi ne, %mul3A_650, %mul3A_652 : i32
          %or3A_655 = arith.constant false
          %or3A_656 = arith.ori %or3A_655, %ne3A_653 : i1
          %or3A_657 = arith.ori %or3A_656, %ne3A_654 : i1
          %or3A_658 = arith.ori %or3A_657, %eq3A_261 : i1
          %add3A_659 = arith.constant 1 : i32
          %add3A_660 = arith.addi %while3A_247, %add3A_659 : i32
          %select_n3A_661 = arith.select %or3A_658, %add3A_660, %while3A_247 : i32
          %mul3A_662 = arith.constant 2 : i32
          %mul3A_663 = arith.muli %mul3A_662, %add3A_262 : i32
          %mul3A_664 = arith.constant 2 : i32
          %mul3A_665 = arith.muli %mul3A_664, %add3A_280 : i32
          %ne3A_666 = arith.cmpi ne, %arg0, %arg0 : i32
          %ne3A_667 = arith.cmpi ne, %mul3A_663, %mul3A_665 : i32
          %or3A_668 = arith.constant false
          %or3A_669 = arith.ori %or3A_668, %ne3A_666 : i1
          %or3A_670 = arith.ori %or3A_669, %ne3A_667 : i1
          %or3A_671 = arith.ori %or3A_670, %eq3A_261 : i1
          %add3A_672 = arith.constant 1 : i32
          %add3A_673 = arith.addi %while3A_249, %add3A_672 : i32
          %select_n3A_674 = arith.select %or3A_671, %add3A_673, %while3A_249 : i32
          %mul3A_675 = arith.constant 2 : i32
          %mul3A_676 = arith.muli %mul3A_675, %add3A_262 : i32
          %add3A_677 = arith.constant 1 : i32
          %add3A_678 = arith.addi %mul3A_676, %add3A_677 : i32
          %mul3A_679 = arith.constant 2 : i32
          %mul3A_680 = arith.muli %mul3A_679, %add3A_280 : i32
          %add3A_681 = arith.constant 1 : i32
          %add3A_682 = arith.addi %mul3A_680, %add3A_681 : i32
          %ne3A_683 = arith.cmpi ne, %arg0, %arg0 : i32
          %ne3A_684 = arith.cmpi ne, %add3A_678, %add3A_682 : i32
          %or3A_685 = arith.constant false
          %or3A_686 = arith.ori %or3A_685, %ne3A_683 : i1
          %or3A_687 = arith.ori %or3A_686, %ne3A_684 : i1
          %or3A_688 = arith.ori %or3A_687, %eq3A_261 : i1
          %add3A_689 = arith.constant 1 : i32
          %add3A_690 = arith.addi %while3A_251, %add3A_689 : i32
          %select_n3A_691 = arith.select %or3A_688, %add3A_690, %while3A_251 : i32
          %mul3A_692 = arith.constant 2 : i32
          %mul3A_693 = arith.muli %mul3A_692, %add3A_262 : i32
          %add3A_694 = arith.constant 1 : i32
          %add3A_695 = arith.addi %mul3A_693, %add3A_694 : i32
          %mul3A_696 = arith.constant 2 : i32
          %mul3A_697 = arith.muli %mul3A_696, %add3A_280 : i32
          %add3A_698 = arith.constant 1 : i32
          %add3A_699 = arith.addi %mul3A_697, %add3A_698 : i32
          %ne3A_700 = arith.cmpi ne, %arg0, %arg0 : i32
          %ne3A_701 = arith.cmpi ne, %add3A_695, %add3A_699 : i32
          %or3A_702 = arith.constant false
          %or3A_703 = arith.ori %or3A_702, %ne3A_700 : i1
          %or3A_704 = arith.ori %or3A_703, %ne3A_701 : i1
          %or3A_705 = arith.ori %or3A_704, %eq3A_261 : i1
          %add3A_706 = arith.constant 1 : i32
          %add3A_707 = arith.addi %while3A_253, %add3A_706 : i32
          %select_n3A_708 = arith.select %or3A_705, %add3A_707, %while3A_253 : i32
          %add3A_709 = arith.constant 1 : i32
          %add3A_710 = arith.addi %while3A_254, %add3A_709 : i32
          %select_n3A_711 = arith.constant true
          %select_n3A_712 = arith.select %select_n3A_711, %add3A_710, %while3A_254 : i32
          %eq3A_713 = arith.cmpi eq, %select_n3A_712, %select_n3A : i32
          %select_n3A_714 = arith.constant 0 : i32
          %select_n3A_715 = arith.select %eq3A_713, %select_n3A_714, %select_n3A_712 : i32
          scf.yield %select_n3A_308, %select_n3A_661, %select_n3A_333, %select_n3A_674, %select_n3A_362, %select_n3A_691, %select_n3A_391, %select_n3A_708, %select_n3A_715 : i32, i32, i32, i32, i32, i32, i32, i32, i32
        }
        %sub3A_188 = arith.constant 1 : i32
        %sub3A_189 = arith.subi %while3A_187#8, %sub3A_188 : i32
        %select_n3A_190 = arith.constant true
        %select_n3A_191 = arith.select %select_n3A_190, %sub3A_189, %while3A_187#8 : i32
        %eq3A_192 = arith.constant -1 : i32
        %eq3A_193 = arith.cmpi eq, %select_n3A_191, %eq3A_192 : i32
        %sub3A_194 = arith.constant 1 : i32
        %sub3A_195 = arith.subi %select_n3A, %sub3A_194 : i32
        %select_n3A_196 = arith.select %eq3A_193, %sub3A_195, %select_n3A_191 : i32
        %sub3A_197 = arith.constant 1 : i32
        %sub3A_198 = arith.subi %mul3A_15, %sub3A_197 : i32
        %mul3A_199 = arith.constant 1 : i32
        %mul3A_200 = arith.muli %mul3A_199, %select_n3A : i32
        %eq3A_201 = arith.constant 0 : i32
        %eq3A_202 = arith.cmpi eq, %sub3A_198, %eq3A_201 : i32
        %sub3A_203 = arith.constant 1 : i32
        %sub3A_204 = arith.subi %mul3A_200, %sub3A_203 : i32
        %eq3A_205 = arith.cmpi eq, %sub3A_198, %sub3A_204 : i32
        %add3A_206 = arith.addi %select_n3A_196, %select_n3A_13 : i32
        %sub3A_207 = arith.constant 1 : i32
        %sub3A_208 = arith.subi %select_n3A_196, %sub3A_207 : i32
        %select_n3A_209 = arith.constant true
        %select_n3A_210 = arith.select %select_n3A_209, %sub3A_208, %select_n3A_196 : i32
        %eq3A_211 = arith.constant -1 : i32
        %eq3A_212 = arith.cmpi eq, %select_n3A_210, %eq3A_211 : i32
        %sub3A_213 = arith.constant 1 : i32
        %sub3A_214 = arith.subi %select_n3A, %sub3A_213 : i32
        %select_n3A_215 = arith.select %eq3A_212, %sub3A_214, %select_n3A_210 : i32
        %add3A_216 = arith.addi %select_n3A_215, %select_n3A_13 : i32
        %add3A_217 = arith.constant 1 : i32
        %add3A_218 = arith.addi %select_n3A_196, %add3A_217 : i32
        %select_n3A_219 = arith.constant true
        %select_n3A_220 = arith.select %select_n3A_219, %add3A_218, %select_n3A_196 : i32
        %eq3A_221 = arith.cmpi eq, %select_n3A_220, %select_n3A : i32
        %select_n3A_222 = arith.constant 0 : i32
        %select_n3A_223 = arith.select %eq3A_221, %select_n3A_222, %select_n3A_220 : i32
        %add3A_224 = arith.addi %select_n3A_223, %select_n3A_13 : i32
        %add3A_225 = arith.constant 1 : i32
        %add3A_226 = arith.addi %select_n3A_223, %add3A_225 : i32
        %select_n3A_227 = arith.constant true
        %select_n3A_228 = arith.select %select_n3A_227, %add3A_226, %select_n3A_223 : i32
        %eq3A_229 = arith.cmpi eq, %select_n3A_228, %select_n3A : i32
        %select_n3A_230 = arith.constant 0 : i32
        %select_n3A_231 = arith.select %eq3A_229, %select_n3A_230, %select_n3A_228 : i32
        %add3A_232 = arith.addi %select_n3A_231, %select_n3A_13 : i32
        %convert_element_type3A_233 = arith.extui %eq3A_205 : i1 to i32
        %cond3A_234 = arith.constant 0 : i32
        %cond3A_235 = arith.cmpi ne, %convert_element_type3A_233, %cond3A_234 : i32
        scf.if %cond3A_235 {
        } else {
        }
        %convert_element_type3A_236 = arith.extui %eq3A_205 : i1 to i32
        %cond3A_237 = arith.constant 0 : i32
        %cond3A_238 = arith.cmpi ne, %convert_element_type3A_236, %cond3A_237 : i32
        scf.if %cond3A_238 {
        } else {
        }
        %convert_element_type3A_239 = arith.extui %eq3A_205 : i1 to i32
        %cond3A_240 = arith.constant 0 : i32
        %cond3A_241 = arith.cmpi ne, %convert_element_type3A_239, %cond3A_240 : i32
        scf.if %cond3A_241 {
        } else {
        }
        %convert_element_type3A_242 = arith.extui %eq3A_205 : i1 to i32
        %cond3A_243 = arith.constant 0 : i32
        %cond3A_244 = arith.cmpi ne, %convert_element_type3A_242, %cond3A_243 : i32
        scf.if %cond3A_244 {
        } else {
        }
      } else {
      }
      tpu.yield
    }) : () -> ()
    %barrier3A_16 = arith.constant 0 : index
    tpu.barrier barrier_id(%barrier3A_16)
    %scan3A_17 = arith.constant 0 : i32
    %scan3A_18 = arith.constant 5 : i32
    %scan3A_19 = arith.addi %scan3A_17, %scan3A_18 : i32
    %scan3A_20 = arith.constant 1 : i32
    scf.for %scan3A_22 = %scan3A_17 to %scan3A_19 step %scan3A_20  : i32 {
      %mul3A_23 = arith.constant 1 : i32
      %mul3A_24 = arith.muli %scan3A_22, %mul3A_23 : i32
      %add3A_25 = arith.constant 0 : i32
      %add3A_26 = arith.addi %add3A_25, %mul3A_24 : i32
      %mul3A_27 = arith.constant 5 : i32
      %mul3A_28 = arith.muli %arg1, %mul3A_27 : i32
      %add3A_29 = arith.addi %mul3A_28, %add3A_26 : i32
      %mul3A_30 = arith.constant 128 : i32
      %mul3A_31 = arith.muli %add3A_29, %mul3A_30 : i32
      %run_scoped3A = arith.constant 0 : i32
      "tpu.region"() ({
        %run_scoped3A_37 = tpu.sem_alloc : memref<!tpu.dma_semaphore, #tpu.memory_space<semaphore_mem>>
        %dma_start3A = arith.constant 0 : i32
        %dma_start3A_38 = tpu.memref_slice %arg2[%run_scoped3A, %dma_start3A] : memref<1x10240xi32, #tpu.memory_space<hbm>> -> memref<1x10240xi32, #tpu.memory_space<hbm>>
        %dma_start3A_39 = tpu.memref_squeeze %dma_start3A_38 : memref<1x10240xi32, #tpu.memory_space<hbm>> -> memref<10240xi32, #tpu.memory_space<hbm>>
        %dma_start3A_40 = tpu.memref_slice %dma_start3A_39[%mul3A_31] : memref<10240xi32, #tpu.memory_space<hbm>> -> memref<128xi32, #tpu.memory_space<hbm>>
        %dma_start3A_41 = arith.constant 0 : i32
        %dma_start3A_42 = tpu.memref_slice %arg2[%run_scoped3A, %dma_start3A_41] : memref<1x10240xi32, #tpu.memory_space<hbm>> -> memref<1x10240xi32, #tpu.memory_space<hbm>>
        %dma_start3A_43 = tpu.memref_squeeze %dma_start3A_42 : memref<1x10240xi32, #tpu.memory_space<hbm>> -> memref<10240xi32, #tpu.memory_space<hbm>>
        %dma_start3A_44 = tpu.memref_slice %dma_start3A_43[%mul3A_31] : memref<10240xi32, #tpu.memory_space<hbm>> -> memref<128xi32, #tpu.memory_space<hbm>>
        tpu.enqueue_dma source(%dma_start3A_44 : memref<128xi32, #tpu.memory_space<hbm>>) target(%arg9 : memref<128xi32, #tpu.memory_space<vmem>>) target_semaphore(%run_scoped3A_37 : memref<!tpu.dma_semaphore, #tpu.memory_space<semaphore_mem>>)
        %dma_wait3A = arith.constant 0 : i32
        %dma_wait3A_45 = tpu.memref_slice %arg2[%run_scoped3A, %dma_wait3A] : memref<1x10240xi32, #tpu.memory_space<hbm>> -> memref<1x10240xi32, #tpu.memory_space<hbm>>
        %dma_wait3A_46 = tpu.memref_squeeze %dma_wait3A_45 : memref<1x10240xi32, #tpu.memory_space<hbm>> -> memref<10240xi32, #tpu.memory_space<hbm>>
        %dma_wait3A_47 = tpu.memref_slice %dma_wait3A_46[%mul3A_31] : memref<10240xi32, #tpu.memory_space<hbm>> -> memref<128xi32, #tpu.memory_space<hbm>>
        %dma_wait3A_48 = arith.constant 0 : i32
        %dma_wait3A_49 = tpu.memref_slice %arg2[%run_scoped3A, %dma_wait3A_48] : memref<1x10240xi32, #tpu.memory_space<hbm>> -> memref<1x10240xi32, #tpu.memory_space<hbm>>
        %dma_wait3A_50 = tpu.memref_squeeze %dma_wait3A_49 : memref<1x10240xi32, #tpu.memory_space<hbm>> -> memref<10240xi32, #tpu.memory_space<hbm>>
        %dma_wait3A_51 = tpu.memref_slice %dma_wait3A_50[%mul3A_31] : memref<10240xi32, #tpu.memory_space<hbm>> -> memref<128xi32, #tpu.memory_space<hbm>>
        tpu.wait_dma2 semaphore(%run_scoped3A_37 : memref<!tpu.dma_semaphore, #tpu.memory_space<semaphore_mem>>) src(%dma_wait3A_51 : memref<128xi32, #tpu.memory_space<hbm>>) dst(%arg9 : memref<128xi32, #tpu.memory_space<vmem>>)
        tpu.yield
      }) : () -> ()
      "tpu.region"() ({
        %run_scoped3A_37 = tpu.sem_alloc : memref<!tpu.dma_semaphore, #tpu.memory_space<semaphore_mem>>
        %dma_start3A = arith.constant 0 : i32
        %dma_start3A_38 = arith.constant 0 : i32
        %dma_start3A_39 = tpu.memref_slice %arg10[%dma_start3A, %dma_start3A_38] : memref<10240x128xf32, #tpu.memory_space<vmem_shared>> -> memref<10240x128xf32, #tpu.memory_space<vmem_shared>>
        tpu.enqueue_indirect_dma source(%dma_start3A_39 : memref<10240x128xf32, #tpu.memory_space<vmem_shared>>) target(%arg7 : memref<128x128xf32, #tpu.memory_space<vmem>>) offsets(%arg9 : memref<128xi32, #tpu.memory_space<vmem>>) semaphore(%run_scoped3A_37 : memref<!tpu.dma_semaphore, #tpu.memory_space<semaphore_mem>>)
        %dma_wait3A = arith.constant 0 : i32
        %dma_wait3A_40 = arith.constant 0 : i32
        %dma_wait3A_41 = tpu.memref_slice %arg10[%dma_wait3A, %dma_wait3A_40] : memref<10240x128xf32, #tpu.memory_space<vmem_shared>> -> memref<10240x128xf32, #tpu.memory_space<vmem_shared>>
        tpu.wait_indirect_dma semaphore(%run_scoped3A_37 : memref<!tpu.dma_semaphore, #tpu.memory_space<semaphore_mem>>) src(%dma_wait3A_41 : memref<10240x128xf32, #tpu.memory_space<vmem_shared>>) dst(%arg7 : memref<128x128xf32, #tpu.memory_space<vmem>>)
        tpu.yield
      }) : () -> ()
      %mul3A_32 = arith.constant 10240 : i32
      %mul3A_33 = arith.muli %arg0, %mul3A_32 : i32
      %mul3A_34 = arith.constant 128 : i32
      %mul3A_35 = arith.muli %add3A_29, %mul3A_34 : i32
      %add3A_36 = arith.addi %mul3A_33, %mul3A_35 : i32
      "tpu.region"() ({
        %run_scoped3A_37 = tpu.sem_alloc : memref<!tpu.dma_semaphore, #tpu.memory_space<semaphore_mem>>
        %dma_start3A = arith.constant 0 : i32
        %dma_start3A_38 = tpu.memref_slice %arg6[%add3A_36, %dma_start3A] : memref<20480x128xf32, #tpu.memory_space<hbm>> -> memref<128x128xf32, #tpu.memory_space<hbm>>
        %dma_start3A_39 = arith.constant 0 : i32
        %dma_start3A_40 = tpu.memref_slice %arg6[%add3A_36, %dma_start3A_39] : memref<20480x128xf32, #tpu.memory_space<hbm>> -> memref<128x128xf32, #tpu.memory_space<hbm>>
        tpu.enqueue_dma source(%arg7 : memref<128x128xf32, #tpu.memory_space<vmem>>) target(%dma_start3A_40 : memref<128x128xf32, #tpu.memory_space<hbm>>) target_semaphore(%run_scoped3A_37 : memref<!tpu.dma_semaphore, #tpu.memory_space<semaphore_mem>>)
        %dma_wait3A = arith.constant 0 : i32
        %dma_wait3A_41 = tpu.memref_slice %arg6[%add3A_36, %dma_wait3A] : memref<20480x128xf32, #tpu.memory_space<hbm>> -> memref<128x128xf32, #tpu.memory_space<hbm>>
        %dma_wait3A_42 = arith.constant 0 : i32
        %dma_wait3A_43 = tpu.memref_slice %arg6[%add3A_36, %dma_wait3A_42] : memref<20480x128xf32, #tpu.memory_space<hbm>> -> memref<128x128xf32, #tpu.memory_space<hbm>>
        tpu.wait_dma2 semaphore(%run_scoped3A_37 : memref<!tpu.dma_semaphore, #tpu.memory_space<semaphore_mem>>) src(%arg7 : memref<128x128xf32, #tpu.memory_space<vmem>>) dst(%dma_wait3A_43 : memref<128x128xf32, #tpu.memory_space<hbm>>)
        tpu.yield
      }) : () -> ()
    }
    %scan3A_21 = arith.constant 5 : i32
    return
  }
}

#map = affine_map<(d0, d1) -> (0, 0)>
module attributes {stable_mosaic.version = 14 : i64} {
  func.func @deg_body(%arg0: i32, %arg1: i32, %arg2: memref<1x10240xi32, #tpu.memory_space<hbm>>, %arg3: memref<2x161792xi32, #tpu.memory_space<hbm>>, %arg4: memref<20480x128xf32, #tpu.memory_space<hbm>>, %arg5: memref<128x128xf32, #tpu.memory_space<vmem>>, %arg6: memref<128xi32, #tpu.memory_space<vmem>>, %arg7: memref<10240x128xf32, #tpu.memory_space<vmem_shared>>) attributes {dimension_semantics = [#tpu.dimension_semantics<core_parallel>, #tpu.dimension_semantics<subcore_parallel>], iteration_bounds = array<i64: 2, 16>, scalar_prefetch = 0 : i64, scratch_operands = 3 : i64, tpu.core_type = #tpu.core_type<sc_vector_subcore>, window_params = [{transform_indices = #map}, {transform_indices = #map}, {transform_indices = #map}]} {
    %scan3A = arith.constant 0 : i32
    %scan3A_0 = arith.constant 128 : i32
    %scan3A_1 = arith.addi %scan3A, %scan3A_0 : i32
    %scan3A_2 = arith.constant 1 : i32
    scf.for %scan3A_18 = %scan3A to %scan3A_1 step %scan3A_2  : i32 {
      %mul3A_19 = arith.constant 1 : i32
      %mul3A_20 = arith.muli %scan3A_18, %mul3A_19 : i32
      %add3A = arith.constant 0 : i32
      %add3A_21 = arith.addi %add3A, %mul3A_20 : i32
      %broadcast_in_dim3A = arith.constant 0.000000e+00 : f32
      %broadcast_in_dim3A_22 = vector.broadcast %broadcast_in_dim3A : f32 to vector<128xf32>
      %swap3A = arith.index_cast %add3A_21 : i32 to index
      %swap3A_23 = arith.constant 0 : index
      %swap3A_24 = tpu.vector_load %arg5[%swap3A, %swap3A_23] {strides = array<i32>} : memref<128x128xf32, #tpu.memory_space<vmem>>, vector<1x128xf32>,
      %swap3A_25 = vector.shape_cast %swap3A_24 : vector<1x128xf32> to vector<128xf32>
      %swap3A_26 = vector.shape_cast %broadcast_in_dim3A_22 : vector<128xf32> to vector<1x128xf32>
      tpu.vector_store %arg5[%swap3A, %swap3A_23], %swap3A_26 {strides = array<i32>} : memref<128x128xf32, #tpu.memory_space<vmem>>, vector<1x128xf32>,
    }
    %scan3A_3 = arith.constant 128 : i32
    %mul3A = arith.constant 5 : i32
    %mul3A_4 = arith.muli %arg1, %mul3A : i32
    "tpu.region"() ({
      %run_scoped3A = memref.alloca() : memref<2x1x128xi32, #tpu.memory_space<vmem>>
      %run_scoped3A_18 = tpu.sem_alloc : memref<2x!tpu.dma_semaphore, #tpu.memory_space<semaphore_mem>>
      %add3A = arith.constant 0 : i32
      %add3A_19 = arith.addi %add3A, %mul3A_4 : i32
      %select_n3A = arith.constant true
      %select_n3A_20 = arith.constant 0 : i32
      %select_n3A_21 = arith.constant -1 : i32
      %select_n3A_22 = arith.select %select_n3A, %select_n3A_21, %select_n3A_20 : i32
      %eq3A = arith.constant -1 : i32
      %eq3A_23 = arith.cmpi eq, %select_n3A_22, %eq3A : i32
      %select_n3A_24 = arith.constant 4 : i32
      %select_n3A_25 = arith.select %eq3A_23, %select_n3A_24, %select_n3A_22 : i32
      %add3A_26 = arith.addi %select_n3A_25, %mul3A_4 : i32
      %select_n3A_27 = arith.constant true
      %select_n3A_28 = arith.constant 0 : i32
      %select_n3A_29 = arith.constant 1 : i32
      %select_n3A_30 = arith.select %select_n3A_27, %select_n3A_29, %select_n3A_28 : i32
      %eq3A_31 = arith.constant 5 : i32
      %eq3A_32 = arith.cmpi eq, %select_n3A_30, %eq3A_31 : i32
      %select_n3A_33 = arith.constant 0 : i32
      %select_n3A_34 = arith.select %eq3A_32, %select_n3A_33, %select_n3A_30 : i32
      %add3A_35 = arith.addi %select_n3A_34, %mul3A_4 : i32
      %add3A_36 = arith.constant 1 : i32
      %add3A_37 = arith.addi %select_n3A_34, %add3A_36 : i32
      %select_n3A_38 = arith.constant true
      %select_n3A_39 = arith.select %select_n3A_38, %add3A_37, %select_n3A_34 : i32
      %eq3A_40 = arith.constant 5 : i32
      %eq3A_41 = arith.cmpi eq, %select_n3A_39, %eq3A_40 : i32
      %select_n3A_42 = arith.constant 0 : i32
      %select_n3A_43 = arith.select %eq3A_41, %select_n3A_42, %select_n3A_39 : i32
      %add3A_44 = arith.addi %select_n3A_43, %mul3A_4 : i32
      "tpu.trace_start"() <{level = 10 : i32, message = "ep_initialize_0"}> : () -> ()
      %rem3A = arith.constant 0 : i32
      %rem3A_45 = arith.constant 2 : i32
      %rem3A_46 = arith.remui %rem3A, %rem3A_45 : i32
      %mul3A_47 = arith.constant 128 : i32
      %mul3A_48 = arith.muli %mul3A_47, %add3A_19 : i32
      %dma_start3A = arith.constant 0 : i32
      %dma_start3A_49 = arith.constant 0 : i32
      %dma_start3A_50 = tpu.memref_slice %run_scoped3A[%rem3A_46, %dma_start3A, %dma_start3A_49] : memref<2x1x128xi32, #tpu.memory_space<vmem>> -> memref<1x1x128xi32, #tpu.memory_space<vmem>>
      %dma_start3A_51 = tpu.memref_squeeze %dma_start3A_50 : memref<1x1x128xi32, #tpu.memory_space<vmem>> -> memref<1x128xi32, #tpu.memory_space<vmem>>
      %dma_start3A_52 = arith.constant 0 : i32
      %dma_start3A_53 = tpu.memref_slice %arg2[%dma_start3A_52, %mul3A_48] : memref<1x10240xi32, #tpu.memory_space<hbm>> -> memref<1x128xi32, #tpu.memory_space<hbm>>
      %dma_start3A_54 = tpu.memref_slice %run_scoped3A_18[%rem3A_46] : memref<2x!tpu.dma_semaphore, #tpu.memory_space<semaphore_mem>> -> memref<1x!tpu.dma_semaphore, #tpu.memory_space<semaphore_mem>>
      %dma_start3A_55 = tpu.memref_squeeze %dma_start3A_54 : memref<1x!tpu.dma_semaphore, #tpu.memory_space<semaphore_mem>> -> memref<!tpu.dma_semaphore, #tpu.memory_space<semaphore_mem>>
      %dma_start3A_56 = arith.constant 0 : i32
      %dma_start3A_57 = arith.constant 0 : i32
      %dma_start3A_58 = tpu.memref_slice %run_scoped3A[%rem3A_46, %dma_start3A_56, %dma_start3A_57] : memref<2x1x128xi32, #tpu.memory_space<vmem>> -> memref<1x1x128xi32, #tpu.memory_space<vmem>>
      %dma_start3A_59 = tpu.memref_squeeze %dma_start3A_58 : memref<1x1x128xi32, #tpu.memory_space<vmem>> -> memref<1x128xi32, #tpu.memory_space<vmem>>
      %dma_start3A_60 = arith.constant 0 : i32
      %dma_start3A_61 = tpu.memref_slice %arg2[%dma_start3A_60, %mul3A_48] : memref<1x10240xi32, #tpu.memory_space<hbm>> -> memref<1x128xi32, #tpu.memory_space<hbm>>
      tpu.enqueue_dma source(%dma_start3A_61 : memref<1x128xi32, #tpu.memory_space<hbm>>) target(%dma_start3A_59 : memref<1x128xi32, #tpu.memory_space<vmem>>) target_semaphore(%dma_start3A_55 : memref<!tpu.dma_semaphore, #tpu.memory_space<semaphore_mem>>)
      %add3A_62 = arith.constant 0 : i32
      %add3A_63 = arith.constant 1 : i32
      %add3A_64 = arith.addi %add3A_62, %add3A_63 : i32
      %select_n3A_65 = arith.constant true
      %select_n3A_66 = arith.constant 0 : i32
      %select_n3A_67 = arith.select %select_n3A_65, %add3A_64, %select_n3A_66 : i32
      "tpu.trace_stop"() : () -> ()
      %scan3A_68 = arith.constant 0 : i32
      %scan3A_69 = arith.constant 0 : i32
      %scan3A_70 = arith.constant 0 : i32
      %scan3A_71 = arith.constant 5 : i32
      %scan3A_72 = arith.addi %scan3A_70, %scan3A_71 : i32
      %scan3A_73 = arith.constant 1 : i32
      %scan3A_74:3 = scf.for %scan3A_111 = %scan3A_70 to %scan3A_72 step %scan3A_73 iter_args(%scan3A_112 = %select_n3A_67, %scan3A_113 = %scan3A_68, %scan3A_114 = %scan3A_69) -> (i32, i32, i32)  : i32 {
        %eq3A_115 = arith.constant 0 : i32
        %eq3A_116 = arith.cmpi eq, %scan3A_111, %eq3A_115 : i32
        %eq3A_117 = arith.constant 4 : i32
        %eq3A_118 = arith.cmpi eq, %scan3A_111, %eq3A_117 : i32
        %add3A_119 = arith.addi %scan3A_114, %mul3A_4 : i32
        %sub3A_120 = arith.constant 1 : i32
        %sub3A_121 = arith.subi %scan3A_114, %sub3A_120 : i32
        %select_n3A_122 = arith.constant true
        %select_n3A_123 = arith.select %select_n3A_122, %sub3A_121, %scan3A_114 : i32
        %eq3A_124 = arith.constant -1 : i32
        %eq3A_125 = arith.cmpi eq, %select_n3A_123, %eq3A_124 : i32
        %select_n3A_126 = arith.constant 4 : i32
        %select_n3A_127 = arith.select %eq3A_125, %select_n3A_126, %select_n3A_123 : i32
        %add3A_128 = arith.addi %select_n3A_127, %mul3A_4 : i32
        %add3A_129 = arith.constant 1 : i32
        %add3A_130 = arith.addi %scan3A_114, %add3A_129 : i32
        %select_n3A_131 = arith.constant true
        %select_n3A_132 = arith.select %select_n3A_131, %add3A_130, %scan3A_114 : i32
        %eq3A_133 = arith.constant 5 : i32
        %eq3A_134 = arith.cmpi eq, %select_n3A_132, %eq3A_133 : i32
        %select_n3A_135 = arith.constant 0 : i32
        %select_n3A_136 = arith.select %eq3A_134, %select_n3A_135, %select_n3A_132 : i32
        %add3A_137 = arith.addi %select_n3A_136, %mul3A_4 : i32
        %add3A_138 = arith.constant 1 : i32
        %add3A_139 = arith.addi %select_n3A_136, %add3A_138 : i32
        %select_n3A_140 = arith.constant true
        %select_n3A_141 = arith.select %select_n3A_140, %add3A_139, %select_n3A_136 : i32
        %eq3A_142 = arith.constant 5 : i32
        %eq3A_143 = arith.cmpi eq, %select_n3A_141, %eq3A_142 : i32
        %select_n3A_144 = arith.constant 0 : i32
        %select_n3A_145 = arith.select %eq3A_143, %select_n3A_144, %select_n3A_141 : i32
        %add3A_146 = arith.addi %select_n3A_145, %mul3A_4 : i32
        %ne3A = arith.cmpi ne, %add3A_119, %add3A_137 : i32
        %or3A = arith.constant false
        %or3A_147 = arith.ori %or3A, %ne3A : i1
        %ge3A = arith.constant 4 : i32
        %ge3A_148 = arith.cmpi sge, %scan3A_111, %ge3A : i32
        %not3A = arith.constant true
        %not3A_149 = arith.xori %ge3A_148, %not3A : i1
        %and3A = arith.andi %or3A_147, %not3A_149 : i1
        %convert_element_type3A = arith.extui %and3A : i1 to i32
        %cond3A = arith.constant 0 : i32
        %cond3A_150 = arith.cmpi ne, %convert_element_type3A, %cond3A : i32
        scf.if %cond3A_150 {
          "tpu.trace_start"() <{level = 10 : i32, message = "ep_copy_in"}> : () -> ()
          %rem3A_201 = arith.constant 2 : i32
          %rem3A_202 = arith.remui %scan3A_112, %rem3A_201 : i32
          %mul3A_203 = arith.constant 128 : i32
          %mul3A_204 = arith.muli %mul3A_203, %add3A_137 : i32
          %dma_start3A_205 = arith.constant 0 : i32
          %dma_start3A_206 = arith.constant 0 : i32
          %dma_start3A_207 = tpu.memref_slice %run_scoped3A[%rem3A_202, %dma_start3A_205, %dma_start3A_206] : memref<2x1x128xi32, #tpu.memory_space<vmem>> -> memref<1x1x128xi32, #tpu.memory_space<vmem>>
          %dma_start3A_208 = tpu.memref_squeeze %dma_start3A_207 : memref<1x1x128xi32, #tpu.memory_space<vmem>> -> memref<1x128xi32, #tpu.memory_space<vmem>>
          %dma_start3A_209 = arith.constant 0 : i32
          %dma_start3A_210 = tpu.memref_slice %arg2[%dma_start3A_209, %mul3A_204] : memref<1x10240xi32, #tpu.memory_space<hbm>> -> memref<1x128xi32, #tpu.memory_space<hbm>>
          %dma_start3A_211 = tpu.memref_slice %run_scoped3A_18[%rem3A_202] : memref<2x!tpu.dma_semaphore, #tpu.memory_space<semaphore_mem>> -> memref<1x!tpu.dma_semaphore, #tpu.memory_space<semaphore_mem>>
          %dma_start3A_212 = tpu.memref_squeeze %dma_start3A_211 : memref<1x!tpu.dma_semaphore, #tpu.memory_space<semaphore_mem>> -> memref<!tpu.dma_semaphore, #tpu.memory_space<semaphore_mem>>
          %dma_start3A_213 = arith.constant 0 : i32
          %dma_start3A_214 = arith.constant 0 : i32
          %dma_start3A_215 = tpu.memref_slice %run_scoped3A[%rem3A_202, %dma_start3A_213, %dma_start3A_214] : memref<2x1x128xi32, #tpu.memory_space<vmem>> -> memref<1x1x128xi32, #tpu.memory_space<vmem>>
          %dma_start3A_216 = tpu.memref_squeeze %dma_start3A_215 : memref<1x1x128xi32, #tpu.memory_space<vmem>> -> memref<1x128xi32, #tpu.memory_space<vmem>>
          %dma_start3A_217 = arith.constant 0 : i32
          %dma_start3A_218 = tpu.memref_slice %arg2[%dma_start3A_217, %mul3A_204] : memref<1x10240xi32, #tpu.memory_space<hbm>> -> memref<1x128xi32, #tpu.memory_space<hbm>>
          tpu.enqueue_dma source(%dma_start3A_218 : memref<1x128xi32, #tpu.memory_space<hbm>>) target(%dma_start3A_216 : memref<1x128xi32, #tpu.memory_space<vmem>>) target_semaphore(%dma_start3A_212 : memref<!tpu.dma_semaphore, #tpu.memory_space<semaphore_mem>>)
          "tpu.trace_stop"() : () -> ()
        } else {
        }
        %and3A_151 = arith.constant true
        %and3A_152 = arith.andi %and3A, %and3A_151 : i1
        %add3A_153 = arith.constant 1 : i32
        %add3A_154 = arith.addi %scan3A_112, %add3A_153 : i32
        %select_n3A_155 = arith.select %and3A_152, %add3A_154, %scan3A_112 : i32
        %ne3A_156 = arith.cmpi ne, %add3A_119, %add3A_128 : i32
        %or3A_157 = arith.constant false
        %or3A_158 = arith.ori %or3A_157, %ne3A_156 : i1
        %or3A_159 = arith.ori %or3A_158, %eq3A_116 : i1
        %convert_element_type3A_160 = arith.extui %or3A_159 : i1 to i32
        %cond3A_161 = arith.constant 0 : i32
        %cond3A_162 = arith.cmpi ne, %convert_element_type3A_160, %cond3A_161 : i32
        scf.if %cond3A_162 {
          "tpu.trace_start"() <{level = 10 : i32, message = "ep_wait_in"}> : () -> ()
          %mul3A_201 = arith.constant 128 : i32
          %mul3A_202 = arith.muli %mul3A_201, %add3A_119 : i32
          %rem3A_203 = arith.constant 2 : i32
          %rem3A_204 = arith.remui %scan3A_113, %rem3A_203 : i32
          %dma_wait3A = arith.constant 0 : i32
          %dma_wait3A_205 = arith.constant 0 : i32
          %dma_wait3A_206 = tpu.memref_slice %run_scoped3A[%rem3A_204, %dma_wait3A, %dma_wait3A_205] : memref<2x1x128xi32, #tpu.memory_space<vmem>> -> memref<1x1x128xi32, #tpu.memory_space<vmem>>
          %dma_wait3A_207 = tpu.memref_squeeze %dma_wait3A_206 : memref<1x1x128xi32, #tpu.memory_space<vmem>> -> memref<1x128xi32, #tpu.memory_space<vmem>>
          %dma_wait3A_208 = arith.constant 0 : i32
          %dma_wait3A_209 = tpu.memref_slice %arg2[%dma_wait3A_208, %mul3A_202] : memref<1x10240xi32, #tpu.memory_space<hbm>> -> memref<1x128xi32, #tpu.memory_space<hbm>>
          %dma_wait3A_210 = tpu.memref_slice %run_scoped3A_18[%rem3A_204] : memref<2x!tpu.dma_semaphore, #tpu.memory_space<semaphore_mem>> -> memref<1x!tpu.dma_semaphore, #tpu.memory_space<semaphore_mem>>
          %dma_wait3A_211 = tpu.memref_squeeze %dma_wait3A_210 : memref<1x!tpu.dma_semaphore, #tpu.memory_space<semaphore_mem>> -> memref<!tpu.dma_semaphore, #tpu.memory_space<semaphore_mem>>
          %dma_wait3A_212 = arith.constant 0 : i32
          %dma_wait3A_213 = arith.constant 0 : i32
          %dma_wait3A_214 = tpu.memref_slice %run_scoped3A[%rem3A_204, %dma_wait3A_212, %dma_wait3A_213] : memref<2x1x128xi32, #tpu.memory_space<vmem>> -> memref<1x1x128xi32, #tpu.memory_space<vmem>>
          %dma_wait3A_215 = tpu.memref_squeeze %dma_wait3A_214 : memref<1x1x128xi32, #tpu.memory_space<vmem>> -> memref<1x128xi32, #tpu.memory_space<vmem>>
          %dma_wait3A_216 = arith.constant 0 : i32
          %dma_wait3A_217 = tpu.memref_slice %arg2[%dma_wait3A_216, %mul3A_202] : memref<1x10240xi32, #tpu.memory_space<hbm>> -> memref<1x128xi32, #tpu.memory_space<hbm>>
          tpu.wait_dma2 semaphore(%dma_wait3A_211 : memref<!tpu.dma_semaphore, #tpu.memory_space<semaphore_mem>>) src(%dma_wait3A_217 : memref<1x128xi32, #tpu.memory_space<hbm>>) dst(%dma_wait3A_215 : memref<1x128xi32, #tpu.memory_space<vmem>>)
          "tpu.trace_stop"() : () -> ()
        } else {
        }
        %rem3A_163 = arith.constant 2 : i32
        %rem3A_164 = arith.remui %scan3A_113, %rem3A_163 : i32
        %run_scoped3A_165 = arith.constant 0 : i32
        "tpu.trace_start"() <{level = 10 : i32, message = "ep_run_kernel"}> : () -> ()
        "tpu.region"() ({
          %run_scoped3A_201 = tpu.sem_alloc : memref<!tpu.dma_semaphore, #tpu.memory_space<semaphore_mem>>
          %dma_start3A_202 = arith.constant 0 : i32
          %dma_start3A_203 = arith.constant 0 : i32
          %dma_start3A_204 = tpu.memref_slice %arg5[%dma_start3A_202, %dma_start3A_203] : memref<128x128xf32, #tpu.memory_space<vmem>> -> memref<128x128xf32, #tpu.memory_space<vmem>>
          %dma_start3A_205 = arith.constant 0 : i32
          %dma_start3A_206 = arith.constant 0 : i32
          %dma_start3A_207 = tpu.memref_slice %run_scoped3A[%rem3A_164, %dma_start3A_205, %dma_start3A_206] : memref<2x1x128xi32, #tpu.memory_space<vmem>> -> memref<1x1x128xi32, #tpu.memory_space<vmem>>
          %dma_start3A_208 = tpu.memref_squeeze %dma_start3A_207 : memref<1x1x128xi32, #tpu.memory_space<vmem>> -> memref<1x128xi32, #tpu.memory_space<vmem>>
          %dma_start3A_209 = arith.constant 0 : i32
          %dma_start3A_210 = tpu.memref_slice %dma_start3A_208[%run_scoped3A_165, %dma_start3A_209] : memref<1x128xi32, #tpu.memory_space<vmem>> -> memref<1x128xi32, #tpu.memory_space<vmem>>
          %dma_start3A_211 = tpu.memref_squeeze %dma_start3A_210 : memref<1x128xi32, #tpu.memory_space<vmem>> -> memref<128xi32, #tpu.memory_space<vmem>>
          %dma_start3A_212 = arith.constant 0 : i32
          %dma_start3A_213 = arith.constant 0 : i32
          %dma_start3A_214 = tpu.memref_slice %arg7[%dma_start3A_212, %dma_start3A_213] : memref<10240x128xf32, #tpu.memory_space<vmem_shared>> -> memref<10240x128xf32, #tpu.memory_space<vmem_shared>>
          tpu.enqueue_indirect_dma source(%dma_start3A_204 : memref<128x128xf32, #tpu.memory_space<vmem>>) target(%dma_start3A_214 : memref<10240x128xf32, #tpu.memory_space<vmem_shared>>) offsets(%dma_start3A_211 : memref<128xi32, #tpu.memory_space<vmem>>) semaphore(%run_scoped3A_201 : memref<!tpu.dma_semaphore, #tpu.memory_space<semaphore_mem>>)
          %dma_wait3A = arith.constant 0 : i32
          %dma_wait3A_215 = arith.constant 0 : i32
          %dma_wait3A_216 = tpu.memref_slice %arg5[%dma_wait3A, %dma_wait3A_215] : memref<128x128xf32, #tpu.memory_space<vmem>> -> memref<128x128xf32, #tpu.memory_space<vmem>>
          %dma_wait3A_217 = arith.constant 0 : i32
          %dma_wait3A_218 = arith.constant 0 : i32
          %dma_wait3A_219 = tpu.memref_slice %run_scoped3A[%rem3A_164, %dma_wait3A_217, %dma_wait3A_218] : memref<2x1x128xi32, #tpu.memory_space<vmem>> -> memref<1x1x128xi32, #tpu.memory_space<vmem>>
          %dma_wait3A_220 = tpu.memref_squeeze %dma_wait3A_219 : memref<1x1x128xi32, #tpu.memory_space<vmem>> -> memref<1x128xi32, #tpu.memory_space<vmem>>
          %dma_wait3A_221 = arith.constant 0 : i32
          %dma_wait3A_222 = tpu.memref_slice %dma_wait3A_220[%run_scoped3A_165, %dma_wait3A_221] : memref<1x128xi32, #tpu.memory_space<vmem>> -> memref<1x128xi32, #tpu.memory_space<vmem>>
          %dma_wait3A_223 = tpu.memref_squeeze %dma_wait3A_222 : memref<1x128xi32, #tpu.memory_space<vmem>> -> memref<128xi32, #tpu.memory_space<vmem>>
          %dma_wait3A_224 = arith.constant 0 : i32
          %dma_wait3A_225 = arith.constant 0 : i32
          %dma_wait3A_226 = tpu.memref_slice %arg7[%dma_wait3A_224, %dma_wait3A_225] : memref<10240x128xf32, #tpu.memory_space<vmem_shared>> -> memref<10240x128xf32, #tpu.memory_space<vmem_shared>>
          tpu.wait_indirect_dma semaphore(%run_scoped3A_201 : memref<!tpu.dma_semaphore, #tpu.memory_space<semaphore_mem>>) src(%dma_wait3A_216 : memref<128x128xf32, #tpu.memory_space<vmem>>) dst(%dma_wait3A_226 : memref<10240x128xf32, #tpu.memory_space<vmem_shared>>)
          tpu.yield
        }) : () -> ()
        "tpu.trace_stop"() : () -> ()
        %ne3A_166 = arith.cmpi ne, %add3A_119, %add3A_137 : i32
        %or3A_167 = arith.constant false
        %or3A_168 = arith.ori %or3A_167, %ne3A_166 : i1
        %or3A_169 = arith.ori %or3A_168, %eq3A_118 : i1
        %convert_element_type3A_170 = arith.extui %or3A_169 : i1 to i32
        %cond3A_171 = arith.constant 0 : i32
        %cond3A_172 = arith.cmpi ne, %convert_element_type3A_170, %cond3A_171 : i32
        scf.if %cond3A_172 {
        } else {
        }
        %and3A_173 = arith.constant false
        %and3A_174 = arith.andi %or3A_169, %and3A_173 : i1
        %ne3A_175 = arith.cmpi ne, %add3A_119, %add3A_128 : i32
        %or3A_176 = arith.constant false
        %or3A_177 = arith.ori %or3A_176, %ne3A_175 : i1
        %not3A_178 = arith.constant true
        %not3A_179 = arith.xori %eq3A_116, %not3A_178 : i1
        %and3A_180 = arith.andi %or3A_177, %not3A_179 : i1
        %convert_element_type3A_181 = arith.extui %and3A_180 : i1 to i32
        %cond3A_182 = arith.constant 0 : i32
        %cond3A_183 = arith.cmpi ne, %convert_element_type3A_181, %cond3A_182 : i32
        scf.if %cond3A_183 {
        } else {
        }
        %and3A_184 = arith.constant false
        %and3A_185 = arith.andi %and3A_180, %and3A_184 : i1
        %ne3A_186 = arith.cmpi ne, %add3A_119, %add3A_137 : i32
        %or3A_187 = arith.constant false
        %or3A_188 = arith.ori %or3A_187, %ne3A_186 : i1
        %or3A_189 = arith.ori %or3A_188, %eq3A_118 : i1
        %add3A_190 = arith.constant 1 : i32
        %add3A_191 = arith.addi %scan3A_113, %add3A_190 : i32
        %select_n3A_192 = arith.select %or3A_189, %add3A_191, %scan3A_113 : i32
        %add3A_193 = arith.constant 1 : i32
        %add3A_194 = arith.addi %scan3A_114, %add3A_193 : i32
        %select_n3A_195 = arith.constant true
        %select_n3A_196 = arith.select %select_n3A_195, %add3A_194, %scan3A_114 : i32
        %eq3A_197 = arith.constant 5 : i32
        %eq3A_198 = arith.cmpi eq, %select_n3A_196, %eq3A_197 : i32
        %select_n3A_199 = arith.constant 0 : i32
        %select_n3A_200 = arith.select %eq3A_198, %select_n3A_199, %select_n3A_196 : i32
        scf.yield %select_n3A_155, %select_n3A_192, %select_n3A_200 : i32, i32, i32
      }
      %scan3A_75 = arith.constant 5 : i32
      %sub3A = arith.constant 1 : i32
      %sub3A_76 = arith.subi %scan3A_74#2, %sub3A : i32
      %select_n3A_77 = arith.constant true
      %select_n3A_78 = arith.select %select_n3A_77, %sub3A_76, %scan3A_74#2 : i32
      %eq3A_79 = arith.constant -1 : i32
      %eq3A_80 = arith.cmpi eq, %select_n3A_78, %eq3A_79 : i32
      %select_n3A_81 = arith.constant 4 : i32
      %select_n3A_82 = arith.select %eq3A_80, %select_n3A_81, %select_n3A_78 : i32
      %add3A_83 = arith.addi %select_n3A_82, %mul3A_4 : i32
      %sub3A_84 = arith.constant 1 : i32
      %sub3A_85 = arith.subi %select_n3A_82, %sub3A_84 : i32
      %select_n3A_86 = arith.constant true
      %select_n3A_87 = arith.select %select_n3A_86, %sub3A_85, %select_n3A_82 : i32
      %eq3A_88 = arith.constant -1 : i32
      %eq3A_89 = arith.cmpi eq, %select_n3A_87, %eq3A_88 : i32
      %select_n3A_90 = arith.constant 4 : i32
      %select_n3A_91 = arith.select %eq3A_89, %select_n3A_90, %select_n3A_87 : i32
      %add3A_92 = arith.addi %select_n3A_91, %mul3A_4 : i32
      %add3A_93 = arith.constant 1 : i32
      %add3A_94 = arith.addi %select_n3A_82, %add3A_93 : i32
      %select_n3A_95 = arith.constant true
      %select_n3A_96 = arith.select %select_n3A_95, %add3A_94, %select_n3A_82 : i32
      %eq3A_97 = arith.constant 5 : i32
      %eq3A_98 = arith.cmpi eq, %select_n3A_96, %eq3A_97 : i32
      %select_n3A_99 = arith.constant 0 : i32
      %select_n3A_100 = arith.select %eq3A_98, %select_n3A_99, %select_n3A_96 : i32
      %add3A_101 = arith.addi %select_n3A_100, %mul3A_4 : i32
      %add3A_102 = arith.constant 1 : i32
      %add3A_103 = arith.addi %select_n3A_100, %add3A_102 : i32
      %select_n3A_104 = arith.constant true
      %select_n3A_105 = arith.select %select_n3A_104, %add3A_103, %select_n3A_100 : i32
      %eq3A_106 = arith.constant 5 : i32
      %eq3A_107 = arith.cmpi eq, %select_n3A_105, %eq3A_106 : i32
      %select_n3A_108 = arith.constant 0 : i32
      %select_n3A_109 = arith.select %eq3A_107, %select_n3A_108, %select_n3A_105 : i32
      %add3A_110 = arith.addi %select_n3A_109, %mul3A_4 : i32
      tpu.yield
    }) : () -> ()
    %scan3A_5 = arith.constant 0 : i32
    %scan3A_6 = arith.constant 128 : i32
    %scan3A_7 = arith.addi %scan3A_5, %scan3A_6 : i32
    %scan3A_8 = arith.constant 1 : i32
    scf.for %scan3A_18 = %scan3A_5 to %scan3A_7 step %scan3A_8  : i32 {
      %mul3A_19 = arith.constant 1 : i32
      %mul3A_20 = arith.muli %scan3A_18, %mul3A_19 : i32
      %add3A = arith.constant 0 : i32
      %add3A_21 = arith.addi %add3A, %mul3A_20 : i32
      %broadcast_in_dim3A = arith.constant 1.000000e+00 : f32
      %broadcast_in_dim3A_22 = vector.broadcast %broadcast_in_dim3A : f32 to vector<128xf32>
      %swap3A = arith.index_cast %add3A_21 : i32 to index
      %swap3A_23 = arith.constant 0 : index
      %swap3A_24 = tpu.vector_load %arg5[%swap3A, %swap3A_23] {strides = array<i32>} : memref<128x128xf32, #tpu.memory_space<vmem>>, vector<1x128xf32>,
      %swap3A_25 = vector.shape_cast %swap3A_24 : vector<1x128xf32> to vector<128xf32>
      %swap3A_26 = vector.shape_cast %broadcast_in_dim3A_22 : vector<128xf32> to vector<1x128xf32>
      tpu.vector_store %arg5[%swap3A, %swap3A_23], %swap3A_26 {strides = array<i32>} : memref<128x128xf32, #tpu.memory_space<vmem>>, vector<1x128xf32>,
    }
    %scan3A_9 = arith.constant 128 : i32
    %barrier3A = arith.constant 0 : index
    tpu.barrier barrier_id(%barrier3A)
    %mul3A_10 = arith.constant 79 : i32
    %mul3A_11 = arith.muli %arg1, %mul3A_10 : i32
    "tpu.region"() ({
      %run_scoped3A = memref.alloca() : memref<2x1x128xi32, #tpu.memory_space<vmem>>
      %run_scoped3A_18 = tpu.sem_alloc : memref<2x!tpu.dma_semaphore, #tpu.memory_space<semaphore_mem>>
      %add3A = arith.constant 0 : i32
      %add3A_19 = arith.addi %add3A, %mul3A_11 : i32
      %select_n3A = arith.constant true
      %select_n3A_20 = arith.constant 0 : i32
      %select_n3A_21 = arith.constant -1 : i32
      %select_n3A_22 = arith.select %select_n3A, %select_n3A_21, %select_n3A_20 : i32
      %eq3A = arith.constant -1 : i32
      %eq3A_23 = arith.cmpi eq, %select_n3A_22, %eq3A : i32
      %select_n3A_24 = arith.constant 78 : i32
      %select_n3A_25 = arith.select %eq3A_23, %select_n3A_24, %select_n3A_22 : i32
      %add3A_26 = arith.addi %select_n3A_25, %mul3A_11 : i32
      %select_n3A_27 = arith.constant true
      %select_n3A_28 = arith.constant 0 : i32
      %select_n3A_29 = arith.constant 1 : i32
      %select_n3A_30 = arith.select %select_n3A_27, %select_n3A_29, %select_n3A_28 : i32
      %eq3A_31 = arith.constant 79 : i32
      %eq3A_32 = arith.cmpi eq, %select_n3A_30, %eq3A_31 : i32
      %select_n3A_33 = arith.constant 0 : i32
      %select_n3A_34 = arith.select %eq3A_32, %select_n3A_33, %select_n3A_30 : i32
      %add3A_35 = arith.addi %select_n3A_34, %mul3A_11 : i32
      %add3A_36 = arith.constant 1 : i32
      %add3A_37 = arith.addi %select_n3A_34, %add3A_36 : i32
      %select_n3A_38 = arith.constant true
      %select_n3A_39 = arith.select %select_n3A_38, %add3A_37, %select_n3A_34 : i32
      %eq3A_40 = arith.constant 79 : i32
      %eq3A_41 = arith.cmpi eq, %select_n3A_39, %eq3A_40 : i32
      %select_n3A_42 = arith.constant 0 : i32
      %select_n3A_43 = arith.select %eq3A_41, %select_n3A_42, %select_n3A_39 : i32
      %add3A_44 = arith.addi %select_n3A_43, %mul3A_11 : i32
      "tpu.trace_start"() <{level = 10 : i32, message = "ep_initialize_0"}> : () -> ()
      %rem3A = arith.constant 0 : i32
      %rem3A_45 = arith.constant 2 : i32
      %rem3A_46 = arith.remui %rem3A, %rem3A_45 : i32
      %mul3A_47 = arith.constant 1 : i32
      %mul3A_48 = arith.muli %mul3A_47, %arg0 : i32
      %mul3A_49 = arith.constant 128 : i32
      %mul3A_50 = arith.muli %mul3A_49, %add3A_19 : i32
      %dma_start3A = arith.constant 0 : i32
      %dma_start3A_51 = arith.constant 0 : i32
      %dma_start3A_52 = tpu.memref_slice %run_scoped3A[%rem3A_46, %dma_start3A, %dma_start3A_51] : memref<2x1x128xi32, #tpu.memory_space<vmem>> -> memref<1x1x128xi32, #tpu.memory_space<vmem>>
      %dma_start3A_53 = tpu.memref_squeeze %dma_start3A_52 : memref<1x1x128xi32, #tpu.memory_space<vmem>> -> memref<1x128xi32, #tpu.memory_space<vmem>>
      %dma_start3A_54 = tpu.memref_slice %arg3[%mul3A_48, %mul3A_50] : memref<2x161792xi32, #tpu.memory_space<hbm>> -> memref<1x128xi32, #tpu.memory_space<hbm>>
      %dma_start3A_55 = tpu.memref_slice %run_scoped3A_18[%rem3A_46] : memref<2x!tpu.dma_semaphore, #tpu.memory_space<semaphore_mem>> -> memref<1x!tpu.dma_semaphore, #tpu.memory_space<semaphore_mem>>
      %dma_start3A_56 = tpu.memref_squeeze %dma_start3A_55 : memref<1x!tpu.dma_semaphore, #tpu.memory_space<semaphore_mem>> -> memref<!tpu.dma_semaphore, #tpu.memory_space<semaphore_mem>>
      %dma_start3A_57 = arith.constant 0 : i32
      %dma_start3A_58 = arith.constant 0 : i32
      %dma_start3A_59 = tpu.memref_slice %run_scoped3A[%rem3A_46, %dma_start3A_57, %dma_start3A_58] : memref<2x1x128xi32, #tpu.memory_space<vmem>> -> memref<1x1x128xi32, #tpu.memory_space<vmem>>
      %dma_start3A_60 = tpu.memref_squeeze %dma_start3A_59 : memref<1x1x128xi32, #tpu.memory_space<vmem>> -> memref<1x128xi32, #tpu.memory_space<vmem>>
      %dma_start3A_61 = tpu.memref_slice %arg3[%mul3A_48, %mul3A_50] : memref<2x161792xi32, #tpu.memory_space<hbm>> -> memref<1x128xi32, #tpu.memory_space<hbm>>
      tpu.enqueue_dma source(%dma_start3A_61 : memref<1x128xi32, #tpu.memory_space<hbm>>) target(%dma_start3A_60 : memref<1x128xi32, #tpu.memory_space<vmem>>) target_semaphore(%dma_start3A_56 : memref<!tpu.dma_semaphore, #tpu.memory_space<semaphore_mem>>)
      %add3A_62 = arith.constant 0 : i32
      %add3A_63 = arith.constant 1 : i32
      %add3A_64 = arith.addi %add3A_62, %add3A_63 : i32
      %select_n3A_65 = arith.constant true
      %select_n3A_66 = arith.constant 0 : i32
      %select_n3A_67 = arith.select %select_n3A_65, %add3A_64, %select_n3A_66 : i32
      "tpu.trace_stop"() : () -> ()
      %scan3A_68 = arith.constant 0 : i32
      %scan3A_69 = arith.constant 0 : i32
      %scan3A_70 = arith.constant 0 : i32
      %scan3A_71 = arith.constant 79 : i32
      %scan3A_72 = arith.addi %scan3A_70, %scan3A_71 : i32
      %scan3A_73 = arith.constant 1 : i32
      %scan3A_74:3 = scf.for %scan3A_111 = %scan3A_70 to %scan3A_72 step %scan3A_73 iter_args(%scan3A_112 = %select_n3A_67, %scan3A_113 = %scan3A_68, %scan3A_114 = %scan3A_69) -> (i32, i32, i32)  : i32 {
        %eq3A_115 = arith.constant 0 : i32
        %eq3A_116 = arith.cmpi eq, %scan3A_111, %eq3A_115 : i32
        %eq3A_117 = arith.constant 78 : i32
        %eq3A_118 = arith.cmpi eq, %scan3A_111, %eq3A_117 : i32
        %add3A_119 = arith.addi %scan3A_114, %mul3A_11 : i32
        %sub3A_120 = arith.constant 1 : i32
        %sub3A_121 = arith.subi %scan3A_114, %sub3A_120 : i32
        %select_n3A_122 = arith.constant true
        %select_n3A_123 = arith.select %select_n3A_122, %sub3A_121, %scan3A_114 : i32
        %eq3A_124 = arith.constant -1 : i32
        %eq3A_125 = arith.cmpi eq, %select_n3A_123, %eq3A_124 : i32
        %select_n3A_126 = arith.constant 78 : i32
        %select_n3A_127 = arith.select %eq3A_125, %select_n3A_126, %select_n3A_123 : i32
        %add3A_128 = arith.addi %select_n3A_127, %mul3A_11 : i32
        %add3A_129 = arith.constant 1 : i32
        %add3A_130 = arith.addi %scan3A_114, %add3A_129 : i32
        %select_n3A_131 = arith.constant true
        %select_n3A_132 = arith.select %select_n3A_131, %add3A_130, %scan3A_114 : i32
        %eq3A_133 = arith.constant 79 : i32
        %eq3A_134 = arith.cmpi eq, %select_n3A_132, %eq3A_133 : i32
        %select_n3A_135 = arith.constant 0 : i32
        %select_n3A_136 = arith.select %eq3A_134, %select_n3A_135, %select_n3A_132 : i32
        %add3A_137 = arith.addi %select_n3A_136, %mul3A_11 : i32
        %add3A_138 = arith.constant 1 : i32
        %add3A_139 = arith.addi %select_n3A_136, %add3A_138 : i32
        %select_n3A_140 = arith.constant true
        %select_n3A_141 = arith.select %select_n3A_140, %add3A_139, %select_n3A_136 : i32
        %eq3A_142 = arith.constant 79 : i32
        %eq3A_143 = arith.cmpi eq, %select_n3A_141, %eq3A_142 : i32
        %select_n3A_144 = arith.constant 0 : i32
        %select_n3A_145 = arith.select %eq3A_143, %select_n3A_144, %select_n3A_141 : i32
        %add3A_146 = arith.addi %select_n3A_145, %mul3A_11 : i32
        %ne3A = arith.cmpi ne, %arg0, %arg0 : i32
        %ne3A_147 = arith.cmpi ne, %add3A_119, %add3A_137 : i32
        %or3A = arith.constant false
        %or3A_148 = arith.ori %or3A, %ne3A : i1
        %or3A_149 = arith.ori %or3A_148, %ne3A_147 : i1
        %ge3A = arith.constant 78 : i32
        %ge3A_150 = arith.cmpi sge, %scan3A_111, %ge3A : i32
        %not3A = arith.constant true
        %not3A_151 = arith.xori %ge3A_150, %not3A : i1
        %and3A = arith.andi %or3A_149, %not3A_151 : i1
        %convert_element_type3A = arith.extui %and3A : i1 to i32
        %cond3A = arith.constant 0 : i32
        %cond3A_152 = arith.cmpi ne, %convert_element_type3A, %cond3A : i32
        scf.if %cond3A_152 {
          "tpu.trace_start"() <{level = 10 : i32, message = "ep_copy_in"}> : () -> ()
          %rem3A_211 = arith.constant 2 : i32
          %rem3A_212 = arith.remui %scan3A_112, %rem3A_211 : i32
          %mul3A_213 = arith.constant 1 : i32
          %mul3A_214 = arith.muli %mul3A_213, %arg0 : i32
          %mul3A_215 = arith.constant 128 : i32
          %mul3A_216 = arith.muli %mul3A_215, %add3A_137 : i32
          %dma_start3A_217 = arith.constant 0 : i32
          %dma_start3A_218 = arith.constant 0 : i32
          %dma_start3A_219 = tpu.memref_slice %run_scoped3A[%rem3A_212, %dma_start3A_217, %dma_start3A_218] : memref<2x1x128xi32, #tpu.memory_space<vmem>> -> memref<1x1x128xi32, #tpu.memory_space<vmem>>
          %dma_start3A_220 = tpu.memref_squeeze %dma_start3A_219 : memref<1x1x128xi32, #tpu.memory_space<vmem>> -> memref<1x128xi32, #tpu.memory_space<vmem>>
          %dma_start3A_221 = tpu.memref_slice %arg3[%mul3A_214, %mul3A_216] : memref<2x161792xi32, #tpu.memory_space<hbm>> -> memref<1x128xi32, #tpu.memory_space<hbm>>
          %dma_start3A_222 = tpu.memref_slice %run_scoped3A_18[%rem3A_212] : memref<2x!tpu.dma_semaphore, #tpu.memory_space<semaphore_mem>> -> memref<1x!tpu.dma_semaphore, #tpu.memory_space<semaphore_mem>>
          %dma_start3A_223 = tpu.memref_squeeze %dma_start3A_222 : memref<1x!tpu.dma_semaphore, #tpu.memory_space<semaphore_mem>> -> memref<!tpu.dma_semaphore, #tpu.memory_space<semaphore_mem>>
          %dma_start3A_224 = arith.constant 0 : i32
          %dma_start3A_225 = arith.constant 0 : i32
          %dma_start3A_226 = tpu.memref_slice %run_scoped3A[%rem3A_212, %dma_start3A_224, %dma_start3A_225] : memref<2x1x128xi32, #tpu.memory_space<vmem>> -> memref<1x1x128xi32, #tpu.memory_space<vmem>>
          %dma_start3A_227 = tpu.memref_squeeze %dma_start3A_226 : memref<1x1x128xi32, #tpu.memory_space<vmem>> -> memref<1x128xi32, #tpu.memory_space<vmem>>
          %dma_start3A_228 = tpu.memref_slice %arg3[%mul3A_214, %mul3A_216] : memref<2x161792xi32, #tpu.memory_space<hbm>> -> memref<1x128xi32, #tpu.memory_space<hbm>>
          tpu.enqueue_dma source(%dma_start3A_228 : memref<1x128xi32, #tpu.memory_space<hbm>>) target(%dma_start3A_227 : memref<1x128xi32, #tpu.memory_space<vmem>>) target_semaphore(%dma_start3A_223 : memref<!tpu.dma_semaphore, #tpu.memory_space<semaphore_mem>>)
          "tpu.trace_stop"() : () -> ()
        } else {
        }
        %and3A_153 = arith.constant true
        %and3A_154 = arith.andi %and3A, %and3A_153 : i1
        %add3A_155 = arith.constant 1 : i32
        %add3A_156 = arith.addi %scan3A_112, %add3A_155 : i32
        %select_n3A_157 = arith.select %and3A_154, %add3A_156, %scan3A_112 : i32
        %ne3A_158 = arith.cmpi ne, %arg0, %arg0 : i32
        %ne3A_159 = arith.cmpi ne, %add3A_119, %add3A_128 : i32
        %or3A_160 = arith.constant false
        %or3A_161 = arith.ori %or3A_160, %ne3A_158 : i1
        %or3A_162 = arith.ori %or3A_161, %ne3A_159 : i1
        %or3A_163 = arith.ori %or3A_162, %eq3A_116 : i1
        %convert_element_type3A_164 = arith.extui %or3A_163 : i1 to i32
        %cond3A_165 = arith.constant 0 : i32
        %cond3A_166 = arith.cmpi ne, %convert_element_type3A_164, %cond3A_165 : i32
        scf.if %cond3A_166 {
          "tpu.trace_start"() <{level = 10 : i32, message = "ep_wait_in"}> : () -> ()
          %mul3A_211 = arith.constant 1 : i32
          %mul3A_212 = arith.muli %mul3A_211, %arg0 : i32
          %mul3A_213 = arith.constant 128 : i32
          %mul3A_214 = arith.muli %mul3A_213, %add3A_119 : i32
          %rem3A_215 = arith.constant 2 : i32
          %rem3A_216 = arith.remui %scan3A_113, %rem3A_215 : i32
          %dma_wait3A = arith.constant 0 : i32
          %dma_wait3A_217 = arith.constant 0 : i32
          %dma_wait3A_218 = tpu.memref_slice %run_scoped3A[%rem3A_216, %dma_wait3A, %dma_wait3A_217] : memref<2x1x128xi32, #tpu.memory_space<vmem>> -> memref<1x1x128xi32, #tpu.memory_space<vmem>>
          %dma_wait3A_219 = tpu.memref_squeeze %dma_wait3A_218 : memref<1x1x128xi32, #tpu.memory_space<vmem>> -> memref<1x128xi32, #tpu.memory_space<vmem>>
          %dma_wait3A_220 = tpu.memref_slice %arg3[%mul3A_212, %mul3A_214] : memref<2x161792xi32, #tpu.memory_space<hbm>> -> memref<1x128xi32, #tpu.memory_space<hbm>>
          %dma_wait3A_221 = tpu.memref_slice %run_scoped3A_18[%rem3A_216] : memref<2x!tpu.dma_semaphore, #tpu.memory_space<semaphore_mem>> -> memref<1x!tpu.dma_semaphore, #tpu.memory_space<semaphore_mem>>
          %dma_wait3A_222 = tpu.memref_squeeze %dma_wait3A_221 : memref<1x!tpu.dma_semaphore, #tpu.memory_space<semaphore_mem>> -> memref<!tpu.dma_semaphore, #tpu.memory_space<semaphore_mem>>
          %dma_wait3A_223 = arith.constant 0 : i32
          %dma_wait3A_224 = arith.constant 0 : i32
          %dma_wait3A_225 = tpu.memref_slice %run_scoped3A[%rem3A_216, %dma_wait3A_223, %dma_wait3A_224] : memref<2x1x128xi32, #tpu.memory_space<vmem>> -> memref<1x1x128xi32, #tpu.memory_space<vmem>>
          %dma_wait3A_226 = tpu.memref_squeeze %dma_wait3A_225 : memref<1x1x128xi32, #tpu.memory_space<vmem>> -> memref<1x128xi32, #tpu.memory_space<vmem>>
          %dma_wait3A_227 = tpu.memref_slice %arg3[%mul3A_212, %mul3A_214] : memref<2x161792xi32, #tpu.memory_space<hbm>> -> memref<1x128xi32, #tpu.memory_space<hbm>>
          tpu.wait_dma2 semaphore(%dma_wait3A_222 : memref<!tpu.dma_semaphore, #tpu.memory_space<semaphore_mem>>) src(%dma_wait3A_227 : memref<1x128xi32, #tpu.memory_space<hbm>>) dst(%dma_wait3A_226 : memref<1x128xi32, #tpu.memory_space<vmem>>)
          "tpu.trace_stop"() : () -> ()
        } else {
        }
        %rem3A_167 = arith.constant 2 : i32
        %rem3A_168 = arith.remui %scan3A_113, %rem3A_167 : i32
        %run_scoped3A_169 = arith.constant 0 : i32
        "tpu.trace_start"() <{level = 10 : i32, message = "ep_run_kernel"}> : () -> ()
        "tpu.region"() ({
          %run_scoped3A_211 = tpu.sem_alloc : memref<!tpu.dma_semaphore, #tpu.memory_space<semaphore_mem>>
          %dma_start3A_212 = arith.constant 0 : i32
          %dma_start3A_213 = arith.constant 0 : i32
          %dma_start3A_214 = tpu.memref_slice %run_scoped3A[%rem3A_168, %dma_start3A_212, %dma_start3A_213] : memref<2x1x128xi32, #tpu.memory_space<vmem>> -> memref<1x1x128xi32, #tpu.memory_space<vmem>>
          %dma_start3A_215 = tpu.memref_squeeze %dma_start3A_214 : memref<1x1x128xi32, #tpu.memory_space<vmem>> -> memref<1x128xi32, #tpu.memory_space<vmem>>
          %dma_start3A_216 = arith.constant 0 : i32
          %dma_start3A_217 = tpu.memref_slice %dma_start3A_215[%run_scoped3A_169, %dma_start3A_216] : memref<1x128xi32, #tpu.memory_space<vmem>> -> memref<1x128xi32, #tpu.memory_space<vmem>>
          %dma_start3A_218 = tpu.memref_squeeze %dma_start3A_217 : memref<1x128xi32, #tpu.memory_space<vmem>> -> memref<128xi32, #tpu.memory_space<vmem>>
          %dma_start3A_219 = arith.constant 0 : i32
          %dma_start3A_220 = arith.constant 0 : i32
          %dma_start3A_221 = tpu.memref_slice %arg7[%dma_start3A_219, %dma_start3A_220] : memref<10240x128xf32, #tpu.memory_space<vmem_shared>> -> memref<10240x128xf32, #tpu.memory_space<vmem_shared>>
          tpu.enqueue_indirect_dma source(%arg5 : memref<128x128xf32, #tpu.memory_space<vmem>>) target(%dma_start3A_221 : memref<10240x128xf32, #tpu.memory_space<vmem_shared>>) offsets(%dma_start3A_218 : memref<128xi32, #tpu.memory_space<vmem>>) semaphore(%run_scoped3A_211 : memref<!tpu.dma_semaphore, #tpu.memory_space<semaphore_mem>>) {add = true}
          %dma_wait3A = arith.constant 0 : i32
          %dma_wait3A_222 = arith.constant 0 : i32
          %dma_wait3A_223 = tpu.memref_slice %run_scoped3A[%rem3A_168, %dma_wait3A, %dma_wait3A_222] : memref<2x1x128xi32, #tpu.memory_space<vmem>> -> memref<1x1x128xi32, #tpu.memory_space<vmem>>
          %dma_wait3A_224 = tpu.memref_squeeze %dma_wait3A_223 : memref<1x1x128xi32, #tpu.memory_space<vmem>> -> memref<1x128xi32, #tpu.memory_space<vmem>>
          %dma_wait3A_225 = arith.constant 0 : i32
          %dma_wait3A_226 = tpu.memref_slice %dma_wait3A_224[%run_scoped3A_169, %dma_wait3A_225] : memref<1x128xi32, #tpu.memory_space<vmem>> -> memref<1x128xi32, #tpu.memory_space<vmem>>
          %dma_wait3A_227 = tpu.memref_squeeze %dma_wait3A_226 : memref<1x128xi32, #tpu.memory_space<vmem>> -> memref<128xi32, #tpu.memory_space<vmem>>
          %dma_wait3A_228 = arith.constant 0 : i32
          %dma_wait3A_229 = arith.constant 0 : i32
          %dma_wait3A_230 = tpu.memref_slice %arg7[%dma_wait3A_228, %dma_wait3A_229] : memref<10240x128xf32, #tpu.memory_space<vmem_shared>> -> memref<10240x128xf32, #tpu.memory_space<vmem_shared>>
          tpu.wait_indirect_dma semaphore(%run_scoped3A_211 : memref<!tpu.dma_semaphore, #tpu.memory_space<semaphore_mem>>) src(%arg5 : memref<128x128xf32, #tpu.memory_space<vmem>>) dst(%dma_wait3A_230 : memref<10240x128xf32, #tpu.memory_space<vmem_shared>>)
          tpu.yield
        }) : () -> ()
        "tpu.trace_stop"() : () -> ()
        %ne3A_170 = arith.cmpi ne, %arg0, %arg0 : i32
        %ne3A_171 = arith.cmpi ne, %add3A_119, %add3A_137 : i32
        %or3A_172 = arith.constant false
        %or3A_173 = arith.ori %or3A_172, %ne3A_170 : i1
        %or3A_174 = arith.ori %or3A_173, %ne3A_171 : i1
        %or3A_175 = arith.ori %or3A_174, %eq3A_118 : i1
        %convert_element_type3A_176 = arith.extui %or3A_175 : i1 to i32
        %cond3A_177 = arith.constant 0 : i32
        %cond3A_178 = arith.cmpi ne, %convert_element_type3A_176, %cond3A_177 : i32
        scf.if %cond3A_178 {
        } else {
        }
        %and3A_179 = arith.constant false
        %and3A_180 = arith.andi %or3A_175, %and3A_179 : i1
        %ne3A_181 = arith.cmpi ne, %arg0, %arg0 : i32
        %ne3A_182 = arith.cmpi ne, %add3A_119, %add3A_128 : i32
        %or3A_183 = arith.constant false
        %or3A_184 = arith.ori %or3A_183, %ne3A_181 : i1
        %or3A_185 = arith.ori %or3A_184, %ne3A_182 : i1
        %not3A_186 = arith.constant true
        %not3A_187 = arith.xori %eq3A_116, %not3A_186 : i1
        %and3A_188 = arith.andi %or3A_185, %not3A_187 : i1
        %convert_element_type3A_189 = arith.extui %and3A_188 : i1 to i32
        %cond3A_190 = arith.constant 0 : i32
        %cond3A_191 = arith.cmpi ne, %convert_element_type3A_189, %cond3A_190 : i32
        scf.if %cond3A_191 {
        } else {
        }
        %and3A_192 = arith.constant false
        %and3A_193 = arith.andi %and3A_188, %and3A_192 : i1
        %ne3A_194 = arith.cmpi ne, %arg0, %arg0 : i32
        %ne3A_195 = arith.cmpi ne, %add3A_119, %add3A_137 : i32
        %or3A_196 = arith.constant false
        %or3A_197 = arith.ori %or3A_196, %ne3A_194 : i1
        %or3A_198 = arith.ori %or3A_197, %ne3A_195 : i1
        %or3A_199 = arith.ori %or3A_198, %eq3A_118 : i1
        %add3A_200 = arith.constant 1 : i32
        %add3A_201 = arith.addi %scan3A_113, %add3A_200 : i32
        %select_n3A_202 = arith.select %or3A_199, %add3A_201, %scan3A_113 : i32
        %add3A_203 = arith.constant 1 : i32
        %add3A_204 = arith.addi %scan3A_114, %add3A_203 : i32
        %select_n3A_205 = arith.constant true
        %select_n3A_206 = arith.select %select_n3A_205, %add3A_204, %scan3A_114 : i32
        %eq3A_207 = arith.constant 79 : i32
        %eq3A_208 = arith.cmpi eq, %select_n3A_206, %eq3A_207 : i32
        %select_n3A_209 = arith.constant 0 : i32
        %select_n3A_210 = arith.select %eq3A_208, %select_n3A_209, %select_n3A_206 : i32
        scf.yield %select_n3A_157, %select_n3A_202, %select_n3A_210 : i32, i32, i32
      }
      %scan3A_75 = arith.constant 79 : i32
      %sub3A = arith.constant 1 : i32
      %sub3A_76 = arith.subi %scan3A_74#2, %sub3A : i32
      %select_n3A_77 = arith.constant true
      %select_n3A_78 = arith.select %select_n3A_77, %sub3A_76, %scan3A_74#2 : i32
      %eq3A_79 = arith.constant -1 : i32
      %eq3A_80 = arith.cmpi eq, %select_n3A_78, %eq3A_79 : i32
      %select_n3A_81 = arith.constant 78 : i32
      %select_n3A_82 = arith.select %eq3A_80, %select_n3A_81, %select_n3A_78 : i32
      %add3A_83 = arith.addi %select_n3A_82, %mul3A_11 : i32
      %sub3A_84 = arith.constant 1 : i32
      %sub3A_85 = arith.subi %select_n3A_82, %sub3A_84 : i32
      %select_n3A_86 = arith.constant true
      %select_n3A_87 = arith.select %select_n3A_86, %sub3A_85, %select_n3A_82 : i32
      %eq3A_88 = arith.constant -1 : i32
      %eq3A_89 = arith.cmpi eq, %select_n3A_87, %eq3A_88 : i32
      %select_n3A_90 = arith.constant 78 : i32
      %select_n3A_91 = arith.select %eq3A_89, %select_n3A_90, %select_n3A_87 : i32
      %add3A_92 = arith.addi %select_n3A_91, %mul3A_11 : i32
      %add3A_93 = arith.constant 1 : i32
      %add3A_94 = arith.addi %select_n3A_82, %add3A_93 : i32
      %select_n3A_95 = arith.constant true
      %select_n3A_96 = arith.select %select_n3A_95, %add3A_94, %select_n3A_82 : i32
      %eq3A_97 = arith.constant 79 : i32
      %eq3A_98 = arith.cmpi eq, %select_n3A_96, %eq3A_97 : i32
      %select_n3A_99 = arith.constant 0 : i32
      %select_n3A_100 = arith.select %eq3A_98, %select_n3A_99, %select_n3A_96 : i32
      %add3A_101 = arith.addi %select_n3A_100, %mul3A_11 : i32
      %add3A_102 = arith.constant 1 : i32
      %add3A_103 = arith.addi %select_n3A_100, %add3A_102 : i32
      %select_n3A_104 = arith.constant true
      %select_n3A_105 = arith.select %select_n3A_104, %add3A_103, %select_n3A_100 : i32
      %eq3A_106 = arith.constant 79 : i32
      %eq3A_107 = arith.cmpi eq, %select_n3A_105, %eq3A_106 : i32
      %select_n3A_108 = arith.constant 0 : i32
      %select_n3A_109 = arith.select %eq3A_107, %select_n3A_108, %select_n3A_105 : i32
      %add3A_110 = arith.addi %select_n3A_109, %mul3A_11 : i32
      tpu.yield
    }) : () -> ()
    %barrier3A_12 = arith.constant 0 : index
    tpu.barrier barrier_id(%barrier3A_12)
    %scan3A_13 = arith.constant 0 : i32
    %scan3A_14 = arith.constant 5 : i32
    %scan3A_15 = arith.addi %scan3A_13, %scan3A_14 : i32
    %scan3A_16 = arith.constant 1 : i32
    scf.for %scan3A_18 = %scan3A_13 to %scan3A_15 step %scan3A_16  : i32 {
      %mul3A_19 = arith.constant 1 : i32
      %mul3A_20 = arith.muli %scan3A_18, %mul3A_19 : i32
      %add3A = arith.constant 0 : i32
      %add3A_21 = arith.addi %add3A, %mul3A_20 : i32
      %mul3A_22 = arith.constant 5 : i32
      %mul3A_23 = arith.muli %arg1, %mul3A_22 : i32
      %add3A_24 = arith.addi %mul3A_23, %add3A_21 : i32
      %mul3A_25 = arith.constant 128 : i32
      %mul3A_26 = arith.muli %add3A_24, %mul3A_25 : i32
      %run_scoped3A = arith.constant 0 : i32
      "tpu.region"() ({
        %run_scoped3A_32 = tpu.sem_alloc : memref<!tpu.dma_semaphore, #tpu.memory_space<semaphore_mem>>
        %dma_start3A = arith.constant 0 : i32
        %dma_start3A_33 = tpu.memref_slice %arg2[%run_scoped3A, %dma_start3A] : memref<1x10240xi32, #tpu.memory_space<hbm>> -> memref<1x10240xi32, #tpu.memory_space<hbm>>
        %dma_start3A_34 = tpu.memref_squeeze %dma_start3A_33 : memref<1x10240xi32, #tpu.memory_space<hbm>> -> memref<10240xi32, #tpu.memory_space<hbm>>
        %dma_start3A_35 = tpu.memref_slice %dma_start3A_34[%mul3A_26] : memref<10240xi32, #tpu.memory_space<hbm>> -> memref<128xi32, #tpu.memory_space<hbm>>
        %dma_start3A_36 = arith.constant 0 : i32
        %dma_start3A_37 = tpu.memref_slice %arg2[%run_scoped3A, %dma_start3A_36] : memref<1x10240xi32, #tpu.memory_space<hbm>> -> memref<1x10240xi32, #tpu.memory_space<hbm>>
        %dma_start3A_38 = tpu.memref_squeeze %dma_start3A_37 : memref<1x10240xi32, #tpu.memory_space<hbm>> -> memref<10240xi32, #tpu.memory_space<hbm>>
        %dma_start3A_39 = tpu.memref_slice %dma_start3A_38[%mul3A_26] : memref<10240xi32, #tpu.memory_space<hbm>> -> memref<128xi32, #tpu.memory_space<hbm>>
        tpu.enqueue_dma source(%dma_start3A_39 : memref<128xi32, #tpu.memory_space<hbm>>) target(%arg6 : memref<128xi32, #tpu.memory_space<vmem>>) target_semaphore(%run_scoped3A_32 : memref<!tpu.dma_semaphore, #tpu.memory_space<semaphore_mem>>)
        %dma_wait3A = arith.constant 0 : i32
        %dma_wait3A_40 = tpu.memref_slice %arg2[%run_scoped3A, %dma_wait3A] : memref<1x10240xi32, #tpu.memory_space<hbm>> -> memref<1x10240xi32, #tpu.memory_space<hbm>>
        %dma_wait3A_41 = tpu.memref_squeeze %dma_wait3A_40 : memref<1x10240xi32, #tpu.memory_space<hbm>> -> memref<10240xi32, #tpu.memory_space<hbm>>
        %dma_wait3A_42 = tpu.memref_slice %dma_wait3A_41[%mul3A_26] : memref<10240xi32, #tpu.memory_space<hbm>> -> memref<128xi32, #tpu.memory_space<hbm>>
        %dma_wait3A_43 = arith.constant 0 : i32
        %dma_wait3A_44 = tpu.memref_slice %arg2[%run_scoped3A, %dma_wait3A_43] : memref<1x10240xi32, #tpu.memory_space<hbm>> -> memref<1x10240xi32, #tpu.memory_space<hbm>>
        %dma_wait3A_45 = tpu.memref_squeeze %dma_wait3A_44 : memref<1x10240xi32, #tpu.memory_space<hbm>> -> memref<10240xi32, #tpu.memory_space<hbm>>
        %dma_wait3A_46 = tpu.memref_slice %dma_wait3A_45[%mul3A_26] : memref<10240xi32, #tpu.memory_space<hbm>> -> memref<128xi32, #tpu.memory_space<hbm>>
        tpu.wait_dma2 semaphore(%run_scoped3A_32 : memref<!tpu.dma_semaphore, #tpu.memory_space<semaphore_mem>>) src(%dma_wait3A_46 : memref<128xi32, #tpu.memory_space<hbm>>) dst(%arg6 : memref<128xi32, #tpu.memory_space<vmem>>)
        tpu.yield
      }) : () -> ()
      "tpu.region"() ({
        %run_scoped3A_32 = tpu.sem_alloc : memref<!tpu.dma_semaphore, #tpu.memory_space<semaphore_mem>>
        %dma_start3A = arith.constant 0 : i32
        %dma_start3A_33 = arith.constant 0 : i32
        %dma_start3A_34 = tpu.memref_slice %arg7[%dma_start3A, %dma_start3A_33] : memref<10240x128xf32, #tpu.memory_space<vmem_shared>> -> memref<10240x128xf32, #tpu.memory_space<vmem_shared>>
        tpu.enqueue_indirect_dma source(%dma_start3A_34 : memref<10240x128xf32, #tpu.memory_space<vmem_shared>>) target(%arg5 : memref<128x128xf32, #tpu.memory_space<vmem>>) offsets(%arg6 : memref<128xi32, #tpu.memory_space<vmem>>) semaphore(%run_scoped3A_32 : memref<!tpu.dma_semaphore, #tpu.memory_space<semaphore_mem>>)
        %dma_wait3A = arith.constant 0 : i32
        %dma_wait3A_35 = arith.constant 0 : i32
        %dma_wait3A_36 = tpu.memref_slice %arg7[%dma_wait3A, %dma_wait3A_35] : memref<10240x128xf32, #tpu.memory_space<vmem_shared>> -> memref<10240x128xf32, #tpu.memory_space<vmem_shared>>
        tpu.wait_indirect_dma semaphore(%run_scoped3A_32 : memref<!tpu.dma_semaphore, #tpu.memory_space<semaphore_mem>>) src(%dma_wait3A_36 : memref<10240x128xf32, #tpu.memory_space<vmem_shared>>) dst(%arg5 : memref<128x128xf32, #tpu.memory_space<vmem>>)
        tpu.yield
      }) : () -> ()
      %mul3A_27 = arith.constant 10240 : i32
      %mul3A_28 = arith.muli %arg0, %mul3A_27 : i32
      %mul3A_29 = arith.constant 128 : i32
      %mul3A_30 = arith.muli %add3A_24, %mul3A_29 : i32
      %add3A_31 = arith.addi %mul3A_28, %mul3A_30 : i32
      "tpu.region"() ({
        %run_scoped3A_32 = tpu.sem_alloc : memref<!tpu.dma_semaphore, #tpu.memory_space<semaphore_mem>>
        %dma_start3A = arith.constant 0 : i32
        %dma_start3A_33 = tpu.memref_slice %arg4[%add3A_31, %dma_start3A] : memref<20480x128xf32, #tpu.memory_space<hbm>> -> memref<128x128xf32, #tpu.memory_space<hbm>>
        %dma_start3A_34 = arith.constant 0 : i32
        %dma_start3A_35 = tpu.memref_slice %arg4[%add3A_31, %dma_start3A_34] : memref<20480x128xf32, #tpu.memory_space<hbm>> -> memref<128x128xf32, #tpu.memory_space<hbm>>
        tpu.enqueue_dma source(%arg5 : memref<128x128xf32, #tpu.memory_space<vmem>>) target(%dma_start3A_35 : memref<128x128xf32, #tpu.memory_space<hbm>>) target_semaphore(%run_scoped3A_32 : memref<!tpu.dma_semaphore, #tpu.memory_space<semaphore_mem>>)
        %dma_wait3A = arith.constant 0 : i32
        %dma_wait3A_36 = tpu.memref_slice %arg4[%add3A_31, %dma_wait3A] : memref<20480x128xf32, #tpu.memory_space<hbm>> -> memref<128x128xf32, #tpu.memory_space<hbm>>
        %dma_wait3A_37 = arith.constant 0 : i32
        %dma_wait3A_38 = tpu.memref_slice %arg4[%add3A_31, %dma_wait3A_37] : memref<20480x128xf32, #tpu.memory_space<hbm>> -> memref<128x128xf32, #tpu.memory_space<hbm>>
        tpu.wait_dma2 semaphore(%run_scoped3A_32 : memref<!tpu.dma_semaphore, #tpu.memory_space<semaphore_mem>>) src(%arg5 : memref<128x128xf32, #tpu.memory_space<vmem>>) dst(%dma_wait3A_38 : memref<128x128xf32, #tpu.memory_space<hbm>>)
        tpu.yield
      }) : () -> ()
    }
    %scan3A_17 = arith.constant 5 : i32
    return
  }
}

#map = affine_map<(d0, d1) -> (0, 0)>
module attributes {stable_mosaic.version = 14 : i64} {
  func.func @agg_body(%arg0: i32, %arg1: i32, %arg2: memref<1x10240xi32, #tpu.memory_space<hbm>>, %arg3: memref<2x161792xi32, #tpu.memory_space<hbm>>, %arg4: memref<2x161792xi32, #tpu.memory_space<hbm>>, %arg5: memref<10240x128xf32, #tpu.memory_space<hbm>>, %arg6: memref<20480x128xf32, #tpu.memory_space<hbm>>, %arg7: memref<128x128xf32, #tpu.memory_space<vmem>>, %arg8: memref<128x128xf32, #tpu.memory_space<vmem>>, %arg9: memref<128xi32, #tpu.memory_space<vmem>>, %arg10: memref<10240x128xf32, #tpu.memory_space<vmem_shared>>, %arg11: memref<!tpu.dma_semaphore, #tpu.memory_space<semaphore_mem>>, %arg12: memref<!tpu.dma_semaphore, #tpu.memory_space<semaphore_mem>>) attributes {dimension_semantics = [#tpu.dimension_semantics<core_parallel>, #tpu.dimension_semantics<subcore_parallel>], iteration_bounds = array<i64: 2, 16>, scalar_prefetch = 0 : i64, scratch_operands = 6 : i64, tpu.core_type = #tpu.core_type<sc_vector_subcore>, window_params = [{transform_indices = #map}, {transform_indices = #map}, {transform_indices = #map}, {transform_indices = #map}, {transform_indices = #map}]} {
    %scan3A = arith.constant 0 : i32
    %scan3A_0 = arith.constant 128 : i32
    %scan3A_1 = arith.addi %scan3A, %scan3A_0 : i32
    %scan3A_2 = arith.constant 1 : i32
    scf.for %scan3A_22 = %scan3A to %scan3A_1 step %scan3A_2  : i32 {
      %mul3A_23 = arith.constant 1 : i32
      %mul3A_24 = arith.muli %scan3A_22, %mul3A_23 : i32
      %add3A_25 = arith.constant 0 : i32
      %add3A_26 = arith.addi %add3A_25, %mul3A_24 : i32
      %broadcast_in_dim3A = arith.constant 0.000000e+00 : f32
      %broadcast_in_dim3A_27 = vector.broadcast %broadcast_in_dim3A : f32 to vector<128xf32>
      %swap3A = arith.index_cast %add3A_26 : i32 to index
      %swap3A_28 = arith.constant 0 : index
      %swap3A_29 = tpu.vector_load %arg7[%swap3A, %swap3A_28] {strides = array<i32>} : memref<128x128xf32, #tpu.memory_space<vmem>>, vector<1x128xf32>,
      %swap3A_30 = vector.shape_cast %swap3A_29 : vector<1x128xf32> to vector<128xf32>
      %swap3A_31 = vector.shape_cast %broadcast_in_dim3A_27 : vector<128xf32> to vector<1x128xf32>
      tpu.vector_store %arg7[%swap3A, %swap3A_28], %swap3A_31 {strides = array<i32>} : memref<128x128xf32, #tpu.memory_space<vmem>>, vector<1x128xf32>,
    }
    %scan3A_3 = arith.constant 128 : i32
    %mul3A = arith.constant 5 : i32
    %mul3A_4 = arith.muli %arg1, %mul3A : i32
    "tpu.region"() ({
      %run_scoped3A = memref.alloca() : memref<2x1x128xi32, #tpu.memory_space<vmem>>
      %run_scoped3A_22 = tpu.sem_alloc : memref<2x!tpu.dma_semaphore, #tpu.memory_space<semaphore_mem>>
      %add3A_23 = arith.constant 0 : i32
      %add3A_24 = arith.addi %add3A_23, %mul3A_4 : i32
      %select_n3A_25 = arith.constant true
      %select_n3A_26 = arith.constant 0 : i32
      %select_n3A_27 = arith.constant -1 : i32
      %select_n3A_28 = arith.select %select_n3A_25, %select_n3A_27, %select_n3A_26 : i32
      %eq3A = arith.constant -1 : i32
      %eq3A_29 = arith.cmpi eq, %select_n3A_28, %eq3A : i32
      %select_n3A_30 = arith.constant 4 : i32
      %select_n3A_31 = arith.select %eq3A_29, %select_n3A_30, %select_n3A_28 : i32
      %add3A_32 = arith.addi %select_n3A_31, %mul3A_4 : i32
      %select_n3A_33 = arith.constant true
      %select_n3A_34 = arith.constant 0 : i32
      %select_n3A_35 = arith.constant 1 : i32
      %select_n3A_36 = arith.select %select_n3A_33, %select_n3A_35, %select_n3A_34 : i32
      %eq3A_37 = arith.constant 5 : i32
      %eq3A_38 = arith.cmpi eq, %select_n3A_36, %eq3A_37 : i32
      %select_n3A_39 = arith.constant 0 : i32
      %select_n3A_40 = arith.select %eq3A_38, %select_n3A_39, %select_n3A_36 : i32
      %add3A_41 = arith.addi %select_n3A_40, %mul3A_4 : i32
      %add3A_42 = arith.constant 1 : i32
      %add3A_43 = arith.addi %select_n3A_40, %add3A_42 : i32
      %select_n3A_44 = arith.constant true
      %select_n3A_45 = arith.select %select_n3A_44, %add3A_43, %select_n3A_40 : i32
      %eq3A_46 = arith.constant 5 : i32
      %eq3A_47 = arith.cmpi eq, %select_n3A_45, %eq3A_46 : i32
      %select_n3A_48 = arith.constant 0 : i32
      %select_n3A_49 = arith.select %eq3A_47, %select_n3A_48, %select_n3A_45 : i32
      %add3A_50 = arith.addi %select_n3A_49, %mul3A_4 : i32
      "tpu.trace_start"() <{level = 10 : i32, message = "ep_initialize_0"}> : () -> ()
      %rem3A = arith.constant 0 : i32
      %rem3A_51 = arith.constant 2 : i32
      %rem3A_52 = arith.remui %rem3A, %rem3A_51 : i32
      %mul3A_53 = arith.constant 128 : i32
      %mul3A_54 = arith.muli %mul3A_53, %add3A_24 : i32
      %dma_start3A = arith.constant 0 : i32
      %dma_start3A_55 = arith.constant 0 : i32
      %dma_start3A_56 = tpu.memref_slice %run_scoped3A[%rem3A_52, %dma_start3A, %dma_start3A_55] : memref<2x1x128xi32, #tpu.memory_space<vmem>> -> memref<1x1x128xi32, #tpu.memory_space<vmem>>
      %dma_start3A_57 = tpu.memref_squeeze %dma_start3A_56 : memref<1x1x128xi32, #tpu.memory_space<vmem>> -> memref<1x128xi32, #tpu.memory_space<vmem>>
      %dma_start3A_58 = arith.constant 0 : i32
      %dma_start3A_59 = tpu.memref_slice %arg2[%dma_start3A_58, %mul3A_54] : memref<1x10240xi32, #tpu.memory_space<hbm>> -> memref<1x128xi32, #tpu.memory_space<hbm>>
      %dma_start3A_60 = tpu.memref_slice %run_scoped3A_22[%rem3A_52] : memref<2x!tpu.dma_semaphore, #tpu.memory_space<semaphore_mem>> -> memref<1x!tpu.dma_semaphore, #tpu.memory_space<semaphore_mem>>
      %dma_start3A_61 = tpu.memref_squeeze %dma_start3A_60 : memref<1x!tpu.dma_semaphore, #tpu.memory_space<semaphore_mem>> -> memref<!tpu.dma_semaphore, #tpu.memory_space<semaphore_mem>>
      %dma_start3A_62 = arith.constant 0 : i32
      %dma_start3A_63 = arith.constant 0 : i32
      %dma_start3A_64 = tpu.memref_slice %run_scoped3A[%rem3A_52, %dma_start3A_62, %dma_start3A_63] : memref<2x1x128xi32, #tpu.memory_space<vmem>> -> memref<1x1x128xi32, #tpu.memory_space<vmem>>
      %dma_start3A_65 = tpu.memref_squeeze %dma_start3A_64 : memref<1x1x128xi32, #tpu.memory_space<vmem>> -> memref<1x128xi32, #tpu.memory_space<vmem>>
      %dma_start3A_66 = arith.constant 0 : i32
      %dma_start3A_67 = tpu.memref_slice %arg2[%dma_start3A_66, %mul3A_54] : memref<1x10240xi32, #tpu.memory_space<hbm>> -> memref<1x128xi32, #tpu.memory_space<hbm>>
      tpu.enqueue_dma source(%dma_start3A_67 : memref<1x128xi32, #tpu.memory_space<hbm>>) target(%dma_start3A_65 : memref<1x128xi32, #tpu.memory_space<vmem>>) target_semaphore(%dma_start3A_61 : memref<!tpu.dma_semaphore, #tpu.memory_space<semaphore_mem>>)
      %add3A_68 = arith.constant 0 : i32
      %add3A_69 = arith.constant 1 : i32
      %add3A_70 = arith.addi %add3A_68, %add3A_69 : i32
      %select_n3A_71 = arith.constant true
      %select_n3A_72 = arith.constant 0 : i32
      %select_n3A_73 = arith.select %select_n3A_71, %add3A_70, %select_n3A_72 : i32
      "tpu.trace_stop"() : () -> ()
      %scan3A_74 = arith.constant 0 : i32
      %scan3A_75 = arith.constant 0 : i32
      %scan3A_76 = arith.constant 0 : i32
      %scan3A_77 = arith.constant 5 : i32
      %scan3A_78 = arith.addi %scan3A_76, %scan3A_77 : i32
      %scan3A_79 = arith.constant 1 : i32
      %scan3A_80:3 = scf.for %scan3A_117 = %scan3A_76 to %scan3A_78 step %scan3A_79 iter_args(%scan3A_118 = %select_n3A_73, %scan3A_119 = %scan3A_74, %scan3A_120 = %scan3A_75) -> (i32, i32, i32)  : i32 {
        %eq3A_121 = arith.constant 0 : i32
        %eq3A_122 = arith.cmpi eq, %scan3A_117, %eq3A_121 : i32
        %eq3A_123 = arith.constant 4 : i32
        %eq3A_124 = arith.cmpi eq, %scan3A_117, %eq3A_123 : i32
        %add3A_125 = arith.addi %scan3A_120, %mul3A_4 : i32
        %sub3A_126 = arith.constant 1 : i32
        %sub3A_127 = arith.subi %scan3A_120, %sub3A_126 : i32
        %select_n3A_128 = arith.constant true
        %select_n3A_129 = arith.select %select_n3A_128, %sub3A_127, %scan3A_120 : i32
        %eq3A_130 = arith.constant -1 : i32
        %eq3A_131 = arith.cmpi eq, %select_n3A_129, %eq3A_130 : i32
        %select_n3A_132 = arith.constant 4 : i32
        %select_n3A_133 = arith.select %eq3A_131, %select_n3A_132, %select_n3A_129 : i32
        %add3A_134 = arith.addi %select_n3A_133, %mul3A_4 : i32
        %add3A_135 = arith.constant 1 : i32
        %add3A_136 = arith.addi %scan3A_120, %add3A_135 : i32
        %select_n3A_137 = arith.constant true
        %select_n3A_138 = arith.select %select_n3A_137, %add3A_136, %scan3A_120 : i32
        %eq3A_139 = arith.constant 5 : i32
        %eq3A_140 = arith.cmpi eq, %select_n3A_138, %eq3A_139 : i32
        %select_n3A_141 = arith.constant 0 : i32
        %select_n3A_142 = arith.select %eq3A_140, %select_n3A_141, %select_n3A_138 : i32
        %add3A_143 = arith.addi %select_n3A_142, %mul3A_4 : i32
        %add3A_144 = arith.constant 1 : i32
        %add3A_145 = arith.addi %select_n3A_142, %add3A_144 : i32
        %select_n3A_146 = arith.constant true
        %select_n3A_147 = arith.select %select_n3A_146, %add3A_145, %select_n3A_142 : i32
        %eq3A_148 = arith.constant 5 : i32
        %eq3A_149 = arith.cmpi eq, %select_n3A_147, %eq3A_148 : i32
        %select_n3A_150 = arith.constant 0 : i32
        %select_n3A_151 = arith.select %eq3A_149, %select_n3A_150, %select_n3A_147 : i32
        %add3A_152 = arith.addi %select_n3A_151, %mul3A_4 : i32
        %ne3A = arith.cmpi ne, %add3A_125, %add3A_143 : i32
        %or3A = arith.constant false
        %or3A_153 = arith.ori %or3A, %ne3A : i1
        %ge3A = arith.constant 4 : i32
        %ge3A_154 = arith.cmpi sge, %scan3A_117, %ge3A : i32
        %not3A = arith.constant true
        %not3A_155 = arith.xori %ge3A_154, %not3A : i1
        %and3A = arith.andi %or3A_153, %not3A_155 : i1
        %convert_element_type3A = arith.extui %and3A : i1 to i32
        %cond3A = arith.constant 0 : i32
        %cond3A_156 = arith.cmpi ne, %convert_element_type3A, %cond3A : i32
        scf.if %cond3A_156 {
          "tpu.trace_start"() <{level = 10 : i32, message = "ep_copy_in"}> : () -> ()
          %rem3A_207 = arith.constant 2 : i32
          %rem3A_208 = arith.remui %scan3A_118, %rem3A_207 : i32
          %mul3A_209 = arith.constant 128 : i32
          %mul3A_210 = arith.muli %mul3A_209, %add3A_143 : i32
          %dma_start3A_211 = arith.constant 0 : i32
          %dma_start3A_212 = arith.constant 0 : i32
          %dma_start3A_213 = tpu.memref_slice %run_scoped3A[%rem3A_208, %dma_start3A_211, %dma_start3A_212] : memref<2x1x128xi32, #tpu.memory_space<vmem>> -> memref<1x1x128xi32, #tpu.memory_space<vmem>>
          %dma_start3A_214 = tpu.memref_squeeze %dma_start3A_213 : memref<1x1x128xi32, #tpu.memory_space<vmem>> -> memref<1x128xi32, #tpu.memory_space<vmem>>
          %dma_start3A_215 = arith.constant 0 : i32
          %dma_start3A_216 = tpu.memref_slice %arg2[%dma_start3A_215, %mul3A_210] : memref<1x10240xi32, #tpu.memory_space<hbm>> -> memref<1x128xi32, #tpu.memory_space<hbm>>
          %dma_start3A_217 = tpu.memref_slice %run_scoped3A_22[%rem3A_208] : memref<2x!tpu.dma_semaphore, #tpu.memory_space<semaphore_mem>> -> memref<1x!tpu.dma_semaphore, #tpu.memory_space<semaphore_mem>>
          %dma_start3A_218 = tpu.memref_squeeze %dma_start3A_217 : memref<1x!tpu.dma_semaphore, #tpu.memory_space<semaphore_mem>> -> memref<!tpu.dma_semaphore, #tpu.memory_space<semaphore_mem>>
          %dma_start3A_219 = arith.constant 0 : i32
          %dma_start3A_220 = arith.constant 0 : i32
          %dma_start3A_221 = tpu.memref_slice %run_scoped3A[%rem3A_208, %dma_start3A_219, %dma_start3A_220] : memref<2x1x128xi32, #tpu.memory_space<vmem>> -> memref<1x1x128xi32, #tpu.memory_space<vmem>>
          %dma_start3A_222 = tpu.memref_squeeze %dma_start3A_221 : memref<1x1x128xi32, #tpu.memory_space<vmem>> -> memref<1x128xi32, #tpu.memory_space<vmem>>
          %dma_start3A_223 = arith.constant 0 : i32
          %dma_start3A_224 = tpu.memref_slice %arg2[%dma_start3A_223, %mul3A_210] : memref<1x10240xi32, #tpu.memory_space<hbm>> -> memref<1x128xi32, #tpu.memory_space<hbm>>
          tpu.enqueue_dma source(%dma_start3A_224 : memref<1x128xi32, #tpu.memory_space<hbm>>) target(%dma_start3A_222 : memref<1x128xi32, #tpu.memory_space<vmem>>) target_semaphore(%dma_start3A_218 : memref<!tpu.dma_semaphore, #tpu.memory_space<semaphore_mem>>)
          "tpu.trace_stop"() : () -> ()
        } else {
        }
        %and3A_157 = arith.constant true
        %and3A_158 = arith.andi %and3A, %and3A_157 : i1
        %add3A_159 = arith.constant 1 : i32
        %add3A_160 = arith.addi %scan3A_118, %add3A_159 : i32
        %select_n3A_161 = arith.select %and3A_158, %add3A_160, %scan3A_118 : i32
        %ne3A_162 = arith.cmpi ne, %add3A_125, %add3A_134 : i32
        %or3A_163 = arith.constant false
        %or3A_164 = arith.ori %or3A_163, %ne3A_162 : i1
        %or3A_165 = arith.ori %or3A_164, %eq3A_122 : i1
        %convert_element_type3A_166 = arith.extui %or3A_165 : i1 to i32
        %cond3A_167 = arith.constant 0 : i32
        %cond3A_168 = arith.cmpi ne, %convert_element_type3A_166, %cond3A_167 : i32
        scf.if %cond3A_168 {
          "tpu.trace_start"() <{level = 10 : i32, message = "ep_wait_in"}> : () -> ()
          %mul3A_207 = arith.constant 128 : i32
          %mul3A_208 = arith.muli %mul3A_207, %add3A_125 : i32
          %rem3A_209 = arith.constant 2 : i32
          %rem3A_210 = arith.remui %scan3A_119, %rem3A_209 : i32
          %dma_wait3A = arith.constant 0 : i32
          %dma_wait3A_211 = arith.constant 0 : i32
          %dma_wait3A_212 = tpu.memref_slice %run_scoped3A[%rem3A_210, %dma_wait3A, %dma_wait3A_211] : memref<2x1x128xi32, #tpu.memory_space<vmem>> -> memref<1x1x128xi32, #tpu.memory_space<vmem>>
          %dma_wait3A_213 = tpu.memref_squeeze %dma_wait3A_212 : memref<1x1x128xi32, #tpu.memory_space<vmem>> -> memref<1x128xi32, #tpu.memory_space<vmem>>
          %dma_wait3A_214 = arith.constant 0 : i32
          %dma_wait3A_215 = tpu.memref_slice %arg2[%dma_wait3A_214, %mul3A_208] : memref<1x10240xi32, #tpu.memory_space<hbm>> -> memref<1x128xi32, #tpu.memory_space<hbm>>
          %dma_wait3A_216 = tpu.memref_slice %run_scoped3A_22[%rem3A_210] : memref<2x!tpu.dma_semaphore, #tpu.memory_space<semaphore_mem>> -> memref<1x!tpu.dma_semaphore, #tpu.memory_space<semaphore_mem>>
          %dma_wait3A_217 = tpu.memref_squeeze %dma_wait3A_216 : memref<1x!tpu.dma_semaphore, #tpu.memory_space<semaphore_mem>> -> memref<!tpu.dma_semaphore, #tpu.memory_space<semaphore_mem>>
          %dma_wait3A_218 = arith.constant 0 : i32
          %dma_wait3A_219 = arith.constant 0 : i32
          %dma_wait3A_220 = tpu.memref_slice %run_scoped3A[%rem3A_210, %dma_wait3A_218, %dma_wait3A_219] : memref<2x1x128xi32, #tpu.memory_space<vmem>> -> memref<1x1x128xi32, #tpu.memory_space<vmem>>
          %dma_wait3A_221 = tpu.memref_squeeze %dma_wait3A_220 : memref<1x1x128xi32, #tpu.memory_space<vmem>> -> memref<1x128xi32, #tpu.memory_space<vmem>>
          %dma_wait3A_222 = arith.constant 0 : i32
          %dma_wait3A_223 = tpu.memref_slice %arg2[%dma_wait3A_222, %mul3A_208] : memref<1x10240xi32, #tpu.memory_space<hbm>> -> memref<1x128xi32, #tpu.memory_space<hbm>>
          tpu.wait_dma2 semaphore(%dma_wait3A_217 : memref<!tpu.dma_semaphore, #tpu.memory_space<semaphore_mem>>) src(%dma_wait3A_223 : memref<1x128xi32, #tpu.memory_space<hbm>>) dst(%dma_wait3A_221 : memref<1x128xi32, #tpu.memory_space<vmem>>)
          "tpu.trace_stop"() : () -> ()
        } else {
        }
        %rem3A_169 = arith.constant 2 : i32
        %rem3A_170 = arith.remui %scan3A_119, %rem3A_169 : i32
        %run_scoped3A_171 = arith.constant 0 : i32
        "tpu.trace_start"() <{level = 10 : i32, message = "ep_run_kernel"}> : () -> ()
        "tpu.region"() ({
          %run_scoped3A_207 = tpu.sem_alloc : memref<!tpu.dma_semaphore, #tpu.memory_space<semaphore_mem>>
          %dma_start3A_208 = arith.constant 0 : i32
          %dma_start3A_209 = arith.constant 0 : i32
          %dma_start3A_210 = tpu.memref_slice %arg7[%dma_start3A_208, %dma_start3A_209] : memref<128x128xf32, #tpu.memory_space<vmem>> -> memref<128x128xf32, #tpu.memory_space<vmem>>
          %dma_start3A_211 = arith.constant 0 : i32
          %dma_start3A_212 = arith.constant 0 : i32
          %dma_start3A_213 = tpu.memref_slice %run_scoped3A[%rem3A_170, %dma_start3A_211, %dma_start3A_212] : memref<2x1x128xi32, #tpu.memory_space<vmem>> -> memref<1x1x128xi32, #tpu.memory_space<vmem>>
          %dma_start3A_214 = tpu.memref_squeeze %dma_start3A_213 : memref<1x1x128xi32, #tpu.memory_space<vmem>> -> memref<1x128xi32, #tpu.memory_space<vmem>>
          %dma_start3A_215 = arith.constant 0 : i32
          %dma_start3A_216 = tpu.memref_slice %dma_start3A_214[%run_scoped3A_171, %dma_start3A_215] : memref<1x128xi32, #tpu.memory_space<vmem>> -> memref<1x128xi32, #tpu.memory_space<vmem>>
          %dma_start3A_217 = tpu.memref_squeeze %dma_start3A_216 : memref<1x128xi32, #tpu.memory_space<vmem>> -> memref<128xi32, #tpu.memory_space<vmem>>
          %dma_start3A_218 = arith.constant 0 : i32
          %dma_start3A_219 = arith.constant 0 : i32
          %dma_start3A_220 = tpu.memref_slice %arg10[%dma_start3A_218, %dma_start3A_219] : memref<10240x128xf32, #tpu.memory_space<vmem_shared>> -> memref<10240x128xf32, #tpu.memory_space<vmem_shared>>
          tpu.enqueue_indirect_dma source(%dma_start3A_210 : memref<128x128xf32, #tpu.memory_space<vmem>>) target(%dma_start3A_220 : memref<10240x128xf32, #tpu.memory_space<vmem_shared>>) offsets(%dma_start3A_217 : memref<128xi32, #tpu.memory_space<vmem>>) semaphore(%run_scoped3A_207 : memref<!tpu.dma_semaphore, #tpu.memory_space<semaphore_mem>>)
          %dma_wait3A = arith.constant 0 : i32
          %dma_wait3A_221 = arith.constant 0 : i32
          %dma_wait3A_222 = tpu.memref_slice %arg7[%dma_wait3A, %dma_wait3A_221] : memref<128x128xf32, #tpu.memory_space<vmem>> -> memref<128x128xf32, #tpu.memory_space<vmem>>
          %dma_wait3A_223 = arith.constant 0 : i32
          %dma_wait3A_224 = arith.constant 0 : i32
          %dma_wait3A_225 = tpu.memref_slice %run_scoped3A[%rem3A_170, %dma_wait3A_223, %dma_wait3A_224] : memref<2x1x128xi32, #tpu.memory_space<vmem>> -> memref<1x1x128xi32, #tpu.memory_space<vmem>>
          %dma_wait3A_226 = tpu.memref_squeeze %dma_wait3A_225 : memref<1x1x128xi32, #tpu.memory_space<vmem>> -> memref<1x128xi32, #tpu.memory_space<vmem>>
          %dma_wait3A_227 = arith.constant 0 : i32
          %dma_wait3A_228 = tpu.memref_slice %dma_wait3A_226[%run_scoped3A_171, %dma_wait3A_227] : memref<1x128xi32, #tpu.memory_space<vmem>> -> memref<1x128xi32, #tpu.memory_space<vmem>>
          %dma_wait3A_229 = tpu.memref_squeeze %dma_wait3A_228 : memref<1x128xi32, #tpu.memory_space<vmem>> -> memref<128xi32, #tpu.memory_space<vmem>>
          %dma_wait3A_230 = arith.constant 0 : i32
          %dma_wait3A_231 = arith.constant 0 : i32
          %dma_wait3A_232 = tpu.memref_slice %arg10[%dma_wait3A_230, %dma_wait3A_231] : memref<10240x128xf32, #tpu.memory_space<vmem_shared>> -> memref<10240x128xf32, #tpu.memory_space<vmem_shared>>
          tpu.wait_indirect_dma semaphore(%run_scoped3A_207 : memref<!tpu.dma_semaphore, #tpu.memory_space<semaphore_mem>>) src(%dma_wait3A_222 : memref<128x128xf32, #tpu.memory_space<vmem>>) dst(%dma_wait3A_232 : memref<10240x128xf32, #tpu.memory_space<vmem_shared>>)
          tpu.yield
        }) : () -> ()
        "tpu.trace_stop"() : () -> ()
        %ne3A_172 = arith.cmpi ne, %add3A_125, %add3A_143 : i32
        %or3A_173 = arith.constant false
        %or3A_174 = arith.ori %or3A_173, %ne3A_172 : i1
        %or3A_175 = arith.ori %or3A_174, %eq3A_124 : i1
        %convert_element_type3A_176 = arith.extui %or3A_175 : i1 to i32
        %cond3A_177 = arith.constant 0 : i32
        %cond3A_178 = arith.cmpi ne, %convert_element_type3A_176, %cond3A_177 : i32
        scf.if %cond3A_178 {
        } else {
        }
        %and3A_179 = arith.constant false
        %and3A_180 = arith.andi %or3A_175, %and3A_179 : i1
        %ne3A_181 = arith.cmpi ne, %add3A_125, %add3A_134 : i32
        %or3A_182 = arith.constant false
        %or3A_183 = arith.ori %or3A_182, %ne3A_181 : i1
        %not3A_184 = arith.constant true
        %not3A_185 = arith.xori %eq3A_122, %not3A_184 : i1
        %and3A_186 = arith.andi %or3A_183, %not3A_185 : i1
        %convert_element_type3A_187 = arith.extui %and3A_186 : i1 to i32
        %cond3A_188 = arith.constant 0 : i32
        %cond3A_189 = arith.cmpi ne, %convert_element_type3A_187, %cond3A_188 : i32
        scf.if %cond3A_189 {
        } else {
        }
        %and3A_190 = arith.constant false
        %and3A_191 = arith.andi %and3A_186, %and3A_190 : i1
        %ne3A_192 = arith.cmpi ne, %add3A_125, %add3A_143 : i32
        %or3A_193 = arith.constant false
        %or3A_194 = arith.ori %or3A_193, %ne3A_192 : i1
        %or3A_195 = arith.ori %or3A_194, %eq3A_124 : i1
        %add3A_196 = arith.constant 1 : i32
        %add3A_197 = arith.addi %scan3A_119, %add3A_196 : i32
        %select_n3A_198 = arith.select %or3A_195, %add3A_197, %scan3A_119 : i32
        %add3A_199 = arith.constant 1 : i32
        %add3A_200 = arith.addi %scan3A_120, %add3A_199 : i32
        %select_n3A_201 = arith.constant true
        %select_n3A_202 = arith.select %select_n3A_201, %add3A_200, %scan3A_120 : i32
        %eq3A_203 = arith.constant 5 : i32
        %eq3A_204 = arith.cmpi eq, %select_n3A_202, %eq3A_203 : i32
        %select_n3A_205 = arith.constant 0 : i32
        %select_n3A_206 = arith.select %eq3A_204, %select_n3A_205, %select_n3A_202 : i32
        scf.yield %select_n3A_161, %select_n3A_198, %select_n3A_206 : i32, i32, i32
      }
      %scan3A_81 = arith.constant 5 : i32
      %sub3A = arith.constant 1 : i32
      %sub3A_82 = arith.subi %scan3A_80#2, %sub3A : i32
      %select_n3A_83 = arith.constant true
      %select_n3A_84 = arith.select %select_n3A_83, %sub3A_82, %scan3A_80#2 : i32
      %eq3A_85 = arith.constant -1 : i32
      %eq3A_86 = arith.cmpi eq, %select_n3A_84, %eq3A_85 : i32
      %select_n3A_87 = arith.constant 4 : i32
      %select_n3A_88 = arith.select %eq3A_86, %select_n3A_87, %select_n3A_84 : i32
      %add3A_89 = arith.addi %select_n3A_88, %mul3A_4 : i32
      %sub3A_90 = arith.constant 1 : i32
      %sub3A_91 = arith.subi %select_n3A_88, %sub3A_90 : i32
      %select_n3A_92 = arith.constant true
      %select_n3A_93 = arith.select %select_n3A_92, %sub3A_91, %select_n3A_88 : i32
      %eq3A_94 = arith.constant -1 : i32
      %eq3A_95 = arith.cmpi eq, %select_n3A_93, %eq3A_94 : i32
      %select_n3A_96 = arith.constant 4 : i32
      %select_n3A_97 = arith.select %eq3A_95, %select_n3A_96, %select_n3A_93 : i32
      %add3A_98 = arith.addi %select_n3A_97, %mul3A_4 : i32
      %add3A_99 = arith.constant 1 : i32
      %add3A_100 = arith.addi %select_n3A_88, %add3A_99 : i32
      %select_n3A_101 = arith.constant true
      %select_n3A_102 = arith.select %select_n3A_101, %add3A_100, %select_n3A_88 : i32
      %eq3A_103 = arith.constant 5 : i32
      %eq3A_104 = arith.cmpi eq, %select_n3A_102, %eq3A_103 : i32
      %select_n3A_105 = arith.constant 0 : i32
      %select_n3A_106 = arith.select %eq3A_104, %select_n3A_105, %select_n3A_102 : i32
      %add3A_107 = arith.addi %select_n3A_106, %mul3A_4 : i32
      %add3A_108 = arith.constant 1 : i32
      %add3A_109 = arith.addi %select_n3A_106, %add3A_108 : i32
      %select_n3A_110 = arith.constant true
      %select_n3A_111 = arith.select %select_n3A_110, %add3A_109, %select_n3A_106 : i32
      %eq3A_112 = arith.constant 5 : i32
      %eq3A_113 = arith.cmpi eq, %select_n3A_111, %eq3A_112 : i32
      %select_n3A_114 = arith.constant 0 : i32
      %select_n3A_115 = arith.select %eq3A_113, %select_n3A_114, %select_n3A_111 : i32
      %add3A_116 = arith.addi %select_n3A_115, %mul3A_4 : i32
      tpu.yield
    }) : () -> ()
    %barrier3A = arith.constant 0 : index
    tpu.barrier barrier_id(%barrier3A)
    %lt3A = arith.constant 8 : i32
    %lt3A_5 = arith.cmpi slt, %arg1, %lt3A : i32
    %jit3A = arith.constant 40 : i32
    %jit3A_6 = arith.constant 39 : i32
    %select_n3A = arith.select %lt3A_5, %jit3A, %jit3A_6 : i32
    %lt3A_7 = arith.constant 8 : i32
    %lt3A_8 = arith.cmpi slt, %arg1, %lt3A_7 : i32
    %mul3A_9 = arith.muli %arg1, %select_n3A : i32
    %mul3A_10 = arith.constant 39 : i32
    %mul3A_11 = arith.muli %arg1, %mul3A_10 : i32
    %add3A = arith.constant 8 : i32
    %add3A_12 = arith.addi %mul3A_11, %add3A : i32
    %select_n3A_13 = arith.select %lt3A_8, %mul3A_9, %add3A_12 : i32
    %mul3A_14 = arith.constant 1 : i32
    %mul3A_15 = arith.muli %mul3A_14, %select_n3A : i32
    "tpu.region"() ({
      %run_scoped3A = memref.alloca() : memref<2x1x128xi32, #tpu.memory_space<vmem>>
      %run_scoped3A_22 = tpu.sem_alloc : memref<2x!tpu.dma_semaphore, #tpu.memory_space<semaphore_mem>>
      %run_scoped3A_23 = memref.alloca() : memref<2x1x128xi32, #tpu.memory_space<vmem>>
      %run_scoped3A_24 = tpu.sem_alloc : memref<2x!tpu.dma_semaphore, #tpu.memory_space<semaphore_mem>>
      %run_scoped3A_25 = memref.alloca() : memref<2x1x128xi32, #tpu.memory_space<vmem>>
      %run_scoped3A_26 = tpu.sem_alloc : memref<2x!tpu.dma_semaphore, #tpu.memory_space<semaphore_mem>>
      %run_scoped3A_27 = memref.alloca() : memref<2x1x128xi32, #tpu.memory_space<vmem>>
      %run_scoped3A_28 = tpu.sem_alloc : memref<2x!tpu.dma_semaphore, #tpu.memory_space<semaphore_mem>>
      %gt3A = arith.constant 0 : i32
      %gt3A_29 = arith.cmpi sgt, %mul3A_15, %gt3A : i32
      %convert_element_type3A = arith.extui %gt3A_29 : i1 to i32
      %cond3A = arith.constant 0 : i32
      %cond3A_30 = arith.cmpi ne, %convert_element_type3A, %cond3A : i32
      scf.if %cond3A_30 {
        %mul3A_31 = arith.constant 1 : i32
        %mul3A_32 = arith.muli %mul3A_31, %select_n3A : i32
        %sub3A = arith.constant 1 : i32
        %sub3A_33 = arith.subi %mul3A_32, %sub3A : i32
        %eq3A = arith.constant 0 : i32
        %eq3A_34 = arith.cmpi eq, %sub3A_33, %eq3A : i32
        %add3A_35 = arith.constant 0 : i32
        %add3A_36 = arith.addi %add3A_35, %select_n3A_13 : i32
        %select_n3A_37 = arith.constant true
        %select_n3A_38 = arith.constant 0 : i32
        %select_n3A_39 = arith.constant -1 : i32
        %select_n3A_40 = arith.select %select_n3A_37, %select_n3A_39, %select_n3A_38 : i32
        %eq3A_41 = arith.constant -1 : i32
        %eq3A_42 = arith.cmpi eq, %select_n3A_40, %eq3A_41 : i32
        %sub3A_43 = arith.constant 1 : i32
        %sub3A_44 = arith.subi %select_n3A, %sub3A_43 : i32
        %select_n3A_45 = arith.select %eq3A_42, %sub3A_44, %select_n3A_40 : i32
        %add3A_46 = arith.addi %select_n3A_45, %select_n3A_13 : i32
        %select_n3A_47 = arith.constant true
        %select_n3A_48 = arith.constant 0 : i32
        %select_n3A_49 = arith.constant 1 : i32
        %select_n3A_50 = arith.select %select_n3A_47, %select_n3A_49, %select_n3A_48 : i32
        %eq3A_51 = arith.cmpi eq, %select_n3A_50, %select_n3A : i32
        %select_n3A_52 = arith.constant 0 : i32
        %select_n3A_53 = arith.select %eq3A_51, %select_n3A_52, %select_n3A_50 : i32
        %add3A_54 = arith.addi %select_n3A_53, %select_n3A_13 : i32
        %add3A_55 = arith.constant 1 : i32
        %add3A_56 = arith.addi %select_n3A_53, %add3A_55 : i32
        %select_n3A_57 = arith.constant true
        %select_n3A_58 = arith.select %select_n3A_57, %add3A_56, %select_n3A_53 : i32
        %eq3A_59 = arith.cmpi eq, %select_n3A_58, %select_n3A : i32
        %select_n3A_60 = arith.constant 0 : i32
        %select_n3A_61 = arith.select %eq3A_59, %select_n3A_60, %select_n3A_58 : i32
        %add3A_62 = arith.addi %select_n3A_61, %select_n3A_13 : i32
        "tpu.trace_start"() <{level = 10 : i32, message = "ep_initialize_0"}> : () -> ()
        %rem3A = arith.constant 0 : i32
        %rem3A_63 = arith.constant 2 : i32
        %rem3A_64 = arith.remui %rem3A, %rem3A_63 : i32
        %mul3A_65 = arith.constant 2 : i32
        %mul3A_66 = arith.muli %mul3A_65, %add3A_36 : i32
        %mul3A_67 = arith.constant 1 : i32
        %mul3A_68 = arith.muli %mul3A_67, %arg0 : i32
        %mul3A_69 = arith.constant 128 : i32
        %mul3A_70 = arith.muli %mul3A_69, %mul3A_66 : i32
        %dma_start3A = arith.constant 0 : i32
        %dma_start3A_71 = arith.constant 0 : i32
        %dma_start3A_72 = tpu.memref_slice %run_scoped3A[%rem3A_64, %dma_start3A, %dma_start3A_71] : memref<2x1x128xi32, #tpu.memory_space<vmem>> -> memref<1x1x128xi32, #tpu.memory_space<vmem>>
        %dma_start3A_73 = tpu.memref_squeeze %dma_start3A_72 : memref<1x1x128xi32, #tpu.memory_space<vmem>> -> memref<1x128xi32, #tpu.memory_space<vmem>>
        %dma_start3A_74 = tpu.memref_slice %arg3[%mul3A_68, %mul3A_70] : memref<2x161792xi32, #tpu.memory_space<hbm>> -> memref<1x128xi32, #tpu.memory_space<hbm>>
        %dma_start3A_75 = tpu.memref_slice %run_scoped3A_22[%rem3A_64] : memref<2x!tpu.dma_semaphore, #tpu.memory_space<semaphore_mem>> -> memref<1x!tpu.dma_semaphore, #tpu.memory_space<semaphore_mem>>
        %dma_start3A_76 = tpu.memref_squeeze %dma_start3A_75 : memref<1x!tpu.dma_semaphore, #tpu.memory_space<semaphore_mem>> -> memref<!tpu.dma_semaphore, #tpu.memory_space<semaphore_mem>>
        %dma_start3A_77 = arith.constant 0 : i32
        %dma_start3A_78 = arith.constant 0 : i32
        %dma_start3A_79 = tpu.memref_slice %run_scoped3A[%rem3A_64, %dma_start3A_77, %dma_start3A_78] : memref<2x1x128xi32, #tpu.memory_space<vmem>> -> memref<1x1x128xi32, #tpu.memory_space<vmem>>
        %dma_start3A_80 = tpu.memref_squeeze %dma_start3A_79 : memref<1x1x128xi32, #tpu.memory_space<vmem>> -> memref<1x128xi32, #tpu.memory_space<vmem>>
        %dma_start3A_81 = tpu.memref_slice %arg3[%mul3A_68, %mul3A_70] : memref<2x161792xi32, #tpu.memory_space<hbm>> -> memref<1x128xi32, #tpu.memory_space<hbm>>
        tpu.enqueue_dma source(%dma_start3A_81 : memref<1x128xi32, #tpu.memory_space<hbm>>) target(%dma_start3A_80 : memref<1x128xi32, #tpu.memory_space<vmem>>) target_semaphore(%dma_start3A_76 : memref<!tpu.dma_semaphore, #tpu.memory_space<semaphore_mem>>)
        %add3A_82 = arith.constant 0 : i32
        %add3A_83 = arith.constant 1 : i32
        %add3A_84 = arith.addi %add3A_82, %add3A_83 : i32
        %select_n3A_85 = arith.constant true
        %select_n3A_86 = arith.constant 0 : i32
        %select_n3A_87 = arith.select %select_n3A_85, %add3A_84, %select_n3A_86 : i32
        %rem3A_88 = arith.constant 0 : i32
        %rem3A_89 = arith.constant 2 : i32
        %rem3A_90 = arith.remui %rem3A_88, %rem3A_89 : i32
        %mul3A_91 = arith.constant 2 : i32
        %mul3A_92 = arith.muli %mul3A_91, %add3A_36 : i32
        %mul3A_93 = arith.constant 1 : i32
        %mul3A_94 = arith.muli %mul3A_93, %arg0 : i32
        %mul3A_95 = arith.constant 128 : i32
        %mul3A_96 = arith.muli %mul3A_95, %mul3A_92 : i32
        %dma_start3A_97 = arith.constant 0 : i32
        %dma_start3A_98 = arith.constant 0 : i32
        %dma_start3A_99 = tpu.memref_slice %run_scoped3A_23[%rem3A_90, %dma_start3A_97, %dma_start3A_98] : memref<2x1x128xi32, #tpu.memory_space<vmem>> -> memref<1x1x128xi32, #tpu.memory_space<vmem>>
        %dma_start3A_100 = tpu.memref_squeeze %dma_start3A_99 : memref<1x1x128xi32, #tpu.memory_space<vmem>> -> memref<1x128xi32, #tpu.memory_space<vmem>>
        %dma_start3A_101 = tpu.memref_slice %arg4[%mul3A_94, %mul3A_96] : memref<2x161792xi32, #tpu.memory_space<hbm>> -> memref<1x128xi32, #tpu.memory_space<hbm>>
        %dma_start3A_102 = tpu.memref_slice %run_scoped3A_24[%rem3A_90] : memref<2x!tpu.dma_semaphore, #tpu.memory_space<semaphore_mem>> -> memref<1x!tpu.dma_semaphore, #tpu.memory_space<semaphore_mem>>
        %dma_start3A_103 = tpu.memref_squeeze %dma_start3A_102 : memref<1x!tpu.dma_semaphore, #tpu.memory_space<semaphore_mem>> -> memref<!tpu.dma_semaphore, #tpu.memory_space<semaphore_mem>>
        %dma_start3A_104 = arith.constant 0 : i32
        %dma_start3A_105 = arith.constant 0 : i32
        %dma_start3A_106 = tpu.memref_slice %run_scoped3A_23[%rem3A_90, %dma_start3A_104, %dma_start3A_105] : memref<2x1x128xi32, #tpu.memory_space<vmem>> -> memref<1x1x128xi32, #tpu.memory_space<vmem>>
        %dma_start3A_107 = tpu.memref_squeeze %dma_start3A_106 : memref<1x1x128xi32, #tpu.memory_space<vmem>> -> memref<1x128xi32, #tpu.memory_space<vmem>>
        %dma_start3A_108 = tpu.memref_slice %arg4[%mul3A_94, %mul3A_96] : memref<2x161792xi32, #tpu.memory_space<hbm>> -> memref<1x128xi32, #tpu.memory_space<hbm>>
        tpu.enqueue_dma source(%dma_start3A_108 : memref<1x128xi32, #tpu.memory_space<hbm>>) target(%dma_start3A_107 : memref<1x128xi32, #tpu.memory_space<vmem>>) target_semaphore(%dma_start3A_103 : memref<!tpu.dma_semaphore, #tpu.memory_space<semaphore_mem>>)
        %add3A_109 = arith.constant 0 : i32
        %add3A_110 = arith.constant 1 : i32
        %add3A_111 = arith.addi %add3A_109, %add3A_110 : i32
        %select_n3A_112 = arith.constant true
        %select_n3A_113 = arith.constant 0 : i32
        %select_n3A_114 = arith.select %select_n3A_112, %add3A_111, %select_n3A_113 : i32
        %rem3A_115 = arith.constant 0 : i32
        %rem3A_116 = arith.constant 2 : i32
        %rem3A_117 = arith.remui %rem3A_115, %rem3A_116 : i32
        %mul3A_118 = arith.constant 2 : i32
        %mul3A_119 = arith.muli %mul3A_118, %add3A_36 : i32
        %add3A_120 = arith.constant 1 : i32
        %add3A_121 = arith.addi %mul3A_119, %add3A_120 : i32
        %mul3A_122 = arith.constant 1 : i32
        %mul3A_123 = arith.muli %mul3A_122, %arg0 : i32
        %mul3A_124 = arith.constant 128 : i32
        %mul3A_125 = arith.muli %mul3A_124, %add3A_121 : i32
        %dma_start3A_126 = arith.constant 0 : i32
        %dma_start3A_127 = arith.constant 0 : i32
        %dma_start3A_128 = tpu.memref_slice %run_scoped3A_25[%rem3A_117, %dma_start3A_126, %dma_start3A_127] : memref<2x1x128xi32, #tpu.memory_space<vmem>> -> memref<1x1x128xi32, #tpu.memory_space<vmem>>
        %dma_start3A_129 = tpu.memref_squeeze %dma_start3A_128 : memref<1x1x128xi32, #tpu.memory_space<vmem>> -> memref<1x128xi32, #tpu.memory_space<vmem>>
        %dma_start3A_130 = tpu.memref_slice %arg3[%mul3A_123, %mul3A_125] : memref<2x161792xi32, #tpu.memory_space<hbm>> -> memref<1x128xi32, #tpu.memory_space<hbm>>
        %dma_start3A_131 = tpu.memref_slice %run_scoped3A_26[%rem3A_117] : memref<2x!tpu.dma_semaphore, #tpu.memory_space<semaphore_mem>> -> memref<1x!tpu.dma_semaphore, #tpu.memory_space<semaphore_mem>>
        %dma_start3A_132 = tpu.memref_squeeze %dma_start3A_131 : memref<1x!tpu.dma_semaphore, #tpu.memory_space<semaphore_mem>> -> memref<!tpu.dma_semaphore, #tpu.memory_space<semaphore_mem>>
        %dma_start3A_133 = arith.constant 0 : i32
        %dma_start3A_134 = arith.constant 0 : i32
        %dma_start3A_135 = tpu.memref_slice %run_scoped3A_25[%rem3A_117, %dma_start3A_133, %dma_start3A_134] : memref<2x1x128xi32, #tpu.memory_space<vmem>> -> memref<1x1x128xi32, #tpu.memory_space<vmem>>
        %dma_start3A_136 = tpu.memref_squeeze %dma_start3A_135 : memref<1x1x128xi32, #tpu.memory_space<vmem>> -> memref<1x128xi32, #tpu.memory_space<vmem>>
        %dma_start3A_137 = tpu.memref_slice %arg3[%mul3A_123, %mul3A_125] : memref<2x161792xi32, #tpu.memory_space<hbm>> -> memref<1x128xi32, #tpu.memory_space<hbm>>
        tpu.enqueue_dma source(%dma_start3A_137 : memref<1x128xi32, #tpu.memory_space<hbm>>) target(%dma_start3A_136 : memref<1x128xi32, #tpu.memory_space<vmem>>) target_semaphore(%dma_start3A_132 : memref<!tpu.dma_semaphore, #tpu.memory_space<semaphore_mem>>)
        %add3A_138 = arith.constant 0 : i32
        %add3A_139 = arith.constant 1 : i32
        %add3A_140 = arith.addi %add3A_138, %add3A_139 : i32
        %select_n3A_141 = arith.constant true
        %select_n3A_142 = arith.constant 0 : i32
        %select_n3A_143 = arith.select %select_n3A_141, %add3A_140, %select_n3A_142 : i32
        %rem3A_144 = arith.constant 0 : i32
        %rem3A_145 = arith.constant 2 : i32
        %rem3A_146 = arith.remui %rem3A_144, %rem3A_145 : i32
        %mul3A_147 = arith.constant 2 : i32
        %mul3A_148 = arith.muli %mul3A_147, %add3A_36 : i32
        %add3A_149 = arith.constant 1 : i32
        %add3A_150 = arith.addi %mul3A_148, %add3A_149 : i32
        %mul3A_151 = arith.constant 1 : i32
        %mul3A_152 = arith.muli %mul3A_151, %arg0 : i32
        %mul3A_153 = arith.constant 128 : i32
        %mul3A_154 = arith.muli %mul3A_153, %add3A_150 : i32
        %dma_start3A_155 = arith.constant 0 : i32
        %dma_start3A_156 = arith.constant 0 : i32
        %dma_start3A_157 = tpu.memref_slice %run_scoped3A_27[%rem3A_146, %dma_start3A_155, %dma_start3A_156] : memref<2x1x128xi32, #tpu.memory_space<vmem>> -> memref<1x1x128xi32, #tpu.memory_space<vmem>>
        %dma_start3A_158 = tpu.memref_squeeze %dma_start3A_157 : memref<1x1x128xi32, #tpu.memory_space<vmem>> -> memref<1x128xi32, #tpu.memory_space<vmem>>
        %dma_start3A_159 = tpu.memref_slice %arg4[%mul3A_152, %mul3A_154] : memref<2x161792xi32, #tpu.memory_space<hbm>> -> memref<1x128xi32, #tpu.memory_space<hbm>>
        %dma_start3A_160 = tpu.memref_slice %run_scoped3A_28[%rem3A_146] : memref<2x!tpu.dma_semaphore, #tpu.memory_space<semaphore_mem>> -> memref<1x!tpu.dma_semaphore, #tpu.memory_space<semaphore_mem>>
        %dma_start3A_161 = tpu.memref_squeeze %dma_start3A_160 : memref<1x!tpu.dma_semaphore, #tpu.memory_space<semaphore_mem>> -> memref<!tpu.dma_semaphore, #tpu.memory_space<semaphore_mem>>
        %dma_start3A_162 = arith.constant 0 : i32
        %dma_start3A_163 = arith.constant 0 : i32
        %dma_start3A_164 = tpu.memref_slice %run_scoped3A_27[%rem3A_146, %dma_start3A_162, %dma_start3A_163] : memref<2x1x128xi32, #tpu.memory_space<vmem>> -> memref<1x1x128xi32, #tpu.memory_space<vmem>>
        %dma_start3A_165 = tpu.memref_squeeze %dma_start3A_164 : memref<1x1x128xi32, #tpu.memory_space<vmem>> -> memref<1x128xi32, #tpu.memory_space<vmem>>
        %dma_start3A_166 = tpu.memref_slice %arg4[%mul3A_152, %mul3A_154] : memref<2x161792xi32, #tpu.memory_space<hbm>> -> memref<1x128xi32, #tpu.memory_space<hbm>>
        tpu.enqueue_dma source(%dma_start3A_166 : memref<1x128xi32, #tpu.memory_space<hbm>>) target(%dma_start3A_165 : memref<1x128xi32, #tpu.memory_space<vmem>>) target_semaphore(%dma_start3A_161 : memref<!tpu.dma_semaphore, #tpu.memory_space<semaphore_mem>>)
        %add3A_167 = arith.constant 0 : i32
        %add3A_168 = arith.constant 1 : i32
        %add3A_169 = arith.addi %add3A_167, %add3A_168 : i32
        %select_n3A_170 = arith.constant true
        %select_n3A_171 = arith.constant 0 : i32
        %select_n3A_172 = arith.select %select_n3A_170, %add3A_169, %select_n3A_171 : i32
        %while3A = arith.constant 0 : i32
        %while3A_173 = arith.constant 0 : i32
        %while3A_174 = arith.constant 0 : i32
        %while3A_175 = arith.constant 0 : i32
        %while3A_176 = arith.constant 0 : i32
        %while3A_177 = arith.constant 0 : i32
        "tpu.trace_stop"() : () -> ()
        %while3A_178 = arith.subi %mul3A_15, %while3A : i32
        %while3A_179 = arith.addi %while3A, %while3A_178 : i32
        %while3A_180 = arith.constant 1 : i32
        %while3A_181 = arith.divsi %while3A_178, %while3A_180 : i32
        %while3A_182 = arith.muli %while3A_181, %while3A_180 : i32
        %while3A_183 = arith.addi %while3A, %while3A_182 : i32
        %while3A_184 = arith.constant 1 : i32
        %while3A_185:9 = scf.for %while3A_245 = %while3A to %while3A_183 step %while3A_184 iter_args(%while3A_246 = %select_n3A_87, %while3A_247 = %while3A_173, %while3A_248 = %select_n3A_114, %while3A_249 = %while3A_174, %while3A_250 = %select_n3A_143, %while3A_251 = %while3A_175, %while3A_252 = %select_n3A_172, %while3A_253 = %while3A_176, %while3A_254 = %while3A_177) -> (i32, i32, i32, i32, i32, i32, i32, i32, i32)  : i32 {
          %mul3A_255 = arith.constant 1 : i32
          %mul3A_256 = arith.muli %mul3A_255, %select_n3A : i32
          %eq3A_257 = arith.constant 0 : i32
          %eq3A_258 = arith.cmpi eq, %while3A_245, %eq3A_257 : i32
          %sub3A_259 = arith.constant 1 : i32
          %sub3A_260 = arith.subi %mul3A_256, %sub3A_259 : i32
          %eq3A_261 = arith.cmpi eq, %while3A_245, %sub3A_260 : i32
          %add3A_262 = arith.addi %while3A_254, %select_n3A_13 : i32
          %sub3A_263 = arith.constant 1 : i32
          %sub3A_264 = arith.subi %while3A_254, %sub3A_263 : i32
          %select_n3A_265 = arith.constant true
          %select_n3A_266 = arith.select %select_n3A_265, %sub3A_264, %while3A_254 : i32
          %eq3A_267 = arith.constant -1 : i32
          %eq3A_268 = arith.cmpi eq, %select_n3A_266, %eq3A_267 : i32
          %sub3A_269 = arith.constant 1 : i32
          %sub3A_270 = arith.subi %select_n3A, %sub3A_269 : i32
          %select_n3A_271 = arith.select %eq3A_268, %sub3A_270, %select_n3A_266 : i32
          %add3A_272 = arith.addi %select_n3A_271, %select_n3A_13 : i32
          %add3A_273 = arith.constant 1 : i32
          %add3A_274 = arith.addi %while3A_254, %add3A_273 : i32
          %select_n3A_275 = arith.constant true
          %select_n3A_276 = arith.select %select_n3A_275, %add3A_274, %while3A_254 : i32
          %eq3A_277 = arith.cmpi eq, %select_n3A_276, %select_n3A : i32
          %select_n3A_278 = arith.constant 0 : i32
          %select_n3A_279 = arith.select %eq3A_277, %select_n3A_278, %select_n3A_276 : i32
          %add3A_280 = arith.addi %select_n3A_279, %select_n3A_13 : i32
          %add3A_281 = arith.constant 1 : i32
          %add3A_282 = arith.addi %select_n3A_279, %add3A_281 : i32
          %select_n3A_283 = arith.constant true
          %select_n3A_284 = arith.select %select_n3A_283, %add3A_282, %select_n3A_279 : i32
          %eq3A_285 = arith.cmpi eq, %select_n3A_284, %select_n3A : i32
          %select_n3A_286 = arith.constant 0 : i32
          %select_n3A_287 = arith.select %eq3A_285, %select_n3A_286, %select_n3A_284 : i32
          %add3A_288 = arith.addi %select_n3A_287, %select_n3A_13 : i32
          %mul3A_289 = arith.constant 2 : i32
          %mul3A_290 = arith.muli %mul3A_289, %add3A_262 : i32
          %mul3A_291 = arith.constant 2 : i32
          %mul3A_292 = arith.muli %mul3A_291, %add3A_280 : i32
          %ne3A = arith.cmpi ne, %arg0, %arg0 : i32
          %ne3A_293 = arith.cmpi ne, %mul3A_290, %mul3A_292 : i32
          %or3A = arith.constant false
          %or3A_294 = arith.ori %or3A, %ne3A : i1
          %or3A_295 = arith.ori %or3A_294, %ne3A_293 : i1
          %sub3A_296 = arith.constant 2 : i32
          %sub3A_297 = arith.subi %mul3A_256, %sub3A_296 : i32
          %add3A_298 = arith.constant 1 : i32
          %add3A_299 = arith.addi %sub3A_297, %add3A_298 : i32
          %ge3A = arith.cmpi sge, %while3A_245, %add3A_299 : i32
          %not3A = arith.constant true
          %not3A_300 = arith.xori %ge3A, %not3A : i1
          %and3A = arith.andi %or3A_295, %not3A_300 : i1
          %convert_element_type3A_301 = arith.extui %and3A : i1 to i32
          %cond3A_302 = arith.constant 0 : i32
          %cond3A_303 = arith.cmpi ne, %convert_element_type3A_301, %cond3A_302 : i32
          scf.if %cond3A_303 {
            "tpu.trace_start"() <{level = 10 : i32, message = "ep_copy_in"}> : () -> ()
            %rem3A_716 = arith.constant 2 : i32
            %rem3A_717 = arith.remui %while3A_246, %rem3A_716 : i32
            %mul3A_718 = arith.constant 2 : i32
            %mul3A_719 = arith.muli %mul3A_718, %add3A_280 : i32
            %mul3A_720 = arith.constant 1 : i32
            %mul3A_721 = arith.muli %mul3A_720, %arg0 : i32
            %mul3A_722 = arith.constant 128 : i32
            %mul3A_723 = arith.muli %mul3A_722, %mul3A_719 : i32
            %dma_start3A_724 = arith.constant 0 : i32
            %dma_start3A_725 = arith.constant 0 : i32
            %dma_start3A_726 = tpu.memref_slice %run_scoped3A[%rem3A_717, %dma_start3A_724, %dma_start3A_725] : memref<2x1x128xi32, #tpu.memory_space<vmem>> -> memref<1x1x128xi32, #tpu.memory_space<vmem>>
            %dma_start3A_727 = tpu.memref_squeeze %dma_start3A_726 : memref<1x1x128xi32, #tpu.memory_space<vmem>> -> memref<1x128xi32, #tpu.memory_space<vmem>>
            %dma_start3A_728 = tpu.memref_slice %arg3[%mul3A_721, %mul3A_723] : memref<2x161792xi32, #tpu.memory_space<hbm>> -> memref<1x128xi32, #tpu.memory_space<hbm>>
            %dma_start3A_729 = tpu.memref_slice %run_scoped3A_22[%rem3A_717] : memref<2x!tpu.dma_semaphore, #tpu.memory_space<semaphore_mem>> -> memref<1x!tpu.dma_semaphore, #tpu.memory_space<semaphore_mem>>
            %dma_start3A_730 = tpu.memref_squeeze %dma_start3A_729 : memref<1x!tpu.dma_semaphore, #tpu.memory_space<semaphore_mem>> -> memref<!tpu.dma_semaphore, #tpu.memory_space<semaphore_mem>>
            %dma_start3A_731 = arith.constant 0 : i32
            %dma_start3A_732 = arith.constant 0 : i32
            %dma_start3A_733 = tpu.memref_slice %run_scoped3A[%rem3A_717, %dma_start3A_731, %dma_start3A_732] : memref<2x1x128xi32, #tpu.memory_space<vmem>> -> memref<1x1x128xi32, #tpu.memory_space<vmem>>
            %dma_start3A_734 = tpu.memref_squeeze %dma_start3A_733 : memref<1x1x128xi32, #tpu.memory_space<vmem>> -> memref<1x128xi32, #tpu.memory_space<vmem>>
            %dma_start3A_735 = tpu.memref_slice %arg3[%mul3A_721, %mul3A_723] : memref<2x161792xi32, #tpu.memory_space<hbm>> -> memref<1x128xi32, #tpu.memory_space<hbm>>
            tpu.enqueue_dma source(%dma_start3A_735 : memref<1x128xi32, #tpu.memory_space<hbm>>) target(%dma_start3A_734 : memref<1x128xi32, #tpu.memory_space<vmem>>) target_semaphore(%dma_start3A_730 : memref<!tpu.dma_semaphore, #tpu.memory_space<semaphore_mem>>)
            "tpu.trace_stop"() : () -> ()
          } else {
          }
          %and3A_304 = arith.constant true
          %and3A_305 = arith.andi %and3A, %and3A_304 : i1
          %add3A_306 = arith.constant 1 : i32
          %add3A_307 = arith.addi %while3A_246, %add3A_306 : i32
          %select_n3A_308 = arith.select %and3A_305, %add3A_307, %while3A_246 : i32
          %mul3A_309 = arith.constant 2 : i32
          %mul3A_310 = arith.muli %mul3A_309, %add3A_262 : i32
          %mul3A_311 = arith.constant 2 : i32
          %mul3A_312 = arith.muli %mul3A_311, %add3A_280 : i32
          %ne3A_313 = arith.cmpi ne, %arg0, %arg0 : i32
          %ne3A_314 = arith.cmpi ne, %mul3A_310, %mul3A_312 : i32
          %or3A_315 = arith.constant false
          %or3A_316 = arith.ori %or3A_315, %ne3A_313 : i1
          %or3A_317 = arith.ori %or3A_316, %ne3A_314 : i1
          %sub3A_318 = arith.constant 2 : i32
          %sub3A_319 = arith.subi %mul3A_256, %sub3A_318 : i32
          %add3A_320 = arith.constant 1 : i32
          %add3A_321 = arith.addi %sub3A_319, %add3A_320 : i32
          %ge3A_322 = arith.cmpi sge, %while3A_245, %add3A_321 : i32
          %not3A_323 = arith.constant true
          %not3A_324 = arith.xori %ge3A_322, %not3A_323 : i1
          %and3A_325 = arith.andi %or3A_317, %not3A_324 : i1
          %convert_element_type3A_326 = arith.extui %and3A_325 : i1 to i32
          %cond3A_327 = arith.constant 0 : i32
          %cond3A_328 = arith.cmpi ne, %convert_element_type3A_326, %cond3A_327 : i32
          scf.if %cond3A_328 {
            "tpu.trace_start"() <{level = 10 : i32, message = "ep_copy_in"}> : () -> ()
            %rem3A_716 = arith.constant 2 : i32
            %rem3A_717 = arith.remui %while3A_248, %rem3A_716 : i32
            %mul3A_718 = arith.constant 2 : i32
            %mul3A_719 = arith.muli %mul3A_718, %add3A_280 : i32
            %mul3A_720 = arith.constant 1 : i32
            %mul3A_721 = arith.muli %mul3A_720, %arg0 : i32
            %mul3A_722 = arith.constant 128 : i32
            %mul3A_723 = arith.muli %mul3A_722, %mul3A_719 : i32
            %dma_start3A_724 = arith.constant 0 : i32
            %dma_start3A_725 = arith.constant 0 : i32
            %dma_start3A_726 = tpu.memref_slice %run_scoped3A_23[%rem3A_717, %dma_start3A_724, %dma_start3A_725] : memref<2x1x128xi32, #tpu.memory_space<vmem>> -> memref<1x1x128xi32, #tpu.memory_space<vmem>>
            %dma_start3A_727 = tpu.memref_squeeze %dma_start3A_726 : memref<1x1x128xi32, #tpu.memory_space<vmem>> -> memref<1x128xi32, #tpu.memory_space<vmem>>
            %dma_start3A_728 = tpu.memref_slice %arg4[%mul3A_721, %mul3A_723] : memref<2x161792xi32, #tpu.memory_space<hbm>> -> memref<1x128xi32, #tpu.memory_space<hbm>>
            %dma_start3A_729 = tpu.memref_slice %run_scoped3A_24[%rem3A_717] : memref<2x!tpu.dma_semaphore, #tpu.memory_space<semaphore_mem>> -> memref<1x!tpu.dma_semaphore, #tpu.memory_space<semaphore_mem>>
            %dma_start3A_730 = tpu.memref_squeeze %dma_start3A_729 : memref<1x!tpu.dma_semaphore, #tpu.memory_space<semaphore_mem>> -> memref<!tpu.dma_semaphore, #tpu.memory_space<semaphore_mem>>
            %dma_start3A_731 = arith.constant 0 : i32
            %dma_start3A_732 = arith.constant 0 : i32
            %dma_start3A_733 = tpu.memref_slice %run_scoped3A_23[%rem3A_717, %dma_start3A_731, %dma_start3A_732] : memref<2x1x128xi32, #tpu.memory_space<vmem>> -> memref<1x1x128xi32, #tpu.memory_space<vmem>>
            %dma_start3A_734 = tpu.memref_squeeze %dma_start3A_733 : memref<1x1x128xi32, #tpu.memory_space<vmem>> -> memref<1x128xi32, #tpu.memory_space<vmem>>
            %dma_start3A_735 = tpu.memref_slice %arg4[%mul3A_721, %mul3A_723] : memref<2x161792xi32, #tpu.memory_space<hbm>> -> memref<1x128xi32, #tpu.memory_space<hbm>>
            tpu.enqueue_dma source(%dma_start3A_735 : memref<1x128xi32, #tpu.memory_space<hbm>>) target(%dma_start3A_734 : memref<1x128xi32, #tpu.memory_space<vmem>>) target_semaphore(%dma_start3A_730 : memref<!tpu.dma_semaphore, #tpu.memory_space<semaphore_mem>>)
            "tpu.trace_stop"() : () -> ()
          } else {
          }
          %and3A_329 = arith.constant true
          %and3A_330 = arith.andi %and3A_325, %and3A_329 : i1
          %add3A_331 = arith.constant 1 : i32
          %add3A_332 = arith.addi %while3A_248, %add3A_331 : i32
          %select_n3A_333 = arith.select %and3A_330, %add3A_332, %while3A_248 : i32
          %mul3A_334 = arith.constant 2 : i32
          %mul3A_335 = arith.muli %mul3A_334, %add3A_262 : i32
          %add3A_336 = arith.constant 1 : i32
          %add3A_337 = arith.addi %mul3A_335, %add3A_336 : i32
          %mul3A_338 = arith.constant 2 : i32
          %mul3A_339 = arith.muli %mul3A_338, %add3A_280 : i32
          %add3A_340 = arith.constant 1 : i32
          %add3A_341 = arith.addi %mul3A_339, %add3A_340 : i32
          %ne3A_342 = arith.cmpi ne, %arg0, %arg0 : i32
          %ne3A_343 = arith.cmpi ne, %add3A_337, %add3A_341 : i32
          %or3A_344 = arith.constant false
          %or3A_345 = arith.ori %or3A_344, %ne3A_342 : i1
          %or3A_346 = arith.ori %or3A_345, %ne3A_343 : i1
          %sub3A_347 = arith.constant 2 : i32
          %sub3A_348 = arith.subi %mul3A_256, %sub3A_347 : i32
          %add3A_349 = arith.constant 1 : i32
          %add3A_350 = arith.addi %sub3A_348, %add3A_349 : i32
          %ge3A_351 = arith.cmpi sge, %while3A_245, %add3A_350 : i32
          %not3A_352 = arith.constant true
          %not3A_353 = arith.xori %ge3A_351, %not3A_352 : i1
          %and3A_354 = arith.andi %or3A_346, %not3A_353 : i1
          %convert_element_type3A_355 = arith.extui %and3A_354 : i1 to i32
          %cond3A_356 = arith.constant 0 : i32
          %cond3A_357 = arith.cmpi ne, %convert_element_type3A_355, %cond3A_356 : i32
          scf.if %cond3A_357 {
            "tpu.trace_start"() <{level = 10 : i32, message = "ep_copy_in"}> : () -> ()
            %rem3A_716 = arith.constant 2 : i32
            %rem3A_717 = arith.remui %while3A_250, %rem3A_716 : i32
            %mul3A_718 = arith.constant 2 : i32
            %mul3A_719 = arith.muli %mul3A_718, %add3A_280 : i32
            %add3A_720 = arith.constant 1 : i32
            %add3A_721 = arith.addi %mul3A_719, %add3A_720 : i32
            %mul3A_722 = arith.constant 1 : i32
            %mul3A_723 = arith.muli %mul3A_722, %arg0 : i32
            %mul3A_724 = arith.constant 128 : i32
            %mul3A_725 = arith.muli %mul3A_724, %add3A_721 : i32
            %dma_start3A_726 = arith.constant 0 : i32
            %dma_start3A_727 = arith.constant 0 : i32
            %dma_start3A_728 = tpu.memref_slice %run_scoped3A_25[%rem3A_717, %dma_start3A_726, %dma_start3A_727] : memref<2x1x128xi32, #tpu.memory_space<vmem>> -> memref<1x1x128xi32, #tpu.memory_space<vmem>>
            %dma_start3A_729 = tpu.memref_squeeze %dma_start3A_728 : memref<1x1x128xi32, #tpu.memory_space<vmem>> -> memref<1x128xi32, #tpu.memory_space<vmem>>
            %dma_start3A_730 = tpu.memref_slice %arg3[%mul3A_723, %mul3A_725] : memref<2x161792xi32, #tpu.memory_space<hbm>> -> memref<1x128xi32, #tpu.memory_space<hbm>>
            %dma_start3A_731 = tpu.memref_slice %run_scoped3A_26[%rem3A_717] : memref<2x!tpu.dma_semaphore, #tpu.memory_space<semaphore_mem>> -> memref<1x!tpu.dma_semaphore, #tpu.memory_space<semaphore_mem>>
            %dma_start3A_732 = tpu.memref_squeeze %dma_start3A_731 : memref<1x!tpu.dma_semaphore, #tpu.memory_space<semaphore_mem>> -> memref<!tpu.dma_semaphore, #tpu.memory_space<semaphore_mem>>
            %dma_start3A_733 = arith.constant 0 : i32
            %dma_start3A_734 = arith.constant 0 : i32
            %dma_start3A_735 = tpu.memref_slice %run_scoped3A_25[%rem3A_717, %dma_start3A_733, %dma_start3A_734] : memref<2x1x128xi32, #tpu.memory_space<vmem>> -> memref<1x1x128xi32, #tpu.memory_space<vmem>>
            %dma_start3A_736 = tpu.memref_squeeze %dma_start3A_735 : memref<1x1x128xi32, #tpu.memory_space<vmem>> -> memref<1x128xi32, #tpu.memory_space<vmem>>
            %dma_start3A_737 = tpu.memref_slice %arg3[%mul3A_723, %mul3A_725] : memref<2x161792xi32, #tpu.memory_space<hbm>> -> memref<1x128xi32, #tpu.memory_space<hbm>>
            tpu.enqueue_dma source(%dma_start3A_737 : memref<1x128xi32, #tpu.memory_space<hbm>>) target(%dma_start3A_736 : memref<1x128xi32, #tpu.memory_space<vmem>>) target_semaphore(%dma_start3A_732 : memref<!tpu.dma_semaphore, #tpu.memory_space<semaphore_mem>>)
            "tpu.trace_stop"() : () -> ()
          } else {
          }
          %and3A_358 = arith.constant true
          %and3A_359 = arith.andi %and3A_354, %and3A_358 : i1
          %add3A_360 = arith.constant 1 : i32
          %add3A_361 = arith.addi %while3A_250, %add3A_360 : i32
          %select_n3A_362 = arith.select %and3A_359, %add3A_361, %while3A_250 : i32
          %mul3A_363 = arith.constant 2 : i32
          %mul3A_364 = arith.muli %mul3A_363, %add3A_262 : i32
          %add3A_365 = arith.constant 1 : i32
          %add3A_366 = arith.addi %mul3A_364, %add3A_365 : i32
          %mul3A_367 = arith.constant 2 : i32
          %mul3A_368 = arith.muli %mul3A_367, %add3A_280 : i32
          %add3A_369 = arith.constant 1 : i32
          %add3A_370 = arith.addi %mul3A_368, %add3A_369 : i32
          %ne3A_371 = arith.cmpi ne, %arg0, %arg0 : i32
          %ne3A_372 = arith.cmpi ne, %add3A_366, %add3A_370 : i32
          %or3A_373 = arith.constant false
          %or3A_374 = arith.ori %or3A_373, %ne3A_371 : i1
          %or3A_375 = arith.ori %or3A_374, %ne3A_372 : i1
          %sub3A_376 = arith.constant 2 : i32
          %sub3A_377 = arith.subi %mul3A_256, %sub3A_376 : i32
          %add3A_378 = arith.constant 1 : i32
          %add3A_379 = arith.addi %sub3A_377, %add3A_378 : i32
          %ge3A_380 = arith.cmpi sge, %while3A_245, %add3A_379 : i32
          %not3A_381 = arith.constant true
          %not3A_382 = arith.xori %ge3A_380, %not3A_381 : i1
          %and3A_383 = arith.andi %or3A_375, %not3A_382 : i1
          %convert_element_type3A_384 = arith.extui %and3A_383 : i1 to i32
          %cond3A_385 = arith.constant 0 : i32
          %cond3A_386 = arith.cmpi ne, %convert_element_type3A_384, %cond3A_385 : i32
          scf.if %cond3A_386 {
            "tpu.trace_start"() <{level = 10 : i32, message = "ep_copy_in"}> : () -> ()
            %rem3A_716 = arith.constant 2 : i32
            %rem3A_717 = arith.remui %while3A_252, %rem3A_716 : i32
            %mul3A_718 = arith.constant 2 : i32
            %mul3A_719 = arith.muli %mul3A_718, %add3A_280 : i32
            %add3A_720 = arith.constant 1 : i32
            %add3A_721 = arith.addi %mul3A_719, %add3A_720 : i32
            %mul3A_722 = arith.constant 1 : i32
            %mul3A_723 = arith.muli %mul3A_722, %arg0 : i32
            %mul3A_724 = arith.constant 128 : i32
            %mul3A_725 = arith.muli %mul3A_724, %add3A_721 : i32
            %dma_start3A_726 = arith.constant 0 : i32
            %dma_start3A_727 = arith.constant 0 : i32
            %dma_start3A_728 = tpu.memref_slice %run_scoped3A_27[%rem3A_717, %dma_start3A_726, %dma_start3A_727] : memref<2x1x128xi32, #tpu.memory_space<vmem>> -> memref<1x1x128xi32, #tpu.memory_space<vmem>>
            %dma_start3A_729 = tpu.memref_squeeze %dma_start3A_728 : memref<1x1x128xi32, #tpu.memory_space<vmem>> -> memref<1x128xi32, #tpu.memory_space<vmem>>
            %dma_start3A_730 = tpu.memref_slice %arg4[%mul3A_723, %mul3A_725] : memref<2x161792xi32, #tpu.memory_space<hbm>> -> memref<1x128xi32, #tpu.memory_space<hbm>>
            %dma_start3A_731 = tpu.memref_slice %run_scoped3A_28[%rem3A_717] : memref<2x!tpu.dma_semaphore, #tpu.memory_space<semaphore_mem>> -> memref<1x!tpu.dma_semaphore, #tpu.memory_space<semaphore_mem>>
            %dma_start3A_732 = tpu.memref_squeeze %dma_start3A_731 : memref<1x!tpu.dma_semaphore, #tpu.memory_space<semaphore_mem>> -> memref<!tpu.dma_semaphore, #tpu.memory_space<semaphore_mem>>
            %dma_start3A_733 = arith.constant 0 : i32
            %dma_start3A_734 = arith.constant 0 : i32
            %dma_start3A_735 = tpu.memref_slice %run_scoped3A_27[%rem3A_717, %dma_start3A_733, %dma_start3A_734] : memref<2x1x128xi32, #tpu.memory_space<vmem>> -> memref<1x1x128xi32, #tpu.memory_space<vmem>>
            %dma_start3A_736 = tpu.memref_squeeze %dma_start3A_735 : memref<1x1x128xi32, #tpu.memory_space<vmem>> -> memref<1x128xi32, #tpu.memory_space<vmem>>
            %dma_start3A_737 = tpu.memref_slice %arg4[%mul3A_723, %mul3A_725] : memref<2x161792xi32, #tpu.memory_space<hbm>> -> memref<1x128xi32, #tpu.memory_space<hbm>>
            tpu.enqueue_dma source(%dma_start3A_737 : memref<1x128xi32, #tpu.memory_space<hbm>>) target(%dma_start3A_736 : memref<1x128xi32, #tpu.memory_space<vmem>>) target_semaphore(%dma_start3A_732 : memref<!tpu.dma_semaphore, #tpu.memory_space<semaphore_mem>>)
            "tpu.trace_stop"() : () -> ()
          } else {
          }
          %and3A_387 = arith.constant true
          %and3A_388 = arith.andi %and3A_383, %and3A_387 : i1
          %add3A_389 = arith.constant 1 : i32
          %add3A_390 = arith.addi %while3A_252, %add3A_389 : i32
          %select_n3A_391 = arith.select %and3A_388, %add3A_390, %while3A_252 : i32
          %mul3A_392 = arith.constant 2 : i32
          %mul3A_393 = arith.muli %mul3A_392, %add3A_262 : i32
          %mul3A_394 = arith.constant 2 : i32
          %mul3A_395 = arith.muli %mul3A_394, %add3A_272 : i32
          %ne3A_396 = arith.cmpi ne, %arg0, %arg0 : i32
          %ne3A_397 = arith.cmpi ne, %mul3A_393, %mul3A_395 : i32
          %or3A_398 = arith.constant false
          %or3A_399 = arith.ori %or3A_398, %ne3A_396 : i1
          %or3A_400 = arith.ori %or3A_399, %ne3A_397 : i1
          %or3A_401 = arith.ori %or3A_400, %eq3A_258 : i1
          %convert_element_type3A_402 = arith.extui %or3A_401 : i1 to i32
          %cond3A_403 = arith.constant 0 : i32
          %cond3A_404 = arith.cmpi ne, %convert_element_type3A_402, %cond3A_403 : i32
          scf.if %cond3A_404 {
            "tpu.trace_start"() <{level = 10 : i32, message = "ep_wait_in"}> : () -> ()
            %mul3A_716 = arith.constant 2 : i32
            %mul3A_717 = arith.muli %mul3A_716, %add3A_262 : i32
            %mul3A_718 = arith.constant 1 : i32
            %mul3A_719 = arith.muli %mul3A_718, %arg0 : i32
            %mul3A_720 = arith.constant 128 : i32
            %mul3A_721 = arith.muli %mul3A_720, %mul3A_717 : i32
            %rem3A_722 = arith.constant 2 : i32
            %rem3A_723 = arith.remui %while3A_247, %rem3A_722 : i32
            %dma_wait3A_724 = arith.constant 0 : i32
            %dma_wait3A_725 = arith.constant 0 : i32
            %dma_wait3A_726 = tpu.memref_slice %run_scoped3A[%rem3A_723, %dma_wait3A_724, %dma_wait3A_725] : memref<2x1x128xi32, #tpu.memory_space<vmem>> -> memref<1x1x128xi32, #tpu.memory_space<vmem>>
            %dma_wait3A_727 = tpu.memref_squeeze %dma_wait3A_726 : memref<1x1x128xi32, #tpu.memory_space<vmem>> -> memref<1x128xi32, #tpu.memory_space<vmem>>
            %dma_wait3A_728 = tpu.memref_slice %arg3[%mul3A_719, %mul3A_721] : memref<2x161792xi32, #tpu.memory_space<hbm>> -> memref<1x128xi32, #tpu.memory_space<hbm>>
            %dma_wait3A_729 = tpu.memref_slice %run_scoped3A_22[%rem3A_723] : memref<2x!tpu.dma_semaphore, #tpu.memory_space<semaphore_mem>> -> memref<1x!tpu.dma_semaphore, #tpu.memory_space<semaphore_mem>>
            %dma_wait3A_730 = tpu.memref_squeeze %dma_wait3A_729 : memref<1x!tpu.dma_semaphore, #tpu.memory_space<semaphore_mem>> -> memref<!tpu.dma_semaphore, #tpu.memory_space<semaphore_mem>>
            %dma_wait3A_731 = arith.constant 0 : i32
            %dma_wait3A_732 = arith.constant 0 : i32
            %dma_wait3A_733 = tpu.memref_slice %run_scoped3A[%rem3A_723, %dma_wait3A_731, %dma_wait3A_732] : memref<2x1x128xi32, #tpu.memory_space<vmem>> -> memref<1x1x128xi32, #tpu.memory_space<vmem>>
            %dma_wait3A_734 = tpu.memref_squeeze %dma_wait3A_733 : memref<1x1x128xi32, #tpu.memory_space<vmem>> -> memref<1x128xi32, #tpu.memory_space<vmem>>
            %dma_wait3A_735 = tpu.memref_slice %arg3[%mul3A_719, %mul3A_721] : memref<2x161792xi32, #tpu.memory_space<hbm>> -> memref<1x128xi32, #tpu.memory_space<hbm>>
            tpu.wait_dma2 semaphore(%dma_wait3A_730 : memref<!tpu.dma_semaphore, #tpu.memory_space<semaphore_mem>>) src(%dma_wait3A_735 : memref<1x128xi32, #tpu.memory_space<hbm>>) dst(%dma_wait3A_734 : memref<1x128xi32, #tpu.memory_space<vmem>>)
            "tpu.trace_stop"() : () -> ()
          } else {
          }
          %mul3A_405 = arith.constant 2 : i32
          %mul3A_406 = arith.muli %mul3A_405, %add3A_262 : i32
          %mul3A_407 = arith.constant 2 : i32
          %mul3A_408 = arith.muli %mul3A_407, %add3A_272 : i32
          %ne3A_409 = arith.cmpi ne, %arg0, %arg0 : i32
          %ne3A_410 = arith.cmpi ne, %mul3A_406, %mul3A_408 : i32
          %or3A_411 = arith.constant false
          %or3A_412 = arith.ori %or3A_411, %ne3A_409 : i1
          %or3A_413 = arith.ori %or3A_412, %ne3A_410 : i1
          %or3A_414 = arith.ori %or3A_413, %eq3A_258 : i1
          %convert_element_type3A_415 = arith.extui %or3A_414 : i1 to i32
          %cond3A_416 = arith.constant 0 : i32
          %cond3A_417 = arith.cmpi ne, %convert_element_type3A_415, %cond3A_416 : i32
          scf.if %cond3A_417 {
            "tpu.trace_start"() <{level = 10 : i32, message = "ep_wait_in"}> : () -> ()
            %mul3A_716 = arith.constant 2 : i32
            %mul3A_717 = arith.muli %mul3A_716, %add3A_262 : i32
            %mul3A_718 = arith.constant 1 : i32
            %mul3A_719 = arith.muli %mul3A_718, %arg0 : i32
            %mul3A_720 = arith.constant 128 : i32
            %mul3A_721 = arith.muli %mul3A_720, %mul3A_717 : i32
            %rem3A_722 = arith.constant 2 : i32
            %rem3A_723 = arith.remui %while3A_249, %rem3A_722 : i32
            %dma_wait3A_724 = arith.constant 0 : i32
            %dma_wait3A_725 = arith.constant 0 : i32
            %dma_wait3A_726 = tpu.memref_slice %run_scoped3A_23[%rem3A_723, %dma_wait3A_724, %dma_wait3A_725] : memref<2x1x128xi32, #tpu.memory_space<vmem>> -> memref<1x1x128xi32, #tpu.memory_space<vmem>>
            %dma_wait3A_727 = tpu.memref_squeeze %dma_wait3A_726 : memref<1x1x128xi32, #tpu.memory_space<vmem>> -> memref<1x128xi32, #tpu.memory_space<vmem>>
            %dma_wait3A_728 = tpu.memref_slice %arg4[%mul3A_719, %mul3A_721] : memref<2x161792xi32, #tpu.memory_space<hbm>> -> memref<1x128xi32, #tpu.memory_space<hbm>>
            %dma_wait3A_729 = tpu.memref_slice %run_scoped3A_24[%rem3A_723] : memref<2x!tpu.dma_semaphore, #tpu.memory_space<semaphore_mem>> -> memref<1x!tpu.dma_semaphore, #tpu.memory_space<semaphore_mem>>
            %dma_wait3A_730 = tpu.memref_squeeze %dma_wait3A_729 : memref<1x!tpu.dma_semaphore, #tpu.memory_space<semaphore_mem>> -> memref<!tpu.dma_semaphore, #tpu.memory_space<semaphore_mem>>
            %dma_wait3A_731 = arith.constant 0 : i32
            %dma_wait3A_732 = arith.constant 0 : i32
            %dma_wait3A_733 = tpu.memref_slice %run_scoped3A_23[%rem3A_723, %dma_wait3A_731, %dma_wait3A_732] : memref<2x1x128xi32, #tpu.memory_space<vmem>> -> memref<1x1x128xi32, #tpu.memory_space<vmem>>
            %dma_wait3A_734 = tpu.memref_squeeze %dma_wait3A_733 : memref<1x1x128xi32, #tpu.memory_space<vmem>> -> memref<1x128xi32, #tpu.memory_space<vmem>>
            %dma_wait3A_735 = tpu.memref_slice %arg4[%mul3A_719, %mul3A_721] : memref<2x161792xi32, #tpu.memory_space<hbm>> -> memref<1x128xi32, #tpu.memory_space<hbm>>
            tpu.wait_dma2 semaphore(%dma_wait3A_730 : memref<!tpu.dma_semaphore, #tpu.memory_space<semaphore_mem>>) src(%dma_wait3A_735 : memref<1x128xi32, #tpu.memory_space<hbm>>) dst(%dma_wait3A_734 : memref<1x128xi32, #tpu.memory_space<vmem>>)
            "tpu.trace_stop"() : () -> ()
          } else {
          }
          %mul3A_418 = arith.constant 2 : i32
          %mul3A_419 = arith.muli %mul3A_418, %add3A_262 : i32
          %add3A_420 = arith.constant 1 : i32
          %add3A_421 = arith.addi %mul3A_419, %add3A_420 : i32
          %mul3A_422 = arith.constant 2 : i32
          %mul3A_423 = arith.muli %mul3A_422, %add3A_272 : i32
          %add3A_424 = arith.constant 1 : i32
          %add3A_425 = arith.addi %mul3A_423, %add3A_424 : i32
          %ne3A_426 = arith.cmpi ne, %arg0, %arg0 : i32
          %ne3A_427 = arith.cmpi ne, %add3A_421, %add3A_425 : i32
          %or3A_428 = arith.constant false
          %or3A_429 = arith.ori %or3A_428, %ne3A_426 : i1
          %or3A_430 = arith.ori %or3A_429, %ne3A_427 : i1
          %or3A_431 = arith.ori %or3A_430, %eq3A_258 : i1
          %convert_element_type3A_432 = arith.extui %or3A_431 : i1 to i32
          %cond3A_433 = arith.constant 0 : i32
          %cond3A_434 = arith.cmpi ne, %convert_element_type3A_432, %cond3A_433 : i32
          scf.if %cond3A_434 {
            "tpu.trace_start"() <{level = 10 : i32, message = "ep_wait_in"}> : () -> ()
            %mul3A_716 = arith.constant 2 : i32
            %mul3A_717 = arith.muli %mul3A_716, %add3A_262 : i32
            %add3A_718 = arith.constant 1 : i32
            %add3A_719 = arith.addi %mul3A_717, %add3A_718 : i32
            %mul3A_720 = arith.constant 1 : i32
            %mul3A_721 = arith.muli %mul3A_720, %arg0 : i32
            %mul3A_722 = arith.constant 128 : i32
            %mul3A_723 = arith.muli %mul3A_722, %add3A_719 : i32
            %rem3A_724 = arith.constant 2 : i32
            %rem3A_725 = arith.remui %while3A_251, %rem3A_724 : i32
            %dma_wait3A_726 = arith.constant 0 : i32
            %dma_wait3A_727 = arith.constant 0 : i32
            %dma_wait3A_728 = tpu.memref_slice %run_scoped3A_25[%rem3A_725, %dma_wait3A_726, %dma_wait3A_727] : memref<2x1x128xi32, #tpu.memory_space<vmem>> -> memref<1x1x128xi32, #tpu.memory_space<vmem>>
            %dma_wait3A_729 = tpu.memref_squeeze %dma_wait3A_728 : memref<1x1x128xi32, #tpu.memory_space<vmem>> -> memref<1x128xi32, #tpu.memory_space<vmem>>
            %dma_wait3A_730 = tpu.memref_slice %arg3[%mul3A_721, %mul3A_723] : memref<2x161792xi32, #tpu.memory_space<hbm>> -> memref<1x128xi32, #tpu.memory_space<hbm>>
            %dma_wait3A_731 = tpu.memref_slice %run_scoped3A_26[%rem3A_725] : memref<2x!tpu.dma_semaphore, #tpu.memory_space<semaphore_mem>> -> memref<1x!tpu.dma_semaphore, #tpu.memory_space<semaphore_mem>>
            %dma_wait3A_732 = tpu.memref_squeeze %dma_wait3A_731 : memref<1x!tpu.dma_semaphore, #tpu.memory_space<semaphore_mem>> -> memref<!tpu.dma_semaphore, #tpu.memory_space<semaphore_mem>>
            %dma_wait3A_733 = arith.constant 0 : i32
            %dma_wait3A_734 = arith.constant 0 : i32
            %dma_wait3A_735 = tpu.memref_slice %run_scoped3A_25[%rem3A_725, %dma_wait3A_733, %dma_wait3A_734] : memref<2x1x128xi32, #tpu.memory_space<vmem>> -> memref<1x1x128xi32, #tpu.memory_space<vmem>>
            %dma_wait3A_736 = tpu.memref_squeeze %dma_wait3A_735 : memref<1x1x128xi32, #tpu.memory_space<vmem>> -> memref<1x128xi32, #tpu.memory_space<vmem>>
            %dma_wait3A_737 = tpu.memref_slice %arg3[%mul3A_721, %mul3A_723] : memref<2x161792xi32, #tpu.memory_space<hbm>> -> memref<1x128xi32, #tpu.memory_space<hbm>>
            tpu.wait_dma2 semaphore(%dma_wait3A_732 : memref<!tpu.dma_semaphore, #tpu.memory_space<semaphore_mem>>) src(%dma_wait3A_737 : memref<1x128xi32, #tpu.memory_space<hbm>>) dst(%dma_wait3A_736 : memref<1x128xi32, #tpu.memory_space<vmem>>)
            "tpu.trace_stop"() : () -> ()
          } else {
          }
          %mul3A_435 = arith.constant 2 : i32
          %mul3A_436 = arith.muli %mul3A_435, %add3A_262 : i32
          %add3A_437 = arith.constant 1 : i32
          %add3A_438 = arith.addi %mul3A_436, %add3A_437 : i32
          %mul3A_439 = arith.constant 2 : i32
          %mul3A_440 = arith.muli %mul3A_439, %add3A_272 : i32
          %add3A_441 = arith.constant 1 : i32
          %add3A_442 = arith.addi %mul3A_440, %add3A_441 : i32
          %ne3A_443 = arith.cmpi ne, %arg0, %arg0 : i32
          %ne3A_444 = arith.cmpi ne, %add3A_438, %add3A_442 : i32
          %or3A_445 = arith.constant false
          %or3A_446 = arith.ori %or3A_445, %ne3A_443 : i1
          %or3A_447 = arith.ori %or3A_446, %ne3A_444 : i1
          %or3A_448 = arith.ori %or3A_447, %eq3A_258 : i1
          %convert_element_type3A_449 = arith.extui %or3A_448 : i1 to i32
          %cond3A_450 = arith.constant 0 : i32
          %cond3A_451 = arith.cmpi ne, %convert_element_type3A_449, %cond3A_450 : i32
          scf.if %cond3A_451 {
            "tpu.trace_start"() <{level = 10 : i32, message = "ep_wait_in"}> : () -> ()
            %mul3A_716 = arith.constant 2 : i32
            %mul3A_717 = arith.muli %mul3A_716, %add3A_262 : i32
            %add3A_718 = arith.constant 1 : i32
            %add3A_719 = arith.addi %mul3A_717, %add3A_718 : i32
            %mul3A_720 = arith.constant 1 : i32
            %mul3A_721 = arith.muli %mul3A_720, %arg0 : i32
            %mul3A_722 = arith.constant 128 : i32
            %mul3A_723 = arith.muli %mul3A_722, %add3A_719 : i32
            %rem3A_724 = arith.constant 2 : i32
            %rem3A_725 = arith.remui %while3A_253, %rem3A_724 : i32
            %dma_wait3A_726 = arith.constant 0 : i32
            %dma_wait3A_727 = arith.constant 0 : i32
            %dma_wait3A_728 = tpu.memref_slice %run_scoped3A_27[%rem3A_725, %dma_wait3A_726, %dma_wait3A_727] : memref<2x1x128xi32, #tpu.memory_space<vmem>> -> memref<1x1x128xi32, #tpu.memory_space<vmem>>
            %dma_wait3A_729 = tpu.memref_squeeze %dma_wait3A_728 : memref<1x1x128xi32, #tpu.memory_space<vmem>> -> memref<1x128xi32, #tpu.memory_space<vmem>>
            %dma_wait3A_730 = tpu.memref_slice %arg4[%mul3A_721, %mul3A_723] : memref<2x161792xi32, #tpu.memory_space<hbm>> -> memref<1x128xi32, #tpu.memory_space<hbm>>
            %dma_wait3A_731 = tpu.memref_slice %run_scoped3A_28[%rem3A_725] : memref<2x!tpu.dma_semaphore, #tpu.memory_space<semaphore_mem>> -> memref<1x!tpu.dma_semaphore, #tpu.memory_space<semaphore_mem>>
            %dma_wait3A_732 = tpu.memref_squeeze %dma_wait3A_731 : memref<1x!tpu.dma_semaphore, #tpu.memory_space<semaphore_mem>> -> memref<!tpu.dma_semaphore, #tpu.memory_space<semaphore_mem>>
            %dma_wait3A_733 = arith.constant 0 : i32
            %dma_wait3A_734 = arith.constant 0 : i32
            %dma_wait3A_735 = tpu.memref_slice %run_scoped3A_27[%rem3A_725, %dma_wait3A_733, %dma_wait3A_734] : memref<2x1x128xi32, #tpu.memory_space<vmem>> -> memref<1x1x128xi32, #tpu.memory_space<vmem>>
            %dma_wait3A_736 = tpu.memref_squeeze %dma_wait3A_735 : memref<1x1x128xi32, #tpu.memory_space<vmem>> -> memref<1x128xi32, #tpu.memory_space<vmem>>
            %dma_wait3A_737 = tpu.memref_slice %arg4[%mul3A_721, %mul3A_723] : memref<2x161792xi32, #tpu.memory_space<hbm>> -> memref<1x128xi32, #tpu.memory_space<hbm>>
            tpu.wait_dma2 semaphore(%dma_wait3A_732 : memref<!tpu.dma_semaphore, #tpu.memory_space<semaphore_mem>>) src(%dma_wait3A_737 : memref<1x128xi32, #tpu.memory_space<hbm>>) dst(%dma_wait3A_736 : memref<1x128xi32, #tpu.memory_space<vmem>>)
            "tpu.trace_stop"() : () -> ()
          } else {
          }
          %rem3A_452 = arith.constant 2 : i32
          %rem3A_453 = arith.remui %while3A_247, %rem3A_452 : i32
          %rem3A_454 = arith.constant 2 : i32
          %rem3A_455 = arith.remui %while3A_249, %rem3A_454 : i32
          %rem3A_456 = arith.constant 2 : i32
          %rem3A_457 = arith.remui %while3A_251, %rem3A_456 : i32
          %rem3A_458 = arith.constant 2 : i32
          %rem3A_459 = arith.remui %while3A_253, %rem3A_458 : i32
          %dma_start3A_460 = arith.constant 0 : i32
          "tpu.trace_start"() <{level = 10 : i32, message = "ep_run_kernel"}> : () -> ()
          %dma_start3A_461 = arith.constant 0 : i32
          %dma_start3A_462 = arith.constant 0 : i32
          %dma_start3A_463 = tpu.memref_slice %run_scoped3A[%rem3A_453, %dma_start3A_461, %dma_start3A_462] : memref<2x1x128xi32, #tpu.memory_space<vmem>> -> memref<1x1x128xi32, #tpu.memory_space<vmem>>
          %dma_start3A_464 = tpu.memref_squeeze %dma_start3A_463 : memref<1x1x128xi32, #tpu.memory_space<vmem>> -> memref<1x128xi32, #tpu.memory_space<vmem>>
          %dma_start3A_465 = arith.constant 0 : i32
          %dma_start3A_466 = tpu.memref_slice %dma_start3A_464[%dma_start3A_460, %dma_start3A_465] : memref<1x128xi32, #tpu.memory_space<vmem>> -> memref<1x128xi32, #tpu.memory_space<vmem>>
          %dma_start3A_467 = tpu.memref_squeeze %dma_start3A_466 : memref<1x128xi32, #tpu.memory_space<vmem>> -> memref<128xi32, #tpu.memory_space<vmem>>
          %dma_start3A_468 = arith.constant 0 : i32
          %dma_start3A_469 = arith.constant 0 : i32
          %dma_start3A_470 = tpu.memref_slice %arg5[%dma_start3A_468, %dma_start3A_469] : memref<10240x128xf32, #tpu.memory_space<hbm>> -> memref<10240x128xf32, #tpu.memory_space<hbm>>
          tpu.enqueue_indirect_dma source(%dma_start3A_470 : memref<10240x128xf32, #tpu.memory_space<hbm>>) target(%arg7 : memref<128x128xf32, #tpu.memory_space<vmem>>) offsets(%dma_start3A_467 : memref<128xi32, #tpu.memory_space<vmem>>) semaphore(%arg11 : memref<!tpu.dma_semaphore, #tpu.memory_space<semaphore_mem>>)
          %dma_start3A_471 = arith.constant 0 : i32
          %dma_start3A_472 = arith.constant 0 : i32
          %dma_start3A_473 = arith.constant 0 : i32
          %dma_start3A_474 = tpu.memref_slice %run_scoped3A_25[%rem3A_457, %dma_start3A_472, %dma_start3A_473] : memref<2x1x128xi32, #tpu.memory_space<vmem>> -> memref<1x1x128xi32, #tpu.memory_space<vmem>>
          %dma_start3A_475 = tpu.memref_squeeze %dma_start3A_474 : memref<1x1x128xi32, #tpu.memory_space<vmem>> -> memref<1x128xi32, #tpu.memory_space<vmem>>
          %dma_start3A_476 = arith.constant 0 : i32
          %dma_start3A_477 = tpu.memref_slice %dma_start3A_475[%dma_start3A_471, %dma_start3A_476] : memref<1x128xi32, #tpu.memory_space<vmem>> -> memref<1x128xi32, #tpu.memory_space<vmem>>
          %dma_start3A_478 = tpu.memref_squeeze %dma_start3A_477 : memref<1x128xi32, #tpu.memory_space<vmem>> -> memref<128xi32, #tpu.memory_space<vmem>>
          %dma_start3A_479 = arith.constant 0 : i32
          %dma_start3A_480 = arith.constant 0 : i32
          %dma_start3A_481 = tpu.memref_slice %arg5[%dma_start3A_479, %dma_start3A_480] : memref<10240x128xf32, #tpu.memory_space<hbm>> -> memref<10240x128xf32, #tpu.memory_space<hbm>>
          tpu.enqueue_indirect_dma source(%dma_start3A_481 : memref<10240x128xf32, #tpu.memory_space<hbm>>) target(%arg8 : memref<128x128xf32, #tpu.memory_space<vmem>>) offsets(%dma_start3A_478 : memref<128xi32, #tpu.memory_space<vmem>>) semaphore(%arg12 : memref<!tpu.dma_semaphore, #tpu.memory_space<semaphore_mem>>)
          %dma_wait3A = arith.constant 0 : i32
          %dma_wait3A_482 = arith.constant 0 : i32
          %dma_wait3A_483 = arith.constant 0 : i32
          %dma_wait3A_484 = tpu.memref_slice %run_scoped3A[%rem3A_453, %dma_wait3A_482, %dma_wait3A_483] : memref<2x1x128xi32, #tpu.memory_space<vmem>> -> memref<1x1x128xi32, #tpu.memory_space<vmem>>
          %dma_wait3A_485 = tpu.memref_squeeze %dma_wait3A_484 : memref<1x1x128xi32, #tpu.memory_space<vmem>> -> memref<1x128xi32, #tpu.memory_space<vmem>>
          %dma_wait3A_486 = arith.constant 0 : i32
          %dma_wait3A_487 = tpu.memref_slice %dma_wait3A_485[%dma_wait3A, %dma_wait3A_486] : memref<1x128xi32, #tpu.memory_space<vmem>> -> memref<1x128xi32, #tpu.memory_space<vmem>>
          %dma_wait3A_488 = tpu.memref_squeeze %dma_wait3A_487 : memref<1x128xi32, #tpu.memory_space<vmem>> -> memref<128xi32, #tpu.memory_space<vmem>>
          %dma_wait3A_489 = arith.constant 0 : i32
          %dma_wait3A_490 = arith.constant 0 : i32
          %dma_wait3A_491 = tpu.memref_slice %arg5[%dma_wait3A_489, %dma_wait3A_490] : memref<10240x128xf32, #tpu.memory_space<hbm>> -> memref<10240x128xf32, #tpu.memory_space<hbm>>
          tpu.wait_indirect_dma semaphore(%arg11 : memref<!tpu.dma_semaphore, #tpu.memory_space<semaphore_mem>>) src(%dma_wait3A_491 : memref<10240x128xf32, #tpu.memory_space<hbm>>) dst(%arg7 : memref<128x128xf32, #tpu.memory_space<vmem>>)
          %run_scoped3A_492 = arith.constant 0 : i32
          "tpu.region"() ({
            %run_scoped3A_716 = tpu.sem_alloc : memref<!tpu.dma_semaphore, #tpu.memory_space<semaphore_mem>>
            %dma_start3A_717 = arith.constant 0 : i32
            %dma_start3A_718 = arith.constant 0 : i32
            %dma_start3A_719 = tpu.memref_slice %run_scoped3A_23[%rem3A_455, %dma_start3A_717, %dma_start3A_718] : memref<2x1x128xi32, #tpu.memory_space<vmem>> -> memref<1x1x128xi32, #tpu.memory_space<vmem>>
            %dma_start3A_720 = tpu.memref_squeeze %dma_start3A_719 : memref<1x1x128xi32, #tpu.memory_space<vmem>> -> memref<1x128xi32, #tpu.memory_space<vmem>>
            %dma_start3A_721 = arith.constant 0 : i32
            %dma_start3A_722 = tpu.memref_slice %dma_start3A_720[%run_scoped3A_492, %dma_start3A_721] : memref<1x128xi32, #tpu.memory_space<vmem>> -> memref<1x128xi32, #tpu.memory_space<vmem>>
            %dma_start3A_723 = tpu.memref_squeeze %dma_start3A_722 : memref<1x128xi32, #tpu.memory_space<vmem>> -> memref<128xi32, #tpu.memory_space<vmem>>
            %dma_start3A_724 = arith.constant 0 : i32
            %dma_start3A_725 = arith.constant 0 : i32
            %dma_start3A_726 = tpu.memref_slice %arg10[%dma_start3A_724, %dma_start3A_725] : memref<10240x128xf32, #tpu.memory_space<vmem_shared>> -> memref<10240x128xf32, #tpu.memory_space<vmem_shared>>
            tpu.enqueue_indirect_dma source(%arg7 : memref<128x128xf32, #tpu.memory_space<vmem>>) target(%dma_start3A_726 : memref<10240x128xf32, #tpu.memory_space<vmem_shared>>) offsets(%dma_start3A_723 : memref<128xi32, #tpu.memory_space<vmem>>) semaphore(%run_scoped3A_716 : memref<!tpu.dma_semaphore, #tpu.memory_space<semaphore_mem>>) {add = true}
            %dma_wait3A_727 = arith.constant 0 : i32
            %dma_wait3A_728 = arith.constant 0 : i32
            %dma_wait3A_729 = tpu.memref_slice %run_scoped3A_23[%rem3A_455, %dma_wait3A_727, %dma_wait3A_728] : memref<2x1x128xi32, #tpu.memory_space<vmem>> -> memref<1x1x128xi32, #tpu.memory_space<vmem>>
            %dma_wait3A_730 = tpu.memref_squeeze %dma_wait3A_729 : memref<1x1x128xi32, #tpu.memory_space<vmem>> -> memref<1x128xi32, #tpu.memory_space<vmem>>
            %dma_wait3A_731 = arith.constant 0 : i32
            %dma_wait3A_732 = tpu.memref_slice %dma_wait3A_730[%run_scoped3A_492, %dma_wait3A_731] : memref<1x128xi32, #tpu.memory_space<vmem>> -> memref<1x128xi32, #tpu.memory_space<vmem>>
            %dma_wait3A_733 = tpu.memref_squeeze %dma_wait3A_732 : memref<1x128xi32, #tpu.memory_space<vmem>> -> memref<128xi32, #tpu.memory_space<vmem>>
            %dma_wait3A_734 = arith.constant 0 : i32
            %dma_wait3A_735 = arith.constant 0 : i32
            %dma_wait3A_736 = tpu.memref_slice %arg10[%dma_wait3A_734, %dma_wait3A_735] : memref<10240x128xf32, #tpu.memory_space<vmem_shared>> -> memref<10240x128xf32, #tpu.memory_space<vmem_shared>>
            tpu.wait_indirect_dma semaphore(%run_scoped3A_716 : memref<!tpu.dma_semaphore, #tpu.memory_space<semaphore_mem>>) src(%arg7 : memref<128x128xf32, #tpu.memory_space<vmem>>) dst(%dma_wait3A_736 : memref<10240x128xf32, #tpu.memory_space<vmem_shared>>)
            tpu.yield
          }) : () -> ()
          %dma_wait3A_493 = arith.constant 0 : i32
          %dma_wait3A_494 = arith.constant 0 : i32
          %dma_wait3A_495 = arith.constant 0 : i32
          %dma_wait3A_496 = tpu.memref_slice %run_scoped3A_25[%rem3A_457, %dma_wait3A_494, %dma_wait3A_495] : memref<2x1x128xi32, #tpu.memory_space<vmem>> -> memref<1x1x128xi32, #tpu.memory_space<vmem>>
          %dma_wait3A_497 = tpu.memref_squeeze %dma_wait3A_496 : memref<1x1x128xi32, #tpu.memory_space<vmem>> -> memref<1x128xi32, #tpu.memory_space<vmem>>
          %dma_wait3A_498 = arith.constant 0 : i32
          %dma_wait3A_499 = tpu.memref_slice %dma_wait3A_497[%dma_wait3A_493, %dma_wait3A_498] : memref<1x128xi32, #tpu.memory_space<vmem>> -> memref<1x128xi32, #tpu.memory_space<vmem>>
          %dma_wait3A_500 = tpu.memref_squeeze %dma_wait3A_499 : memref<1x128xi32, #tpu.memory_space<vmem>> -> memref<128xi32, #tpu.memory_space<vmem>>
          %dma_wait3A_501 = arith.constant 0 : i32
          %dma_wait3A_502 = arith.constant 0 : i32
          %dma_wait3A_503 = tpu.memref_slice %arg5[%dma_wait3A_501, %dma_wait3A_502] : memref<10240x128xf32, #tpu.memory_space<hbm>> -> memref<10240x128xf32, #tpu.memory_space<hbm>>
          tpu.wait_indirect_dma semaphore(%arg12 : memref<!tpu.dma_semaphore, #tpu.memory_space<semaphore_mem>>) src(%dma_wait3A_503 : memref<10240x128xf32, #tpu.memory_space<hbm>>) dst(%arg8 : memref<128x128xf32, #tpu.memory_space<vmem>>)
          %run_scoped3A_504 = arith.constant 0 : i32
          "tpu.region"() ({
            %run_scoped3A_716 = tpu.sem_alloc : memref<!tpu.dma_semaphore, #tpu.memory_space<semaphore_mem>>
            %dma_start3A_717 = arith.constant 0 : i32
            %dma_start3A_718 = arith.constant 0 : i32
            %dma_start3A_719 = tpu.memref_slice %run_scoped3A_27[%rem3A_459, %dma_start3A_717, %dma_start3A_718] : memref<2x1x128xi32, #tpu.memory_space<vmem>> -> memref<1x1x128xi32, #tpu.memory_space<vmem>>
            %dma_start3A_720 = tpu.memref_squeeze %dma_start3A_719 : memref<1x1x128xi32, #tpu.memory_space<vmem>> -> memref<1x128xi32, #tpu.memory_space<vmem>>
            %dma_start3A_721 = arith.constant 0 : i32
            %dma_start3A_722 = tpu.memref_slice %dma_start3A_720[%run_scoped3A_504, %dma_start3A_721] : memref<1x128xi32, #tpu.memory_space<vmem>> -> memref<1x128xi32, #tpu.memory_space<vmem>>
            %dma_start3A_723 = tpu.memref_squeeze %dma_start3A_722 : memref<1x128xi32, #tpu.memory_space<vmem>> -> memref<128xi32, #tpu.memory_space<vmem>>
            %dma_start3A_724 = arith.constant 0 : i32
            %dma_start3A_725 = arith.constant 0 : i32
            %dma_start3A_726 = tpu.memref_slice %arg10[%dma_start3A_724, %dma_start3A_725] : memref<10240x128xf32, #tpu.memory_space<vmem_shared>> -> memref<10240x128xf32, #tpu.memory_space<vmem_shared>>
            tpu.enqueue_indirect_dma source(%arg8 : memref<128x128xf32, #tpu.memory_space<vmem>>) target(%dma_start3A_726 : memref<10240x128xf32, #tpu.memory_space<vmem_shared>>) offsets(%dma_start3A_723 : memref<128xi32, #tpu.memory_space<vmem>>) semaphore(%run_scoped3A_716 : memref<!tpu.dma_semaphore, #tpu.memory_space<semaphore_mem>>) {add = true}
            %dma_wait3A_727 = arith.constant 0 : i32
            %dma_wait3A_728 = arith.constant 0 : i32
            %dma_wait3A_729 = tpu.memref_slice %run_scoped3A_27[%rem3A_459, %dma_wait3A_727, %dma_wait3A_728] : memref<2x1x128xi32, #tpu.memory_space<vmem>> -> memref<1x1x128xi32, #tpu.memory_space<vmem>>
            %dma_wait3A_730 = tpu.memref_squeeze %dma_wait3A_729 : memref<1x1x128xi32, #tpu.memory_space<vmem>> -> memref<1x128xi32, #tpu.memory_space<vmem>>
            %dma_wait3A_731 = arith.constant 0 : i32
            %dma_wait3A_732 = tpu.memref_slice %dma_wait3A_730[%run_scoped3A_504, %dma_wait3A_731] : memref<1x128xi32, #tpu.memory_space<vmem>> -> memref<1x128xi32, #tpu.memory_space<vmem>>
            %dma_wait3A_733 = tpu.memref_squeeze %dma_wait3A_732 : memref<1x128xi32, #tpu.memory_space<vmem>> -> memref<128xi32, #tpu.memory_space<vmem>>
            %dma_wait3A_734 = arith.constant 0 : i32
            %dma_wait3A_735 = arith.constant 0 : i32
            %dma_wait3A_736 = tpu.memref_slice %arg10[%dma_wait3A_734, %dma_wait3A_735] : memref<10240x128xf32, #tpu.memory_space<vmem_shared>> -> memref<10240x128xf32, #tpu.memory_space<vmem_shared>>
            tpu.wait_indirect_dma semaphore(%run_scoped3A_716 : memref<!tpu.dma_semaphore, #tpu.memory_space<semaphore_mem>>) src(%arg8 : memref<128x128xf32, #tpu.memory_space<vmem>>) dst(%dma_wait3A_736 : memref<10240x128xf32, #tpu.memory_space<vmem_shared>>)
            tpu.yield
          }) : () -> ()
          "tpu.trace_stop"() : () -> ()
          %mul3A_505 = arith.constant 2 : i32
          %mul3A_506 = arith.muli %mul3A_505, %add3A_262 : i32
          %mul3A_507 = arith.constant 2 : i32
          %mul3A_508 = arith.muli %mul3A_507, %add3A_280 : i32
          %ne3A_509 = arith.cmpi ne, %arg0, %arg0 : i32
          %ne3A_510 = arith.cmpi ne, %mul3A_506, %mul3A_508 : i32
          %or3A_511 = arith.constant false
          %or3A_512 = arith.ori %or3A_511, %ne3A_509 : i1
          %or3A_513 = arith.ori %or3A_512, %ne3A_510 : i1
          %or3A_514 = arith.ori %or3A_513, %eq3A_261 : i1
          %convert_element_type3A_515 = arith.extui %or3A_514 : i1 to i32
          %cond3A_516 = arith.constant 0 : i32
          %cond3A_517 = arith.cmpi ne, %convert_element_type3A_515, %cond3A_516 : i32
          scf.if %cond3A_517 {
          } else {
          }
          %and3A_518 = arith.constant false
          %and3A_519 = arith.andi %or3A_514, %and3A_518 : i1
          %mul3A_520 = arith.constant 2 : i32
          %mul3A_521 = arith.muli %mul3A_520, %add3A_262 : i32
          %mul3A_522 = arith.constant 2 : i32
          %mul3A_523 = arith.muli %mul3A_522, %add3A_280 : i32
          %ne3A_524 = arith.cmpi ne, %arg0, %arg0 : i32
          %ne3A_525 = arith.cmpi ne, %mul3A_521, %mul3A_523 : i32
          %or3A_526 = arith.constant false
          %or3A_527 = arith.ori %or3A_526, %ne3A_524 : i1
          %or3A_528 = arith.ori %or3A_527, %ne3A_525 : i1
          %or3A_529 = arith.ori %or3A_528, %eq3A_261 : i1
          %convert_element_type3A_530 = arith.extui %or3A_529 : i1 to i32
          %cond3A_531 = arith.constant 0 : i32
          %cond3A_532 = arith.cmpi ne, %convert_element_type3A_530, %cond3A_531 : i32
          scf.if %cond3A_532 {
          } else {
          }
          %and3A_533 = arith.constant false
          %and3A_534 = arith.andi %or3A_529, %and3A_533 : i1
          %mul3A_535 = arith.constant 2 : i32
          %mul3A_536 = arith.muli %mul3A_535, %add3A_262 : i32
          %add3A_537 = arith.constant 1 : i32
          %add3A_538 = arith.addi %mul3A_536, %add3A_537 : i32
          %mul3A_539 = arith.constant 2 : i32
          %mul3A_540 = arith.muli %mul3A_539, %add3A_280 : i32
          %add3A_541 = arith.constant 1 : i32
          %add3A_542 = arith.addi %mul3A_540, %add3A_541 : i32
          %ne3A_543 = arith.cmpi ne, %arg0, %arg0 : i32
          %ne3A_544 = arith.cmpi ne, %add3A_538, %add3A_542 : i32
          %or3A_545 = arith.constant false
          %or3A_546 = arith.ori %or3A_545, %ne3A_543 : i1
          %or3A_547 = arith.ori %or3A_546, %ne3A_544 : i1
          %or3A_548 = arith.ori %or3A_547, %eq3A_261 : i1
          %convert_element_type3A_549 = arith.extui %or3A_548 : i1 to i32
          %cond3A_550 = arith.constant 0 : i32
          %cond3A_551 = arith.cmpi ne, %convert_element_type3A_549, %cond3A_550 : i32
          scf.if %cond3A_551 {
          } else {
          }
          %and3A_552 = arith.constant false
          %and3A_553 = arith.andi %or3A_548, %and3A_552 : i1
          %mul3A_554 = arith.constant 2 : i32
          %mul3A_555 = arith.muli %mul3A_554, %add3A_262 : i32
          %add3A_556 = arith.constant 1 : i32
          %add3A_557 = arith.addi %mul3A_555, %add3A_556 : i32
          %mul3A_558 = arith.constant 2 : i32
          %mul3A_559 = arith.muli %mul3A_558, %add3A_280 : i32
          %add3A_560 = arith.constant 1 : i32
          %add3A_561 = arith.addi %mul3A_559, %add3A_560 : i32
          %ne3A_562 = arith.cmpi ne, %arg0, %arg0 : i32
          %ne3A_563 = arith.cmpi ne, %add3A_557, %add3A_561 : i32
          %or3A_564 = arith.constant false
          %or3A_565 = arith.ori %or3A_564, %ne3A_562 : i1
          %or3A_566 = arith.ori %or3A_565, %ne3A_563 : i1
          %or3A_567 = arith.ori %or3A_566, %eq3A_261 : i1
          %convert_element_type3A_568 = arith.extui %or3A_567 : i1 to i32
          %cond3A_569 = arith.constant 0 : i32
          %cond3A_570 = arith.cmpi ne, %convert_element_type3A_568, %cond3A_569 : i32
          scf.if %cond3A_570 {
          } else {
          }
          %and3A_571 = arith.constant false
          %and3A_572 = arith.andi %or3A_567, %and3A_571 : i1
          %mul3A_573 = arith.constant 2 : i32
          %mul3A_574 = arith.muli %mul3A_573, %add3A_262 : i32
          %mul3A_575 = arith.constant 2 : i32
          %mul3A_576 = arith.muli %mul3A_575, %add3A_272 : i32
          %ne3A_577 = arith.cmpi ne, %arg0, %arg0 : i32
          %ne3A_578 = arith.cmpi ne, %mul3A_574, %mul3A_576 : i32
          %or3A_579 = arith.constant false
          %or3A_580 = arith.ori %or3A_579, %ne3A_577 : i1
          %or3A_581 = arith.ori %or3A_580, %ne3A_578 : i1
          %not3A_582 = arith.constant true
          %not3A_583 = arith.xori %eq3A_258, %not3A_582 : i1
          %and3A_584 = arith.andi %or3A_581, %not3A_583 : i1
          %convert_element_type3A_585 = arith.extui %and3A_584 : i1 to i32
          %cond3A_586 = arith.constant 0 : i32
          %cond3A_587 = arith.cmpi ne, %convert_element_type3A_585, %cond3A_586 : i32
          scf.if %cond3A_587 {
          } else {
          }
          %and3A_588 = arith.constant false
          %and3A_589 = arith.andi %and3A_584, %and3A_588 : i1
          %mul3A_590 = arith.constant 2 : i32
          %mul3A_591 = arith.muli %mul3A_590, %add3A_262 : i32
          %mul3A_592 = arith.constant 2 : i32
          %mul3A_593 = arith.muli %mul3A_592, %add3A_272 : i32
          %ne3A_594 = arith.cmpi ne, %arg0, %arg0 : i32
          %ne3A_595 = arith.cmpi ne, %mul3A_591, %mul3A_593 : i32
          %or3A_596 = arith.constant false
          %or3A_597 = arith.ori %or3A_596, %ne3A_594 : i1
          %or3A_598 = arith.ori %or3A_597, %ne3A_595 : i1
          %not3A_599 = arith.constant true
          %not3A_600 = arith.xori %eq3A_258, %not3A_599 : i1
          %and3A_601 = arith.andi %or3A_598, %not3A_600 : i1
          %convert_element_type3A_602 = arith.extui %and3A_601 : i1 to i32
          %cond3A_603 = arith.constant 0 : i32
          %cond3A_604 = arith.cmpi ne, %convert_element_type3A_602, %cond3A_603 : i32
          scf.if %cond3A_604 {
          } else {
          }
          %and3A_605 = arith.constant false
          %and3A_606 = arith.andi %and3A_601, %and3A_605 : i1
          %mul3A_607 = arith.constant 2 : i32
          %mul3A_608 = arith.muli %mul3A_607, %add3A_262 : i32
          %add3A_609 = arith.constant 1 : i32
          %add3A_610 = arith.addi %mul3A_608, %add3A_609 : i32
          %mul3A_611 = arith.constant 2 : i32
          %mul3A_612 = arith.muli %mul3A_611, %add3A_272 : i32
          %add3A_613 = arith.constant 1 : i32
          %add3A_614 = arith.addi %mul3A_612, %add3A_613 : i32
          %ne3A_615 = arith.cmpi ne, %arg0, %arg0 : i32
          %ne3A_616 = arith.cmpi ne, %add3A_610, %add3A_614 : i32
          %or3A_617 = arith.constant false
          %or3A_618 = arith.ori %or3A_617, %ne3A_615 : i1
          %or3A_619 = arith.ori %or3A_618, %ne3A_616 : i1
          %not3A_620 = arith.constant true
          %not3A_621 = arith.xori %eq3A_258, %not3A_620 : i1
          %and3A_622 = arith.andi %or3A_619, %not3A_621 : i1
          %convert_element_type3A_623 = arith.extui %and3A_622 : i1 to i32
          %cond3A_624 = arith.constant 0 : i32
          %cond3A_625 = arith.cmpi ne, %convert_element_type3A_623, %cond3A_624 : i32
          scf.if %cond3A_625 {
          } else {
          }
          %and3A_626 = arith.constant false
          %and3A_627 = arith.andi %and3A_622, %and3A_626 : i1
          %mul3A_628 = arith.constant 2 : i32
          %mul3A_629 = arith.muli %mul3A_628, %add3A_262 : i32
          %add3A_630 = arith.constant 1 : i32
          %add3A_631 = arith.addi %mul3A_629, %add3A_630 : i32
          %mul3A_632 = arith.constant 2 : i32
          %mul3A_633 = arith.muli %mul3A_632, %add3A_272 : i32
          %add3A_634 = arith.constant 1 : i32
          %add3A_635 = arith.addi %mul3A_633, %add3A_634 : i32
          %ne3A_636 = arith.cmpi ne, %arg0, %arg0 : i32
          %ne3A_637 = arith.cmpi ne, %add3A_631, %add3A_635 : i32
          %or3A_638 = arith.constant false
          %or3A_639 = arith.ori %or3A_638, %ne3A_636 : i1
          %or3A_640 = arith.ori %or3A_639, %ne3A_637 : i1
          %not3A_641 = arith.constant true
          %not3A_642 = arith.xori %eq3A_258, %not3A_641 : i1
          %and3A_643 = arith.andi %or3A_640, %not3A_642 : i1
          %convert_element_type3A_644 = arith.extui %and3A_643 : i1 to i32
          %cond3A_645 = arith.constant 0 : i32
          %cond3A_646 = arith.cmpi ne, %convert_element_type3A_644, %cond3A_645 : i32
          scf.if %cond3A_646 {
          } else {
          }
          %and3A_647 = arith.constant false
          %and3A_648 = arith.andi %and3A_643, %and3A_647 : i1
          %mul3A_649 = arith.constant 2 : i32
          %mul3A_650 = arith.muli %mul3A_649, %add3A_262 : i32
          %mul3A_651 = arith.constant 2 : i32
          %mul3A_652 = arith.muli %mul3A_651, %add3A_280 : i32
          %ne3A_653 = arith.cmpi ne, %arg0, %arg0 : i32
          %ne3A_654 = arith.cmpi ne, %mul3A_650, %mul3A_652 : i32
          %or3A_655 = arith.constant false
          %or3A_656 = arith.ori %or3A_655, %ne3A_653 : i1
          %or3A_657 = arith.ori %or3A_656, %ne3A_654 : i1
          %or3A_658 = arith.ori %or3A_657, %eq3A_261 : i1
          %add3A_659 = arith.constant 1 : i32
          %add3A_660 = arith.addi %while3A_247, %add3A_659 : i32
          %select_n3A_661 = arith.select %or3A_658, %add3A_660, %while3A_247 : i32
          %mul3A_662 = arith.constant 2 : i32
          %mul3A_663 = arith.muli %mul3A_662, %add3A_262 : i32
          %mul3A_664 = arith.constant 2 : i32
          %mul3A_665 = arith.muli %mul3A_664, %add3A_280 : i32
          %ne3A_666 = arith.cmpi ne, %arg0, %arg0 : i32
          %ne3A_667 = arith.cmpi ne, %mul3A_663, %mul3A_665 : i32
          %or3A_668 = arith.constant false
          %or3A_669 = arith.ori %or3A_668, %ne3A_666 : i1
          %or3A_670 = arith.ori %or3A_669, %ne3A_667 : i1
          %or3A_671 = arith.ori %or3A_670, %eq3A_261 : i1
          %add3A_672 = arith.constant 1 : i32
          %add3A_673 = arith.addi %while3A_249, %add3A_672 : i32
          %select_n3A_674 = arith.select %or3A_671, %add3A_673, %while3A_249 : i32
          %mul3A_675 = arith.constant 2 : i32
          %mul3A_676 = arith.muli %mul3A_675, %add3A_262 : i32
          %add3A_677 = arith.constant 1 : i32
          %add3A_678 = arith.addi %mul3A_676, %add3A_677 : i32
          %mul3A_679 = arith.constant 2 : i32
          %mul3A_680 = arith.muli %mul3A_679, %add3A_280 : i32
          %add3A_681 = arith.constant 1 : i32
          %add3A_682 = arith.addi %mul3A_680, %add3A_681 : i32
          %ne3A_683 = arith.cmpi ne, %arg0, %arg0 : i32
          %ne3A_684 = arith.cmpi ne, %add3A_678, %add3A_682 : i32
          %or3A_685 = arith.constant false
          %or3A_686 = arith.ori %or3A_685, %ne3A_683 : i1
          %or3A_687 = arith.ori %or3A_686, %ne3A_684 : i1
          %or3A_688 = arith.ori %or3A_687, %eq3A_261 : i1
          %add3A_689 = arith.constant 1 : i32
          %add3A_690 = arith.addi %while3A_251, %add3A_689 : i32
          %select_n3A_691 = arith.select %or3A_688, %add3A_690, %while3A_251 : i32
          %mul3A_692 = arith.constant 2 : i32
          %mul3A_693 = arith.muli %mul3A_692, %add3A_262 : i32
          %add3A_694 = arith.constant 1 : i32
          %add3A_695 = arith.addi %mul3A_693, %add3A_694 : i32
          %mul3A_696 = arith.constant 2 : i32
          %mul3A_697 = arith.muli %mul3A_696, %add3A_280 : i32
          %add3A_698 = arith.constant 1 : i32
          %add3A_699 = arith.addi %mul3A_697, %add3A_698 : i32
          %ne3A_700 = arith.cmpi ne, %arg0, %arg0 : i32
          %ne3A_701 = arith.cmpi ne, %add3A_695, %add3A_699 : i32
          %or3A_702 = arith.constant false
          %or3A_703 = arith.ori %or3A_702, %ne3A_700 : i1
          %or3A_704 = arith.ori %or3A_703, %ne3A_701 : i1
          %or3A_705 = arith.ori %or3A_704, %eq3A_261 : i1
          %add3A_706 = arith.constant 1 : i32
          %add3A_707 = arith.addi %while3A_253, %add3A_706 : i32
          %select_n3A_708 = arith.select %or3A_705, %add3A_707, %while3A_253 : i32
          %add3A_709 = arith.constant 1 : i32
          %add3A_710 = arith.addi %while3A_254, %add3A_709 : i32
          %select_n3A_711 = arith.constant true
          %select_n3A_712 = arith.select %select_n3A_711, %add3A_710, %while3A_254 : i32
          %eq3A_713 = arith.cmpi eq, %select_n3A_712, %select_n3A : i32
          %select_n3A_714 = arith.constant 0 : i32
          %select_n3A_715 = arith.select %eq3A_713, %select_n3A_714, %select_n3A_712 : i32
          scf.yield %select_n3A_308, %select_n3A_661, %select_n3A_333, %select_n3A_674, %select_n3A_362, %select_n3A_691, %select_n3A_391, %select_n3A_708, %select_n3A_715 : i32, i32, i32, i32, i32, i32, i32, i32, i32
        }
        %while3A_186 = arith.constant 1 : i32
        %while3A_187:9 = scf.for %while3A_245 = %while3A_183 to %while3A_179 step %while3A_186 iter_args(%while3A_246 = %while3A_185#0, %while3A_247 = %while3A_185#1, %while3A_248 = %while3A_185#2, %while3A_249 = %while3A_185#3, %while3A_250 = %while3A_185#4, %while3A_251 = %while3A_185#5, %while3A_252 = %while3A_185#6, %while3A_253 = %while3A_185#7, %while3A_254 = %while3A_185#8) -> (i32, i32, i32, i32, i32, i32, i32, i32, i32)  : i32 {
          %mul3A_255 = arith.constant 1 : i32
          %mul3A_256 = arith.muli %mul3A_255, %select_n3A : i32
          %eq3A_257 = arith.constant 0 : i32
          %eq3A_258 = arith.cmpi eq, %while3A_245, %eq3A_257 : i32
          %sub3A_259 = arith.constant 1 : i32
          %sub3A_260 = arith.subi %mul3A_256, %sub3A_259 : i32
          %eq3A_261 = arith.cmpi eq, %while3A_245, %sub3A_260 : i32
          %add3A_262 = arith.addi %while3A_254, %select_n3A_13 : i32
          %sub3A_263 = arith.constant 1 : i32
          %sub3A_264 = arith.subi %while3A_254, %sub3A_263 : i32
          %select_n3A_265 = arith.constant true
          %select_n3A_266 = arith.select %select_n3A_265, %sub3A_264, %while3A_254 : i32
          %eq3A_267 = arith.constant -1 : i32
          %eq3A_268 = arith.cmpi eq, %select_n3A_266, %eq3A_267 : i32
          %sub3A_269 = arith.constant 1 : i32
          %sub3A_270 = arith.subi %select_n3A, %sub3A_269 : i32
          %select_n3A_271 = arith.select %eq3A_268, %sub3A_270, %select_n3A_266 : i32
          %add3A_272 = arith.addi %select_n3A_271, %select_n3A_13 : i32
          %add3A_273 = arith.constant 1 : i32
          %add3A_274 = arith.addi %while3A_254, %add3A_273 : i32
          %select_n3A_275 = arith.constant true
          %select_n3A_276 = arith.select %select_n3A_275, %add3A_274, %while3A_254 : i32
          %eq3A_277 = arith.cmpi eq, %select_n3A_276, %select_n3A : i32
          %select_n3A_278 = arith.constant 0 : i32
          %select_n3A_279 = arith.select %eq3A_277, %select_n3A_278, %select_n3A_276 : i32
          %add3A_280 = arith.addi %select_n3A_279, %select_n3A_13 : i32
          %add3A_281 = arith.constant 1 : i32
          %add3A_282 = arith.addi %select_n3A_279, %add3A_281 : i32
          %select_n3A_283 = arith.constant true
          %select_n3A_284 = arith.select %select_n3A_283, %add3A_282, %select_n3A_279 : i32
          %eq3A_285 = arith.cmpi eq, %select_n3A_284, %select_n3A : i32
          %select_n3A_286 = arith.constant 0 : i32
          %select_n3A_287 = arith.select %eq3A_285, %select_n3A_286, %select_n3A_284 : i32
          %add3A_288 = arith.addi %select_n3A_287, %select_n3A_13 : i32
          %mul3A_289 = arith.constant 2 : i32
          %mul3A_290 = arith.muli %mul3A_289, %add3A_262 : i32
          %mul3A_291 = arith.constant 2 : i32
          %mul3A_292 = arith.muli %mul3A_291, %add3A_280 : i32
          %ne3A = arith.cmpi ne, %arg0, %arg0 : i32
          %ne3A_293 = arith.cmpi ne, %mul3A_290, %mul3A_292 : i32
          %or3A = arith.constant false
          %or3A_294 = arith.ori %or3A, %ne3A : i1
          %or3A_295 = arith.ori %or3A_294, %ne3A_293 : i1
          %sub3A_296 = arith.constant 2 : i32
          %sub3A_297 = arith.subi %mul3A_256, %sub3A_296 : i32
          %add3A_298 = arith.constant 1 : i32
          %add3A_299 = arith.addi %sub3A_297, %add3A_298 : i32
          %ge3A = arith.cmpi sge, %while3A_245, %add3A_299 : i32
          %not3A = arith.constant true
          %not3A_300 = arith.xori %ge3A, %not3A : i1
          %and3A = arith.andi %or3A_295, %not3A_300 : i1
          %convert_element_type3A_301 = arith.extui %and3A : i1 to i32
          %cond3A_302 = arith.constant 0 : i32
          %cond3A_303 = arith.cmpi ne, %convert_element_type3A_301, %cond3A_302 : i32
          scf.if %cond3A_303 {
            "tpu.trace_start"() <{level = 10 : i32, message = "ep_copy_in"}> : () -> ()
            %rem3A_716 = arith.constant 2 : i32
            %rem3A_717 = arith.remui %while3A_246, %rem3A_716 : i32
            %mul3A_718 = arith.constant 2 : i32
            %mul3A_719 = arith.muli %mul3A_718, %add3A_280 : i32
            %mul3A_720 = arith.constant 1 : i32
            %mul3A_721 = arith.muli %mul3A_720, %arg0 : i32
            %mul3A_722 = arith.constant 128 : i32
            %mul3A_723 = arith.muli %mul3A_722, %mul3A_719 : i32
            %dma_start3A_724 = arith.constant 0 : i32
            %dma_start3A_725 = arith.constant 0 : i32
            %dma_start3A_726 = tpu.memref_slice %run_scoped3A[%rem3A_717, %dma_start3A_724, %dma_start3A_725] : memref<2x1x128xi32, #tpu.memory_space<vmem>> -> memref<1x1x128xi32, #tpu.memory_space<vmem>>
            %dma_start3A_727 = tpu.memref_squeeze %dma_start3A_726 : memref<1x1x128xi32, #tpu.memory_space<vmem>> -> memref<1x128xi32, #tpu.memory_space<vmem>>
            %dma_start3A_728 = tpu.memref_slice %arg3[%mul3A_721, %mul3A_723] : memref<2x161792xi32, #tpu.memory_space<hbm>> -> memref<1x128xi32, #tpu.memory_space<hbm>>
            %dma_start3A_729 = tpu.memref_slice %run_scoped3A_22[%rem3A_717] : memref<2x!tpu.dma_semaphore, #tpu.memory_space<semaphore_mem>> -> memref<1x!tpu.dma_semaphore, #tpu.memory_space<semaphore_mem>>
            %dma_start3A_730 = tpu.memref_squeeze %dma_start3A_729 : memref<1x!tpu.dma_semaphore, #tpu.memory_space<semaphore_mem>> -> memref<!tpu.dma_semaphore, #tpu.memory_space<semaphore_mem>>
            %dma_start3A_731 = arith.constant 0 : i32
            %dma_start3A_732 = arith.constant 0 : i32
            %dma_start3A_733 = tpu.memref_slice %run_scoped3A[%rem3A_717, %dma_start3A_731, %dma_start3A_732] : memref<2x1x128xi32, #tpu.memory_space<vmem>> -> memref<1x1x128xi32, #tpu.memory_space<vmem>>
            %dma_start3A_734 = tpu.memref_squeeze %dma_start3A_733 : memref<1x1x128xi32, #tpu.memory_space<vmem>> -> memref<1x128xi32, #tpu.memory_space<vmem>>
            %dma_start3A_735 = tpu.memref_slice %arg3[%mul3A_721, %mul3A_723] : memref<2x161792xi32, #tpu.memory_space<hbm>> -> memref<1x128xi32, #tpu.memory_space<hbm>>
            tpu.enqueue_dma source(%dma_start3A_735 : memref<1x128xi32, #tpu.memory_space<hbm>>) target(%dma_start3A_734 : memref<1x128xi32, #tpu.memory_space<vmem>>) target_semaphore(%dma_start3A_730 : memref<!tpu.dma_semaphore, #tpu.memory_space<semaphore_mem>>)
            "tpu.trace_stop"() : () -> ()
          } else {
          }
          %and3A_304 = arith.constant true
          %and3A_305 = arith.andi %and3A, %and3A_304 : i1
          %add3A_306 = arith.constant 1 : i32
          %add3A_307 = arith.addi %while3A_246, %add3A_306 : i32
          %select_n3A_308 = arith.select %and3A_305, %add3A_307, %while3A_246 : i32
          %mul3A_309 = arith.constant 2 : i32
          %mul3A_310 = arith.muli %mul3A_309, %add3A_262 : i32
          %mul3A_311 = arith.constant 2 : i32
          %mul3A_312 = arith.muli %mul3A_311, %add3A_280 : i32
          %ne3A_313 = arith.cmpi ne, %arg0, %arg0 : i32
          %ne3A_314 = arith.cmpi ne, %mul3A_310, %mul3A_312 : i32
          %or3A_315 = arith.constant false
          %or3A_316 = arith.ori %or3A_315, %ne3A_313 : i1
          %or3A_317 = arith.ori %or3A_316, %ne3A_314 : i1
          %sub3A_318 = arith.constant 2 : i32
          %sub3A_319 = arith.subi %mul3A_256, %sub3A_318 : i32
          %add3A_320 = arith.constant 1 : i32
          %add3A_321 = arith.addi %sub3A_319, %add3A_320 : i32
          %ge3A_322 = arith.cmpi sge, %while3A_245, %add3A_321 : i32
          %not3A_323 = arith.constant true
          %not3A_324 = arith.xori %ge3A_322, %not3A_323 : i1
          %and3A_325 = arith.andi %or3A_317, %not3A_324 : i1
          %convert_element_type3A_326 = arith.extui %and3A_325 : i1 to i32
          %cond3A_327 = arith.constant 0 : i32
          %cond3A_328 = arith.cmpi ne, %convert_element_type3A_326, %cond3A_327 : i32
          scf.if %cond3A_328 {
            "tpu.trace_start"() <{level = 10 : i32, message = "ep_copy_in"}> : () -> ()
            %rem3A_716 = arith.constant 2 : i32
            %rem3A_717 = arith.remui %while3A_248, %rem3A_716 : i32
            %mul3A_718 = arith.constant 2 : i32
            %mul3A_719 = arith.muli %mul3A_718, %add3A_280 : i32
            %mul3A_720 = arith.constant 1 : i32
            %mul3A_721 = arith.muli %mul3A_720, %arg0 : i32
            %mul3A_722 = arith.constant 128 : i32
            %mul3A_723 = arith.muli %mul3A_722, %mul3A_719 : i32
            %dma_start3A_724 = arith.constant 0 : i32
            %dma_start3A_725 = arith.constant 0 : i32
            %dma_start3A_726 = tpu.memref_slice %run_scoped3A_23[%rem3A_717, %dma_start3A_724, %dma_start3A_725] : memref<2x1x128xi32, #tpu.memory_space<vmem>> -> memref<1x1x128xi32, #tpu.memory_space<vmem>>
            %dma_start3A_727 = tpu.memref_squeeze %dma_start3A_726 : memref<1x1x128xi32, #tpu.memory_space<vmem>> -> memref<1x128xi32, #tpu.memory_space<vmem>>
            %dma_start3A_728 = tpu.memref_slice %arg4[%mul3A_721, %mul3A_723] : memref<2x161792xi32, #tpu.memory_space<hbm>> -> memref<1x128xi32, #tpu.memory_space<hbm>>
            %dma_start3A_729 = tpu.memref_slice %run_scoped3A_24[%rem3A_717] : memref<2x!tpu.dma_semaphore, #tpu.memory_space<semaphore_mem>> -> memref<1x!tpu.dma_semaphore, #tpu.memory_space<semaphore_mem>>
            %dma_start3A_730 = tpu.memref_squeeze %dma_start3A_729 : memref<1x!tpu.dma_semaphore, #tpu.memory_space<semaphore_mem>> -> memref<!tpu.dma_semaphore, #tpu.memory_space<semaphore_mem>>
            %dma_start3A_731 = arith.constant 0 : i32
            %dma_start3A_732 = arith.constant 0 : i32
            %dma_start3A_733 = tpu.memref_slice %run_scoped3A_23[%rem3A_717, %dma_start3A_731, %dma_start3A_732] : memref<2x1x128xi32, #tpu.memory_space<vmem>> -> memref<1x1x128xi32, #tpu.memory_space<vmem>>
            %dma_start3A_734 = tpu.memref_squeeze %dma_start3A_733 : memref<1x1x128xi32, #tpu.memory_space<vmem>> -> memref<1x128xi32, #tpu.memory_space<vmem>>
            %dma_start3A_735 = tpu.memref_slice %arg4[%mul3A_721, %mul3A_723] : memref<2x161792xi32, #tpu.memory_space<hbm>> -> memref<1x128xi32, #tpu.memory_space<hbm>>
            tpu.enqueue_dma source(%dma_start3A_735 : memref<1x128xi32, #tpu.memory_space<hbm>>) target(%dma_start3A_734 : memref<1x128xi32, #tpu.memory_space<vmem>>) target_semaphore(%dma_start3A_730 : memref<!tpu.dma_semaphore, #tpu.memory_space<semaphore_mem>>)
            "tpu.trace_stop"() : () -> ()
          } else {
          }
          %and3A_329 = arith.constant true
          %and3A_330 = arith.andi %and3A_325, %and3A_329 : i1
          %add3A_331 = arith.constant 1 : i32
          %add3A_332 = arith.addi %while3A_248, %add3A_331 : i32
          %select_n3A_333 = arith.select %and3A_330, %add3A_332, %while3A_248 : i32
          %mul3A_334 = arith.constant 2 : i32
          %mul3A_335 = arith.muli %mul3A_334, %add3A_262 : i32
          %add3A_336 = arith.constant 1 : i32
          %add3A_337 = arith.addi %mul3A_335, %add3A_336 : i32
          %mul3A_338 = arith.constant 2 : i32
          %mul3A_339 = arith.muli %mul3A_338, %add3A_280 : i32
          %add3A_340 = arith.constant 1 : i32
          %add3A_341 = arith.addi %mul3A_339, %add3A_340 : i32
          %ne3A_342 = arith.cmpi ne, %arg0, %arg0 : i32
          %ne3A_343 = arith.cmpi ne, %add3A_337, %add3A_341 : i32
          %or3A_344 = arith.constant false
          %or3A_345 = arith.ori %or3A_344, %ne3A_342 : i1
          %or3A_346 = arith.ori %or3A_345, %ne3A_343 : i1
          %sub3A_347 = arith.constant 2 : i32
          %sub3A_348 = arith.subi %mul3A_256, %sub3A_347 : i32
          %add3A_349 = arith.constant 1 : i32
          %add3A_350 = arith.addi %sub3A_348, %add3A_349 : i32
          %ge3A_351 = arith.cmpi sge, %while3A_245, %add3A_350 : i32
          %not3A_352 = arith.constant true
          %not3A_353 = arith.xori %ge3A_351, %not3A_352 : i1
          %and3A_354 = arith.andi %or3A_346, %not3A_353 : i1
          %convert_element_type3A_355 = arith.extui %and3A_354 : i1 to i32
          %cond3A_356 = arith.constant 0 : i32
          %cond3A_357 = arith.cmpi ne, %convert_element_type3A_355, %cond3A_356 : i32
          scf.if %cond3A_357 {
            "tpu.trace_start"() <{level = 10 : i32, message = "ep_copy_in"}> : () -> ()
            %rem3A_716 = arith.constant 2 : i32
            %rem3A_717 = arith.remui %while3A_250, %rem3A_716 : i32
            %mul3A_718 = arith.constant 2 : i32
            %mul3A_719 = arith.muli %mul3A_718, %add3A_280 : i32
            %add3A_720 = arith.constant 1 : i32
            %add3A_721 = arith.addi %mul3A_719, %add3A_720 : i32
            %mul3A_722 = arith.constant 1 : i32
            %mul3A_723 = arith.muli %mul3A_722, %arg0 : i32
            %mul3A_724 = arith.constant 128 : i32
            %mul3A_725 = arith.muli %mul3A_724, %add3A_721 : i32
            %dma_start3A_726 = arith.constant 0 : i32
            %dma_start3A_727 = arith.constant 0 : i32
            %dma_start3A_728 = tpu.memref_slice %run_scoped3A_25[%rem3A_717, %dma_start3A_726, %dma_start3A_727] : memref<2x1x128xi32, #tpu.memory_space<vmem>> -> memref<1x1x128xi32, #tpu.memory_space<vmem>>
            %dma_start3A_729 = tpu.memref_squeeze %dma_start3A_728 : memref<1x1x128xi32, #tpu.memory_space<vmem>> -> memref<1x128xi32, #tpu.memory_space<vmem>>
            %dma_start3A_730 = tpu.memref_slice %arg3[%mul3A_723, %mul3A_725] : memref<2x161792xi32, #tpu.memory_space<hbm>> -> memref<1x128xi32, #tpu.memory_space<hbm>>
            %dma_start3A_731 = tpu.memref_slice %run_scoped3A_26[%rem3A_717] : memref<2x!tpu.dma_semaphore, #tpu.memory_space<semaphore_mem>> -> memref<1x!tpu.dma_semaphore, #tpu.memory_space<semaphore_mem>>
            %dma_start3A_732 = tpu.memref_squeeze %dma_start3A_731 : memref<1x!tpu.dma_semaphore, #tpu.memory_space<semaphore_mem>> -> memref<!tpu.dma_semaphore, #tpu.memory_space<semaphore_mem>>
            %dma_start3A_733 = arith.constant 0 : i32
            %dma_start3A_734 = arith.constant 0 : i32
            %dma_start3A_735 = tpu.memref_slice %run_scoped3A_25[%rem3A_717, %dma_start3A_733, %dma_start3A_734] : memref<2x1x128xi32, #tpu.memory_space<vmem>> -> memref<1x1x128xi32, #tpu.memory_space<vmem>>
            %dma_start3A_736 = tpu.memref_squeeze %dma_start3A_735 : memref<1x1x128xi32, #tpu.memory_space<vmem>> -> memref<1x128xi32, #tpu.memory_space<vmem>>
            %dma_start3A_737 = tpu.memref_slice %arg3[%mul3A_723, %mul3A_725] : memref<2x161792xi32, #tpu.memory_space<hbm>> -> memref<1x128xi32, #tpu.memory_space<hbm>>
            tpu.enqueue_dma source(%dma_start3A_737 : memref<1x128xi32, #tpu.memory_space<hbm>>) target(%dma_start3A_736 : memref<1x128xi32, #tpu.memory_space<vmem>>) target_semaphore(%dma_start3A_732 : memref<!tpu.dma_semaphore, #tpu.memory_space<semaphore_mem>>)
            "tpu.trace_stop"() : () -> ()
          } else {
          }
          %and3A_358 = arith.constant true
          %and3A_359 = arith.andi %and3A_354, %and3A_358 : i1
          %add3A_360 = arith.constant 1 : i32
          %add3A_361 = arith.addi %while3A_250, %add3A_360 : i32
          %select_n3A_362 = arith.select %and3A_359, %add3A_361, %while3A_250 : i32
          %mul3A_363 = arith.constant 2 : i32
          %mul3A_364 = arith.muli %mul3A_363, %add3A_262 : i32
          %add3A_365 = arith.constant 1 : i32
          %add3A_366 = arith.addi %mul3A_364, %add3A_365 : i32
          %mul3A_367 = arith.constant 2 : i32
          %mul3A_368 = arith.muli %mul3A_367, %add3A_280 : i32
          %add3A_369 = arith.constant 1 : i32
          %add3A_370 = arith.addi %mul3A_368, %add3A_369 : i32
          %ne3A_371 = arith.cmpi ne, %arg0, %arg0 : i32
          %ne3A_372 = arith.cmpi ne, %add3A_366, %add3A_370 : i32
          %or3A_373 = arith.constant false
          %or3A_374 = arith.ori %or3A_373, %ne3A_371 : i1
          %or3A_375 = arith.ori %or3A_374, %ne3A_372 : i1
          %sub3A_376 = arith.constant 2 : i32
          %sub3A_377 = arith.subi %mul3A_256, %sub3A_376 : i32
          %add3A_378 = arith.constant 1 : i32
          %add3A_379 = arith.addi %sub3A_377, %add3A_378 : i32
          %ge3A_380 = arith.cmpi sge, %while3A_245, %add3A_379 : i32
          %not3A_381 = arith.constant true
          %not3A_382 = arith.xori %ge3A_380, %not3A_381 : i1
          %and3A_383 = arith.andi %or3A_375, %not3A_382 : i1
          %convert_element_type3A_384 = arith.extui %and3A_383 : i1 to i32
          %cond3A_385 = arith.constant 0 : i32
          %cond3A_386 = arith.cmpi ne, %convert_element_type3A_384, %cond3A_385 : i32
          scf.if %cond3A_386 {
            "tpu.trace_start"() <{level = 10 : i32, message = "ep_copy_in"}> : () -> ()
            %rem3A_716 = arith.constant 2 : i32
            %rem3A_717 = arith.remui %while3A_252, %rem3A_716 : i32
            %mul3A_718 = arith.constant 2 : i32
            %mul3A_719 = arith.muli %mul3A_718, %add3A_280 : i32
            %add3A_720 = arith.constant 1 : i32
            %add3A_721 = arith.addi %mul3A_719, %add3A_720 : i32
            %mul3A_722 = arith.constant 1 : i32
            %mul3A_723 = arith.muli %mul3A_722, %arg0 : i32
            %mul3A_724 = arith.constant 128 : i32
            %mul3A_725 = arith.muli %mul3A_724, %add3A_721 : i32
            %dma_start3A_726 = arith.constant 0 : i32
            %dma_start3A_727 = arith.constant 0 : i32
            %dma_start3A_728 = tpu.memref_slice %run_scoped3A_27[%rem3A_717, %dma_start3A_726, %dma_start3A_727] : memref<2x1x128xi32, #tpu.memory_space<vmem>> -> memref<1x1x128xi32, #tpu.memory_space<vmem>>
            %dma_start3A_729 = tpu.memref_squeeze %dma_start3A_728 : memref<1x1x128xi32, #tpu.memory_space<vmem>> -> memref<1x128xi32, #tpu.memory_space<vmem>>
            %dma_start3A_730 = tpu.memref_slice %arg4[%mul3A_723, %mul3A_725] : memref<2x161792xi32, #tpu.memory_space<hbm>> -> memref<1x128xi32, #tpu.memory_space<hbm>>
            %dma_start3A_731 = tpu.memref_slice %run_scoped3A_28[%rem3A_717] : memref<2x!tpu.dma_semaphore, #tpu.memory_space<semaphore_mem>> -> memref<1x!tpu.dma_semaphore, #tpu.memory_space<semaphore_mem>>
            %dma_start3A_732 = tpu.memref_squeeze %dma_start3A_731 : memref<1x!tpu.dma_semaphore, #tpu.memory_space<semaphore_mem>> -> memref<!tpu.dma_semaphore, #tpu.memory_space<semaphore_mem>>
            %dma_start3A_733 = arith.constant 0 : i32
            %dma_start3A_734 = arith.constant 0 : i32
            %dma_start3A_735 = tpu.memref_slice %run_scoped3A_27[%rem3A_717, %dma_start3A_733, %dma_start3A_734] : memref<2x1x128xi32, #tpu.memory_space<vmem>> -> memref<1x1x128xi32, #tpu.memory_space<vmem>>
            %dma_start3A_736 = tpu.memref_squeeze %dma_start3A_735 : memref<1x1x128xi32, #tpu.memory_space<vmem>> -> memref<1x128xi32, #tpu.memory_space<vmem>>
            %dma_start3A_737 = tpu.memref_slice %arg4[%mul3A_723, %mul3A_725] : memref<2x161792xi32, #tpu.memory_space<hbm>> -> memref<1x128xi32, #tpu.memory_space<hbm>>
            tpu.enqueue_dma source(%dma_start3A_737 : memref<1x128xi32, #tpu.memory_space<hbm>>) target(%dma_start3A_736 : memref<1x128xi32, #tpu.memory_space<vmem>>) target_semaphore(%dma_start3A_732 : memref<!tpu.dma_semaphore, #tpu.memory_space<semaphore_mem>>)
            "tpu.trace_stop"() : () -> ()
          } else {
          }
          %and3A_387 = arith.constant true
          %and3A_388 = arith.andi %and3A_383, %and3A_387 : i1
          %add3A_389 = arith.constant 1 : i32
          %add3A_390 = arith.addi %while3A_252, %add3A_389 : i32
          %select_n3A_391 = arith.select %and3A_388, %add3A_390, %while3A_252 : i32
          %mul3A_392 = arith.constant 2 : i32
          %mul3A_393 = arith.muli %mul3A_392, %add3A_262 : i32
          %mul3A_394 = arith.constant 2 : i32
          %mul3A_395 = arith.muli %mul3A_394, %add3A_272 : i32
          %ne3A_396 = arith.cmpi ne, %arg0, %arg0 : i32
          %ne3A_397 = arith.cmpi ne, %mul3A_393, %mul3A_395 : i32
          %or3A_398 = arith.constant false
          %or3A_399 = arith.ori %or3A_398, %ne3A_396 : i1
          %or3A_400 = arith.ori %or3A_399, %ne3A_397 : i1
          %or3A_401 = arith.ori %or3A_400, %eq3A_258 : i1
          %convert_element_type3A_402 = arith.extui %or3A_401 : i1 to i32
          %cond3A_403 = arith.constant 0 : i32
          %cond3A_404 = arith.cmpi ne, %convert_element_type3A_402, %cond3A_403 : i32
          scf.if %cond3A_404 {
            "tpu.trace_start"() <{level = 10 : i32, message = "ep_wait_in"}> : () -> ()
            %mul3A_716 = arith.constant 2 : i32
            %mul3A_717 = arith.muli %mul3A_716, %add3A_262 : i32
            %mul3A_718 = arith.constant 1 : i32
            %mul3A_719 = arith.muli %mul3A_718, %arg0 : i32
            %mul3A_720 = arith.constant 128 : i32
            %mul3A_721 = arith.muli %mul3A_720, %mul3A_717 : i32
            %rem3A_722 = arith.constant 2 : i32
            %rem3A_723 = arith.remui %while3A_247, %rem3A_722 : i32
            %dma_wait3A_724 = arith.constant 0 : i32
            %dma_wait3A_725 = arith.constant 0 : i32
            %dma_wait3A_726 = tpu.memref_slice %run_scoped3A[%rem3A_723, %dma_wait3A_724, %dma_wait3A_725] : memref<2x1x128xi32, #tpu.memory_space<vmem>> -> memref<1x1x128xi32, #tpu.memory_space<vmem>>
            %dma_wait3A_727 = tpu.memref_squeeze %dma_wait3A_726 : memref<1x1x128xi32, #tpu.memory_space<vmem>> -> memref<1x128xi32, #tpu.memory_space<vmem>>
            %dma_wait3A_728 = tpu.memref_slice %arg3[%mul3A_719, %mul3A_721] : memref<2x161792xi32, #tpu.memory_space<hbm>> -> memref<1x128xi32, #tpu.memory_space<hbm>>
            %dma_wait3A_729 = tpu.memref_slice %run_scoped3A_22[%rem3A_723] : memref<2x!tpu.dma_semaphore, #tpu.memory_space<semaphore_mem>> -> memref<1x!tpu.dma_semaphore, #tpu.memory_space<semaphore_mem>>
            %dma_wait3A_730 = tpu.memref_squeeze %dma_wait3A_729 : memref<1x!tpu.dma_semaphore, #tpu.memory_space<semaphore_mem>> -> memref<!tpu.dma_semaphore, #tpu.memory_space<semaphore_mem>>
            %dma_wait3A_731 = arith.constant 0 : i32
            %dma_wait3A_732 = arith.constant 0 : i32
            %dma_wait3A_733 = tpu.memref_slice %run_scoped3A[%rem3A_723, %dma_wait3A_731, %dma_wait3A_732] : memref<2x1x128xi32, #tpu.memory_space<vmem>> -> memref<1x1x128xi32, #tpu.memory_space<vmem>>
            %dma_wait3A_734 = tpu.memref_squeeze %dma_wait3A_733 : memref<1x1x128xi32, #tpu.memory_space<vmem>> -> memref<1x128xi32, #tpu.memory_space<vmem>>
            %dma_wait3A_735 = tpu.memref_slice %arg3[%mul3A_719, %mul3A_721] : memref<2x161792xi32, #tpu.memory_space<hbm>> -> memref<1x128xi32, #tpu.memory_space<hbm>>
            tpu.wait_dma2 semaphore(%dma_wait3A_730 : memref<!tpu.dma_semaphore, #tpu.memory_space<semaphore_mem>>) src(%dma_wait3A_735 : memref<1x128xi32, #tpu.memory_space<hbm>>) dst(%dma_wait3A_734 : memref<1x128xi32, #tpu.memory_space<vmem>>)
            "tpu.trace_stop"() : () -> ()
          } else {
          }
          %mul3A_405 = arith.constant 2 : i32
          %mul3A_406 = arith.muli %mul3A_405, %add3A_262 : i32
          %mul3A_407 = arith.constant 2 : i32
          %mul3A_408 = arith.muli %mul3A_407, %add3A_272 : i32
          %ne3A_409 = arith.cmpi ne, %arg0, %arg0 : i32
          %ne3A_410 = arith.cmpi ne, %mul3A_406, %mul3A_408 : i32
          %or3A_411 = arith.constant false
          %or3A_412 = arith.ori %or3A_411, %ne3A_409 : i1
          %or3A_413 = arith.ori %or3A_412, %ne3A_410 : i1
          %or3A_414 = arith.ori %or3A_413, %eq3A_258 : i1
          %convert_element_type3A_415 = arith.extui %or3A_414 : i1 to i32
          %cond3A_416 = arith.constant 0 : i32
          %cond3A_417 = arith.cmpi ne, %convert_element_type3A_415, %cond3A_416 : i32
          scf.if %cond3A_417 {
            "tpu.trace_start"() <{level = 10 : i32, message = "ep_wait_in"}> : () -> ()
            %mul3A_716 = arith.constant 2 : i32
            %mul3A_717 = arith.muli %mul3A_716, %add3A_262 : i32
            %mul3A_718 = arith.constant 1 : i32
            %mul3A_719 = arith.muli %mul3A_718, %arg0 : i32
            %mul3A_720 = arith.constant 128 : i32
            %mul3A_721 = arith.muli %mul3A_720, %mul3A_717 : i32
            %rem3A_722 = arith.constant 2 : i32
            %rem3A_723 = arith.remui %while3A_249, %rem3A_722 : i32
            %dma_wait3A_724 = arith.constant 0 : i32
            %dma_wait3A_725 = arith.constant 0 : i32
            %dma_wait3A_726 = tpu.memref_slice %run_scoped3A_23[%rem3A_723, %dma_wait3A_724, %dma_wait3A_725] : memref<2x1x128xi32, #tpu.memory_space<vmem>> -> memref<1x1x128xi32, #tpu.memory_space<vmem>>
            %dma_wait3A_727 = tpu.memref_squeeze %dma_wait3A_726 : memref<1x1x128xi32, #tpu.memory_space<vmem>> -> memref<1x128xi32, #tpu.memory_space<vmem>>
            %dma_wait3A_728 = tpu.memref_slice %arg4[%mul3A_719, %mul3A_721] : memref<2x161792xi32, #tpu.memory_space<hbm>> -> memref<1x128xi32, #tpu.memory_space<hbm>>
            %dma_wait3A_729 = tpu.memref_slice %run_scoped3A_24[%rem3A_723] : memref<2x!tpu.dma_semaphore, #tpu.memory_space<semaphore_mem>> -> memref<1x!tpu.dma_semaphore, #tpu.memory_space<semaphore_mem>>
            %dma_wait3A_730 = tpu.memref_squeeze %dma_wait3A_729 : memref<1x!tpu.dma_semaphore, #tpu.memory_space<semaphore_mem>> -> memref<!tpu.dma_semaphore, #tpu.memory_space<semaphore_mem>>
            %dma_wait3A_731 = arith.constant 0 : i32
            %dma_wait3A_732 = arith.constant 0 : i32
            %dma_wait3A_733 = tpu.memref_slice %run_scoped3A_23[%rem3A_723, %dma_wait3A_731, %dma_wait3A_732] : memref<2x1x128xi32, #tpu.memory_space<vmem>> -> memref<1x1x128xi32, #tpu.memory_space<vmem>>
            %dma_wait3A_734 = tpu.memref_squeeze %dma_wait3A_733 : memref<1x1x128xi32, #tpu.memory_space<vmem>> -> memref<1x128xi32, #tpu.memory_space<vmem>>
            %dma_wait3A_735 = tpu.memref_slice %arg4[%mul3A_719, %mul3A_721] : memref<2x161792xi32, #tpu.memory_space<hbm>> -> memref<1x128xi32, #tpu.memory_space<hbm>>
            tpu.wait_dma2 semaphore(%dma_wait3A_730 : memref<!tpu.dma_semaphore, #tpu.memory_space<semaphore_mem>>) src(%dma_wait3A_735 : memref<1x128xi32, #tpu.memory_space<hbm>>) dst(%dma_wait3A_734 : memref<1x128xi32, #tpu.memory_space<vmem>>)
            "tpu.trace_stop"() : () -> ()
          } else {
          }
          %mul3A_418 = arith.constant 2 : i32
          %mul3A_419 = arith.muli %mul3A_418, %add3A_262 : i32
          %add3A_420 = arith.constant 1 : i32
          %add3A_421 = arith.addi %mul3A_419, %add3A_420 : i32
          %mul3A_422 = arith.constant 2 : i32
          %mul3A_423 = arith.muli %mul3A_422, %add3A_272 : i32
          %add3A_424 = arith.constant 1 : i32
          %add3A_425 = arith.addi %mul3A_423, %add3A_424 : i32
          %ne3A_426 = arith.cmpi ne, %arg0, %arg0 : i32
          %ne3A_427 = arith.cmpi ne, %add3A_421, %add3A_425 : i32
          %or3A_428 = arith.constant false
          %or3A_429 = arith.ori %or3A_428, %ne3A_426 : i1
          %or3A_430 = arith.ori %or3A_429, %ne3A_427 : i1
          %or3A_431 = arith.ori %or3A_430, %eq3A_258 : i1
          %convert_element_type3A_432 = arith.extui %or3A_431 : i1 to i32
          %cond3A_433 = arith.constant 0 : i32
          %cond3A_434 = arith.cmpi ne, %convert_element_type3A_432, %cond3A_433 : i32
          scf.if %cond3A_434 {
            "tpu.trace_start"() <{level = 10 : i32, message = "ep_wait_in"}> : () -> ()
            %mul3A_716 = arith.constant 2 : i32
            %mul3A_717 = arith.muli %mul3A_716, %add3A_262 : i32
            %add3A_718 = arith.constant 1 : i32
            %add3A_719 = arith.addi %mul3A_717, %add3A_718 : i32
            %mul3A_720 = arith.constant 1 : i32
            %mul3A_721 = arith.muli %mul3A_720, %arg0 : i32
            %mul3A_722 = arith.constant 128 : i32
            %mul3A_723 = arith.muli %mul3A_722, %add3A_719 : i32
            %rem3A_724 = arith.constant 2 : i32
            %rem3A_725 = arith.remui %while3A_251, %rem3A_724 : i32
            %dma_wait3A_726 = arith.constant 0 : i32
            %dma_wait3A_727 = arith.constant 0 : i32
            %dma_wait3A_728 = tpu.memref_slice %run_scoped3A_25[%rem3A_725, %dma_wait3A_726, %dma_wait3A_727] : memref<2x1x128xi32, #tpu.memory_space<vmem>> -> memref<1x1x128xi32, #tpu.memory_space<vmem>>
            %dma_wait3A_729 = tpu.memref_squeeze %dma_wait3A_728 : memref<1x1x128xi32, #tpu.memory_space<vmem>> -> memref<1x128xi32, #tpu.memory_space<vmem>>
            %dma_wait3A_730 = tpu.memref_slice %arg3[%mul3A_721, %mul3A_723] : memref<2x161792xi32, #tpu.memory_space<hbm>> -> memref<1x128xi32, #tpu.memory_space<hbm>>
            %dma_wait3A_731 = tpu.memref_slice %run_scoped3A_26[%rem3A_725] : memref<2x!tpu.dma_semaphore, #tpu.memory_space<semaphore_mem>> -> memref<1x!tpu.dma_semaphore, #tpu.memory_space<semaphore_mem>>
            %dma_wait3A_732 = tpu.memref_squeeze %dma_wait3A_731 : memref<1x!tpu.dma_semaphore, #tpu.memory_space<semaphore_mem>> -> memref<!tpu.dma_semaphore, #tpu.memory_space<semaphore_mem>>
            %dma_wait3A_733 = arith.constant 0 : i32
            %dma_wait3A_734 = arith.constant 0 : i32
            %dma_wait3A_735 = tpu.memref_slice %run_scoped3A_25[%rem3A_725, %dma_wait3A_733, %dma_wait3A_734] : memref<2x1x128xi32, #tpu.memory_space<vmem>> -> memref<1x1x128xi32, #tpu.memory_space<vmem>>
            %dma_wait3A_736 = tpu.memref_squeeze %dma_wait3A_735 : memref<1x1x128xi32, #tpu.memory_space<vmem>> -> memref<1x128xi32, #tpu.memory_space<vmem>>
            %dma_wait3A_737 = tpu.memref_slice %arg3[%mul3A_721, %mul3A_723] : memref<2x161792xi32, #tpu.memory_space<hbm>> -> memref<1x128xi32, #tpu.memory_space<hbm>>
            tpu.wait_dma2 semaphore(%dma_wait3A_732 : memref<!tpu.dma_semaphore, #tpu.memory_space<semaphore_mem>>) src(%dma_wait3A_737 : memref<1x128xi32, #tpu.memory_space<hbm>>) dst(%dma_wait3A_736 : memref<1x128xi32, #tpu.memory_space<vmem>>)
            "tpu.trace_stop"() : () -> ()
          } else {
          }
          %mul3A_435 = arith.constant 2 : i32
          %mul3A_436 = arith.muli %mul3A_435, %add3A_262 : i32
          %add3A_437 = arith.constant 1 : i32
          %add3A_438 = arith.addi %mul3A_436, %add3A_437 : i32
          %mul3A_439 = arith.constant 2 : i32
          %mul3A_440 = arith.muli %mul3A_439, %add3A_272 : i32
          %add3A_441 = arith.constant 1 : i32
          %add3A_442 = arith.addi %mul3A_440, %add3A_441 : i32
          %ne3A_443 = arith.cmpi ne, %arg0, %arg0 : i32
          %ne3A_444 = arith.cmpi ne, %add3A_438, %add3A_442 : i32
          %or3A_445 = arith.constant false
          %or3A_446 = arith.ori %or3A_445, %ne3A_443 : i1
          %or3A_447 = arith.ori %or3A_446, %ne3A_444 : i1
          %or3A_448 = arith.ori %or3A_447, %eq3A_258 : i1
          %convert_element_type3A_449 = arith.extui %or3A_448 : i1 to i32
          %cond3A_450 = arith.constant 0 : i32
          %cond3A_451 = arith.cmpi ne, %convert_element_type3A_449, %cond3A_450 : i32
          scf.if %cond3A_451 {
            "tpu.trace_start"() <{level = 10 : i32, message = "ep_wait_in"}> : () -> ()
            %mul3A_716 = arith.constant 2 : i32
            %mul3A_717 = arith.muli %mul3A_716, %add3A_262 : i32
            %add3A_718 = arith.constant 1 : i32
            %add3A_719 = arith.addi %mul3A_717, %add3A_718 : i32
            %mul3A_720 = arith.constant 1 : i32
            %mul3A_721 = arith.muli %mul3A_720, %arg0 : i32
            %mul3A_722 = arith.constant 128 : i32
            %mul3A_723 = arith.muli %mul3A_722, %add3A_719 : i32
            %rem3A_724 = arith.constant 2 : i32
            %rem3A_725 = arith.remui %while3A_253, %rem3A_724 : i32
            %dma_wait3A_726 = arith.constant 0 : i32
            %dma_wait3A_727 = arith.constant 0 : i32
            %dma_wait3A_728 = tpu.memref_slice %run_scoped3A_27[%rem3A_725, %dma_wait3A_726, %dma_wait3A_727] : memref<2x1x128xi32, #tpu.memory_space<vmem>> -> memref<1x1x128xi32, #tpu.memory_space<vmem>>
            %dma_wait3A_729 = tpu.memref_squeeze %dma_wait3A_728 : memref<1x1x128xi32, #tpu.memory_space<vmem>> -> memref<1x128xi32, #tpu.memory_space<vmem>>
            %dma_wait3A_730 = tpu.memref_slice %arg4[%mul3A_721, %mul3A_723] : memref<2x161792xi32, #tpu.memory_space<hbm>> -> memref<1x128xi32, #tpu.memory_space<hbm>>
            %dma_wait3A_731 = tpu.memref_slice %run_scoped3A_28[%rem3A_725] : memref<2x!tpu.dma_semaphore, #tpu.memory_space<semaphore_mem>> -> memref<1x!tpu.dma_semaphore, #tpu.memory_space<semaphore_mem>>
            %dma_wait3A_732 = tpu.memref_squeeze %dma_wait3A_731 : memref<1x!tpu.dma_semaphore, #tpu.memory_space<semaphore_mem>> -> memref<!tpu.dma_semaphore, #tpu.memory_space<semaphore_mem>>
            %dma_wait3A_733 = arith.constant 0 : i32
            %dma_wait3A_734 = arith.constant 0 : i32
            %dma_wait3A_735 = tpu.memref_slice %run_scoped3A_27[%rem3A_725, %dma_wait3A_733, %dma_wait3A_734] : memref<2x1x128xi32, #tpu.memory_space<vmem>> -> memref<1x1x128xi32, #tpu.memory_space<vmem>>
            %dma_wait3A_736 = tpu.memref_squeeze %dma_wait3A_735 : memref<1x1x128xi32, #tpu.memory_space<vmem>> -> memref<1x128xi32, #tpu.memory_space<vmem>>
            %dma_wait3A_737 = tpu.memref_slice %arg4[%mul3A_721, %mul3A_723] : memref<2x161792xi32, #tpu.memory_space<hbm>> -> memref<1x128xi32, #tpu.memory_space<hbm>>
            tpu.wait_dma2 semaphore(%dma_wait3A_732 : memref<!tpu.dma_semaphore, #tpu.memory_space<semaphore_mem>>) src(%dma_wait3A_737 : memref<1x128xi32, #tpu.memory_space<hbm>>) dst(%dma_wait3A_736 : memref<1x128xi32, #tpu.memory_space<vmem>>)
            "tpu.trace_stop"() : () -> ()
          } else {
          }
          %rem3A_452 = arith.constant 2 : i32
          %rem3A_453 = arith.remui %while3A_247, %rem3A_452 : i32
          %rem3A_454 = arith.constant 2 : i32
          %rem3A_455 = arith.remui %while3A_249, %rem3A_454 : i32
          %rem3A_456 = arith.constant 2 : i32
          %rem3A_457 = arith.remui %while3A_251, %rem3A_456 : i32
          %rem3A_458 = arith.constant 2 : i32
          %rem3A_459 = arith.remui %while3A_253, %rem3A_458 : i32
          %dma_start3A_460 = arith.constant 0 : i32
          "tpu.trace_start"() <{level = 10 : i32, message = "ep_run_kernel"}> : () -> ()
          %dma_start3A_461 = arith.constant 0 : i32
          %dma_start3A_462 = arith.constant 0 : i32
          %dma_start3A_463 = tpu.memref_slice %run_scoped3A[%rem3A_453, %dma_start3A_461, %dma_start3A_462] : memref<2x1x128xi32, #tpu.memory_space<vmem>> -> memref<1x1x128xi32, #tpu.memory_space<vmem>>
          %dma_start3A_464 = tpu.memref_squeeze %dma_start3A_463 : memref<1x1x128xi32, #tpu.memory_space<vmem>> -> memref<1x128xi32, #tpu.memory_space<vmem>>
          %dma_start3A_465 = arith.constant 0 : i32
          %dma_start3A_466 = tpu.memref_slice %dma_start3A_464[%dma_start3A_460, %dma_start3A_465] : memref<1x128xi32, #tpu.memory_space<vmem>> -> memref<1x128xi32, #tpu.memory_space<vmem>>
          %dma_start3A_467 = tpu.memref_squeeze %dma_start3A_466 : memref<1x128xi32, #tpu.memory_space<vmem>> -> memref<128xi32, #tpu.memory_space<vmem>>
          %dma_start3A_468 = arith.constant 0 : i32
          %dma_start3A_469 = arith.constant 0 : i32
          %dma_start3A_470 = tpu.memref_slice %arg5[%dma_start3A_468, %dma_start3A_469] : memref<10240x128xf32, #tpu.memory_space<hbm>> -> memref<10240x128xf32, #tpu.memory_space<hbm>>
          tpu.enqueue_indirect_dma source(%dma_start3A_470 : memref<10240x128xf32, #tpu.memory_space<hbm>>) target(%arg7 : memref<128x128xf32, #tpu.memory_space<vmem>>) offsets(%dma_start3A_467 : memref<128xi32, #tpu.memory_space<vmem>>) semaphore(%arg11 : memref<!tpu.dma_semaphore, #tpu.memory_space<semaphore_mem>>)
          %dma_start3A_471 = arith.constant 0 : i32
          %dma_start3A_472 = arith.constant 0 : i32
          %dma_start3A_473 = arith.constant 0 : i32
          %dma_start3A_474 = tpu.memref_slice %run_scoped3A_25[%rem3A_457, %dma_start3A_472, %dma_start3A_473] : memref<2x1x128xi32, #tpu.memory_space<vmem>> -> memref<1x1x128xi32, #tpu.memory_space<vmem>>
          %dma_start3A_475 = tpu.memref_squeeze %dma_start3A_474 : memref<1x1x128xi32, #tpu.memory_space<vmem>> -> memref<1x128xi32, #tpu.memory_space<vmem>>
          %dma_start3A_476 = arith.constant 0 : i32
          %dma_start3A_477 = tpu.memref_slice %dma_start3A_475[%dma_start3A_471, %dma_start3A_476] : memref<1x128xi32, #tpu.memory_space<vmem>> -> memref<1x128xi32, #tpu.memory_space<vmem>>
          %dma_start3A_478 = tpu.memref_squeeze %dma_start3A_477 : memref<1x128xi32, #tpu.memory_space<vmem>> -> memref<128xi32, #tpu.memory_space<vmem>>
          %dma_start3A_479 = arith.constant 0 : i32
          %dma_start3A_480 = arith.constant 0 : i32
          %dma_start3A_481 = tpu.memref_slice %arg5[%dma_start3A_479, %dma_start3A_480] : memref<10240x128xf32, #tpu.memory_space<hbm>> -> memref<10240x128xf32, #tpu.memory_space<hbm>>
          tpu.enqueue_indirect_dma source(%dma_start3A_481 : memref<10240x128xf32, #tpu.memory_space<hbm>>) target(%arg8 : memref<128x128xf32, #tpu.memory_space<vmem>>) offsets(%dma_start3A_478 : memref<128xi32, #tpu.memory_space<vmem>>) semaphore(%arg12 : memref<!tpu.dma_semaphore, #tpu.memory_space<semaphore_mem>>)
          %dma_wait3A = arith.constant 0 : i32
          %dma_wait3A_482 = arith.constant 0 : i32
          %dma_wait3A_483 = arith.constant 0 : i32
          %dma_wait3A_484 = tpu.memref_slice %run_scoped3A[%rem3A_453, %dma_wait3A_482, %dma_wait3A_483] : memref<2x1x128xi32, #tpu.memory_space<vmem>> -> memref<1x1x128xi32, #tpu.memory_space<vmem>>
          %dma_wait3A_485 = tpu.memref_squeeze %dma_wait3A_484 : memref<1x1x128xi32, #tpu.memory_space<vmem>> -> memref<1x128xi32, #tpu.memory_space<vmem>>
          %dma_wait3A_486 = arith.constant 0 : i32
          %dma_wait3A_487 = tpu.memref_slice %dma_wait3A_485[%dma_wait3A, %dma_wait3A_486] : memref<1x128xi32, #tpu.memory_space<vmem>> -> memref<1x128xi32, #tpu.memory_space<vmem>>
          %dma_wait3A_488 = tpu.memref_squeeze %dma_wait3A_487 : memref<1x128xi32, #tpu.memory_space<vmem>> -> memref<128xi32, #tpu.memory_space<vmem>>
          %dma_wait3A_489 = arith.constant 0 : i32
          %dma_wait3A_490 = arith.constant 0 : i32
          %dma_wait3A_491 = tpu.memref_slice %arg5[%dma_wait3A_489, %dma_wait3A_490] : memref<10240x128xf32, #tpu.memory_space<hbm>> -> memref<10240x128xf32, #tpu.memory_space<hbm>>
          tpu.wait_indirect_dma semaphore(%arg11 : memref<!tpu.dma_semaphore, #tpu.memory_space<semaphore_mem>>) src(%dma_wait3A_491 : memref<10240x128xf32, #tpu.memory_space<hbm>>) dst(%arg7 : memref<128x128xf32, #tpu.memory_space<vmem>>)
          %run_scoped3A_492 = arith.constant 0 : i32
          "tpu.region"() ({
            %run_scoped3A_716 = tpu.sem_alloc : memref<!tpu.dma_semaphore, #tpu.memory_space<semaphore_mem>>
            %dma_start3A_717 = arith.constant 0 : i32
            %dma_start3A_718 = arith.constant 0 : i32
            %dma_start3A_719 = tpu.memref_slice %run_scoped3A_23[%rem3A_455, %dma_start3A_717, %dma_start3A_718] : memref<2x1x128xi32, #tpu.memory_space<vmem>> -> memref<1x1x128xi32, #tpu.memory_space<vmem>>
            %dma_start3A_720 = tpu.memref_squeeze %dma_start3A_719 : memref<1x1x128xi32, #tpu.memory_space<vmem>> -> memref<1x128xi32, #tpu.memory_space<vmem>>
            %dma_start3A_721 = arith.constant 0 : i32
            %dma_start3A_722 = tpu.memref_slice %dma_start3A_720[%run_scoped3A_492, %dma_start3A_721] : memref<1x128xi32, #tpu.memory_space<vmem>> -> memref<1x128xi32, #tpu.memory_space<vmem>>
            %dma_start3A_723 = tpu.memref_squeeze %dma_start3A_722 : memref<1x128xi32, #tpu.memory_space<vmem>> -> memref<128xi32, #tpu.memory_space<vmem>>
            %dma_start3A_724 = arith.constant 0 : i32
            %dma_start3A_725 = arith.constant 0 : i32
            %dma_start3A_726 = tpu.memref_slice %arg10[%dma_start3A_724, %dma_start3A_725] : memref<10240x128xf32, #tpu.memory_space<vmem_shared>> -> memref<10240x128xf32, #tpu.memory_space<vmem_shared>>
            tpu.enqueue_indirect_dma source(%arg7 : memref<128x128xf32, #tpu.memory_space<vmem>>) target(%dma_start3A_726 : memref<10240x128xf32, #tpu.memory_space<vmem_shared>>) offsets(%dma_start3A_723 : memref<128xi32, #tpu.memory_space<vmem>>) semaphore(%run_scoped3A_716 : memref<!tpu.dma_semaphore, #tpu.memory_space<semaphore_mem>>) {add = true}
            %dma_wait3A_727 = arith.constant 0 : i32
            %dma_wait3A_728 = arith.constant 0 : i32
            %dma_wait3A_729 = tpu.memref_slice %run_scoped3A_23[%rem3A_455, %dma_wait3A_727, %dma_wait3A_728] : memref<2x1x128xi32, #tpu.memory_space<vmem>> -> memref<1x1x128xi32, #tpu.memory_space<vmem>>
            %dma_wait3A_730 = tpu.memref_squeeze %dma_wait3A_729 : memref<1x1x128xi32, #tpu.memory_space<vmem>> -> memref<1x128xi32, #tpu.memory_space<vmem>>
            %dma_wait3A_731 = arith.constant 0 : i32
            %dma_wait3A_732 = tpu.memref_slice %dma_wait3A_730[%run_scoped3A_492, %dma_wait3A_731] : memref<1x128xi32, #tpu.memory_space<vmem>> -> memref<1x128xi32, #tpu.memory_space<vmem>>
            %dma_wait3A_733 = tpu.memref_squeeze %dma_wait3A_732 : memref<1x128xi32, #tpu.memory_space<vmem>> -> memref<128xi32, #tpu.memory_space<vmem>>
            %dma_wait3A_734 = arith.constant 0 : i32
            %dma_wait3A_735 = arith.constant 0 : i32
            %dma_wait3A_736 = tpu.memref_slice %arg10[%dma_wait3A_734, %dma_wait3A_735] : memref<10240x128xf32, #tpu.memory_space<vmem_shared>> -> memref<10240x128xf32, #tpu.memory_space<vmem_shared>>
            tpu.wait_indirect_dma semaphore(%run_scoped3A_716 : memref<!tpu.dma_semaphore, #tpu.memory_space<semaphore_mem>>) src(%arg7 : memref<128x128xf32, #tpu.memory_space<vmem>>) dst(%dma_wait3A_736 : memref<10240x128xf32, #tpu.memory_space<vmem_shared>>)
            tpu.yield
          }) : () -> ()
          %dma_wait3A_493 = arith.constant 0 : i32
          %dma_wait3A_494 = arith.constant 0 : i32
          %dma_wait3A_495 = arith.constant 0 : i32
          %dma_wait3A_496 = tpu.memref_slice %run_scoped3A_25[%rem3A_457, %dma_wait3A_494, %dma_wait3A_495] : memref<2x1x128xi32, #tpu.memory_space<vmem>> -> memref<1x1x128xi32, #tpu.memory_space<vmem>>
          %dma_wait3A_497 = tpu.memref_squeeze %dma_wait3A_496 : memref<1x1x128xi32, #tpu.memory_space<vmem>> -> memref<1x128xi32, #tpu.memory_space<vmem>>
          %dma_wait3A_498 = arith.constant 0 : i32
          %dma_wait3A_499 = tpu.memref_slice %dma_wait3A_497[%dma_wait3A_493, %dma_wait3A_498] : memref<1x128xi32, #tpu.memory_space<vmem>> -> memref<1x128xi32, #tpu.memory_space<vmem>>
          %dma_wait3A_500 = tpu.memref_squeeze %dma_wait3A_499 : memref<1x128xi32, #tpu.memory_space<vmem>> -> memref<128xi32, #tpu.memory_space<vmem>>
          %dma_wait3A_501 = arith.constant 0 : i32
          %dma_wait3A_502 = arith.constant 0 : i32
          %dma_wait3A_503 = tpu.memref_slice %arg5[%dma_wait3A_501, %dma_wait3A_502] : memref<10240x128xf32, #tpu.memory_space<hbm>> -> memref<10240x128xf32, #tpu.memory_space<hbm>>
          tpu.wait_indirect_dma semaphore(%arg12 : memref<!tpu.dma_semaphore, #tpu.memory_space<semaphore_mem>>) src(%dma_wait3A_503 : memref<10240x128xf32, #tpu.memory_space<hbm>>) dst(%arg8 : memref<128x128xf32, #tpu.memory_space<vmem>>)
          %run_scoped3A_504 = arith.constant 0 : i32
          "tpu.region"() ({
            %run_scoped3A_716 = tpu.sem_alloc : memref<!tpu.dma_semaphore, #tpu.memory_space<semaphore_mem>>
            %dma_start3A_717 = arith.constant 0 : i32
            %dma_start3A_718 = arith.constant 0 : i32
            %dma_start3A_719 = tpu.memref_slice %run_scoped3A_27[%rem3A_459, %dma_start3A_717, %dma_start3A_718] : memref<2x1x128xi32, #tpu.memory_space<vmem>> -> memref<1x1x128xi32, #tpu.memory_space<vmem>>
            %dma_start3A_720 = tpu.memref_squeeze %dma_start3A_719 : memref<1x1x128xi32, #tpu.memory_space<vmem>> -> memref<1x128xi32, #tpu.memory_space<vmem>>
            %dma_start3A_721 = arith.constant 0 : i32
            %dma_start3A_722 = tpu.memref_slice %dma_start3A_720[%run_scoped3A_504, %dma_start3A_721] : memref<1x128xi32, #tpu.memory_space<vmem>> -> memref<1x128xi32, #tpu.memory_space<vmem>>
            %dma_start3A_723 = tpu.memref_squeeze %dma_start3A_722 : memref<1x128xi32, #tpu.memory_space<vmem>> -> memref<128xi32, #tpu.memory_space<vmem>>
            %dma_start3A_724 = arith.constant 0 : i32
            %dma_start3A_725 = arith.constant 0 : i32
            %dma_start3A_726 = tpu.memref_slice %arg10[%dma_start3A_724, %dma_start3A_725] : memref<10240x128xf32, #tpu.memory_space<vmem_shared>> -> memref<10240x128xf32, #tpu.memory_space<vmem_shared>>
            tpu.enqueue_indirect_dma source(%arg8 : memref<128x128xf32, #tpu.memory_space<vmem>>) target(%dma_start3A_726 : memref<10240x128xf32, #tpu.memory_space<vmem_shared>>) offsets(%dma_start3A_723 : memref<128xi32, #tpu.memory_space<vmem>>) semaphore(%run_scoped3A_716 : memref<!tpu.dma_semaphore, #tpu.memory_space<semaphore_mem>>) {add = true}
            %dma_wait3A_727 = arith.constant 0 : i32
            %dma_wait3A_728 = arith.constant 0 : i32
            %dma_wait3A_729 = tpu.memref_slice %run_scoped3A_27[%rem3A_459, %dma_wait3A_727, %dma_wait3A_728] : memref<2x1x128xi32, #tpu.memory_space<vmem>> -> memref<1x1x128xi32, #tpu.memory_space<vmem>>
            %dma_wait3A_730 = tpu.memref_squeeze %dma_wait3A_729 : memref<1x1x128xi32, #tpu.memory_space<vmem>> -> memref<1x128xi32, #tpu.memory_space<vmem>>
            %dma_wait3A_731 = arith.constant 0 : i32
            %dma_wait3A_732 = tpu.memref_slice %dma_wait3A_730[%run_scoped3A_504, %dma_wait3A_731] : memref<1x128xi32, #tpu.memory_space<vmem>> -> memref<1x128xi32, #tpu.memory_space<vmem>>
            %dma_wait3A_733 = tpu.memref_squeeze %dma_wait3A_732 : memref<1x128xi32, #tpu.memory_space<vmem>> -> memref<128xi32, #tpu.memory_space<vmem>>
            %dma_wait3A_734 = arith.constant 0 : i32
            %dma_wait3A_735 = arith.constant 0 : i32
            %dma_wait3A_736 = tpu.memref_slice %arg10[%dma_wait3A_734, %dma_wait3A_735] : memref<10240x128xf32, #tpu.memory_space<vmem_shared>> -> memref<10240x128xf32, #tpu.memory_space<vmem_shared>>
            tpu.wait_indirect_dma semaphore(%run_scoped3A_716 : memref<!tpu.dma_semaphore, #tpu.memory_space<semaphore_mem>>) src(%arg8 : memref<128x128xf32, #tpu.memory_space<vmem>>) dst(%dma_wait3A_736 : memref<10240x128xf32, #tpu.memory_space<vmem_shared>>)
            tpu.yield
          }) : () -> ()
          "tpu.trace_stop"() : () -> ()
          %mul3A_505 = arith.constant 2 : i32
          %mul3A_506 = arith.muli %mul3A_505, %add3A_262 : i32
          %mul3A_507 = arith.constant 2 : i32
          %mul3A_508 = arith.muli %mul3A_507, %add3A_280 : i32
          %ne3A_509 = arith.cmpi ne, %arg0, %arg0 : i32
          %ne3A_510 = arith.cmpi ne, %mul3A_506, %mul3A_508 : i32
          %or3A_511 = arith.constant false
          %or3A_512 = arith.ori %or3A_511, %ne3A_509 : i1
          %or3A_513 = arith.ori %or3A_512, %ne3A_510 : i1
          %or3A_514 = arith.ori %or3A_513, %eq3A_261 : i1
          %convert_element_type3A_515 = arith.extui %or3A_514 : i1 to i32
          %cond3A_516 = arith.constant 0 : i32
          %cond3A_517 = arith.cmpi ne, %convert_element_type3A_515, %cond3A_516 : i32
          scf.if %cond3A_517 {
          } else {
          }
          %and3A_518 = arith.constant false
          %and3A_519 = arith.andi %or3A_514, %and3A_518 : i1
          %mul3A_520 = arith.constant 2 : i32
          %mul3A_521 = arith.muli %mul3A_520, %add3A_262 : i32
          %mul3A_522 = arith.constant 2 : i32
          %mul3A_523 = arith.muli %mul3A_522, %add3A_280 : i32
          %ne3A_524 = arith.cmpi ne, %arg0, %arg0 : i32
          %ne3A_525 = arith.cmpi ne, %mul3A_521, %mul3A_523 : i32
          %or3A_526 = arith.constant false
          %or3A_527 = arith.ori %or3A_526, %ne3A_524 : i1
          %or3A_528 = arith.ori %or3A_527, %ne3A_525 : i1
          %or3A_529 = arith.ori %or3A_528, %eq3A_261 : i1
          %convert_element_type3A_530 = arith.extui %or3A_529 : i1 to i32
          %cond3A_531 = arith.constant 0 : i32
          %cond3A_532 = arith.cmpi ne, %convert_element_type3A_530, %cond3A_531 : i32
          scf.if %cond3A_532 {
          } else {
          }
          %and3A_533 = arith.constant false
          %and3A_534 = arith.andi %or3A_529, %and3A_533 : i1
          %mul3A_535 = arith.constant 2 : i32
          %mul3A_536 = arith.muli %mul3A_535, %add3A_262 : i32
          %add3A_537 = arith.constant 1 : i32
          %add3A_538 = arith.addi %mul3A_536, %add3A_537 : i32
          %mul3A_539 = arith.constant 2 : i32
          %mul3A_540 = arith.muli %mul3A_539, %add3A_280 : i32
          %add3A_541 = arith.constant 1 : i32
          %add3A_542 = arith.addi %mul3A_540, %add3A_541 : i32
          %ne3A_543 = arith.cmpi ne, %arg0, %arg0 : i32
          %ne3A_544 = arith.cmpi ne, %add3A_538, %add3A_542 : i32
          %or3A_545 = arith.constant false
          %or3A_546 = arith.ori %or3A_545, %ne3A_543 : i1
          %or3A_547 = arith.ori %or3A_546, %ne3A_544 : i1
          %or3A_548 = arith.ori %or3A_547, %eq3A_261 : i1
          %convert_element_type3A_549 = arith.extui %or3A_548 : i1 to i32
          %cond3A_550 = arith.constant 0 : i32
          %cond3A_551 = arith.cmpi ne, %convert_element_type3A_549, %cond3A_550 : i32
          scf.if %cond3A_551 {
          } else {
          }
          %and3A_552 = arith.constant false
          %and3A_553 = arith.andi %or3A_548, %and3A_552 : i1
          %mul3A_554 = arith.constant 2 : i32
          %mul3A_555 = arith.muli %mul3A_554, %add3A_262 : i32
          %add3A_556 = arith.constant 1 : i32
          %add3A_557 = arith.addi %mul3A_555, %add3A_556 : i32
          %mul3A_558 = arith.constant 2 : i32
          %mul3A_559 = arith.muli %mul3A_558, %add3A_280 : i32
          %add3A_560 = arith.constant 1 : i32
          %add3A_561 = arith.addi %mul3A_559, %add3A_560 : i32
          %ne3A_562 = arith.cmpi ne, %arg0, %arg0 : i32
          %ne3A_563 = arith.cmpi ne, %add3A_557, %add3A_561 : i32
          %or3A_564 = arith.constant false
          %or3A_565 = arith.ori %or3A_564, %ne3A_562 : i1
          %or3A_566 = arith.ori %or3A_565, %ne3A_563 : i1
          %or3A_567 = arith.ori %or3A_566, %eq3A_261 : i1
          %convert_element_type3A_568 = arith.extui %or3A_567 : i1 to i32
          %cond3A_569 = arith.constant 0 : i32
          %cond3A_570 = arith.cmpi ne, %convert_element_type3A_568, %cond3A_569 : i32
          scf.if %cond3A_570 {
          } else {
          }
          %and3A_571 = arith.constant false
          %and3A_572 = arith.andi %or3A_567, %and3A_571 : i1
          %mul3A_573 = arith.constant 2 : i32
          %mul3A_574 = arith.muli %mul3A_573, %add3A_262 : i32
          %mul3A_575 = arith.constant 2 : i32
          %mul3A_576 = arith.muli %mul3A_575, %add3A_272 : i32
          %ne3A_577 = arith.cmpi ne, %arg0, %arg0 : i32
          %ne3A_578 = arith.cmpi ne, %mul3A_574, %mul3A_576 : i32
          %or3A_579 = arith.constant false
          %or3A_580 = arith.ori %or3A_579, %ne3A_577 : i1
          %or3A_581 = arith.ori %or3A_580, %ne3A_578 : i1
          %not3A_582 = arith.constant true
          %not3A_583 = arith.xori %eq3A_258, %not3A_582 : i1
          %and3A_584 = arith.andi %or3A_581, %not3A_583 : i1
          %convert_element_type3A_585 = arith.extui %and3A_584 : i1 to i32
          %cond3A_586 = arith.constant 0 : i32
          %cond3A_587 = arith.cmpi ne, %convert_element_type3A_585, %cond3A_586 : i32
          scf.if %cond3A_587 {
          } else {
          }
          %and3A_588 = arith.constant false
          %and3A_589 = arith.andi %and3A_584, %and3A_588 : i1
          %mul3A_590 = arith.constant 2 : i32
          %mul3A_591 = arith.muli %mul3A_590, %add3A_262 : i32
          %mul3A_592 = arith.constant 2 : i32
          %mul3A_593 = arith.muli %mul3A_592, %add3A_272 : i32
          %ne3A_594 = arith.cmpi ne, %arg0, %arg0 : i32
          %ne3A_595 = arith.cmpi ne, %mul3A_591, %mul3A_593 : i32
          %or3A_596 = arith.constant false
          %or3A_597 = arith.ori %or3A_596, %ne3A_594 : i1
          %or3A_598 = arith.ori %or3A_597, %ne3A_595 : i1
          %not3A_599 = arith.constant true
          %not3A_600 = arith.xori %eq3A_258, %not3A_599 : i1
          %and3A_601 = arith.andi %or3A_598, %not3A_600 : i1
          %convert_element_type3A_602 = arith.extui %and3A_601 : i1 to i32
          %cond3A_603 = arith.constant 0 : i32
          %cond3A_604 = arith.cmpi ne, %convert_element_type3A_602, %cond3A_603 : i32
          scf.if %cond3A_604 {
          } else {
          }
          %and3A_605 = arith.constant false
          %and3A_606 = arith.andi %and3A_601, %and3A_605 : i1
          %mul3A_607 = arith.constant 2 : i32
          %mul3A_608 = arith.muli %mul3A_607, %add3A_262 : i32
          %add3A_609 = arith.constant 1 : i32
          %add3A_610 = arith.addi %mul3A_608, %add3A_609 : i32
          %mul3A_611 = arith.constant 2 : i32
          %mul3A_612 = arith.muli %mul3A_611, %add3A_272 : i32
          %add3A_613 = arith.constant 1 : i32
          %add3A_614 = arith.addi %mul3A_612, %add3A_613 : i32
          %ne3A_615 = arith.cmpi ne, %arg0, %arg0 : i32
          %ne3A_616 = arith.cmpi ne, %add3A_610, %add3A_614 : i32
          %or3A_617 = arith.constant false
          %or3A_618 = arith.ori %or3A_617, %ne3A_615 : i1
          %or3A_619 = arith.ori %or3A_618, %ne3A_616 : i1
          %not3A_620 = arith.constant true
          %not3A_621 = arith.xori %eq3A_258, %not3A_620 : i1
          %and3A_622 = arith.andi %or3A_619, %not3A_621 : i1
          %convert_element_type3A_623 = arith.extui %and3A_622 : i1 to i32
          %cond3A_624 = arith.constant 0 : i32
          %cond3A_625 = arith.cmpi ne, %convert_element_type3A_623, %cond3A_624 : i32
          scf.if %cond3A_625 {
          } else {
          }
          %and3A_626 = arith.constant false
          %and3A_627 = arith.andi %and3A_622, %and3A_626 : i1
          %mul3A_628 = arith.constant 2 : i32
          %mul3A_629 = arith.muli %mul3A_628, %add3A_262 : i32
          %add3A_630 = arith.constant 1 : i32
          %add3A_631 = arith.addi %mul3A_629, %add3A_630 : i32
          %mul3A_632 = arith.constant 2 : i32
          %mul3A_633 = arith.muli %mul3A_632, %add3A_272 : i32
          %add3A_634 = arith.constant 1 : i32
          %add3A_635 = arith.addi %mul3A_633, %add3A_634 : i32
          %ne3A_636 = arith.cmpi ne, %arg0, %arg0 : i32
          %ne3A_637 = arith.cmpi ne, %add3A_631, %add3A_635 : i32
          %or3A_638 = arith.constant false
          %or3A_639 = arith.ori %or3A_638, %ne3A_636 : i1
          %or3A_640 = arith.ori %or3A_639, %ne3A_637 : i1
          %not3A_641 = arith.constant true
          %not3A_642 = arith.xori %eq3A_258, %not3A_641 : i1
          %and3A_643 = arith.andi %or3A_640, %not3A_642 : i1
          %convert_element_type3A_644 = arith.extui %and3A_643 : i1 to i32
          %cond3A_645 = arith.constant 0 : i32
          %cond3A_646 = arith.cmpi ne, %convert_element_type3A_644, %cond3A_645 : i32
          scf.if %cond3A_646 {
          } else {
          }
          %and3A_647 = arith.constant false
          %and3A_648 = arith.andi %and3A_643, %and3A_647 : i1
          %mul3A_649 = arith.constant 2 : i32
          %mul3A_650 = arith.muli %mul3A_649, %add3A_262 : i32
          %mul3A_651 = arith.constant 2 : i32
          %mul3A_652 = arith.muli %mul3A_651, %add3A_280 : i32
          %ne3A_653 = arith.cmpi ne, %arg0, %arg0 : i32
          %ne3A_654 = arith.cmpi ne, %mul3A_650, %mul3A_652 : i32
          %or3A_655 = arith.constant false
          %or3A_656 = arith.ori %or3A_655, %ne3A_653 : i1
          %or3A_657 = arith.ori %or3A_656, %ne3A_654 : i1
          %or3A_658 = arith.ori %or3A_657, %eq3A_261 : i1
          %add3A_659 = arith.constant 1 : i32
          %add3A_660 = arith.addi %while3A_247, %add3A_659 : i32
          %select_n3A_661 = arith.select %or3A_658, %add3A_660, %while3A_247 : i32
          %mul3A_662 = arith.constant 2 : i32
          %mul3A_663 = arith.muli %mul3A_662, %add3A_262 : i32
          %mul3A_664 = arith.constant 2 : i32
          %mul3A_665 = arith.muli %mul3A_664, %add3A_280 : i32
          %ne3A_666 = arith.cmpi ne, %arg0, %arg0 : i32
          %ne3A_667 = arith.cmpi ne, %mul3A_663, %mul3A_665 : i32
          %or3A_668 = arith.constant false
          %or3A_669 = arith.ori %or3A_668, %ne3A_666 : i1
          %or3A_670 = arith.ori %or3A_669, %ne3A_667 : i1
          %or3A_671 = arith.ori %or3A_670, %eq3A_261 : i1
          %add3A_672 = arith.constant 1 : i32
          %add3A_673 = arith.addi %while3A_249, %add3A_672 : i32
          %select_n3A_674 = arith.select %or3A_671, %add3A_673, %while3A_249 : i32
          %mul3A_675 = arith.constant 2 : i32
          %mul3A_676 = arith.muli %mul3A_675, %add3A_262 : i32
          %add3A_677 = arith.constant 1 : i32
          %add3A_678 = arith.addi %mul3A_676, %add3A_677 : i32
          %mul3A_679 = arith.constant 2 : i32
          %mul3A_680 = arith.muli %mul3A_679, %add3A_280 : i32
          %add3A_681 = arith.constant 1 : i32
          %add3A_682 = arith.addi %mul3A_680, %add3A_681 : i32
          %ne3A_683 = arith.cmpi ne, %arg0, %arg0 : i32
          %ne3A_684 = arith.cmpi ne, %add3A_678, %add3A_682 : i32
          %or3A_685 = arith.constant false
          %or3A_686 = arith.ori %or3A_685, %ne3A_683 : i1
          %or3A_687 = arith.ori %or3A_686, %ne3A_684 : i1
          %or3A_688 = arith.ori %or3A_687, %eq3A_261 : i1
          %add3A_689 = arith.constant 1 : i32
          %add3A_690 = arith.addi %while3A_251, %add3A_689 : i32
          %select_n3A_691 = arith.select %or3A_688, %add3A_690, %while3A_251 : i32
          %mul3A_692 = arith.constant 2 : i32
          %mul3A_693 = arith.muli %mul3A_692, %add3A_262 : i32
          %add3A_694 = arith.constant 1 : i32
          %add3A_695 = arith.addi %mul3A_693, %add3A_694 : i32
          %mul3A_696 = arith.constant 2 : i32
          %mul3A_697 = arith.muli %mul3A_696, %add3A_280 : i32
          %add3A_698 = arith.constant 1 : i32
          %add3A_699 = arith.addi %mul3A_697, %add3A_698 : i32
          %ne3A_700 = arith.cmpi ne, %arg0, %arg0 : i32
          %ne3A_701 = arith.cmpi ne, %add3A_695, %add3A_699 : i32
          %or3A_702 = arith.constant false
          %or3A_703 = arith.ori %or3A_702, %ne3A_700 : i1
          %or3A_704 = arith.ori %or3A_703, %ne3A_701 : i1
          %or3A_705 = arith.ori %or3A_704, %eq3A_261 : i1
          %add3A_706 = arith.constant 1 : i32
          %add3A_707 = arith.addi %while3A_253, %add3A_706 : i32
          %select_n3A_708 = arith.select %or3A_705, %add3A_707, %while3A_253 : i32
          %add3A_709 = arith.constant 1 : i32
          %add3A_710 = arith.addi %while3A_254, %add3A_709 : i32
          %select_n3A_711 = arith.constant true
          %select_n3A_712 = arith.select %select_n3A_711, %add3A_710, %while3A_254 : i32
          %eq3A_713 = arith.cmpi eq, %select_n3A_712, %select_n3A : i32
          %select_n3A_714 = arith.constant 0 : i32
          %select_n3A_715 = arith.select %eq3A_713, %select_n3A_714, %select_n3A_712 : i32
          scf.yield %select_n3A_308, %select_n3A_661, %select_n3A_333, %select_n3A_674, %select_n3A_362, %select_n3A_691, %select_n3A_391, %select_n3A_708, %select_n3A_715 : i32, i32, i32, i32, i32, i32, i32, i32, i32
        }
        %sub3A_188 = arith.constant 1 : i32
        %sub3A_189 = arith.subi %while3A_187#8, %sub3A_188 : i32
        %select_n3A_190 = arith.constant true
        %select_n3A_191 = arith.select %select_n3A_190, %sub3A_189, %while3A_187#8 : i32
        %eq3A_192 = arith.constant -1 : i32
        %eq3A_193 = arith.cmpi eq, %select_n3A_191, %eq3A_192 : i32
        %sub3A_194 = arith.constant 1 : i32
        %sub3A_195 = arith.subi %select_n3A, %sub3A_194 : i32
        %select_n3A_196 = arith.select %eq3A_193, %sub3A_195, %select_n3A_191 : i32
        %sub3A_197 = arith.constant 1 : i32
        %sub3A_198 = arith.subi %mul3A_15, %sub3A_197 : i32
        %mul3A_199 = arith.constant 1 : i32
        %mul3A_200 = arith.muli %mul3A_199, %select_n3A : i32
        %eq3A_201 = arith.constant 0 : i32
        %eq3A_202 = arith.cmpi eq, %sub3A_198, %eq3A_201 : i32
        %sub3A_203 = arith.constant 1 : i32
        %sub3A_204 = arith.subi %mul3A_200, %sub3A_203 : i32
        %eq3A_205 = arith.cmpi eq, %sub3A_198, %sub3A_204 : i32
        %add3A_206 = arith.addi %select_n3A_196, %select_n3A_13 : i32
        %sub3A_207 = arith.constant 1 : i32
        %sub3A_208 = arith.subi %select_n3A_196, %sub3A_207 : i32
        %select_n3A_209 = arith.constant true
        %select_n3A_210 = arith.select %select_n3A_209, %sub3A_208, %select_n3A_196 : i32
        %eq3A_211 = arith.constant -1 : i32
        %eq3A_212 = arith.cmpi eq, %select_n3A_210, %eq3A_211 : i32
        %sub3A_213 = arith.constant 1 : i32
        %sub3A_214 = arith.subi %select_n3A, %sub3A_213 : i32
        %select_n3A_215 = arith.select %eq3A_212, %sub3A_214, %select_n3A_210 : i32
        %add3A_216 = arith.addi %select_n3A_215, %select_n3A_13 : i32
        %add3A_217 = arith.constant 1 : i32
        %add3A_218 = arith.addi %select_n3A_196, %add3A_217 : i32
        %select_n3A_219 = arith.constant true
        %select_n3A_220 = arith.select %select_n3A_219, %add3A_218, %select_n3A_196 : i32
        %eq3A_221 = arith.cmpi eq, %select_n3A_220, %select_n3A : i32
        %select_n3A_222 = arith.constant 0 : i32
        %select_n3A_223 = arith.select %eq3A_221, %select_n3A_222, %select_n3A_220 : i32
        %add3A_224 = arith.addi %select_n3A_223, %select_n3A_13 : i32
        %add3A_225 = arith.constant 1 : i32
        %add3A_226 = arith.addi %select_n3A_223, %add3A_225 : i32
        %select_n3A_227 = arith.constant true
        %select_n3A_228 = arith.select %select_n3A_227, %add3A_226, %select_n3A_223 : i32
        %eq3A_229 = arith.cmpi eq, %select_n3A_228, %select_n3A : i32
        %select_n3A_230 = arith.constant 0 : i32
        %select_n3A_231 = arith.select %eq3A_229, %select_n3A_230, %select_n3A_228 : i32
        %add3A_232 = arith.addi %select_n3A_231, %select_n3A_13 : i32
        %convert_element_type3A_233 = arith.extui %eq3A_205 : i1 to i32
        %cond3A_234 = arith.constant 0 : i32
        %cond3A_235 = arith.cmpi ne, %convert_element_type3A_233, %cond3A_234 : i32
        scf.if %cond3A_235 {
        } else {
        }
        %convert_element_type3A_236 = arith.extui %eq3A_205 : i1 to i32
        %cond3A_237 = arith.constant 0 : i32
        %cond3A_238 = arith.cmpi ne, %convert_element_type3A_236, %cond3A_237 : i32
        scf.if %cond3A_238 {
        } else {
        }
        %convert_element_type3A_239 = arith.extui %eq3A_205 : i1 to i32
        %cond3A_240 = arith.constant 0 : i32
        %cond3A_241 = arith.cmpi ne, %convert_element_type3A_239, %cond3A_240 : i32
        scf.if %cond3A_241 {
        } else {
        }
        %convert_element_type3A_242 = arith.extui %eq3A_205 : i1 to i32
        %cond3A_243 = arith.constant 0 : i32
        %cond3A_244 = arith.cmpi ne, %convert_element_type3A_242, %cond3A_243 : i32
        scf.if %cond3A_244 {
        } else {
        }
      } else {
      }
      tpu.yield
    }) : () -> ()
    %barrier3A_16 = arith.constant 0 : index
    tpu.barrier barrier_id(%barrier3A_16)
    %scan3A_17 = arith.constant 0 : i32
    %scan3A_18 = arith.constant 5 : i32
    %scan3A_19 = arith.addi %scan3A_17, %scan3A_18 : i32
    %scan3A_20 = arith.constant 1 : i32
    scf.for %scan3A_22 = %scan3A_17 to %scan3A_19 step %scan3A_20  : i32 {
      %mul3A_23 = arith.constant 1 : i32
      %mul3A_24 = arith.muli %scan3A_22, %mul3A_23 : i32
      %add3A_25 = arith.constant 0 : i32
      %add3A_26 = arith.addi %add3A_25, %mul3A_24 : i32
      %mul3A_27 = arith.constant 5 : i32
      %mul3A_28 = arith.muli %arg1, %mul3A_27 : i32
      %add3A_29 = arith.addi %mul3A_28, %add3A_26 : i32
      %mul3A_30 = arith.constant 128 : i32
      %mul3A_31 = arith.muli %add3A_29, %mul3A_30 : i32
      %run_scoped3A = arith.constant 0 : i32
      "tpu.region"() ({
        %run_scoped3A_37 = tpu.sem_alloc : memref<!tpu.dma_semaphore, #tpu.memory_space<semaphore_mem>>
        %dma_start3A = arith.constant 0 : i32
        %dma_start3A_38 = tpu.memref_slice %arg2[%run_scoped3A, %dma_start3A] : memref<1x10240xi32, #tpu.memory_space<hbm>> -> memref<1x10240xi32, #tpu.memory_space<hbm>>
        %dma_start3A_39 = tpu.memref_squeeze %dma_start3A_38 : memref<1x10240xi32, #tpu.memory_space<hbm>> -> memref<10240xi32, #tpu.memory_space<hbm>>
        %dma_start3A_40 = tpu.memref_slice %dma_start3A_39[%mul3A_31] : memref<10240xi32, #tpu.memory_space<hbm>> -> memref<128xi32, #tpu.memory_space<hbm>>
        %dma_start3A_41 = arith.constant 0 : i32
        %dma_start3A_42 = tpu.memref_slice %arg2[%run_scoped3A, %dma_start3A_41] : memref<1x10240xi32, #tpu.memory_space<hbm>> -> memref<1x10240xi32, #tpu.memory_space<hbm>>
        %dma_start3A_43 = tpu.memref_squeeze %dma_start3A_42 : memref<1x10240xi32, #tpu.memory_space<hbm>> -> memref<10240xi32, #tpu.memory_space<hbm>>
        %dma_start3A_44 = tpu.memref_slice %dma_start3A_43[%mul3A_31] : memref<10240xi32, #tpu.memory_space<hbm>> -> memref<128xi32, #tpu.memory_space<hbm>>
        tpu.enqueue_dma source(%dma_start3A_44 : memref<128xi32, #tpu.memory_space<hbm>>) target(%arg9 : memref<128xi32, #tpu.memory_space<vmem>>) target_semaphore(%run_scoped3A_37 : memref<!tpu.dma_semaphore, #tpu.memory_space<semaphore_mem>>)
        %dma_wait3A = arith.constant 0 : i32
        %dma_wait3A_45 = tpu.memref_slice %arg2[%run_scoped3A, %dma_wait3A] : memref<1x10240xi32, #tpu.memory_space<hbm>> -> memref<1x10240xi32, #tpu.memory_space<hbm>>
        %dma_wait3A_46 = tpu.memref_squeeze %dma_wait3A_45 : memref<1x10240xi32, #tpu.memory_space<hbm>> -> memref<10240xi32, #tpu.memory_space<hbm>>
        %dma_wait3A_47 = tpu.memref_slice %dma_wait3A_46[%mul3A_31] : memref<10240xi32, #tpu.memory_space<hbm>> -> memref<128xi32, #tpu.memory_space<hbm>>
        %dma_wait3A_48 = arith.constant 0 : i32
        %dma_wait3A_49 = tpu.memref_slice %arg2[%run_scoped3A, %dma_wait3A_48] : memref<1x10240xi32, #tpu.memory_space<hbm>> -> memref<1x10240xi32, #tpu.memory_space<hbm>>
        %dma_wait3A_50 = tpu.memref_squeeze %dma_wait3A_49 : memref<1x10240xi32, #tpu.memory_space<hbm>> -> memref<10240xi32, #tpu.memory_space<hbm>>
        %dma_wait3A_51 = tpu.memref_slice %dma_wait3A_50[%mul3A_31] : memref<10240xi32, #tpu.memory_space<hbm>> -> memref<128xi32, #tpu.memory_space<hbm>>
        tpu.wait_dma2 semaphore(%run_scoped3A_37 : memref<!tpu.dma_semaphore, #tpu.memory_space<semaphore_mem>>) src(%dma_wait3A_51 : memref<128xi32, #tpu.memory_space<hbm>>) dst(%arg9 : memref<128xi32, #tpu.memory_space<vmem>>)
        tpu.yield
      }) : () -> ()
      "tpu.region"() ({
        %run_scoped3A_37 = tpu.sem_alloc : memref<!tpu.dma_semaphore, #tpu.memory_space<semaphore_mem>>
        %dma_start3A = arith.constant 0 : i32
        %dma_start3A_38 = arith.constant 0 : i32
        %dma_start3A_39 = tpu.memref_slice %arg10[%dma_start3A, %dma_start3A_38] : memref<10240x128xf32, #tpu.memory_space<vmem_shared>> -> memref<10240x128xf32, #tpu.memory_space<vmem_shared>>
        tpu.enqueue_indirect_dma source(%dma_start3A_39 : memref<10240x128xf32, #tpu.memory_space<vmem_shared>>) target(%arg7 : memref<128x128xf32, #tpu.memory_space<vmem>>) offsets(%arg9 : memref<128xi32, #tpu.memory_space<vmem>>) semaphore(%run_scoped3A_37 : memref<!tpu.dma_semaphore, #tpu.memory_space<semaphore_mem>>)
        %dma_wait3A = arith.constant 0 : i32
        %dma_wait3A_40 = arith.constant 0 : i32
        %dma_wait3A_41 = tpu.memref_slice %arg10[%dma_wait3A, %dma_wait3A_40] : memref<10240x128xf32, #tpu.memory_space<vmem_shared>> -> memref<10240x128xf32, #tpu.memory_space<vmem_shared>>
        tpu.wait_indirect_dma semaphore(%run_scoped3A_37 : memref<!tpu.dma_semaphore, #tpu.memory_space<semaphore_mem>>) src(%dma_wait3A_41 : memref<10240x128xf32, #tpu.memory_space<vmem_shared>>) dst(%arg7 : memref<128x128xf32, #tpu.memory_space<vmem>>)
        tpu.yield
      }) : () -> ()
      %mul3A_32 = arith.constant 10240 : i32
      %mul3A_33 = arith.muli %arg0, %mul3A_32 : i32
      %mul3A_34 = arith.constant 128 : i32
      %mul3A_35 = arith.muli %add3A_29, %mul3A_34 : i32
      %add3A_36 = arith.addi %mul3A_33, %mul3A_35 : i32
      "tpu.region"() ({
        %run_scoped3A_37 = tpu.sem_alloc : memref<!tpu.dma_semaphore, #tpu.memory_space<semaphore_mem>>
        %dma_start3A = arith.constant 0 : i32
        %dma_start3A_38 = tpu.memref_slice %arg6[%add3A_36, %dma_start3A] : memref<20480x128xf32, #tpu.memory_space<hbm>> -> memref<128x128xf32, #tpu.memory_space<hbm>>
        %dma_start3A_39 = arith.constant 0 : i32
        %dma_start3A_40 = tpu.memref_slice %arg6[%add3A_36, %dma_start3A_39] : memref<20480x128xf32, #tpu.memory_space<hbm>> -> memref<128x128xf32, #tpu.memory_space<hbm>>
        tpu.enqueue_dma source(%arg7 : memref<128x128xf32, #tpu.memory_space<vmem>>) target(%dma_start3A_40 : memref<128x128xf32, #tpu.memory_space<hbm>>) target_semaphore(%run_scoped3A_37 : memref<!tpu.dma_semaphore, #tpu.memory_space<semaphore_mem>>)
        %dma_wait3A = arith.constant 0 : i32
        %dma_wait3A_41 = tpu.memref_slice %arg6[%add3A_36, %dma_wait3A] : memref<20480x128xf32, #tpu.memory_space<hbm>> -> memref<128x128xf32, #tpu.memory_space<hbm>>
        %dma_wait3A_42 = arith.constant 0 : i32
        %dma_wait3A_43 = tpu.memref_slice %arg6[%add3A_36, %dma_wait3A_42] : memref<20480x128xf32, #tpu.memory_space<hbm>> -> memref<128x128xf32, #tpu.memory_space<hbm>>
        tpu.wait_dma2 semaphore(%run_scoped3A_37 : memref<!tpu.dma_semaphore, #tpu.memory_space<semaphore_mem>>) src(%arg7 : memref<128x128xf32, #tpu.memory_space<vmem>>) dst(%dma_wait3A_43 : memref<128x128xf32, #tpu.memory_space<hbm>>)
        tpu.yield
      }) : () -> ()
    }
    %scan3A_21 = arith.constant 5 : i32
    return
  }
}

module attributes {stable_mosaic.version = 14 : i64} {
  func.func @_mm1_body(%arg0: i32, %arg1: memref<2048x128xf32, #tpu.memory_space<vmem>>, %arg2: memref<2048x128xf32, #tpu.memory_space<vmem>>, %arg3: memref<2048x128xf32, #tpu.memory_space<vmem>>, %arg4: memref<2048x128xf32, #tpu.memory_space<vmem>>, %arg5: memref<2048x16xf32, #tpu.memory_space<vmem>>) attributes {dimension_semantics = [#tpu.dimension_semantics<arbitrary>], iteration_bounds = array<i64: 5>, scalar_prefetch = 0 : i64, scratch_operands = 0 : i64, tpu.core_type = #tpu.core_type<tc>, window_params = [{transform_indices = @transform_0, window_bounds = array<i64: 2048, 128>}, {transform_indices = @transform_1, window_bounds = array<i64: 2048, 128>}, {transform_indices = @transform_2, window_bounds = array<i64: 2048, 128>}, {transform_indices = @transform_3, window_bounds = array<i64: 2048, 128>}, {transform_indices = @transform_4, window_bounds = array<i64: 2048, 16>}]} {
    %get3A = arith.constant 0 : index
    %get3A_0 = arith.constant 0 : index
    %get3A_1 = vector.load %arg2[%get3A, %get3A_0] : memref<2048x128xf32, #tpu.memory_space<vmem>>, vector<2048x128xf32>
    %get3A_2 = arith.constant 0 : index
    %get3A_3 = arith.constant 0 : index
    %get3A_4 = vector.load %arg3[%get3A_2, %get3A_3] : memref<2048x128xf32, #tpu.memory_space<vmem>>, vector<2048x128xf32>
    %add3A = arith.addf %get3A_1, %get3A_4 : vector<2048x128xf32>
    %add3A_5 = arith.constant 1.000000e+00 : f32
    %add3A_6 = vector.broadcast %add3A_5 : f32 to vector<2048x128xf32>
    %add3A_7 = arith.addf %add3A, %add3A_6 : vector<2048x128xf32>
    %rsqrt3A = math.rsqrt %add3A_7 : vector<2048x128xf32>
    %get3A_8 = arith.constant 0 : index
    %get3A_9 = arith.constant 0 : index
    %get3A_10 = vector.load %arg1[%get3A_8, %get3A_9] : memref<2048x128xf32, #tpu.memory_space<vmem>>, vector<2048x128xf32>
    %mul3A = arith.mulf %get3A_10, %rsqrt3A : vector<2048x128xf32>
    %swap3A = arith.constant 0 : index
    %swap3A_11 = arith.constant 0 : index
    %swap3A_12 = vector.load %arg4[%swap3A, %swap3A_11] : memref<2048x128xf32, #tpu.memory_space<vmem>>, vector<2048x128xf32>
    tpu.vector_store %arg4[%swap3A, %swap3A_11], %mul3A {strides = array<i32>} : memref<2048x128xf32, #tpu.memory_space<vmem>>, vector<2048x128xf32>,
    %slice3A = vector.extract_strided_slice %rsqrt3A {offsets = [0, 0], sizes = [2048, 16], strides = [1, 1]} : vector<2048x128xf32> to vector<2048x16xf32>
    %swap3A_13 = arith.constant 0 : index
    %swap3A_14 = arith.constant 0 : index
    %swap3A_15 = vector.load %arg5[%swap3A_13, %swap3A_14] : memref<2048x16xf32, #tpu.memory_space<vmem>>, vector<2048x16xf32>
    tpu.vector_store %arg5[%swap3A_13, %swap3A_14], %slice3A {strides = array<i32>} : memref<2048x16xf32, #tpu.memory_space<vmem>>, vector<2048x16xf32>,
    return
  }
  func.func @transform_0(%arg0: i32) -> (i32, i32) {
    %c0_i32 = arith.constant 0 : i32
    %c0_i32_0 = arith.constant 0 : i32
    return %arg0, %c0_i32 : i32, i32
  }
  func.func @transform_1(%arg0: i32) -> (i32, i32) {
    %c0_i32 = arith.constant 0 : i32
    %c0_i32_0 = arith.constant 0 : i32
    return %arg0, %c0_i32 : i32, i32
  }
  func.func @transform_2(%arg0: i32) -> (i32, i32) {
    %c0_i32 = arith.constant 0 : i32
    %c0_i32_0 = arith.constant 0 : i32
    return %arg0, %c0_i32 : i32, i32
  }
  func.func @transform_3(%arg0: i32) -> (i32, i32) {
    %c0_i32 = arith.constant 0 : i32
    %c0_i32_0 = arith.constant 0 : i32
    return %arg0, %c0_i32 : i32, i32
  }
  func.func @transform_4(%arg0: i32) -> (i32, i32) {
    %c0_i32 = arith.constant 0 : i32
    %c0_i32_0 = arith.constant 0 : i32
    return %arg0, %c0_i32 : i32, i32
  }
}

module attributes {stable_mosaic.version = 14 : i64} {
  func.func @_mm2_body(%arg0: i32, %arg1: memref<2048x128xf32, #tpu.memory_space<vmem>>, %arg2: memref<2048x128xf32, #tpu.memory_space<vmem>>, %arg3: memref<2048x128xf32, #tpu.memory_space<vmem>>, %arg4: memref<2048x16xf32, #tpu.memory_space<vmem>>, %arg5: memref<128x16xf32, #tpu.memory_space<vmem>>, %arg6: memref<1x16xf32, #tpu.memory_space<vmem>>, %arg7: memref<16x16xf32, #tpu.memory_space<vmem>>, %arg8: memref<2048x128xf32, #tpu.memory_space<vmem>>) attributes {dimension_semantics = [#tpu.dimension_semantics<arbitrary>], iteration_bounds = array<i64: 5>, scalar_prefetch = 0 : i64, scratch_operands = 0 : i64, tpu.core_type = #tpu.core_type<tc>, window_params = [{transform_indices = @transform_0, window_bounds = array<i64: 2048, 128>}, {transform_indices = @transform_1, window_bounds = array<i64: 2048, 128>}, {transform_indices = @transform_2, window_bounds = array<i64: 2048, 128>}, {transform_indices = @transform_3, window_bounds = array<i64: 2048, 16>}, {pipeline_mode = #tpu.pipeline_mode<synchronous>, transform_indices = @transform_4, window_bounds = array<i64: 128, 16>}, {pipeline_mode = #tpu.pipeline_mode<synchronous>, transform_indices = @transform_5, window_bounds = array<i64: 1, 16>}, {pipeline_mode = #tpu.pipeline_mode<synchronous>, transform_indices = @transform_6, window_bounds = array<i64: 16, 16>}, {transform_indices = @transform_7, window_bounds = array<i64: 2048, 128>}]} {
    %get3A = arith.constant 0 : index
    %get3A_0 = arith.constant 0 : index
    %get3A_1 = vector.load %arg1[%get3A, %get3A_0] : memref<2048x128xf32, #tpu.memory_space<vmem>>, vector<2048x128xf32>
    %get3A_2 = arith.constant 0 : index
    %get3A_3 = arith.constant 0 : index
    %get3A_4 = vector.load %arg2[%get3A_2, %get3A_3] : memref<2048x128xf32, #tpu.memory_space<vmem>>, vector<2048x128xf32>
    %add3A = arith.addf %get3A_1, %get3A_4 : vector<2048x128xf32>
    %get3A_5 = arith.constant 0 : index
    %get3A_6 = arith.constant 0 : index
    %get3A_7 = vector.load %arg3[%get3A_5, %get3A_6] : memref<2048x128xf32, #tpu.memory_space<vmem>>, vector<2048x128xf32>
    %add3A_8 = arith.addf %add3A, %get3A_7 : vector<2048x128xf32>
    %get3A_9 = arith.constant 0 : index
    %get3A_10 = arith.constant 0 : index
    %get3A_11 = vector.load %arg4[%get3A_9, %get3A_10] : memref<2048x16xf32, #tpu.memory_space<vmem>>, vector<2048x16xf32>
    %get3A_12 = arith.constant 0 : index
    %get3A_13 = arith.constant 0 : index
    %get3A_14 = vector.load %arg5[%get3A_12, %get3A_13] : memref<128x16xf32, #tpu.memory_space<vmem>>, vector<128x16xf32>
    %dot_general3A = arith.constant dense<0.000000e+00> : vector<2048x16xf32>
    %dot_general3A_15 = tpu.matmul %add3A_8, %get3A_14, %dot_general3A {dimension_numbers = #tpu.dot_dimension_numbers<[1], [0], [0], [1], [0, 0, 1, 1], [], []>, transpose_lhs_hint = false} : vector<2048x128xf32>, vector<128x16xf32>, vector<2048x16xf32> -> vector<2048x16xf32>
    %mul3A = arith.mulf %get3A_11, %dot_general3A_15 : vector<2048x16xf32>
    %get3A_16 = arith.constant 0 : index
    %get3A_17 = arith.constant 0 : index
    %get3A_18 = vector.load %arg6[%get3A_16, %get3A_17] : memref<1x16xf32, #tpu.memory_space<vmem>>, vector<1x16xf32>
    %add3A_19 = vector.broadcast %get3A_18 : vector<1x16xf32> to vector<2048x16xf32>
    %add3A_20 = arith.addf %mul3A, %add3A_19 : vector<2048x16xf32>
    %max3A = arith.constant 0.000000e+00 : f32
    %max3A_21 = vector.broadcast %max3A : f32 to vector<2048x16xf32>
    %max3A_22 = arith.maximumf %add3A_20, %max3A_21 : vector<2048x16xf32>
    %get3A_23 = arith.constant 0 : index
    %get3A_24 = arith.constant 0 : index
    %get3A_25 = vector.load %arg7[%get3A_23, %get3A_24] : memref<16x16xf32, #tpu.memory_space<vmem>>, vector<16x16xf32>
    %dot_general3A_26 = arith.constant dense<0.000000e+00> : vector<2048x16xf32>
    %dot_general3A_27 = tpu.matmul %max3A_22, %get3A_25, %dot_general3A_26 {dimension_numbers = #tpu.dot_dimension_numbers<[1], [0], [0], [1], [0, 0, 1, 1], [], []>, transpose_lhs_hint = false} : vector<2048x16xf32>, vector<16x16xf32>, vector<2048x16xf32> -> vector<2048x16xf32>
    %mul3A_28 = arith.mulf %dot_general3A_27, %get3A_11 : vector<2048x16xf32>
    %jit3A = arith.constant 0 : i32
    %convert_element_type3A = arith.sitofp %jit3A : i32 to f32
    %pad3A = vector.broadcast %convert_element_type3A : f32 to vector<2048x112xf32>
    %pad3A_29 = tpu.concatenate %mul3A_28, %pad3A in 1 : vector<2048x16xf32>, vector<2048x112xf32> -> vector<2048x128xf32>
    %swap3A = arith.constant 0 : index
    %swap3A_30 = arith.constant 0 : index
    %swap3A_31 = vector.load %arg8[%swap3A, %swap3A_30] : memref<2048x128xf32, #tpu.memory_space<vmem>>, vector<2048x128xf32>
    tpu.vector_store %arg8[%swap3A, %swap3A_30], %pad3A_29 {strides = array<i32>} : memref<2048x128xf32, #tpu.memory_space<vmem>>, vector<2048x128xf32>,
    return
  }
  func.func @transform_0(%arg0: i32) -> (i32, i32) {
    %c0_i32 = arith.constant 0 : i32
    %c0_i32_0 = arith.constant 0 : i32
    return %arg0, %c0_i32 : i32, i32
  }
  func.func @transform_1(%arg0: i32) -> (i32, i32) {
    %c0_i32 = arith.constant 0 : i32
    %c0_i32_0 = arith.constant 0 : i32
    return %arg0, %c0_i32 : i32, i32
  }
  func.func @transform_2(%arg0: i32) -> (i32, i32) {
    %c0_i32 = arith.constant 0 : i32
    %c0_i32_0 = arith.constant 0 : i32
    return %arg0, %c0_i32 : i32, i32
  }
  func.func @transform_3(%arg0: i32) -> (i32, i32) {
    %c0_i32 = arith.constant 0 : i32
    %c0_i32_0 = arith.constant 0 : i32
    return %arg0, %c0_i32 : i32, i32
  }
  func.func @transform_4(%arg0: i32) -> (i32, i32) {
    %c0_i32 = arith.constant 0 : i32
    %c0_i32_0 = arith.constant 0 : i32
    %c0_i32_1 = arith.constant 0 : i32
    return %c0_i32, %c0_i32_0 : i32, i32
  }
  func.func @transform_5(%arg0: i32) -> (i32, i32) {
    %c0_i32 = arith.constant 0 : i32
    %c0_i32_0 = arith.constant 0 : i32
    %c0_i32_1 = arith.constant 0 : i32
    return %c0_i32, %c0_i32_0 : i32, i32
  }
  func.func @transform_6(%arg0: i32) -> (i32, i32) {
    %c0_i32 = arith.constant 0 : i32
    %c0_i32_0 = arith.constant 0 : i32
    %c0_i32_1 = arith.constant 0 : i32
    return %c0_i32, %c0_i32_0 : i32, i32
  }
  func.func @transform_7(%arg0: i32) -> (i32, i32) {
    %c0_i32 = arith.constant 0 : i32
    %c0_i32_0 = arith.constant 0 : i32
    return %arg0, %c0_i32 : i32, i32
  }
}

module attributes {stable_mosaic.version = 14 : i64} {
  func.func @_final_body(%arg0: memref<10240x128xf32, #tpu.memory_space<vmem>>, %arg1: memref<10240x128xf32, #tpu.memory_space<vmem>>, %arg2: memref<10240x128xf32, #tpu.memory_space<vmem>>, %arg3: memref<10240x16xf32, #tpu.memory_space<vmem>>, %arg4: memref<1x16xf32, #tpu.memory_space<vmem>>, %arg5: memref<1x10240xi32, #tpu.memory_space<vmem>>, %arg6: memref<16x10xf32, #tpu.memory_space<vmem>>, %arg7: memref<1x10xf32, #tpu.memory_space<vmem>>, %arg8: memref<64x10xf32, #tpu.memory_space<vmem>>) attributes {dimension_semantics = [], scalar_prefetch = 0 : i64, scratch_operands = 0 : i64, tpu.core_type = #tpu.core_type<tc>} {
    %get3A = arith.constant 0 : index
    %get3A_0 = arith.constant 0 : index
    %get3A_1 = vector.load %arg3[%get3A, %get3A_0] : memref<10240x16xf32, #tpu.memory_space<vmem>>, vector<10240x16xf32>
    %get3A_2 = arith.constant 0 : index
    %get3A_3 = arith.constant 0 : index
    %get3A_4 = vector.load %arg0[%get3A_2, %get3A_3] : memref<10240x128xf32, #tpu.memory_space<vmem>>, vector<10240x16xf32>
    %get3A_5 = arith.constant 0 : index
    %get3A_6 = arith.constant 0 : index
    %get3A_7 = vector.load %arg1[%get3A_5, %get3A_6] : memref<10240x128xf32, #tpu.memory_space<vmem>>, vector<10240x16xf32>
    %add3A = arith.addf %get3A_4, %get3A_7 : vector<10240x16xf32>
    %get3A_8 = arith.constant 0 : index
    %get3A_9 = arith.constant 0 : index
    %get3A_10 = vector.load %arg2[%get3A_8, %get3A_9] : memref<10240x128xf32, #tpu.memory_space<vmem>>, vector<10240x16xf32>
    %add3A_11 = arith.addf %add3A, %get3A_10 : vector<10240x16xf32>
    %mul3A = arith.mulf %get3A_1, %add3A_11 : vector<10240x16xf32>
    %get3A_12 = arith.constant 0 : index
    %get3A_13 = arith.constant 0 : index
    %get3A_14 = vector.load %arg4[%get3A_12, %get3A_13] : memref<1x16xf32, #tpu.memory_space<vmem>>, vector<1x16xf32>
    %add3A_15 = vector.broadcast %get3A_14 : vector<1x16xf32> to vector<10240x16xf32>
    %add3A_16 = arith.addf %mul3A, %add3A_15 : vector<10240x16xf32>
    %iota3A = tpu.iota {dimensions = array<i32: 0>} : vector<64x10240xi32>
    %get3A_17 = arith.constant 0 : index
    %get3A_18 = arith.constant 0 : index
    %get3A_19 = vector.load %arg5[%get3A_17, %get3A_18] : memref<1x10240xi32, #tpu.memory_space<vmem>>, vector<1x10240xi32>
    %eq3A = vector.broadcast %get3A_19 : vector<1x10240xi32> to vector<64x10240xi32>
    %eq3A_20 = arith.cmpi eq, %iota3A, %eq3A : vector<64x10240xi32>
    %convert_element_type3A = arith.extui %eq3A_20 : vector<64x10240xi1> to vector<64x10240xi32>
    %convert_element_type3A_21 = arith.sitofp %convert_element_type3A : vector<64x10240xi32> to vector<64x10240xf32>
    %dot_general3A = arith.constant dense<0.000000e+00> : vector<64x16xf32>
    %dot_general3A_22 = tpu.matmul %convert_element_type3A_21, %add3A_16, %dot_general3A {dimension_numbers = #tpu.dot_dimension_numbers<[1], [0], [0], [1], [0, 0, 1, 1], [], []>, transpose_lhs_hint = false} : vector<64x10240xf32>, vector<10240x16xf32>, vector<64x16xf32> -> vector<64x16xf32>
    %reduce_sum3A = arith.constant dense<0.000000e+00> : vector<64xf32>
    %reduce_sum3A_23 = vector.multi_reduction <add>, %convert_element_type3A_21, %reduce_sum3A [1] : vector<64x10240xf32> to vector<64xf32>
    %broadcast_in_dim3A = vector.shape_cast %reduce_sum3A_23 : vector<64xf32> to vector<64x1xf32>
    %max3A = arith.constant 1.000000e+00 : f32
    %max3A_24 = vector.broadcast %max3A : f32 to vector<64x1xf32>
    %max3A_25 = arith.maximumf %broadcast_in_dim3A, %max3A_24 : vector<64x1xf32>
    %div3A = vector.broadcast %max3A_25 : vector<64x1xf32> to vector<64x16xf32>
    %div3A_26 = arith.divf %dot_general3A_22, %div3A : vector<64x16xf32>
    %get3A_27 = arith.constant 0 : index
    %get3A_28 = arith.constant 0 : index
    %get3A_29 = vector.load %arg6[%get3A_27, %get3A_28] : memref<16x10xf32, #tpu.memory_space<vmem>>, vector<16x10xf32>
    %dot_general3A_30 = arith.constant dense<0.000000e+00> : vector<64x10xf32>
    %dot_general3A_31 = tpu.matmul %div3A_26, %get3A_29, %dot_general3A_30 {dimension_numbers = #tpu.dot_dimension_numbers<[1], [0], [0], [1], [0, 0, 1, 1], [], []>, transpose_lhs_hint = false} : vector<64x16xf32>, vector<16x10xf32>, vector<64x10xf32> -> vector<64x10xf32>
    %get3A_32 = arith.constant 0 : index
    %get3A_33 = arith.constant 0 : index
    %get3A_34 = vector.load %arg7[%get3A_32, %get3A_33] : memref<1x10xf32, #tpu.memory_space<vmem>>, vector<1x10xf32>
    %add3A_35 = vector.broadcast %get3A_34 : vector<1x10xf32> to vector<64x10xf32>
    %add3A_36 = arith.addf %dot_general3A_31, %add3A_35 : vector<64x10xf32>
    %swap3A = arith.constant 0 : index
    %swap3A_37 = arith.constant 0 : index
    %swap3A_38 = vector.load %arg8[%swap3A, %swap3A_37] : memref<64x10xf32, #tpu.memory_space<vmem>>, vector<64x10xf32>
    tpu.vector_store %arg8[%swap3A, %swap3A_37], %add3A_36 {strides = array<i32>} : memref<64x10xf32, #tpu.memory_space<vmem>>, vector<64x10xf32>,
    return
  }
}

</mosaic_0001>

<sc_bundles>
// kernel: kernel.11.cloned.1.call-start
scs
__scs_entry_jumppad:
0x0: {  	(pc) =	sbr.rel $0x88, $3  }
0x1: {  	(tag) =	ssettag $0x0;
	lr =	simm.s32 $0x1  }
0x2: {  	[smem:$0x3F98] =	sst lr;
	_ =	strace $0xD0000000  }
0x3: {  	_ = 	snop  }
0x4: {  	_ = 	snop  }
0x5: {  	_ = 	snop  }
0x6: {  	_ = 	snop  }
0x7: {  	_ = 	snop  }
__scs_overlays_trampoline_lowered:
0x8: {  	[smem:$0x3FA7] =	sst s0  }
0x9: {  	[smem:$0x3FA8] =	sst s1  }
0xa: {  	[smem:$0x3FA9] =	sst s2  }
0xb: {  	[smem:$0x3FAA] =	sst s3  }
0xc: {  	[smem:$0x3FAB] =	sst s4  }
0xd: {  	[smem:$0x3FAC] =	sst s5  }
0xe: {  	[smem:$0x3FAD] =	sst s6  }
0xf: {  	[smem:$0x3FAE] =	sst s7  }
0x10: {  	[smem:$0x3FAF] =	sst s8  }
0x11: {  	[smem:$0x3FB0] =	sst s9;
	s0 =	simm.s32 @!p0 $0x0  }
0x12: {  	s1 =	sld [smem:$0x3F96];
	s0 =	simm.s32 @p0 $0x1  }
0x13: {  	[smem:$0x3FB1] =	sst s0;
	s0 =	simm.s32 @!p1 $0x0  }
0x14: {  	s2 =	sld [smem:$0x3F95];
	s0 =	simm.s32 @p1 $0x1  }
0x15: {  	[smem:$0x3FB2] =	sst s0;
	s0 =	simm.s32 @!p2 $0x0  }
0x16: {  	s3 =	sld [smem:$0x3FDB];
	s0 =	simm.s32 @p2 $0x1  }
0x17: {  	s4 =	simm.s32 $0x1BF5;
	[smem:$0x3FB4] =	sst s0  }
0x18: {  	s0 =	sld [smem:$0x3F97];
	_ =	swait.ge [sflag:s4], $0x0  }
0x19: {  	s7 =	sld [smem:$0x3F98]  }
0x1a: {  	s8 =	sadd.s32 $0xFFFFE003, lr  }
0x1b: {  	s9 =	sadd.s32 $0xFFFFFEF7, lr;
	s5 =	simm.s32 $0xFFFFFFFF;
	p2 =	slt.u32 s8, $0xFFFFF086  }
0x1c: {  	p1 =	slt.u32 s9, $0xF7A;
	s5 =	simm.s32 @!p2 $0x0  }
0x1d: {  	s5 =	simm.s32 @p1 $0x1;
	p0 =	seq.s32 s7, s2  }
0x1e: {  	s7 =	smul.u32 @!p0 $0xF7A, s2;
	p2 =	seq.s32 @!p0 s5, $0x0  }
0x1f: {  	s9 =	smul.u32 $0xF7A, s1;
	s8 =	simm.s32 @!p0 $0x1BF5;
	p2 =	por !p2, p0  }
0x20: {  	[sflag:s8] =	ssyncset.s32 @!p0 $0xFFFFF086;
	s6 =	sadd.s32 @!p0 s3, s7;
	s7 =	simm.s32 @!p0 $0x108  }
0x21: {  	s3 =	sadd.s32 s3, s9;
	s6 =	sadd.s32 @!p0 $0x88, s6;
	s7 =	simm.s32 @p2 $0x1082  }
0x22: {  	[simem:s7], [sflag:s8] =	dma.local @!p0 [hbm:s6], $0xF7A  }
0x23: {  	s9 =	sor.u32 $0xD0000000, s2;
	s6 =	simm.s32 $0x108;
	_ =	swait.ge @!p0 [sflag:s8], $0x0  }
0x24: {  	s3 =	sadd.s32 $0x88, s3;
	s6 =	simm.s32 @!p1 $0x1082;
	[sflag:s4] =	ssyncset.s32 $0xFFFFF086  }
0x25: {  	[simem:s6], [sflag:s4] =	dma.local [hbm:s3], $0xF7A  }
0x26: {  	[smem:$0x3F98] =	sst s1;
	(tag) =	ssettag s2;
	_ =	strace s9  }
0x27: {  	s1 =	sld [smem:$0x3FA8]  }
0x28: {  	s2 =	sld [smem:$0x3FA9]  }
0x29: {  	s4 =	sld [smem:$0x3FAB]  }
0x2a: {  	p0 =	seq.s32 s5, $0x0;
	s5 =	sld [smem:$0x3FAC]  }
0x2b: {  	s6 =	sld [smem:$0x3FAD]  }
0x2c: {  	s7 =	sld [smem:$0x3FAE]  }
0x2d: {  	s3 =	simm.s32 $0x108;
	s8 =	sld [smem:$0x3FAF]  }
0x2e: {  	s3 =	simm.s32 @!p0 $0x1082;
	s9 =	sld [smem:$0x3FB0]  }
0x2f: {  	lr =	sadd.s32 s0, s3;
	s0 =	sld [smem:$0x3FA7]  }
0x30: {  	s3 =	sld [smem:$0x3FAA]  }
0x31: {  	[smem:$0x3FB3] =	sst s10  }
0x32: {  	s10 =	sld [smem:$0x3FB1];
	_ =	sdelay $0x3  }
0x33: {  	p0 =	seq.s32 s10, $0x1;
	s10 =	sld [smem:$0x3FB3];
	_ =	sdelay $0x3  }
0x34: {  	[smem:$0x3FB3] =	sst s10  }
0x35: {  	s10 =	sld [smem:$0x3FB2];
	_ =	sdelay $0x3  }
0x36: {  	p1 =	seq.s32 s10, $0x1;
	s10 =	sld [smem:$0x3FB3];
	_ =	sdelay $0x3  }
0x37: {  	[smem:$0x3FB3] =	sst s10  }
0x38: {  	s10 =	sld [smem:$0x3FB4]  }
0x39: {  	_ = 	snop;
	(pc) =	sbr.ind lr, $3  }
0x3a: {  	_ = 	snop  }
0x3b: {  	_ = 	snop  }
0x3c: {  	p2 =	seq.s32 s10, $0x1;
	s10 =	sld [smem:$0x3FB3]  }
0x3d: {  	_ =	shalt  }
0x3e: {  	_ =	shalt  }
0x3f: {  	_ =	shalt  }
0x40: {  	_ =	shalt  }
0x41: {  	_ =	shalt  }
0x42: {  	_ =	shalt  }
0x43: {  	_ =	shalt  }
0x44: {  	_ =	shalt  }
0x45: {  	_ =	shalt  }
0x46: {  	_ =	shalt  }
0x47: {  	_ =	shalt  }
0x48: {  	_ =	shalt  }
0x49: {  	_ =	shalt  }
0x4a: {  	_ =	shalt  }
0x4b: {  	_ =	shalt  }
0x4c: {  	_ =	shalt  }
0x4d: {  	_ =	shalt  }
0x4e: {  	_ =	shalt  }
0x4f: {  	_ =	shalt  }
0x50: {  	_ =	shalt  }
0x51: {  	_ =	shalt  }
0x52: {  	_ =	shalt  }
0x53: {  	_ =	shalt  }
0x54: {  	_ =	shalt  }
0x55: {  	_ =	shalt  }
0x56: {  	_ =	shalt  }
0x57: {  	_ =	shalt  }
0x58: {  	_ =	shalt  }
0x59: {  	_ =	shalt  }
0x5a: {  	_ =	shalt  }
0x5b: {  	_ =	shalt  }
0x5c: {  	_ =	shalt  }
0x5d: {  	_ =	shalt  }
0x5e: {  	_ =	shalt  }
0x5f: {  	_ =	shalt  }
0x60: {  	_ =	shalt  }
0x61: {  	_ =	shalt  }
0x62: {  	_ =	shalt  }
0x63: {  	_ =	shalt  }
0x64: {  	_ =	shalt  }
0x65: {  	_ =	shalt  }
0x66: {  	_ =	shalt  }
0x67: {  	_ =	shalt  }
0x68: {  	_ =	shalt  }
0x69: {  	_ =	shalt  }
0x6a: {  	_ =	shalt  }
0x6b: {  	_ =	shalt  }
0x6c: {  	_ =	shalt  }
0x6d: {  	_ =	shalt  }
0x6e: {  	_ =	shalt  }
0x6f: {  	_ =	shalt  }
0x70: {  	_ =	shalt  }
0x71: {  	_ =	shalt  }
0x72: {  	_ =	shalt  }
0x73: {  	_ =	shalt  }
0x74: {  	_ =	shalt  }
0x75: {  	_ =	shalt  }
0x76: {  	_ =	shalt  }
0x77: {  	_ =	shalt  }
0x78: {  	_ =	shalt  }
0x79: {  	_ =	shalt  }
0x7a: {  	_ =	shalt  }
0x7b: {  	_ =	shalt  }
0x7c: {  	_ =	shalt  }
0x7d: {  	_ =	shalt  }
0x7e: {  	_ =	shalt  }
0x7f: {  	_ =	shalt  }
0x80: {  	_ =	shalt  }
0x81: {  	_ =	shalt  }
0x82: {  	_ =	shalt  }
0x83: {  	_ =	shalt  }
0x84: {  	_ =	shalt  }
0x85: {  	_ =	shalt  }
0x86: {  	_ =	shalt  }
0x87: {  	_ =	shalt  }
.Lfunc_end0:
.L_simem_size_0:
called_computation.1_lowered:
.L_overlay_start_0:
0x88: {  	s2 =	sld [smem:$0x3FD9]  }
0x89: {  	s3 =	sld [smem:$0x3FFE];
	_ =	sdelay $0x1  }
0x8a: {  	s1 =	srdreg.scid  }
0x8b: {  	s0 =	sand.u32 $0x1, s1  }
0x8c: {  	s16 =	sshll.u32 s0, $0xA;
	s2 =	sadd.s32 s3, s2  }
0x8d: {  	s2 =	sadd.s32 s2, s16  }
0x8e: {  	[smem:$0x3FBF] =	sst s2  }
0x8f: {  	_ = 	snop  }
0x90: {  	(tm) =	ssettm $0x1  }
0x91: {  	s17 =	sld [smem:$0x3FFB];
	_ =	sdelay $0x3  }
0x92: {  	_ =	strace s17  }
0x93: {  	s2 =	sld [smem:$0x3FFC];
	_ =	sdelay $0x3  }
0x94: {  	_ =	strace s2  }
0x95: {  	s2 =	sld [smem:$0x3FFD];
	_ =	sdelay $0x3  }
0x96: {  	_ =	strace s2  }
0x97: {  	_ =	strace $0x8FFFFFFF  }
0x98: {  	s18 =	sld [smem:$0x3FDB];
	_ =	sdelay $0x1  }
0x99: {  	s19 =	simm.s32 $_scs_section_size  }
0x9a: {  	s4 =	simm.s32 $_size__tile_overlayer_lowered;
	s5 =	simm.s32 $_tile_overlayer_lowered  }
0x9b: {  	s22 =	simm.s32 $0x1BFF;
	s21 =	sshll.u32 s5, $0x1;
	s2 =	sadd.s32 s19, s18  }
0x9c: {  	s6 =	simm.s32 $0x0;
	s20 =	sshll.u32 s4, $0x1;
	s4 =	sadd.s32 s21, s2  }
0x9d: {  	[timem:s6], [sflag:s22] =	dma.local [hbm:s4], s20  }
0x9e: {  	_ =	swait.ge [sflag:s22], s20  }
0x9f: {  	s3 =	ssub.s32 $0x0, s20;
	[sflag:s22] =	ssyncset.done $0x0  }
0xa0: {  	[sflag:s22] =	ssyncadd.s32 s3;
	_ =	sdelay $0x1  }
0xa1: {  	s23 =	simm.s32 $0x1B8B  }
0xa2: {  	_ =	swait.ge [sflag:s23], $0x1  }
0xa3: {  	[sflag:s23] =	ssyncset.done $0x0  }
0xa4: {  	s25 =	simm.s32 $0x1B8E;
	s24 =	sld [smem:$0x3FFE];
	[sflag:s23] =	ssyncadd.s32 $0xFFFFFFFF  }
0xa5: {  	s26 =	simm.s32 $execute0_lowered;
	[smem:$0x3FD2] =	sst s25  }
0xa6: {  	s4 =	sshll.u32 s26, $0x1;
	_ =	strace $0x80000051;
	[dreg:$0x1] =	wrdreg $0xFFFFFFFF  }
0xa7: {  	s28 =	simm.s32 $_size_execute0_lowered;
	s2 =	sadd.s32 s2, s4;
	[dreg:$0x0] =	wrdreg $0x0  }
0xa8: {  	s4 =	sshll.u32 s28, $0x1;
	[dreg:$0x2] =	wrdreg s2  }
0xa9: {  	[dreg:$0x3] =	wrdreg s4  }
0xaa: {  	[dreg:$0x4] =	wrdreg $0xC0  }
0xab: {  	_ =	task [dreg:s6], $0x5FFFF  }
0xac: {  	[dreg:$0x1] =	wrdreg $0xFFFFFFFF  }
0xad: {  	[dreg:$0x0] =	wrdreg $0x60  }
0xae: {  	[dreg:$0x2] =	wrdreg s24  }
0xaf: {  	[dreg:$0x3] =	wrdreg $0x80800  }
0xb0: {  	[dreg:$0x4] =	wrdreg $0x9  }
0xb1: {  	_ =	task.clear_ibuf [dreg:s6], $0x5FFFF;
	_ =	strace $0x90000051  }
0xb2: {  	s29 =	simm.s32 $0x9;
	_ =	strace $0x80000061  }
0xb3: {  	_ =	swait.ge [sflag:s29], $0x1  }
0xb4: {  	[sflag:s29] =	ssyncadd.s32 $0xFFFFFFFF  }
0xb5: {  	_ =	strace $0x90000061  }
0xb6: {  	_ =	sfence  }
0xb7: {  	s30 =	sld [smem:$0x0];
	_ =	sdelay $0x2  }
0xb8: {  	s31 =	sshll.u32 s1, $0xD;
	s1 =	sshrl.u32 s1, $0x2  }
0xb9: {  	s3 =	sand.u32 $0x4000, s31;
	s1 =	sadd.s32 s1, s30  }
0xba: {  	s0 =	sor.u32 s3, s0;
	s1 =	sshll.u32 s1, $0x11  }
0xbb: {  	s0 =	sor.u32 s1, s0  }
0xbc: {  	s0 =	sadd.s32 $0x8F2B, s0  }
0xbd: {  	[sflag:s0] =	ssyncadd.remote.s32 $0x1  }
0xbe: {  	_ =	sfence.sel $0xFFFF  }
0xbf: {  	[dreg:$0x0] =	wrdreg $0xFFFFFFFF;
	(pc) =	sbr.abs _section_cstart, $3  }
0xc0: {  	[dreg:$0x1] =	wrdreg $0xFFFFFFFF  }
0xc1: {  	_ =	task.clear_ibuf [dreg:s6], $0x2FFFF;
	_ =	strace $0x9FFFFFFF  }
0xc2: {  	(tm) =	ssettm $0x7FFFFFFF  }
0xc3: {  	_ =	shalt  }
tec
execute0_lowered:
.L_overlay_start_1:
0x0: {  	(tag) =	ssettag $0x1  }
0x1: {  	s0 =	rddreg [dreg:$0x0]  }
0x2: {  	s1 =	rddreg [dreg:$0x1]  }
0x3: {  	s2 =	simm.s32 $0x0;
	s6 =	srdreg.scid;
	s15 =	stileid.u32  }
0x4: {  	[smem:$0x7FF] =	sst s2;
	s3 =	sadd.s32 $0xDA00, s0;
	s7 =	smul.u32 $0x27, s15  }
0x5: {  	s4 =	sadd.s32 $0x5E000, s0;
	s5 =	sadd.s32 $0x3C00, s0;
	s11 =	smul.u32 $0x28, s15  }
0x6: {  	s10 =	sand.u32 $0x1, s6;
	s6 =	sadd.s32 $0xE000, s0;
	s12 =	smul.u32 $0x5, s15  }
0x7: {  	s0 =	sadd.s32 $0x67E00, s0;
	p0 =	slt.u32 s15, $0x8;
	s14 =	smul.u32 $0x50, s15  }
0x8: {  	s15 =	smul.u32 $0x14000, s15;
	_ =	strace $0x80000052;
	s8 =	ssub.s32 $0x2, s10  }
0x9: {  	s19 =	sshll.u32 s10, $0x7;
	s10 =	smul.u32 $0x140000, s10;
	s9 =	sshrl.u32 s8, $0x1  }
0xa: {  	s7 =	sadd.s32 $0x8, s7;
	s21 =	sadd.s32 s3, s14;
	[dreg:$0x3] =	wrdreg s19  }
0xb: {  	s20 =	sadd.s32 $0x1, s12;
	s24 =	sadd.s32 $0x2, s12;
	s17 =	sadd.s32 $0x3, s12  }
0xc: {  	s12 =	sadd.s32 $0x4, s12;
	s14 =	simm.s32 $0x4000;
	s13 =	ssub.s32 s8, s9  }
0xd: {  	s7 =	smov.u32 @p0 s11;
	s8 =	simm.s32 $0x28;
	s16 =	sshll.u32 s20, $0x4  }
0xe: {  	s18 =	sshll.u32 s24, $0x4;
	s28 =	sshll.u32 s12, $0x4;
	s30 =	sshll.u32 s20, $0xE  }
0xf: {  	s31 =	sadd.s32 s10, s15;
	s12 =	sshll.u32 s12, $0xE;
	[dreg:$0x4] =	wrdreg s21  }
0x10: {  	s11 =	sshll.u32 s7, $0x9;
	s8 =	simm.s32 @!p0 $0x27;
	s23 =	sadd.s32 s3, s16  }
0x11: {  	s25 =	sadd.s32 s3, s18;
	s16 =	sshll.u32 s24, $0xE;
	[dreg:$0x6] =	wrdreg s23  }
0x12: {  	s11 =	sor.u32 s19, s11;
	s19 =	sshll.u32 s17, $0x4;
	[dreg:$0x7] =	wrdreg s25  }
0x13: {  	s17 =	sshll.u32 s17, $0xE;
	s15 =	sadd.s32 s10, s16;
	s26 =	sadd.s32 s3, s19  }
0x14: {  	s11 =	sshrl.u32 s11, $0x3;
	s3 =	sadd.s32 s3, s28;
	[dreg:$0x8] =	wrdreg s26  }
0x15: {  	s16 =	sadd.s32 s10, s17;
	s28 =	sadd.s32 $0x10, s21;
	[dreg:$0x9] =	wrdreg s3  }
0x16: {  	s19 =	sshrl.u32 s31, $0x3;
	s31 =	sadd.s32 $0x40, s21;
	[dreg:$0x13] =	wrdreg s28  }
0x17: {  	s23 =	sshrl.u32 s15, $0x3;
	s22 =	sadd.s32 s4, s11;
	[dreg:$0x16] =	wrdreg s31  }
0x18: {  	s15 =	simm.s32 $0x1;
	s29 =	sadd.s32 s5, s11;
	[dreg:$0x5] =	wrdreg s22  }
0x19: {  	s11 =	sor.u32 $0x20, s11;
	s26 =	smax.u32 s13, $0x1;
	[dreg:$0xa] =	wrdreg s29  }
0x1a: {  	s3 =	sadd.s32 s10, s30;
	s30 =	sadd.s32 $0x30, s21;
	[dreg:$0x12] =	wrdreg s26  }
0x1b: {  	s17 =	simm.s32 $0x2;
	s18 =	sadd.s32 s4, s11;
	[dreg:$0x15] =	wrdreg s30  }
0x1c: {  	s10 =	sadd.s32 s10, s12;
	s20 =	sadd.s32 s5, s11;
	[dreg:$0xb] =	wrdreg s18  }
0x1d: {  	s24 =	sshrl.u32 s16, $0x3;
	s22 =	sadd.s32 s0, s19;
	[dreg:$0xc] =	wrdreg s20  }
0x1e: {  	s12 =	simm.s32 $0x3;
	s25 =	sadd.s32 s0, s24;
	[dreg:$0xd] =	wrdreg s22  }
0x1f: {  	s3 =	sshrl.u32 s3, $0x3;
	s29 =	sadd.s32 $0x20, s21;
	[dreg:$0x10] =	wrdreg s25  }
0x20: {  	s16 =	simm.s32 $0xB;
	s3 =	sadd.s32 s0, s3;
	[dreg:$0x14] =	wrdreg s29  }
0x21: {  	s10 =	sshrl.u32 s10, $0x3;
	[dreg:$0xe] =	wrdreg s3;
	s3 =	sadd.s32 s0, s23  }
0x22: {  	s24 =	sadd.s32 $0xFFFFFFFF, s8;
	s0 =	sadd.s32 s0, s10;
	[dreg:$0xf] =	wrdreg s3  }
0x23: {  	v0 =	vimm.f32 $0.0e+00;
	s11 =	simm.s32 $0x80;
	[dreg:$0x11] =	wrdreg s0;
	s3 =	simm.s32 $0x0  }
.LBB2_1:
0x24: {  	[dreg:$0x17] =	wrdreg s3;
	s0 =	simm.s32 $0x0;
	s10 =	simm.s32 $0x200  }
.LBB2_2:
0x25: {  	p0 =	sne.s32 s10, $0xFE00;
	[tilespmem:s0+$0x70] =	vst v0  }
0x26: {  	[tilespmem:s0+$0x0] =	vst v0  }
0x27: {  	[tilespmem:s0+$0x10] =	vst v0  }
.Ltmp0:
0x28: {  	[tilespmem:s0+$0x20] =	vst v0;
	(pc) =	sbr.rel @p0 .LBB2_2-.Ltmp0, $4  }
0x29: {  	[tilespmem:s0+$0x30] =	vst v0  }
0x2a: {  	[tilespmem:s0+$0x40] =	vst v0  }
0x2b: {  	[tilespmem:s0+$0x50] =	vst v0  }
0x2c: {  	[tilespmem:s0+$0x60] =	vst v0;
	s0 =	sshra.s32 s10, $0x2;
	s10 =	sadd.s32 $0x200, s10  }
0x2d: {  	[tilespmem:s0+$0x70] =	vst v0  }
0x2e: {  	[tilespmem:s0+$0x0] =	vst v0  }
0x2f: {  	[tilespmem:s0+$0x10] =	vst v0  }
0x30: {  	[tilespmem:s0+$0x20] =	vst v0  }
0x31: {  	[tilespmem:s0+$0x30] =	vst v0  }
0x32: {  	[tilespmem:s0+$0x40] =	vst v0  }
0x33: {  	[tilespmem:s0+$0x50] =	vst v0  }
0x34: {  	[tilespmem:s0+$0x60] =	vst v0  }
0x35: {  	s20 =	simm.s32 $0x0;
	s3 =	simm.s32 $0x1C080;
	_ =	strace $0x80000053  }
0x36: {  	[tilespmem:s3], [sflag:$0x3] =	stream.linear.gather [hbm4b:s21+s20], $0x80, $0x200038;
	[tilespmem:$0x1C480] =	vst v63  }
0x37: {  	_ =	strace $0x90000053  }
0x38: {  	_ =	strace $0x80000054  }
0x39: {  	s9 =	simm.s32 $0x1C100;
	s25 =	rddreg [dreg:$0x13]  }
0x3a: {  	[tilespmem:s9], [sflag:$0x4] =	stream.linear.gather [hbm4b:s25+s20], $0x80, $0x200038;
	[tilespmem:$0x1C480] =	vst v63  }
0x3b: {  	_ =	strace $0x90000054  }
0x3c: {  	_ =	strace $0x80000055  }
0x3d: {  	_ =	swait.ge [sflag:s12], $0x80  }
0x3e: {  	[sflag:s12] =	ssyncset.done $0x0  }
0x3f: {  	[sflag:s12] =	ssyncadd.s32 $0xFFFFFF80  }
0x40: {  	_ =	strace $0x90000055  }
0x41: {  	s10 =	simm.s32 $0x5;
	_ =	strace $0x80000056  }
0x42: {  	[spmem:s1] =	stream.indirect.scatter [tilespmem:s20], [sflag:$0x5], $0x80, s3, s11, $0x2000b8;
	[tilespmem:$0x1C480] =	vst v63  }
0x43: {  	_ =	swait.ge [sflag:s10], $0x4000  }
0x44: {  	[sflag:s10] =	ssyncset.done $0x0  }
0x45: {  	[sflag:s10] =	ssyncadd.s32 $0xFFFFC000  }
0x46: {  	_ =	strace $0x90000056  }
0x47: {  	_ =	strace $0x80000054  }
0x48: {  	s26 =	rddreg [dreg:$0x14]  }
0x49: {  	[tilespmem:s3], [sflag:$0x3] =	stream.linear.gather [hbm4b:s26+s20], $0x80, $0x200038;
	[tilespmem:$0x1C480] =	vst v63  }
0x4a: {  	_ =	strace $0x90000054  }
0x4b: {  	s13 =	simm.s32 $0x4;
	_ =	strace $0x80000055  }
0x4c: {  	_ =	swait.ge [sflag:s13], $0x80  }
0x4d: {  	[sflag:s13] =	ssyncset.done $0x0  }
0x4e: {  	[sflag:s13] =	ssyncadd.s32 $0xFFFFFF80  }
0x4f: {  	_ =	strace $0x90000055  }
0x50: {  	_ =	strace $0x80000056  }
0x51: {  	[spmem:s1] =	stream.indirect.scatter [tilespmem:s20], [sflag:$0x5], $0x80, s9, s11, $0x2000b8;
	[tilespmem:$0x1C480] =	vst v63  }
0x52: {  	_ =	swait.ge [sflag:s10], $0x4000  }
0x53: {  	[sflag:s10] =	ssyncset.done $0x0  }
0x54: {  	[sflag:s10] =	ssyncadd.s32 $0xFFFFC000  }
0x55: {  	_ =	strace $0x90000056  }
0x56: {  	_ =	strace $0x80000054  }
0x57: {  	s31 =	rddreg [dreg:$0x15]  }
0x58: {  	[tilespmem:s9], [sflag:$0x4] =	stream.linear.gather [hbm4b:s31+s20], $0x80, $0x200038;
	[tilespmem:$0x1C480] =	vst v63  }
0x59: {  	_ =	strace $0x90000054  }
0x5a: {  	_ =	strace $0x80000055  }
0x5b: {  	_ =	swait.ge [sflag:s12], $0x80  }
0x5c: {  	[sflag:s12] =	ssyncset.done $0x0  }
0x5d: {  	[sflag:s12] =	ssyncadd.s32 $0xFFFFFF80  }
0x5e: {  	_ =	strace $0x90000055  }
0x5f: {  	_ =	strace $0x80000056  }
0x60: {  	[spmem:s1] =	stream.indirect.scatter [tilespmem:s20], [sflag:$0x5], $0x80, s3, s11, $0x2000b8;
	[tilespmem:$0x1C480] =	vst v63  }
0x61: {  	_ =	swait.ge [sflag:s10], $0x4000  }
0x62: {  	[sflag:s10] =	ssyncset.done $0x0  }
0x63: {  	[sflag:s10] =	ssyncadd.s32 $0xFFFFC000  }
0x64: {  	_ =	strace $0x90000056  }
0x65: {  	_ =	strace $0x80000054  }
0x66: {  	s18 =	rddreg [dreg:$0x16]  }
0x67: {  	[tilespmem:s3], [sflag:$0x3] =	stream.linear.gather [hbm4b:s18+s20], $0x80, $0x200038;
	[tilespmem:$0x1C480] =	vst v63  }
0x68: {  	_ =	strace $0x90000054  }
0x69: {  	_ =	strace $0x80000055  }
0x6a: {  	_ =	swait.ge [sflag:s13], $0x80  }
0x6b: {  	[sflag:s13] =	ssyncset.done $0x0  }
0x6c: {  	[sflag:s13] =	ssyncadd.s32 $0xFFFFFF80  }
0x6d: {  	_ =	strace $0x90000055  }
0x6e: {  	_ =	strace $0x80000056  }
0x6f: {  	[spmem:s1] =	stream.indirect.scatter [tilespmem:s20], [sflag:$0x5], $0x80, s9, s11, $0x2000b8;
	[tilespmem:$0x1C480] =	vst v63  }
0x70: {  	_ =	swait.ge [sflag:s10], $0x4000  }
0x71: {  	[sflag:s10] =	ssyncset.done $0x0  }
0x72: {  	[sflag:s10] =	ssyncadd.s32 $0xFFFFC000  }
0x73: {  	_ =	strace $0x90000056  }
0x74: {  	_ =	strace $0x80000055  }
0x75: {  	_ =	swait.ge [sflag:s12], $0x80  }
0x76: {  	[sflag:s12] =	ssyncset.done $0x0  }
0x77: {  	[sflag:s12] =	ssyncadd.s32 $0xFFFFFF80  }
0x78: {  	_ =	strace $0x90000055  }
0x79: {  	_ =	strace $0x80000056  }
0x7a: {  	[spmem:s1] =	stream.indirect.scatter [tilespmem:s20], [sflag:$0x5], $0x80, s3, s11, $0x2000b8;
	[tilespmem:$0x1C480] =	vst v63  }
0x7b: {  	_ =	swait.ge [sflag:s10], $0x4000  }
0x7c: {  	[sflag:s10] =	ssyncset.done $0x0  }
0x7d: {  	[sflag:s10] =	ssyncadd.s32 $0xFFFFC000  }
0x7e: {  	_ =	strace $0x90000056  }
0x7f: {  	[bflag:$0x0] =	sbarrier.arrive $0xFFFF  }
0x80: {  	_ =	strace $0x80000057  }
0x81: {  	s22 =	simm.s32 $0x1C180;
	s19 =	rddreg [dreg:$0x5]  }
0x82: {  	s29 =	simm.s32 $0x1;
	s30 =	simm.s32 $0x1;
	s21 =	rddreg [dreg:$0xa]  }
0x83: {  	[tilespmem:s3], [sflag:$0x3] =	stream.linear.gather [hbm4b:s19+s20], $0x80, $0x200038;
	[tilespmem:$0x1C480] =	vst v63  }
0x84: {  	s28 =	simm.s32 $0x0;
	s25 =	simm.s32 $0x1C280;
	s23 =	rddreg [dreg:$0xb]  }
0x85: {  	[tilespmem:s22], [sflag:$0x5] =	stream.linear.gather [hbm4b:s21+s20], $0x80, $0x200038;
	[tilespmem:$0x1C480] =	vst v63  }
0x86: {  	s31 =	simm.s32 $0x1C380;
	s10 =	simm.s32 $0x1;
	s26 =	rddreg [dreg:$0xc]  }
0x87: {  	[tilespmem:s25], [sflag:$0x7] =	stream.linear.gather [hbm4b:s23+s20], $0x80, $0x200038;
	[tilespmem:$0x1C480] =	vst v63  }
0x88: {  	s21 =	simm.s32 $0x0;
	s22 =	simm.s32 $0x1;
	s23 =	simm.s32 $0x0  }
0x89: {  	[tilespmem:s31], [sflag:$0x9] =	stream.linear.gather [hbm4b:s26+s20], $0x80, $0x200038;
	[tilespmem:$0x1C480] =	vst v63  }
0x8a: {  	s25 =	simm.s32 $0x0;
	s26 =	simm.s32 $0x0;
	_ =	strace $0x90000057  }
.LBB2_4:
0x8b: {  	s0 =	sadd.s32 s7, s20  }
0x8c: {  	s31 =	sadd.s32 $0x7FFFFFFF, s20;
	p3 =	seq.s32 s20, $0x0;
	s20 =	sadd.s32 $0x1, s20  }
0x8d: {  	p0 =	seq.s32 s20, s8  }
0x8e: {  	s20 =	simm.s32 @p0 $0x0  }
0x8f: {  	s18 =	sadd.s32 s7, s20  }
0x90: {  	s0 =	sshll.u32 s0, $0x1;
	p0 =	sge.u32 s28, s24;
	s13 =	sshll.u32 s18, $0x1  }
0x91: {  	p1 =	seq.s32 @!p0 s0, s13  }
0x92: {  	p2 =	por p1, p0  }
0x93: {  	s3 =	rddreg [dreg:$0x3];
	s18 =	sshll.u32 @!p2 s18, $0x9  }
0x94: {  	s19 =	sand.u32 @!p2 $0x1, s10;
	_ =	strace @!p2 $0x80000058;
	s18 =	sor.u32 @!p2 s3, s18  }
0x95: {  	s9 =	simm.s32 @!p2 $0x0;
	s12 =	sshll.u32 @!p2 s19, $0x7;
	s18 =	sshrl.u32 @!p2 s18, $0x3  }
0x96: {  	s19 =	sadd.s32 @!p2 $0x3, s19;
	s12 =	sadd.s32 @!p2 $0x1C080, s12;
	s3 =	sadd.s32 @!p2 s4, s18  }
0x97: {  	[tilespmem:s12], [sflag:s19] =	stream.linear.gather @!p2 [hbm4b:s3+s9], $0x80, $0x200038;
	[tilespmem:$0x1C480] =	vst v63  }
0x98: {  	s3 =	sand.u32 @!p2 $0x1, s30  }
0x99: {  	s19 =	sadd.s32 @!p2 s5, s18;
	_ =	strace @!p2 $0x90000058;
	s12 =	sshll.u32 @!p2 s3, $0x7  }
0x9a: {  	s3 =	sadd.s32 @!p2 $0x5, s3;
	_ =	strace @!p2 $0x80000059;
	s12 =	sadd.s32 @!p2 $0x1C180, s12  }
0x9b: {  	[tilespmem:s12], [sflag:s3] =	stream.linear.gather @!p2 [hbm4b:s19+s9], $0x80, $0x200038;
	[tilespmem:$0x1C480] =	vst v63  }
0x9c: {  	s31 =	smov.u32 @p3 s24;
	s18 =	sor.u32 @!p2 $0x20, s18;
	s3 =	sand.u32 @!p2 $0x1, s29  }
0x9d: {  	s19 =	sadd.s32 @!p2 s4, s18;
	_ =	strace @!p2 $0x90000059;
	s12 =	sshll.u32 @!p2 s3, $0x7  }
0x9e: {  	s3 =	sadd.s32 @!p2 $0x7, s3;
	_ =	strace @!p2 $0x8000005A;
	s12 =	sadd.s32 @!p2 $0x1C280, s12  }
0x9f: {  	[tilespmem:s12], [sflag:s3] =	stream.linear.gather @!p2 [hbm4b:s19+s9], $0x80, $0x200038;
	[tilespmem:$0x1C480] =	vst v63  }
0xa0: {  	s31 =	sadd.s32 s7, s31;
	s3 =	sand.u32 @!p2 $0x1, s22  }
0xa1: {  	s18 =	sadd.s32 @!p2 s5, s18;
	_ =	strace @!p2 $0x9000005A;
	s19 =	sshll.u32 @!p2 s3, $0x7  }
0xa2: {  	s3 =	sadd.s32 @!p2 $0x9, s3;
	_ =	strace @!p2 $0x8000005B;
	s19 =	sadd.s32 @!p2 $0x1C380, s19  }
0xa3: {  	[tilespmem:s19], [sflag:s3] =	stream.linear.gather @!p2 [hbm4b:s18+s9], $0x80, $0x200038;
	[tilespmem:$0x1C480] =	vst v63  }
0xa4: {  	p3 =	seq.s32 s28, $0x0;
	s3 =	sshll.u32 s31, $0x1  }
0xa5: {  	p4 =	seq.s32 @!p3 s0, s3  }
0xa6: {  	p3 =	por p3, !p4  }
0xa7: {  	_ =	strace @!p2 $0x9000005B;
	s3 =	sand.u32 @p3 $0x1, s26  }
0xa8: {  	_ =	strace @p3 $0x8000005C;
	s3 =	sadd.s32 @p3 $0x3, s3  }
0xa9: {  	_ =	swait.ge @p3 [sflag:s3], $0x80  }
0xaa: {  	[sflag:s3] =	ssyncset.done @p3 $0x0  }
0xab: {  	[sflag:s3] =	ssyncadd.s32 @p3 $0xFFFFFF80  }
0xac: {  	s3 =	sand.u32 @p3 $0x1, s25;
	_ =	strace @p3 $0x9000005C  }
0xad: {  	s3 =	sadd.s32 @p3 $0x5, s3;
	_ =	strace @p3 $0x8000005D  }
0xae: {  	_ =	swait.ge @p3 [sflag:s3], $0x80  }
0xaf: {  	[sflag:s3] =	ssyncset.done @p3 $0x0  }
0xb0: {  	[sflag:s3] =	ssyncadd.s32 @p3 $0xFFFFFF80  }
0xb1: {  	s3 =	sand.u32 @p3 $0x1, s23;
	_ =	strace @p3 $0x9000005D  }
0xb2: {  	s3 =	sadd.s32 @p3 $0x7, s3;
	_ =	strace @p3 $0x8000005E  }
0xb3: {  	_ =	swait.ge @p3 [sflag:s3], $0x80  }
0xb4: {  	[sflag:s3] =	ssyncset.done @p3 $0x0  }
0xb5: {  	[sflag:s3] =	ssyncadd.s32 @p3 $0xFFFFFF80  }
0xb6: {  	s3 =	sand.u32 @p3 $0x1, s21;
	_ =	strace @p3 $0x9000005E  }
0xb7: {  	p6 =	seq.s32 s24, s28;
	s3 =	sadd.s32 @p3 $0x9, s3;
	_ =	strace @p3 $0x8000005F  }
0xb8: {  	s28 =	sadd.s32 $0x1, s28;
	p5 =	sne.s32 s0, s13;
	_ =	swait.ge @p3 [sflag:s3], $0x80  }
0xb9: {  	p1 =	por !p1, p0;
	s12 =	sadd.s32 @!p2 $0x1, s30;
	[sflag:s3] =	ssyncset.done @p3 $0x0  }
0xba: {  	s18 =	sshll.u32 s26, $0x7;
	s19 =	sshll.u32 s23, $0x7;
	[sflag:s3] =	ssyncadd.s32 @p3 $0xFFFFFF80  }
0xbb: {  	s9 =	sadd.s32 @!p2 $0x1, s10;
	s3 =	sand.u32 $0x80, s18;
	_ =	strace @p3 $0x9000005F  }
0xbc: {  	s31 =	sshll.u32 s25, $0x7;
	s3 =	sadd.s32 $0x1C080, s3;
	_ =	strace $0x80000060  }
0xbd: {  	[tilespmem:s2], [sflag:$0x1] =	stream.indirect.gather [hbm4b:s6+s11], $0x80, s3, s11, $0x2000b8;
	[tilespmem:$0x1C480] =	vst v63  }
0xbe: {  	s0 =	simm.s32 $0x1;
	s18 =	sand.u32 $0x80, s31;
	s3 =	sand.u32 $0x80, s19  }
0xbf: {  	s31 =	sadd.s32 $0x1C180, s18;
	s18 =	smov.u32 s10;
	s3 =	sadd.s32 $0x1C280, s3  }
0xc0: {  	[tilespmem:s14], [sflag:$0x2] =	stream.indirect.gather [hbm4b:s6+s11], $0x80, s3, s11, $0x2000b8;
	[tilespmem:$0x1C480] =	vst v63  }
0xc1: {  	s18 =	smov.u32 @p1 s9;
	s9 =	smov.u32 s30;
	_ =	swait.ge [sflag:s15], $0x4000  }
0xc2: {  	s19 =	smov.u32 s29;
	s9 =	smov.u32 @p1 s12;
	[sflag:s15] =	ssyncset.done $0x0  }
0xc3: {  	s18 =	smov.u32 @p0 s10;
	s12 =	sshll.u32 s21, $0x7;
	[sflag:s15] =	ssyncadd.s32 $0xFFFFC000  }
0xc4: {  	[spmem:s1] =	stream.indirect.scatter.add.f32 [tilespmem:s2], [sflag:$0xB], $0x80, s31, s11, $0x2000b8;
	[tilespmem:$0x1C480] =	vst v63  }
0xc5: {  	s9 =	smov.u32 @p0 s30;
	s3 =	sadd.s32 @!p2 $0x1, s29;
	_ =	swait.ge [sflag:s16], $0x4000  }
0xc6: {  	s19 =	smov.u32 @p1 s3;
	s3 =	simm.s32 $0x0;
	[sflag:s16] =	ssyncset.done $0x0  }
0xc7: {  	s10 =	sand.u32 $0x80, s12;
	s3 =	simm.s32 @p1 $0x1;
	[sflag:s16] =	ssyncadd.s32 $0xFFFFC000  }
0xc8: {  	s19 =	smov.u32 @p0 s29;
	s3 =	simm.s32 @p0 $0x0;
	_ =	swait.ge [sflag:s17], $0x4000  }
0xc9: {  	p0 =	por p6, p5;
	s31 =	sadd.s32 $0x1C380, s10;
	[sflag:s17] =	ssyncset.done $0x0  }
0xca: {  	s0 =	simm.s32 @!p0 $0x0;
	p0 =	sne.s32 s8, s28;
	[sflag:s17] =	ssyncadd.s32 $0xFFFFC000  }
0xcb: {  	[spmem:s1] =	stream.indirect.scatter.add.f32 [tilespmem:s14], [sflag:$0xB], $0x80, s31, s11, $0x2000b8;
	[tilespmem:$0x1C480] =	vst v63  }
.Ltmp1:
0xcc: {  	_ = 	snop;
	(pc) =	sbr.rel @p0 .LBB2_4-.Ltmp1, $4  }
0xcd: {  	s30 =	smov.u32 s9;
	s29 =	smov.u32 s19;
	_ =	swait.ge [sflag:s16], $0x4000  }
0xce: {  	s22 =	sadd.s32 s22, s3;
	s10 =	smov.u32 s18;
	[sflag:s16] =	ssyncset.done $0x0  }
0xcf: {  	s26 =	sadd.s32 s0, s26;
	s25 =	sadd.s32 s0, s25;
	[sflag:s16] =	ssyncadd.s32 $0xFFFFC000  }
0xd0: {  	s23 =	sadd.s32 s0, s23;
	s21 =	sadd.s32 s0, s21;
	_ =	strace $0x90000060  }
0xd1: {  	[bflag:$0x0] =	sbarrier.arrive $0xFFFF  }
0xd2: {  	s3 =	simm.s32 $0x8000;
	s12 =	simm.s32 $0x3;
	s21 =	rddreg [dreg:$0x4]  }
0xd3: {  	[tilespmem:s3], [sflag:$0x3] =	stream.linear.gather [hbm4b:s21+s2], $0x80, $0x38;
	[tilespmem:$0x1C480] =	vst v63  }
0xd4: {  	_ =	swait.ge [sflag:s12], $0x80  }
0xd5: {  	[sflag:s12] =	ssyncset.done $0x0  }
0xd6: {  	[sflag:s12] =	ssyncadd.s32 $0xFFFFFF80  }
0xd7: {  	[tilespmem:s2], [sflag:$0x3] =	stream.indirect.gather [spmem:s1], $0x80, s3, s11, $0xb8;
	[tilespmem:$0x1C480] =	vst v63  }
0xd8: {  	_ =	swait.ge [sflag:s12], $0x4000  }
0xd9: {  	[sflag:s12] =	ssyncset.done $0x0  }
0xda: {  	s0 =	rddreg [dreg:$0xd];
	[sflag:s12] =	ssyncadd.s32 $0xFFFFC000  }
0xdb: {  	[hbm4b:s0+s2] =	stream.linear.scatter [tilespmem:s2], [sflag:$0x3], $0x4000, $0x38;
	[tilespmem:$0x1C480] =	vst v63  }
0xdc: {  	_ =	swait.ge [sflag:s12], $0x4000  }
0xdd: {  	[sflag:s12] =	ssyncset.done $0x0  }
0xde: {  	s19 =	rddreg [dreg:$0x6];
	[sflag:s12] =	ssyncadd.s32 $0xFFFFC000  }
0xdf: {  	[tilespmem:s3], [sflag:$0x3] =	stream.linear.gather [hbm4b:s19+s2], $0x80, $0x38;
	[tilespmem:$0x1C480] =	vst v63  }
0xe0: {  	_ =	swait.ge [sflag:s12], $0x80  }
0xe1: {  	[sflag:s12] =	ssyncset.done $0x0  }
0xe2: {  	[sflag:s12] =	ssyncadd.s32 $0xFFFFFF80  }
0xe3: {  	[tilespmem:s2], [sflag:$0x3] =	stream.indirect.gather [spmem:s1], $0x80, s3, s11, $0xb8;
	[tilespmem:$0x1C480] =	vst v63  }
0xe4: {  	_ =	swait.ge [sflag:s12], $0x4000  }
0xe5: {  	[sflag:s12] =	ssyncset.done $0x0  }
0xe6: {  	s20 =	rddreg [dreg:$0xe];
	[sflag:s12] =	ssyncadd.s32 $0xFFFFC000  }
0xe7: {  	[hbm4b:s20+s2] =	stream.linear.scatter [tilespmem:s2], [sflag:$0x3], $0x4000, $0x38;
	[tilespmem:$0x1C480] =	vst v63  }
0xe8: {  	_ =	swait.ge [sflag:s12], $0x4000  }
0xe9: {  	[sflag:s12] =	ssyncset.done $0x0  }
0xea: {  	s22 =	rddreg [dreg:$0x7];
	[sflag:s12] =	ssyncadd.s32 $0xFFFFC000  }
0xeb: {  	[tilespmem:s3], [sflag:$0x3] =	stream.linear.gather [hbm4b:s22+s2], $0x80, $0x38;
	[tilespmem:$0x1C480] =	vst v63  }
0xec: {  	_ =	swait.ge [sflag:s12], $0x80  }
0xed: {  	[sflag:s12] =	ssyncset.done $0x0  }
0xee: {  	[sflag:s12] =	ssyncadd.s32 $0xFFFFFF80  }
0xef: {  	[tilespmem:s2], [sflag:$0x3] =	stream.indirect.gather [spmem:s1], $0x80, s3, s11, $0xb8;
	[tilespmem:$0x1C480] =	vst v63  }
0xf0: {  	_ =	swait.ge [sflag:s12], $0x4000  }
0xf1: {  	[sflag:s12] =	ssyncset.done $0x0  }
0xf2: {  	s23 =	rddreg [dreg:$0xf];
	[sflag:s12] =	ssyncadd.s32 $0xFFFFC000  }
0xf3: {  	[hbm4b:s23+s2] =	stream.linear.scatter [tilespmem:s2], [sflag:$0x3], $0x4000, $0x38;
	[tilespmem:$0x1C480] =	vst v63  }
0xf4: {  	_ =	swait.ge [sflag:s12], $0x4000  }
0xf5: {  	[sflag:s12] =	ssyncset.done $0x0  }
0xf6: {  	s25 =	rddreg [dreg:$0x8];
	[sflag:s12] =	ssyncadd.s32 $0xFFFFC000  }
0xf7: {  	[tilespmem:s3], [sflag:$0x3] =	stream.linear.gather [hbm4b:s25+s2], $0x80, $0x38;
	[tilespmem:$0x1C480] =	vst v63  }
0xf8: {  	_ =	swait.ge [sflag:s12], $0x80  }
0xf9: {  	[sflag:s12] =	ssyncset.done $0x0  }
0xfa: {  	[sflag:s12] =	ssyncadd.s32 $0xFFFFFF80  }
0xfb: {  	[tilespmem:s2], [sflag:$0x3] =	stream.indirect.gather [spmem:s1], $0x80, s3, s11, $0xb8;
	[tilespmem:$0x1C480] =	vst v63  }
0xfc: {  	_ =	swait.ge [sflag:s12], $0x4000  }
0xfd: {  	[sflag:s12] =	ssyncset.done $0x0  }
0xfe: {  	s26 =	rddreg [dreg:$0x10];
	[sflag:s12] =	ssyncadd.s32 $0xFFFFC000  }
0xff: {  	[hbm4b:s26+s2] =	stream.linear.scatter [tilespmem:s2], [sflag:$0x3], $0x4000, $0x38;
	[tilespmem:$0x1C480] =	vst v63  }
0x100: {  	_ =	swait.ge [sflag:s12], $0x4000  }
0x101: {  	[sflag:s12] =	ssyncset.done $0x0  }
0x102: {  	s28 =	rddreg [dreg:$0x9];
	[sflag:s12] =	ssyncadd.s32 $0xFFFFC000  }
0x103: {  	[tilespmem:s3], [sflag:$0x3] =	stream.linear.gather [hbm4b:s28+s2], $0x80, $0x38;
	[tilespmem:$0x1C480] =	vst v63  }
0x104: {  	_ =	swait.ge [sflag:s12], $0x80  }
0x105: {  	[sflag:s12] =	ssyncset.done $0x0  }
0x106: {  	[sflag:s12] =	ssyncadd.s32 $0xFFFFFF80  }
0x107: {  	[tilespmem:s2], [sflag:$0x3] =	stream.indirect.gather [spmem:s1], $0x80, s3, s11, $0xb8;
	[tilespmem:$0x1C480] =	vst v63  }
0x108: {  	_ =	swait.ge [sflag:s12], $0x4000  }
0x109: {  	[sflag:s12] =	ssyncset.done $0x0  }
0x10a: {  	s29 =	rddreg [dreg:$0x11];
	[sflag:s12] =	ssyncadd.s32 $0xFFFFC000  }
0x10b: {  	[hbm4b:s29+s2] =	stream.linear.scatter [tilespmem:s2], [sflag:$0x3], $0x4000, $0x38;
	[tilespmem:$0x1C480] =	vst v63  }
0x10c: {  	_ =	swait.ge [sflag:s12], $0x4000  }
0x10d: {  	s30 =	rddreg [dreg:$0x17]  }
0x10e: {  	s31 =	rddreg [dreg:$0x12];
	s3 =	sadd.s32 $0x1, s30  }
0x10f: {  	p0 =	sne.s32 s3, s31  }
.Ltmp2:
0x110: {  	_ = 	snop;
	(pc) =	sbr.rel @p0 .LBB2_1-.Ltmp2, $3  }
0x111: {  	_ =	sdelay $0x1  }
0x112: {  	[sflag:s12] =	ssyncset.done $0x0  }
0x113: {  	[sflag:s12] =	ssyncadd.s32 $0xFFFFC000  }
0x114: {  	_ =	sfence.sel $0x180000  }
0x115: {  	[bflag:$0x0] =	sbarrier.arrive $0xFFFF  }
0x116: {  	_ =	strace $0x90000052  }
0x117: {  	s0 =	stileid.u32;
	[bflag:$0x2] =	sbarrier.arrive $0xFFFF  }
0x118: {  	p0 =	sne.s32 s0, $0x0;
	s0 =	rddreg [dreg:$0x2]  }
0x119: {  	s0 =	sadd.s32 @!p0 $0x100000, s0  }
0x11a: {  	[sflag:s0] =	ssyncadd.tile.s32 @!p0 $0x1;
	_ =	shalt  }
.Lfunc_end2:
_tile_overlayer_lowered:
.L_overlay_start_2:
0x11b: {  	(tag) =	ssettag $0x2  }
0x11c: {  	s0 =	rddreg [dreg:$0x0];
	s2 =	stileid.u32  }
0x11d: {  	s1 =	rddreg [dreg:$0x1];
	p0 =	sne.s32 s2, $0x0  }
0x11e: {  	s3 =	rddreg [dreg:$0x2];
	[bflag:$0x3] =	sbarrier.arrive $0xFFFF;
	s2 =	simm.s32 @!p0 $0x1C03  }
0x11f: {  	[timem:s3], [sflag:s2] =	dma.local @!p0 [hbm:s0], s1  }
0x120: {  	s0 =	simm.s32 @!p0 $0x3  }
0x121: {  	_ =	swait.ge @!p0 [sflag:s0], s1  }
0x122: {  	s1 =	ssub.s32 @!p0 $0x0, s1;
	[sflag:s0] =	ssyncset.done @!p0 $0x0  }
0x123: {  	[sflag:s0] =	ssyncadd.s32 @!p0 s1  }
0x124: {  	[bflag:$0x3] =	sbarrier.arrive $0xFFFF  }
0x125: {  	_ =	shalt  }

// kernel: kernel.14.cloned.1.call-start
scs
__scs_entry_jumppad:
0x0: {  	(pc) =	sbr.rel $0x88, $3  }
0x1: {  	(tag) =	ssettag $0x0;
	lr =	simm.s32 $0x1  }
0x2: {  	[smem:$0x3F98] =	sst lr;
	_ =	strace $0xD0000000  }
0x3: {  	_ = 	snop  }
0x4: {  	_ = 	snop  }
0x5: {  	_ = 	snop  }
0x6: {  	_ = 	snop  }
0x7: {  	_ = 	snop  }
__scs_overlays_trampoline_lowered:
0x8: {  	[smem:$0x3FA7] =	sst s0  }
0x9: {  	[smem:$0x3FA8] =	sst s1  }
0xa: {  	[smem:$0x3FA9] =	sst s2  }
0xb: {  	[smem:$0x3FAA] =	sst s3  }
0xc: {  	[smem:$0x3FAB] =	sst s4  }
0xd: {  	[smem:$0x3FAC] =	sst s5  }
0xe: {  	[smem:$0x3FAD] =	sst s6  }
0xf: {  	[smem:$0x3FAE] =	sst s7  }
0x10: {  	[smem:$0x3FAF] =	sst s8  }
0x11: {  	[smem:$0x3FB0] =	sst s9;
	s0 =	simm.s32 @!p0 $0x0  }
0x12: {  	s1 =	sld [smem:$0x3F96];
	s0 =	simm.s32 @p0 $0x1  }
0x13: {  	[smem:$0x3FB1] =	sst s0;
	s0 =	simm.s32 @!p1 $0x0  }
0x14: {  	s2 =	sld [smem:$0x3F95];
	s0 =	simm.s32 @p1 $0x1  }
0x15: {  	[smem:$0x3FB2] =	sst s0;
	s0 =	simm.s32 @!p2 $0x0  }
0x16: {  	s3 =	sld [smem:$0x3FDB];
	s0 =	simm.s32 @p2 $0x1  }
0x17: {  	s4 =	simm.s32 $0x1BF5;
	[smem:$0x3FB4] =	sst s0  }
0x18: {  	s0 =	sld [smem:$0x3F97];
	_ =	swait.ge [sflag:s4], $0x0  }
0x19: {  	s7 =	sld [smem:$0x3F98]  }
0x1a: {  	s8 =	sadd.s32 $0xFFFFE003, lr  }
0x1b: {  	s9 =	sadd.s32 $0xFFFFFEF7, lr;
	s5 =	simm.s32 $0xFFFFFFFF;
	p2 =	slt.u32 s8, $0xFFFFF086  }
0x1c: {  	p1 =	slt.u32 s9, $0xF7A;
	s5 =	simm.s32 @!p2 $0x0  }
0x1d: {  	s5 =	simm.s32 @p1 $0x1;
	p0 =	seq.s32 s7, s2  }
0x1e: {  	s7 =	smul.u32 @!p0 $0xF7A, s2;
	p2 =	seq.s32 @!p0 s5, $0x0  }
0x1f: {  	s9 =	smul.u32 $0xF7A, s1;
	s8 =	simm.s32 @!p0 $0x1BF5;
	p2 =	por !p2, p0  }
0x20: {  	[sflag:s8] =	ssyncset.s32 @!p0 $0xFFFFF086;
	s6 =	sadd.s32 @!p0 s3, s7;
	s7 =	simm.s32 @!p0 $0x108  }
0x21: {  	s3 =	sadd.s32 s3, s9;
	s6 =	sadd.s32 @!p0 $0x88, s6;
	s7 =	simm.s32 @p2 $0x1082  }
0x22: {  	[simem:s7], [sflag:s8] =	dma.local @!p0 [hbm:s6], $0xF7A  }
0x23: {  	s9 =	sor.u32 $0xD0000000, s2;
	s6 =	simm.s32 $0x108;
	_ =	swait.ge @!p0 [sflag:s8], $0x0  }
0x24: {  	s3 =	sadd.s32 $0x88, s3;
	s6 =	simm.s32 @!p1 $0x1082;
	[sflag:s4] =	ssyncset.s32 $0xFFFFF086  }
0x25: {  	[simem:s6], [sflag:s4] =	dma.local [hbm:s3], $0xF7A  }
0x26: {  	[smem:$0x3F98] =	sst s1;
	(tag) =	ssettag s2;
	_ =	strace s9  }
0x27: {  	s1 =	sld [smem:$0x3FA8]  }
0x28: {  	s2 =	sld [smem:$0x3FA9]  }
0x29: {  	s4 =	sld [smem:$0x3FAB]  }
0x2a: {  	p0 =	seq.s32 s5, $0x0;
	s5 =	sld [smem:$0x3FAC]  }
0x2b: {  	s6 =	sld [smem:$0x3FAD]  }
0x2c: {  	s7 =	sld [smem:$0x3FAE]  }
0x2d: {  	s3 =	simm.s32 $0x108;
	s8 =	sld [smem:$0x3FAF]  }
0x2e: {  	s3 =	simm.s32 @!p0 $0x1082;
	s9 =	sld [smem:$0x3FB0]  }
0x2f: {  	lr =	sadd.s32 s0, s3;
	s0 =	sld [smem:$0x3FA7]  }
0x30: {  	s3 =	sld [smem:$0x3FAA]  }
0x31: {  	[smem:$0x3FB3] =	sst s10  }
0x32: {  	s10 =	sld [smem:$0x3FB1];
	_ =	sdelay $0x3  }
0x33: {  	p0 =	seq.s32 s10, $0x1;
	s10 =	sld [smem:$0x3FB3];
	_ =	sdelay $0x3  }
0x34: {  	[smem:$0x3FB3] =	sst s10  }
0x35: {  	s10 =	sld [smem:$0x3FB2];
	_ =	sdelay $0x3  }
0x36: {  	p1 =	seq.s32 s10, $0x1;
	s10 =	sld [smem:$0x3FB3];
	_ =	sdelay $0x3  }
0x37: {  	[smem:$0x3FB3] =	sst s10  }
0x38: {  	s10 =	sld [smem:$0x3FB4]  }
0x39: {  	_ = 	snop;
	(pc) =	sbr.ind lr, $3  }
0x3a: {  	_ = 	snop  }
0x3b: {  	_ = 	snop  }
0x3c: {  	p2 =	seq.s32 s10, $0x1;
	s10 =	sld [smem:$0x3FB3]  }
0x3d: {  	_ =	shalt  }
0x3e: {  	_ =	shalt  }
0x3f: {  	_ =	shalt  }
0x40: {  	_ =	shalt  }
0x41: {  	_ =	shalt  }
0x42: {  	_ =	shalt  }
0x43: {  	_ =	shalt  }
0x44: {  	_ =	shalt  }
0x45: {  	_ =	shalt  }
0x46: {  	_ =	shalt  }
0x47: {  	_ =	shalt  }
0x48: {  	_ =	shalt  }
0x49: {  	_ =	shalt  }
0x4a: {  	_ =	shalt  }
0x4b: {  	_ =	shalt  }
0x4c: {  	_ =	shalt  }
0x4d: {  	_ =	shalt  }
0x4e: {  	_ =	shalt  }
0x4f: {  	_ =	shalt  }
0x50: {  	_ =	shalt  }
0x51: {  	_ =	shalt  }
0x52: {  	_ =	shalt  }
0x53: {  	_ =	shalt  }
0x54: {  	_ =	shalt  }
0x55: {  	_ =	shalt  }
0x56: {  	_ =	shalt  }
0x57: {  	_ =	shalt  }
0x58: {  	_ =	shalt  }
0x59: {  	_ =	shalt  }
0x5a: {  	_ =	shalt  }
0x5b: {  	_ =	shalt  }
0x5c: {  	_ =	shalt  }
0x5d: {  	_ =	shalt  }
0x5e: {  	_ =	shalt  }
0x5f: {  	_ =	shalt  }
0x60: {  	_ =	shalt  }
0x61: {  	_ =	shalt  }
0x62: {  	_ =	shalt  }
0x63: {  	_ =	shalt  }
0x64: {  	_ =	shalt  }
0x65: {  	_ =	shalt  }
0x66: {  	_ =	shalt  }
0x67: {  	_ =	shalt  }
0x68: {  	_ =	shalt  }
0x69: {  	_ =	shalt  }
0x6a: {  	_ =	shalt  }
0x6b: {  	_ =	shalt  }
0x6c: {  	_ =	shalt  }
0x6d: {  	_ =	shalt  }
0x6e: {  	_ =	shalt  }
0x6f: {  	_ =	shalt  }
0x70: {  	_ =	shalt  }
0x71: {  	_ =	shalt  }
0x72: {  	_ =	shalt  }
0x73: {  	_ =	shalt  }
0x74: {  	_ =	shalt  }
0x75: {  	_ =	shalt  }
0x76: {  	_ =	shalt  }
0x77: {  	_ =	shalt  }
0x78: {  	_ =	shalt  }
0x79: {  	_ =	shalt  }
0x7a: {  	_ =	shalt  }
0x7b: {  	_ =	shalt  }
0x7c: {  	_ =	shalt  }
0x7d: {  	_ =	shalt  }
0x7e: {  	_ =	shalt  }
0x7f: {  	_ =	shalt  }
0x80: {  	_ =	shalt  }
0x81: {  	_ =	shalt  }
0x82: {  	_ =	shalt  }
0x83: {  	_ =	shalt  }
0x84: {  	_ =	shalt  }
0x85: {  	_ =	shalt  }
0x86: {  	_ =	shalt  }
0x87: {  	_ =	shalt  }
.Lfunc_end0:
.L_simem_size_0:
called_computation.2_lowered:
.L_overlay_start_0:
0x88: {  	s2 =	sld [smem:$0x3FD9]  }
0x89: {  	s3 =	sld [smem:$0x3FFE];
	_ =	sdelay $0x1  }
0x8a: {  	s1 =	srdreg.scid  }
0x8b: {  	s0 =	sand.u32 $0x1, s1  }
0x8c: {  	s16 =	sshll.u32 s0, $0xA;
	s2 =	sadd.s32 s3, s2  }
0x8d: {  	s2 =	sadd.s32 s2, s16  }
0x8e: {  	[smem:$0x3FBF] =	sst s2  }
0x8f: {  	_ = 	snop  }
0x90: {  	(tm) =	ssettm $0x1  }
0x91: {  	s17 =	sld [smem:$0x3FFB];
	_ =	sdelay $0x3  }
0x92: {  	_ =	strace s17  }
0x93: {  	s2 =	sld [smem:$0x3FFC];
	_ =	sdelay $0x3  }
0x94: {  	_ =	strace s2  }
0x95: {  	s2 =	sld [smem:$0x3FFD];
	_ =	sdelay $0x3  }
0x96: {  	_ =	strace s2  }
0x97: {  	_ =	strace $0x8FFFFFFF  }
0x98: {  	s18 =	sld [smem:$0x3FDB];
	_ =	sdelay $0x1  }
0x99: {  	s19 =	simm.s32 $_scs_section_size  }
0x9a: {  	s4 =	simm.s32 $_size__tile_overlayer_lowered;
	s5 =	simm.s32 $_tile_overlayer_lowered  }
0x9b: {  	s22 =	simm.s32 $0x1BFF;
	s21 =	sshll.u32 s5, $0x1;
	s2 =	sadd.s32 s19, s18  }
0x9c: {  	s6 =	simm.s32 $0x0;
	s20 =	sshll.u32 s4, $0x1;
	s4 =	sadd.s32 s21, s2  }
0x9d: {  	[timem:s6], [sflag:s22] =	dma.local [hbm:s4], s20  }
0x9e: {  	_ =	swait.ge [sflag:s22], s20  }
0x9f: {  	s3 =	ssub.s32 $0x0, s20;
	[sflag:s22] =	ssyncset.done $0x0  }
0xa0: {  	[sflag:s22] =	ssyncadd.s32 s3;
	_ =	sdelay $0x1  }
0xa1: {  	s23 =	simm.s32 $0x1B8B  }
0xa2: {  	_ =	swait.ge [sflag:s23], $0x1  }
0xa3: {  	[sflag:s23] =	ssyncset.done $0x0  }
0xa4: {  	s25 =	simm.s32 $0x1B8E;
	s24 =	sld [smem:$0x3FFE];
	[sflag:s23] =	ssyncadd.s32 $0xFFFFFFFF  }
0xa5: {  	s26 =	simm.s32 $execute0_lowered;
	[smem:$0x3FD2] =	sst s25  }
0xa6: {  	s4 =	sshll.u32 s26, $0x1;
	_ =	strace $0x80000062;
	[dreg:$0x1] =	wrdreg $0xFFFFFFFF  }
0xa7: {  	s28 =	simm.s32 $_size_execute0_lowered;
	s2 =	sadd.s32 s2, s4;
	[dreg:$0x0] =	wrdreg $0x0  }
0xa8: {  	s4 =	sshll.u32 s28, $0x1;
	[dreg:$0x2] =	wrdreg s2  }
0xa9: {  	[dreg:$0x3] =	wrdreg s4  }
0xaa: {  	[dreg:$0x4] =	wrdreg $0xC0  }
0xab: {  	_ =	task [dreg:s6], $0x5FFFF  }
0xac: {  	[dreg:$0x1] =	wrdreg $0xFFFFFFFF  }
0xad: {  	[dreg:$0x0] =	wrdreg $0x60  }
0xae: {  	[dreg:$0x2] =	wrdreg s24  }
0xaf: {  	[dreg:$0x3] =	wrdreg $0x80800  }
0xb0: {  	[dreg:$0x4] =	wrdreg $0x9  }
0xb1: {  	_ =	task.clear_ibuf [dreg:s6], $0x5FFFF;
	_ =	strace $0x90000062  }
0xb2: {  	s29 =	simm.s32 $0x9;
	_ =	strace $0x80000072  }
0xb3: {  	_ =	swait.ge [sflag:s29], $0x1  }
0xb4: {  	[sflag:s29] =	ssyncadd.s32 $0xFFFFFFFF  }
0xb5: {  	_ =	strace $0x90000072  }
0xb6: {  	_ =	sfence  }
0xb7: {  	s30 =	sld [smem:$0x0];
	_ =	sdelay $0x2  }
0xb8: {  	s31 =	sshll.u32 s1, $0xD;
	s1 =	sshrl.u32 s1, $0x2  }
0xb9: {  	s3 =	sand.u32 $0x4000, s31;
	s1 =	sadd.s32 s1, s30  }
0xba: {  	s0 =	sor.u32 s3, s0;
	s1 =	sshll.u32 s1, $0x11  }
0xbb: {  	s0 =	sor.u32 s1, s0  }
0xbc: {  	s0 =	sadd.s32 $0x8F2B, s0  }
0xbd: {  	[sflag:s0] =	ssyncadd.remote.s32 $0x1  }
0xbe: {  	_ =	sfence.sel $0xFFFF  }
0xbf: {  	[dreg:$0x0] =	wrdreg $0xFFFFFFFF;
	(pc) =	sbr.abs _section_cstart, $3  }
0xc0: {  	[dreg:$0x1] =	wrdreg $0xFFFFFFFF  }
0xc1: {  	_ =	task.clear_ibuf [dreg:s6], $0x2FFFF;
	_ =	strace $0x9FFFFFFF  }
0xc2: {  	(tm) =	ssettm $0x7FFFFFFF  }
0xc3: {  	_ =	shalt  }
tec
execute0_lowered:
.L_overlay_start_1:
0x0: {  	(tag) =	ssettag $0x1  }
0x1: {  	s0 =	rddreg [dreg:$0x0]  }
0x2: {  	s1 =	rddreg [dreg:$0x1]  }
0x3: {  	s2 =	simm.s32 $0x0;
	s6 =	srdreg.scid;
	s15 =	stileid.u32  }
0x4: {  	[smem:$0x7FF] =	sst s2;
	s3 =	sadd.s32 $0xDA00, s0;
	s7 =	smul.u32 $0x27, s15  }
0x5: {  	s4 =	sadd.s32 $0x5E000, s0;
	s5 =	sadd.s32 $0x3C00, s0;
	s11 =	smul.u32 $0x28, s15  }
0x6: {  	s10 =	sand.u32 $0x1, s6;
	s6 =	sadd.s32 $0xE000, s0;
	s12 =	smul.u32 $0x5, s15  }
0x7: {  	s0 =	sadd.s32 $0x67E00, s0;
	p0 =	slt.u32 s15, $0x8;
	s14 =	smul.u32 $0x50, s15  }
0x8: {  	s15 =	smul.u32 $0x14000, s15;
	_ =	strace $0x80000063;
	s8 =	ssub.s32 $0x2, s10  }
0x9: {  	s19 =	sshll.u32 s10, $0x7;
	s10 =	smul.u32 $0x140000, s10;
	s9 =	sshrl.u32 s8, $0x1  }
0xa: {  	s7 =	sadd.s32 $0x8, s7;
	s21 =	sadd.s32 s3, s14;
	[dreg:$0x3] =	wrdreg s19  }
0xb: {  	s20 =	sadd.s32 $0x1, s12;
	s24 =	sadd.s32 $0x2, s12;
	s17 =	sadd.s32 $0x3, s12  }
0xc: {  	s12 =	sadd.s32 $0x4, s12;
	s14 =	simm.s32 $0x4000;
	s13 =	ssub.s32 s8, s9  }
0xd: {  	s7 =	smov.u32 @p0 s11;
	s8 =	simm.s32 $0x28;
	s16 =	sshll.u32 s20, $0x4  }
0xe: {  	s18 =	sshll.u32 s24, $0x4;
	s28 =	sshll.u32 s12, $0x4;
	s30 =	sshll.u32 s20, $0xE  }
0xf: {  	s31 =	sadd.s32 s10, s15;
	s12 =	sshll.u32 s12, $0xE;
	[dreg:$0x4] =	wrdreg s21  }
0x10: {  	s11 =	sshll.u32 s7, $0x9;
	s8 =	simm.s32 @!p0 $0x27;
	s23 =	sadd.s32 s3, s16  }
0x11: {  	s25 =	sadd.s32 s3, s18;
	s16 =	sshll.u32 s24, $0xE;
	[dreg:$0x6] =	wrdreg s23  }
0x12: {  	s11 =	sor.u32 s19, s11;
	s19 =	sshll.u32 s17, $0x4;
	[dreg:$0x7] =	wrdreg s25  }
0x13: {  	s17 =	sshll.u32 s17, $0xE;
	s15 =	sadd.s32 s10, s16;
	s26 =	sadd.s32 s3, s19  }
0x14: {  	s11 =	sshrl.u32 s11, $0x3;
	s3 =	sadd.s32 s3, s28;
	[dreg:$0x8] =	wrdreg s26  }
0x15: {  	s16 =	sadd.s32 s10, s17;
	s28 =	sadd.s32 $0x10, s21;
	[dreg:$0x9] =	wrdreg s3  }
0x16: {  	s19 =	sshrl.u32 s31, $0x3;
	s31 =	sadd.s32 $0x40, s21;
	[dreg:$0x13] =	wrdreg s28  }
0x17: {  	s23 =	sshrl.u32 s15, $0x3;
	s22 =	sadd.s32 s4, s11;
	[dreg:$0x16] =	wrdreg s31  }
0x18: {  	s15 =	simm.s32 $0x1;
	s29 =	sadd.s32 s5, s11;
	[dreg:$0x5] =	wrdreg s22  }
0x19: {  	s11 =	sor.u32 $0x20, s11;
	s26 =	smax.u32 s13, $0x1;
	[dreg:$0xa] =	wrdreg s29  }
0x1a: {  	s3 =	sadd.s32 s10, s30;
	s30 =	sadd.s32 $0x30, s21;
	[dreg:$0x12] =	wrdreg s26  }
0x1b: {  	s17 =	simm.s32 $0x2;
	s18 =	sadd.s32 s4, s11;
	[dreg:$0x15] =	wrdreg s30  }
0x1c: {  	s10 =	sadd.s32 s10, s12;
	s20 =	sadd.s32 s5, s11;
	[dreg:$0xb] =	wrdreg s18  }
0x1d: {  	s24 =	sshrl.u32 s16, $0x3;
	s22 =	sadd.s32 s0, s19;
	[dreg:$0xc] =	wrdreg s20  }
0x1e: {  	s12 =	simm.s32 $0x3;
	s25 =	sadd.s32 s0, s24;
	[dreg:$0xd] =	wrdreg s22  }
0x1f: {  	s3 =	sshrl.u32 s3, $0x3;
	s29 =	sadd.s32 $0x20, s21;
	[dreg:$0x10] =	wrdreg s25  }
0x20: {  	s16 =	simm.s32 $0xB;
	s3 =	sadd.s32 s0, s3;
	[dreg:$0x14] =	wrdreg s29  }
0x21: {  	s10 =	sshrl.u32 s10, $0x3;
	[dreg:$0xe] =	wrdreg s3;
	s3 =	sadd.s32 s0, s23  }
0x22: {  	s24 =	sadd.s32 $0xFFFFFFFF, s8;
	s0 =	sadd.s32 s0, s10;
	[dreg:$0xf] =	wrdreg s3  }
0x23: {  	v0 =	vimm.f32 $0.0e+00;
	s11 =	simm.s32 $0x80;
	[dreg:$0x11] =	wrdreg s0;
	s3 =	simm.s32 $0x0  }
.LBB2_1:
0x24: {  	[dreg:$0x17] =	wrdreg s3;
	s0 =	simm.s32 $0x0;
	s10 =	simm.s32 $0x200  }
.LBB2_2:
0x25: {  	p0 =	sne.s32 s10, $0xFE00;
	[tilespmem:s0+$0x70] =	vst v0  }
0x26: {  	[tilespmem:s0+$0x0] =	vst v0  }
0x27: {  	[tilespmem:s0+$0x10] =	vst v0  }
.Ltmp0:
0x28: {  	[tilespmem:s0+$0x20] =	vst v0;
	(pc) =	sbr.rel @p0 .LBB2_2-.Ltmp0, $4  }
0x29: {  	[tilespmem:s0+$0x30] =	vst v0  }
0x2a: {  	[tilespmem:s0+$0x40] =	vst v0  }
0x2b: {  	[tilespmem:s0+$0x50] =	vst v0  }
0x2c: {  	[tilespmem:s0+$0x60] =	vst v0;
	s0 =	sshra.s32 s10, $0x2;
	s10 =	sadd.s32 $0x200, s10  }
0x2d: {  	[tilespmem:s0+$0x70] =	vst v0  }
0x2e: {  	[tilespmem:s0+$0x0] =	vst v0  }
0x2f: {  	[tilespmem:s0+$0x10] =	vst v0  }
0x30: {  	[tilespmem:s0+$0x20] =	vst v0  }
0x31: {  	[tilespmem:s0+$0x30] =	vst v0  }
0x32: {  	[tilespmem:s0+$0x40] =	vst v0  }
0x33: {  	[tilespmem:s0+$0x50] =	vst v0  }
0x34: {  	[tilespmem:s0+$0x60] =	vst v0  }
0x35: {  	s20 =	simm.s32 $0x0;
	s3 =	simm.s32 $0x1C080;
	_ =	strace $0x80000064  }
0x36: {  	[tilespmem:s3], [sflag:$0x3] =	stream.linear.gather [hbm4b:s21+s20], $0x80, $0x200038;
	[tilespmem:$0x1C480] =	vst v63  }
0x37: {  	_ =	strace $0x90000064  }
0x38: {  	_ =	strace $0x80000065  }
0x39: {  	s9 =	simm.s32 $0x1C100;
	s25 =	rddreg [dreg:$0x13]  }
0x3a: {  	[tilespmem:s9], [sflag:$0x4] =	stream.linear.gather [hbm4b:s25+s20], $0x80, $0x200038;
	[tilespmem:$0x1C480] =	vst v63  }
0x3b: {  	_ =	strace $0x90000065  }
0x3c: {  	_ =	strace $0x80000066  }
0x3d: {  	_ =	swait.ge [sflag:s12], $0x80  }
0x3e: {  	[sflag:s12] =	ssyncset.done $0x0  }
0x3f: {  	[sflag:s12] =	ssyncadd.s32 $0xFFFFFF80  }
0x40: {  	_ =	strace $0x90000066  }
0x41: {  	s10 =	simm.s32 $0x5;
	_ =	strace $0x80000067  }
0x42: {  	[spmem:s1] =	stream.indirect.scatter [tilespmem:s20], [sflag:$0x5], $0x80, s3, s11, $0x2000b8;
	[tilespmem:$0x1C480] =	vst v63  }
0x43: {  	_ =	swait.ge [sflag:s10], $0x4000  }
0x44: {  	[sflag:s10] =	ssyncset.done $0x0  }
0x45: {  	[sflag:s10] =	ssyncadd.s32 $0xFFFFC000  }
0x46: {  	_ =	strace $0x90000067  }
0x47: {  	_ =	strace $0x80000065  }
0x48: {  	s26 =	rddreg [dreg:$0x14]  }
0x49: {  	[tilespmem:s3], [sflag:$0x3] =	stream.linear.gather [hbm4b:s26+s20], $0x80, $0x200038;
	[tilespmem:$0x1C480] =	vst v63  }
0x4a: {  	_ =	strace $0x90000065  }
0x4b: {  	s13 =	simm.s32 $0x4;
	_ =	strace $0x80000066  }
0x4c: {  	_ =	swait.ge [sflag:s13], $0x80  }
0x4d: {  	[sflag:s13] =	ssyncset.done $0x0  }
0x4e: {  	[sflag:s13] =	ssyncadd.s32 $0xFFFFFF80  }
0x4f: {  	_ =	strace $0x90000066  }
0x50: {  	_ =	strace $0x80000067  }
0x51: {  	[spmem:s1] =	stream.indirect.scatter [tilespmem:s20], [sflag:$0x5], $0x80, s9, s11, $0x2000b8;
	[tilespmem:$0x1C480] =	vst v63  }
0x52: {  	_ =	swait.ge [sflag:s10], $0x4000  }
0x53: {  	[sflag:s10] =	ssyncset.done $0x0  }
0x54: {  	[sflag:s10] =	ssyncadd.s32 $0xFFFFC000  }
0x55: {  	_ =	strace $0x90000067  }
0x56: {  	_ =	strace $0x80000065  }
0x57: {  	s31 =	rddreg [dreg:$0x15]  }
0x58: {  	[tilespmem:s9], [sflag:$0x4] =	stream.linear.gather [hbm4b:s31+s20], $0x80, $0x200038;
	[tilespmem:$0x1C480] =	vst v63  }
0x59: {  	_ =	strace $0x90000065  }
0x5a: {  	_ =	strace $0x80000066  }
0x5b: {  	_ =	swait.ge [sflag:s12], $0x80  }
0x5c: {  	[sflag:s12] =	ssyncset.done $0x0  }
0x5d: {  	[sflag:s12] =	ssyncadd.s32 $0xFFFFFF80  }
0x5e: {  	_ =	strace $0x90000066  }
0x5f: {  	_ =	strace $0x80000067  }
0x60: {  	[spmem:s1] =	stream.indirect.scatter [tilespmem:s20], [sflag:$0x5], $0x80, s3, s11, $0x2000b8;
	[tilespmem:$0x1C480] =	vst v63  }
0x61: {  	_ =	swait.ge [sflag:s10], $0x4000  }
0x62: {  	[sflag:s10] =	ssyncset.done $0x0  }
0x63: {  	[sflag:s10] =	ssyncadd.s32 $0xFFFFC000  }
0x64: {  	_ =	strace $0x90000067  }
0x65: {  	_ =	strace $0x80000065  }
0x66: {  	s18 =	rddreg [dreg:$0x16]  }
0x67: {  	[tilespmem:s3], [sflag:$0x3] =	stream.linear.gather [hbm4b:s18+s20], $0x80, $0x200038;
	[tilespmem:$0x1C480] =	vst v63  }
0x68: {  	_ =	strace $0x90000065  }
0x69: {  	_ =	strace $0x80000066  }
0x6a: {  	_ =	swait.ge [sflag:s13], $0x80  }
0x6b: {  	[sflag:s13] =	ssyncset.done $0x0  }
0x6c: {  	[sflag:s13] =	ssyncadd.s32 $0xFFFFFF80  }
0x6d: {  	_ =	strace $0x90000066  }
0x6e: {  	_ =	strace $0x80000067  }
0x6f: {  	[spmem:s1] =	stream.indirect.scatter [tilespmem:s20], [sflag:$0x5], $0x80, s9, s11, $0x2000b8;
	[tilespmem:$0x1C480] =	vst v63  }
0x70: {  	_ =	swait.ge [sflag:s10], $0x4000  }
0x71: {  	[sflag:s10] =	ssyncset.done $0x0  }
0x72: {  	[sflag:s10] =	ssyncadd.s32 $0xFFFFC000  }
0x73: {  	_ =	strace $0x90000067  }
0x74: {  	_ =	strace $0x80000066  }
0x75: {  	_ =	swait.ge [sflag:s12], $0x80  }
0x76: {  	[sflag:s12] =	ssyncset.done $0x0  }
0x77: {  	[sflag:s12] =	ssyncadd.s32 $0xFFFFFF80  }
0x78: {  	_ =	strace $0x90000066  }
0x79: {  	_ =	strace $0x80000067  }
0x7a: {  	[spmem:s1] =	stream.indirect.scatter [tilespmem:s20], [sflag:$0x5], $0x80, s3, s11, $0x2000b8;
	[tilespmem:$0x1C480] =	vst v63  }
0x7b: {  	_ =	swait.ge [sflag:s10], $0x4000  }
0x7c: {  	[sflag:s10] =	ssyncset.done $0x0  }
0x7d: {  	[sflag:s10] =	ssyncadd.s32 $0xFFFFC000  }
0x7e: {  	_ =	strace $0x90000067  }
0x7f: {  	[bflag:$0x0] =	sbarrier.arrive $0xFFFF  }
0x80: {  	_ =	strace $0x80000068  }
0x81: {  	s22 =	simm.s32 $0x1C180;
	s19 =	rddreg [dreg:$0x5]  }
0x82: {  	s29 =	simm.s32 $0x1;
	s30 =	simm.s32 $0x1;
	s21 =	rddreg [dreg:$0xa]  }
0x83: {  	[tilespmem:s3], [sflag:$0x3] =	stream.linear.gather [hbm4b:s19+s20], $0x80, $0x200038;
	[tilespmem:$0x1C480] =	vst v63  }
0x84: {  	s28 =	simm.s32 $0x0;
	s25 =	simm.s32 $0x1C280;
	s23 =	rddreg [dreg:$0xb]  }
0x85: {  	[tilespmem:s22], [sflag:$0x5] =	stream.linear.gather [hbm4b:s21+s20], $0x80, $0x200038;
	[tilespmem:$0x1C480] =	vst v63  }
0x86: {  	s31 =	simm.s32 $0x1C380;
	s10 =	simm.s32 $0x1;
	s26 =	rddreg [dreg:$0xc]  }
0x87: {  	[tilespmem:s25], [sflag:$0x7] =	stream.linear.gather [hbm4b:s23+s20], $0x80, $0x200038;
	[tilespmem:$0x1C480] =	vst v63  }
0x88: {  	s21 =	simm.s32 $0x0;
	s22 =	simm.s32 $0x1;
	s23 =	simm.s32 $0x0  }
0x89: {  	[tilespmem:s31], [sflag:$0x9] =	stream.linear.gather [hbm4b:s26+s20], $0x80, $0x200038;
	[tilespmem:$0x1C480] =	vst v63  }
0x8a: {  	s25 =	simm.s32 $0x0;
	s26 =	simm.s32 $0x0;
	_ =	strace $0x90000068  }
.LBB2_4:
0x8b: {  	s0 =	sadd.s32 s7, s20  }
0x8c: {  	s31 =	sadd.s32 $0x7FFFFFFF, s20;
	p3 =	seq.s32 s20, $0x0;
	s20 =	sadd.s32 $0x1, s20  }
0x8d: {  	p0 =	seq.s32 s20, s8  }
0x8e: {  	s20 =	simm.s32 @p0 $0x0  }
0x8f: {  	s18 =	sadd.s32 s7, s20  }
0x90: {  	s0 =	sshll.u32 s0, $0x1;
	p0 =	sge.u32 s28, s24;
	s13 =	sshll.u32 s18, $0x1  }
0x91: {  	p1 =	seq.s32 @!p0 s0, s13  }
0x92: {  	p2 =	por p1, p0  }
0x93: {  	s3 =	rddreg [dreg:$0x3];
	s18 =	sshll.u32 @!p2 s18, $0x9  }
0x94: {  	s19 =	sand.u32 @!p2 $0x1, s10;
	_ =	strace @!p2 $0x80000069;
	s18 =	sor.u32 @!p2 s3, s18  }
0x95: {  	s9 =	simm.s32 @!p2 $0x0;
	s12 =	sshll.u32 @!p2 s19, $0x7;
	s18 =	sshrl.u32 @!p2 s18, $0x3  }
0x96: {  	s19 =	sadd.s32 @!p2 $0x3, s19;
	s12 =	sadd.s32 @!p2 $0x1C080, s12;
	s3 =	sadd.s32 @!p2 s4, s18  }
0x97: {  	[tilespmem:s12], [sflag:s19] =	stream.linear.gather @!p2 [hbm4b:s3+s9], $0x80, $0x200038;
	[tilespmem:$0x1C480] =	vst v63  }
0x98: {  	s3 =	sand.u32 @!p2 $0x1, s30  }
0x99: {  	s19 =	sadd.s32 @!p2 s5, s18;
	_ =	strace @!p2 $0x90000069;
	s12 =	sshll.u32 @!p2 s3, $0x7  }
0x9a: {  	s3 =	sadd.s32 @!p2 $0x5, s3;
	_ =	strace @!p2 $0x8000006A;
	s12 =	sadd.s32 @!p2 $0x1C180, s12  }
0x9b: {  	[tilespmem:s12], [sflag:s3] =	stream.linear.gather @!p2 [hbm4b:s19+s9], $0x80, $0x200038;
	[tilespmem:$0x1C480] =	vst v63  }
0x9c: {  	s31 =	smov.u32 @p3 s24;
	s18 =	sor.u32 @!p2 $0x20, s18;
	s3 =	sand.u32 @!p2 $0x1, s29  }
0x9d: {  	s19 =	sadd.s32 @!p2 s4, s18;
	_ =	strace @!p2 $0x9000006A;
	s12 =	sshll.u32 @!p2 s3, $0x7  }
0x9e: {  	s3 =	sadd.s32 @!p2 $0x7, s3;
	_ =	strace @!p2 $0x8000006B;
	s12 =	sadd.s32 @!p2 $0x1C280, s12  }
0x9f: {  	[tilespmem:s12], [sflag:s3] =	stream.linear.gather @!p2 [hbm4b:s19+s9], $0x80, $0x200038;
	[tilespmem:$0x1C480] =	vst v63  }
0xa0: {  	s31 =	sadd.s32 s7, s31;
	s3 =	sand.u32 @!p2 $0x1, s22  }
0xa1: {  	s18 =	sadd.s32 @!p2 s5, s18;
	_ =	strace @!p2 $0x9000006B;
	s19 =	sshll.u32 @!p2 s3, $0x7  }
0xa2: {  	s3 =	sadd.s32 @!p2 $0x9, s3;
	_ =	strace @!p2 $0x8000006C;
	s19 =	sadd.s32 @!p2 $0x1C380, s19  }
0xa3: {  	[tilespmem:s19], [sflag:s3] =	stream.linear.gather @!p2 [hbm4b:s18+s9], $0x80, $0x200038;
	[tilespmem:$0x1C480] =	vst v63  }
0xa4: {  	p3 =	seq.s32 s28, $0x0;
	s3 =	sshll.u32 s31, $0x1  }
0xa5: {  	p4 =	seq.s32 @!p3 s0, s3  }
0xa6: {  	p3 =	por p3, !p4  }
0xa7: {  	_ =	strace @!p2 $0x9000006C;
	s3 =	sand.u32 @p3 $0x1, s26  }
0xa8: {  	_ =	strace @p3 $0x8000006D;
	s3 =	sadd.s32 @p3 $0x3, s3  }
0xa9: {  	_ =	swait.ge @p3 [sflag:s3], $0x80  }
0xaa: {  	[sflag:s3] =	ssyncset.done @p3 $0x0  }
0xab: {  	[sflag:s3] =	ssyncadd.s32 @p3 $0xFFFFFF80  }
0xac: {  	s3 =	sand.u32 @p3 $0x1, s25;
	_ =	strace @p3 $0x9000006D  }
0xad: {  	s3 =	sadd.s32 @p3 $0x5, s3;
	_ =	strace @p3 $0x8000006E  }
0xae: {  	_ =	swait.ge @p3 [sflag:s3], $0x80  }
0xaf: {  	[sflag:s3] =	ssyncset.done @p3 $0x0  }
0xb0: {  	[sflag:s3] =	ssyncadd.s32 @p3 $0xFFFFFF80  }
0xb1: {  	s3 =	sand.u32 @p3 $0x1, s23;
	_ =	strace @p3 $0x9000006E  }
0xb2: {  	s3 =	sadd.s32 @p3 $0x7, s3;
	_ =	strace @p3 $0x8000006F  }
0xb3: {  	_ =	swait.ge @p3 [sflag:s3], $0x80  }
0xb4: {  	[sflag:s3] =	ssyncset.done @p3 $0x0  }
0xb5: {  	[sflag:s3] =	ssyncadd.s32 @p3 $0xFFFFFF80  }
0xb6: {  	s3 =	sand.u32 @p3 $0x1, s21;
	_ =	strace @p3 $0x9000006F  }
0xb7: {  	p6 =	seq.s32 s24, s28;
	s3 =	sadd.s32 @p3 $0x9, s3;
	_ =	strace @p3 $0x80000070  }
0xb8: {  	s28 =	sadd.s32 $0x1, s28;
	p5 =	sne.s32 s0, s13;
	_ =	swait.ge @p3 [sflag:s3], $0x80  }
0xb9: {  	p1 =	por !p1, p0;
	s12 =	sadd.s32 @!p2 $0x1, s30;
	[sflag:s3] =	ssyncset.done @p3 $0x0  }
0xba: {  	s18 =	sshll.u32 s26, $0x7;
	s19 =	sshll.u32 s23, $0x7;
	[sflag:s3] =	ssyncadd.s32 @p3 $0xFFFFFF80  }
0xbb: {  	s9 =	sadd.s32 @!p2 $0x1, s10;
	s3 =	sand.u32 $0x80, s18;
	_ =	strace @p3 $0x90000070  }
0xbc: {  	s31 =	sshll.u32 s25, $0x7;
	s3 =	sadd.s32 $0x1C080, s3;
	_ =	strace $0x80000071  }
0xbd: {  	[tilespmem:s2], [sflag:$0x1] =	stream.indirect.gather [hbm4b:s6+s11], $0x80, s3, s11, $0x2000b8;
	[tilespmem:$0x1C480] =	vst v63  }
0xbe: {  	s0 =	simm.s32 $0x1;
	s18 =	sand.u32 $0x80, s31;
	s3 =	sand.u32 $0x80, s19  }
0xbf: {  	s31 =	sadd.s32 $0x1C180, s18;
	s18 =	smov.u32 s10;
	s3 =	sadd.s32 $0x1C280, s3  }
0xc0: {  	[tilespmem:s14], [sflag:$0x2] =	stream.indirect.gather [hbm4b:s6+s11], $0x80, s3, s11, $0x2000b8;
	[tilespmem:$0x1C480] =	vst v63  }
0xc1: {  	s18 =	smov.u32 @p1 s9;
	s9 =	smov.u32 s30;
	_ =	swait.ge [sflag:s15], $0x4000  }
0xc2: {  	s19 =	smov.u32 s29;
	s9 =	smov.u32 @p1 s12;
	[sflag:s15] =	ssyncset.done $0x0  }
0xc3: {  	s18 =	smov.u32 @p0 s10;
	s12 =	sshll.u32 s21, $0x7;
	[sflag:s15] =	ssyncadd.s32 $0xFFFFC000  }
0xc4: {  	[spmem:s1] =	stream.indirect.scatter.add.f32 [tilespmem:s2], [sflag:$0xB], $0x80, s31, s11, $0x2000b8;
	[tilespmem:$0x1C480] =	vst v63  }
0xc5: {  	s9 =	smov.u32 @p0 s30;
	s3 =	sadd.s32 @!p2 $0x1, s29;
	_ =	swait.ge [sflag:s16], $0x4000  }
0xc6: {  	s19 =	smov.u32 @p1 s3;
	s3 =	simm.s32 $0x0;
	[sflag:s16] =	ssyncset.done $0x0  }
0xc7: {  	s10 =	sand.u32 $0x80, s12;
	s3 =	simm.s32 @p1 $0x1;
	[sflag:s16] =	ssyncadd.s32 $0xFFFFC000  }
0xc8: {  	s19 =	smov.u32 @p0 s29;
	s3 =	simm.s32 @p0 $0x0;
	_ =	swait.ge [sflag:s17], $0x4000  }
0xc9: {  	p0 =	por p6, p5;
	s31 =	sadd.s32 $0x1C380, s10;
	[sflag:s17] =	ssyncset.done $0x0  }
0xca: {  	s0 =	simm.s32 @!p0 $0x0;
	p0 =	sne.s32 s8, s28;
	[sflag:s17] =	ssyncadd.s32 $0xFFFFC000  }
0xcb: {  	[spmem:s1] =	stream.indirect.scatter.add.f32 [tilespmem:s14], [sflag:$0xB], $0x80, s31, s11, $0x2000b8;
	[tilespmem:$0x1C480] =	vst v63  }
.Ltmp1:
0xcc: {  	_ = 	snop;
	(pc) =	sbr.rel @p0 .LBB2_4-.Ltmp1, $4  }
0xcd: {  	s30 =	smov.u32 s9;
	s29 =	smov.u32 s19;
	_ =	swait.ge [sflag:s16], $0x4000  }
0xce: {  	s22 =	sadd.s32 s22, s3;
	s10 =	smov.u32 s18;
	[sflag:s16] =	ssyncset.done $0x0  }
0xcf: {  	s26 =	sadd.s32 s0, s26;
	s25 =	sadd.s32 s0, s25;
	[sflag:s16] =	ssyncadd.s32 $0xFFFFC000  }
0xd0: {  	s23 =	sadd.s32 s0, s23;
	s21 =	sadd.s32 s0, s21;
	_ =	strace $0x90000071  }
0xd1: {  	[bflag:$0x0] =	sbarrier.arrive $0xFFFF  }
0xd2: {  	s3 =	simm.s32 $0x8000;
	s12 =	simm.s32 $0x3;
	s21 =	rddreg [dreg:$0x4]  }
0xd3: {  	[tilespmem:s3], [sflag:$0x3] =	stream.linear.gather [hbm4b:s21+s2], $0x80, $0x38;
	[tilespmem:$0x1C480] =	vst v63  }
0xd4: {  	_ =	swait.ge [sflag:s12], $0x80  }
0xd5: {  	[sflag:s12] =	ssyncset.done $0x0  }
0xd6: {  	[sflag:s12] =	ssyncadd.s32 $0xFFFFFF80  }
0xd7: {  	[tilespmem:s2], [sflag:$0x3] =	stream.indirect.gather [spmem:s1], $0x80, s3, s11, $0xb8;
	[tilespmem:$0x1C480] =	vst v63  }
0xd8: {  	_ =	swait.ge [sflag:s12], $0x4000  }
0xd9: {  	[sflag:s12] =	ssyncset.done $0x0  }
0xda: {  	s0 =	rddreg [dreg:$0xd];
	[sflag:s12] =	ssyncadd.s32 $0xFFFFC000  }
0xdb: {  	[hbm4b:s0+s2] =	stream.linear.scatter [tilespmem:s2], [sflag:$0x3], $0x4000, $0x38;
	[tilespmem:$0x1C480] =	vst v63  }
0xdc: {  	_ =	swait.ge [sflag:s12], $0x4000  }
0xdd: {  	[sflag:s12] =	ssyncset.done $0x0  }
0xde: {  	s19 =	rddreg [dreg:$0x6];
	[sflag:s12] =	ssyncadd.s32 $0xFFFFC000  }
0xdf: {  	[tilespmem:s3], [sflag:$0x3] =	stream.linear.gather [hbm4b:s19+s2], $0x80, $0x38;
	[tilespmem:$0x1C480] =	vst v63  }
0xe0: {  	_ =	swait.ge [sflag:s12], $0x80  }
0xe1: {  	[sflag:s12] =	ssyncset.done $0x0  }
0xe2: {  	[sflag:s12] =	ssyncadd.s32 $0xFFFFFF80  }
0xe3: {  	[tilespmem:s2], [sflag:$0x3] =	stream.indirect.gather [spmem:s1], $0x80, s3, s11, $0xb8;
	[tilespmem:$0x1C480] =	vst v63  }
0xe4: {  	_ =	swait.ge [sflag:s12], $0x4000  }
0xe5: {  	[sflag:s12] =	ssyncset.done $0x0  }
0xe6: {  	s20 =	rddreg [dreg:$0xe];
	[sflag:s12] =	ssyncadd.s32 $0xFFFFC000  }
0xe7: {  	[hbm4b:s20+s2] =	stream.linear.scatter [tilespmem:s2], [sflag:$0x3], $0x4000, $0x38;
	[tilespmem:$0x1C480] =	vst v63  }
0xe8: {  	_ =	swait.ge [sflag:s12], $0x4000  }
0xe9: {  	[sflag:s12] =	ssyncset.done $0x0  }
0xea: {  	s22 =	rddreg [dreg:$0x7];
	[sflag:s12] =	ssyncadd.s32 $0xFFFFC000  }
0xeb: {  	[tilespmem:s3], [sflag:$0x3] =	stream.linear.gather [hbm4b:s22+s2], $0x80, $0x38;
	[tilespmem:$0x1C480] =	vst v63  }
0xec: {  	_ =	swait.ge [sflag:s12], $0x80  }
0xed: {  	[sflag:s12] =	ssyncset.done $0x0  }
0xee: {  	[sflag:s12] =	ssyncadd.s32 $0xFFFFFF80  }
0xef: {  	[tilespmem:s2], [sflag:$0x3] =	stream.indirect.gather [spmem:s1], $0x80, s3, s11, $0xb8;
	[tilespmem:$0x1C480] =	vst v63  }
0xf0: {  	_ =	swait.ge [sflag:s12], $0x4000  }
0xf1: {  	[sflag:s12] =	ssyncset.done $0x0  }
0xf2: {  	s23 =	rddreg [dreg:$0xf];
	[sflag:s12] =	ssyncadd.s32 $0xFFFFC000  }
0xf3: {  	[hbm4b:s23+s2] =	stream.linear.scatter [tilespmem:s2], [sflag:$0x3], $0x4000, $0x38;
	[tilespmem:$0x1C480] =	vst v63  }
0xf4: {  	_ =	swait.ge [sflag:s12], $0x4000  }
0xf5: {  	[sflag:s12] =	ssyncset.done $0x0  }
0xf6: {  	s25 =	rddreg [dreg:$0x8];
	[sflag:s12] =	ssyncadd.s32 $0xFFFFC000  }
0xf7: {  	[tilespmem:s3], [sflag:$0x3] =	stream.linear.gather [hbm4b:s25+s2], $0x80, $0x38;
	[tilespmem:$0x1C480] =	vst v63  }
0xf8: {  	_ =	swait.ge [sflag:s12], $0x80  }
0xf9: {  	[sflag:s12] =	ssyncset.done $0x0  }
0xfa: {  	[sflag:s12] =	ssyncadd.s32 $0xFFFFFF80  }
0xfb: {  	[tilespmem:s2], [sflag:$0x3] =	stream.indirect.gather [spmem:s1], $0x80, s3, s11, $0xb8;
	[tilespmem:$0x1C480] =	vst v63  }
0xfc: {  	_ =	swait.ge [sflag:s12], $0x4000  }
0xfd: {  	[sflag:s12] =	ssyncset.done $0x0  }
0xfe: {  	s26 =	rddreg [dreg:$0x10];
	[sflag:s12] =	ssyncadd.s32 $0xFFFFC000  }
0xff: {  	[hbm4b:s26+s2] =	stream.linear.scatter [tilespmem:s2], [sflag:$0x3], $0x4000, $0x38;
	[tilespmem:$0x1C480] =	vst v63  }
0x100: {  	_ =	swait.ge [sflag:s12], $0x4000  }
0x101: {  	[sflag:s12] =	ssyncset.done $0x0  }
0x102: {  	s28 =	rddreg [dreg:$0x9];
	[sflag:s12] =	ssyncadd.s32 $0xFFFFC000  }
0x103: {  	[tilespmem:s3], [sflag:$0x3] =	stream.linear.gather [hbm4b:s28+s2], $0x80, $0x38;
	[tilespmem:$0x1C480] =	vst v63  }
0x104: {  	_ =	swait.ge [sflag:s12], $0x80  }
0x105: {  	[sflag:s12] =	ssyncset.done $0x0  }
0x106: {  	[sflag:s12] =	ssyncadd.s32 $0xFFFFFF80  }
0x107: {  	[tilespmem:s2], [sflag:$0x3] =	stream.indirect.gather [spmem:s1], $0x80, s3, s11, $0xb8;
	[tilespmem:$0x1C480] =	vst v63  }
0x108: {  	_ =	swait.ge [sflag:s12], $0x4000  }
0x109: {  	[sflag:s12] =	ssyncset.done $0x0  }
0x10a: {  	s29 =	rddreg [dreg:$0x11];
	[sflag:s12] =	ssyncadd.s32 $0xFFFFC000  }
0x10b: {  	[hbm4b:s29+s2] =	stream.linear.scatter [tilespmem:s2], [sflag:$0x3], $0x4000, $0x38;
	[tilespmem:$0x1C480] =	vst v63  }
0x10c: {  	_ =	swait.ge [sflag:s12], $0x4000  }
0x10d: {  	s30 =	rddreg [dreg:$0x17]  }
0x10e: {  	s31 =	rddreg [dreg:$0x12];
	s3 =	sadd.s32 $0x1, s30  }
0x10f: {  	p0 =	sne.s32 s3, s31  }
.Ltmp2:
0x110: {  	_ = 	snop;
	(pc) =	sbr.rel @p0 .LBB2_1-.Ltmp2, $3  }
0x111: {  	_ =	sdelay $0x1  }
0x112: {  	[sflag:s12] =	ssyncset.done $0x0  }
0x113: {  	[sflag:s12] =	ssyncadd.s32 $0xFFFFC000  }
0x114: {  	_ =	sfence.sel $0x180000  }
0x115: {  	[bflag:$0x0] =	sbarrier.arrive $0xFFFF  }
0x116: {  	_ =	strace $0x90000063  }
0x117: {  	s0 =	stileid.u32;
	[bflag:$0x2] =	sbarrier.arrive $0xFFFF  }
0x118: {  	p0 =	sne.s32 s0, $0x0;
	s0 =	rddreg [dreg:$0x2]  }
0x119: {  	s0 =	sadd.s32 @!p0 $0x100000, s0  }
0x11a: {  	[sflag:s0] =	ssyncadd.tile.s32 @!p0 $0x1;
	_ =	shalt  }
.Lfunc_end2:
_tile_overlayer_lowered:
.L_overlay_start_2:
0x11b: {  	(tag) =	ssettag $0x2  }
0x11c: {  	s0 =	rddreg [dreg:$0x0];
	s2 =	stileid.u32  }
0x11d: {  	s1 =	rddreg [dreg:$0x1];
	p0 =	sne.s32 s2, $0x0  }
0x11e: {  	s3 =	rddreg [dreg:$0x2];
	[bflag:$0x3] =	sbarrier.arrive $0xFFFF;
	s2 =	simm.s32 @!p0 $0x1C03  }
0x11f: {  	[timem:s3], [sflag:s2] =	dma.local @!p0 [hbm:s0], s1  }
0x120: {  	s0 =	simm.s32 @!p0 $0x3  }
0x121: {  	_ =	swait.ge @!p0 [sflag:s0], s1  }
0x122: {  	s1 =	ssub.s32 @!p0 $0x0, s1;
	[sflag:s0] =	ssyncset.done @!p0 $0x0  }
0x123: {  	[sflag:s0] =	ssyncadd.s32 @!p0 s1  }
0x124: {  	[bflag:$0x3] =	sbarrier.arrive $0xFFFF  }
0x125: {  	_ =	shalt  }

// kernel: kernel.8.cloned.1.call-start
scs
__scs_entry_jumppad:
0x0: {  	(pc) =	sbr.rel $0x88, $3  }
0x1: {  	(tag) =	ssettag $0x0;
	lr =	simm.s32 $0x1  }
0x2: {  	[smem:$0x3F98] =	sst lr;
	_ =	strace $0xD0000000  }
0x3: {  	_ = 	snop  }
0x4: {  	_ = 	snop  }
0x5: {  	_ = 	snop  }
0x6: {  	_ = 	snop  }
0x7: {  	_ = 	snop  }
__scs_overlays_trampoline_lowered:
0x8: {  	[smem:$0x3FA7] =	sst s0  }
0x9: {  	[smem:$0x3FA8] =	sst s1  }
0xa: {  	[smem:$0x3FA9] =	sst s2  }
0xb: {  	[smem:$0x3FAA] =	sst s3  }
0xc: {  	[smem:$0x3FAB] =	sst s4  }
0xd: {  	[smem:$0x3FAC] =	sst s5  }
0xe: {  	[smem:$0x3FAD] =	sst s6  }
0xf: {  	[smem:$0x3FAE] =	sst s7  }
0x10: {  	[smem:$0x3FAF] =	sst s8  }
0x11: {  	[smem:$0x3FB0] =	sst s9;
	s0 =	simm.s32 @!p0 $0x0  }
0x12: {  	s1 =	sld [smem:$0x3F96];
	s0 =	simm.s32 @p0 $0x1  }
0x13: {  	[smem:$0x3FB1] =	sst s0;
	s0 =	simm.s32 @!p1 $0x0  }
0x14: {  	s2 =	sld [smem:$0x3F95];
	s0 =	simm.s32 @p1 $0x1  }
0x15: {  	[smem:$0x3FB2] =	sst s0;
	s0 =	simm.s32 @!p2 $0x0  }
0x16: {  	s3 =	sld [smem:$0x3FDB];
	s0 =	simm.s32 @p2 $0x1  }
0x17: {  	s4 =	simm.s32 $0x1BF5;
	[smem:$0x3FB4] =	sst s0  }
0x18: {  	s0 =	sld [smem:$0x3F97];
	_ =	swait.ge [sflag:s4], $0x0  }
0x19: {  	s7 =	sld [smem:$0x3F98]  }
0x1a: {  	s8 =	sadd.s32 $0xFFFFE003, lr  }
0x1b: {  	s9 =	sadd.s32 $0xFFFFFEF7, lr;
	s5 =	simm.s32 $0xFFFFFFFF;
	p2 =	slt.u32 s8, $0xFFFFF086  }
0x1c: {  	p1 =	slt.u32 s9, $0xF7A;
	s5 =	simm.s32 @!p2 $0x0  }
0x1d: {  	s5 =	simm.s32 @p1 $0x1;
	p0 =	seq.s32 s7, s2  }
0x1e: {  	s7 =	smul.u32 @!p0 $0xF7A, s2;
	p2 =	seq.s32 @!p0 s5, $0x0  }
0x1f: {  	s9 =	smul.u32 $0xF7A, s1;
	s8 =	simm.s32 @!p0 $0x1BF5;
	p2 =	por !p2, p0  }
0x20: {  	[sflag:s8] =	ssyncset.s32 @!p0 $0xFFFFF086;
	s6 =	sadd.s32 @!p0 s3, s7;
	s7 =	simm.s32 @!p0 $0x108  }
0x21: {  	s3 =	sadd.s32 s3, s9;
	s6 =	sadd.s32 @!p0 $0x88, s6;
	s7 =	simm.s32 @p2 $0x1082  }
0x22: {  	[simem:s7], [sflag:s8] =	dma.local @!p0 [hbm:s6], $0xF7A  }
0x23: {  	s9 =	sor.u32 $0xD0000000, s2;
	s6 =	simm.s32 $0x108;
	_ =	swait.ge @!p0 [sflag:s8], $0x0  }
0x24: {  	s3 =	sadd.s32 $0x88, s3;
	s6 =	simm.s32 @!p1 $0x1082;
	[sflag:s4] =	ssyncset.s32 $0xFFFFF086  }
0x25: {  	[simem:s6], [sflag:s4] =	dma.local [hbm:s3], $0xF7A  }
0x26: {  	[smem:$0x3F98] =	sst s1;
	(tag) =	ssettag s2;
	_ =	strace s9  }
0x27: {  	s1 =	sld [smem:$0x3FA8]  }
0x28: {  	s2 =	sld [smem:$0x3FA9]  }
0x29: {  	s4 =	sld [smem:$0x3FAB]  }
0x2a: {  	p0 =	seq.s32 s5, $0x0;
	s5 =	sld [smem:$0x3FAC]  }
0x2b: {  	s6 =	sld [smem:$0x3FAD]  }
0x2c: {  	s7 =	sld [smem:$0x3FAE]  }
0x2d: {  	s3 =	simm.s32 $0x108;
	s8 =	sld [smem:$0x3FAF]  }
0x2e: {  	s3 =	simm.s32 @!p0 $0x1082;
	s9 =	sld [smem:$0x3FB0]  }
0x2f: {  	lr =	sadd.s32 s0, s3;
	s0 =	sld [smem:$0x3FA7]  }
0x30: {  	s3 =	sld [smem:$0x3FAA]  }
0x31: {  	[smem:$0x3FB3] =	sst s10  }
0x32: {  	s10 =	sld [smem:$0x3FB1];
	_ =	sdelay $0x3  }
0x33: {  	p0 =	seq.s32 s10, $0x1;
	s10 =	sld [smem:$0x3FB3];
	_ =	sdelay $0x3  }
0x34: {  	[smem:$0x3FB3] =	sst s10  }
0x35: {  	s10 =	sld [smem:$0x3FB2];
	_ =	sdelay $0x3  }
0x36: {  	p1 =	seq.s32 s10, $0x1;
	s10 =	sld [smem:$0x3FB3];
	_ =	sdelay $0x3  }
0x37: {  	[smem:$0x3FB3] =	sst s10  }
0x38: {  	s10 =	sld [smem:$0x3FB4]  }
0x39: {  	_ = 	snop;
	(pc) =	sbr.ind lr, $3  }
0x3a: {  	_ = 	snop  }
0x3b: {  	_ = 	snop  }
0x3c: {  	p2 =	seq.s32 s10, $0x1;
	s10 =	sld [smem:$0x3FB3]  }
0x3d: {  	_ =	shalt  }
0x3e: {  	_ =	shalt  }
0x3f: {  	_ =	shalt  }
0x40: {  	_ =	shalt  }
0x41: {  	_ =	shalt  }
0x42: {  	_ =	shalt  }
0x43: {  	_ =	shalt  }
0x44: {  	_ =	shalt  }
0x45: {  	_ =	shalt  }
0x46: {  	_ =	shalt  }
0x47: {  	_ =	shalt  }
0x48: {  	_ =	shalt  }
0x49: {  	_ =	shalt  }
0x4a: {  	_ =	shalt  }
0x4b: {  	_ =	shalt  }
0x4c: {  	_ =	shalt  }
0x4d: {  	_ =	shalt  }
0x4e: {  	_ =	shalt  }
0x4f: {  	_ =	shalt  }
0x50: {  	_ =	shalt  }
0x51: {  	_ =	shalt  }
0x52: {  	_ =	shalt  }
0x53: {  	_ =	shalt  }
0x54: {  	_ =	shalt  }
0x55: {  	_ =	shalt  }
0x56: {  	_ =	shalt  }
0x57: {  	_ =	shalt  }
0x58: {  	_ =	shalt  }
0x59: {  	_ =	shalt  }
0x5a: {  	_ =	shalt  }
0x5b: {  	_ =	shalt  }
0x5c: {  	_ =	shalt  }
0x5d: {  	_ =	shalt  }
0x5e: {  	_ =	shalt  }
0x5f: {  	_ =	shalt  }
0x60: {  	_ =	shalt  }
0x61: {  	_ =	shalt  }
0x62: {  	_ =	shalt  }
0x63: {  	_ =	shalt  }
0x64: {  	_ =	shalt  }
0x65: {  	_ =	shalt  }
0x66: {  	_ =	shalt  }
0x67: {  	_ =	shalt  }
0x68: {  	_ =	shalt  }
0x69: {  	_ =	shalt  }
0x6a: {  	_ =	shalt  }
0x6b: {  	_ =	shalt  }
0x6c: {  	_ =	shalt  }
0x6d: {  	_ =	shalt  }
0x6e: {  	_ =	shalt  }
0x6f: {  	_ =	shalt  }
0x70: {  	_ =	shalt  }
0x71: {  	_ =	shalt  }
0x72: {  	_ =	shalt  }
0x73: {  	_ =	shalt  }
0x74: {  	_ =	shalt  }
0x75: {  	_ =	shalt  }
0x76: {  	_ =	shalt  }
0x77: {  	_ =	shalt  }
0x78: {  	_ =	shalt  }
0x79: {  	_ =	shalt  }
0x7a: {  	_ =	shalt  }
0x7b: {  	_ =	shalt  }
0x7c: {  	_ =	shalt  }
0x7d: {  	_ =	shalt  }
0x7e: {  	_ =	shalt  }
0x7f: {  	_ =	shalt  }
0x80: {  	_ =	shalt  }
0x81: {  	_ =	shalt  }
0x82: {  	_ =	shalt  }
0x83: {  	_ =	shalt  }
0x84: {  	_ =	shalt  }
0x85: {  	_ =	shalt  }
0x86: {  	_ =	shalt  }
0x87: {  	_ =	shalt  }
.Lfunc_end0:
.L_simem_size_0:
called_computation_lowered:
.L_overlay_start_0:
0x88: {  	s2 =	sld [smem:$0x3FD9]  }
0x89: {  	s3 =	sld [smem:$0x3FFE];
	_ =	sdelay $0x1  }
0x8a: {  	s1 =	srdreg.scid  }
0x8b: {  	s0 =	sand.u32 $0x1, s1  }
0x8c: {  	s16 =	sshll.u32 s0, $0xA;
	s2 =	sadd.s32 s3, s2  }
0x8d: {  	s2 =	sadd.s32 s2, s16  }
0x8e: {  	[smem:$0x3FBF] =	sst s2  }
0x8f: {  	_ = 	snop  }
0x90: {  	(tm) =	ssettm $0x1  }
0x91: {  	s17 =	sld [smem:$0x3FFB];
	_ =	sdelay $0x3  }
0x92: {  	_ =	strace s17  }
0x93: {  	s2 =	sld [smem:$0x3FFC];
	_ =	sdelay $0x3  }
0x94: {  	_ =	strace s2  }
0x95: {  	s2 =	sld [smem:$0x3FFD];
	_ =	sdelay $0x3  }
0x96: {  	_ =	strace s2  }
0x97: {  	_ =	strace $0x8FFFFFFF  }
0x98: {  	s18 =	sld [smem:$0x3FDB];
	_ =	sdelay $0x1  }
0x99: {  	s19 =	simm.s32 $_scs_section_size  }
0x9a: {  	s4 =	simm.s32 $_size__tile_overlayer_lowered;
	s5 =	simm.s32 $_tile_overlayer_lowered  }
0x9b: {  	s22 =	simm.s32 $0x1BFF;
	s21 =	sshll.u32 s5, $0x1;
	s2 =	sadd.s32 s19, s18  }
0x9c: {  	s6 =	simm.s32 $0x0;
	s20 =	sshll.u32 s4, $0x1;
	s4 =	sadd.s32 s21, s2  }
0x9d: {  	[timem:s6], [sflag:s22] =	dma.local [hbm:s4], s20  }
0x9e: {  	_ =	swait.ge [sflag:s22], s20  }
0x9f: {  	s3 =	ssub.s32 $0x0, s20;
	[sflag:s22] =	ssyncset.done $0x0  }
0xa0: {  	[sflag:s22] =	ssyncadd.s32 s3;
	_ =	sdelay $0x1  }
0xa1: {  	s23 =	simm.s32 $0x1B8B  }
0xa2: {  	_ =	swait.ge [sflag:s23], $0x1  }
0xa3: {  	[sflag:s23] =	ssyncset.done $0x0  }
0xa4: {  	s25 =	simm.s32 $0x1B8E;
	s24 =	sld [smem:$0x3FFE];
	[sflag:s23] =	ssyncadd.s32 $0xFFFFFFFF  }
0xa5: {  	s26 =	simm.s32 $execute0_lowered;
	[smem:$0x3FD2] =	sst s25  }
0xa6: {  	s4 =	sshll.u32 s26, $0x1;
	_ =	strace $0x80000046;
	[dreg:$0x1] =	wrdreg $0xFFFFFFFF  }
0xa7: {  	s28 =	simm.s32 $_size_execute0_lowered;
	s2 =	sadd.s32 s2, s4;
	[dreg:$0x0] =	wrdreg $0x0  }
0xa8: {  	s4 =	sshll.u32 s28, $0x1;
	[dreg:$0x2] =	wrdreg s2  }
0xa9: {  	[dreg:$0x3] =	wrdreg s4  }
0xaa: {  	[dreg:$0x4] =	wrdreg $0xC0  }
0xab: {  	_ =	task [dreg:s6], $0x5FFFF  }
0xac: {  	[dreg:$0x1] =	wrdreg $0xFFFFFFFF  }
0xad: {  	[dreg:$0x0] =	wrdreg $0x60  }
0xae: {  	[dreg:$0x2] =	wrdreg s24  }
0xaf: {  	[dreg:$0x3] =	wrdreg $0x40800  }
0xb0: {  	[dreg:$0x4] =	wrdreg $0x9  }
0xb1: {  	_ =	task.clear_ibuf [dreg:s6], $0x5FFFF;
	_ =	strace $0x90000046  }
0xb2: {  	s29 =	simm.s32 $0x9;
	_ =	strace $0x80000050  }
0xb3: {  	_ =	swait.ge [sflag:s29], $0x1  }
0xb4: {  	[sflag:s29] =	ssyncadd.s32 $0xFFFFFFFF  }
0xb5: {  	_ =	strace $0x90000050  }
0xb6: {  	_ =	sfence  }
0xb7: {  	s30 =	sld [smem:$0x0];
	_ =	sdelay $0x2  }
0xb8: {  	s31 =	sshll.u32 s1, $0xD;
	s1 =	sshrl.u32 s1, $0x2  }
0xb9: {  	s3 =	sand.u32 $0x4000, s31;
	s1 =	sadd.s32 s1, s30  }
0xba: {  	s0 =	sor.u32 s3, s0;
	s1 =	sshll.u32 s1, $0x11  }
0xbb: {  	s0 =	sor.u32 s1, s0  }
0xbc: {  	s0 =	sadd.s32 $0x8F2B, s0  }
0xbd: {  	[sflag:s0] =	ssyncadd.remote.s32 $0x1  }
0xbe: {  	_ =	sfence.sel $0xFFFF  }
0xbf: {  	[dreg:$0x0] =	wrdreg $0xFFFFFFFF;
	(pc) =	sbr.abs _section_cstart, $3  }
0xc0: {  	[dreg:$0x1] =	wrdreg $0xFFFFFFFF  }
0xc1: {  	_ =	task.clear_ibuf [dreg:s6], $0x2FFFF;
	_ =	strace $0x9FFFFFFF  }
0xc2: {  	(tm) =	ssettm $0x7FFFFFFF  }
0xc3: {  	_ =	shalt  }
tec
execute0_lowered:
.L_overlay_start_1:
0x0: {  	(tag) =	ssettag $0x1  }
0x1: {  	s0 =	rddreg [dreg:$0x0]  }
0x2: {  	s1 =	rddreg [dreg:$0x1]  }
0x3: {  	s3 =	simm.s32 $0x0;
	s13 =	stileid.u32;
	s5 =	srdreg.scid  }
0x4: {  	s28 =	simm.s32 $0x3;
	s29 =	simm.s32 $0x2;
	s8 =	smul.u32 $0x5, s13  }
0x5: {  	s30 =	simm.s32 $0x4000;
	s31 =	simm.s32 $0x0;
	s9 =	smul.u32 $0x50, s13  }
0x6: {  	[smem:$0x7FF] =	sst s3;
	s2 =	sadd.s32 $0xDA00, s0;
	s11 =	smul.u32 $0x4F00, s13  }
0x7: {  	s4 =	sadd.s32 $0x3C00, s0;
	s7 =	sand.u32 $0x1, s5;
	s5 =	smul.u32 $0x4F, s13  }
0x8: {  	s0 =	sadd.s32 $0xE000, s0;
	s24 =	smul.u32 $0x14000, s13;
	s10 =	ssub.s32 $0x2, s7  }
0x9: {  	_ =	strace $0x80000047;
	s6 =	sshll.u32 s7, $0x7;
	s12 =	sshrl.u32 s10, $0x1  }
0xa: {  	s11 =	sor.u32 s6, s11;
	s16 =	sadd.s32 $0x1, s8;
	s18 =	sadd.s32 $0x2, s8  }
0xb: {  	s10 =	ssub.s32 s10, s12;
	s12 =	smul.u32 $0x140000, s7;
	s23 =	sshrl.u32 s11, $0x3  }
0xc: {  	s7 =	sadd.s32 s2, s9;
	s17 =	sshll.u32 s16, $0xE;
	s9 =	sadd.s32 s4, s23  }
0xd: {  	s19 =	sshll.u32 s18, $0xE;
	s25 =	smax.u32 s10, $0x1;
	[dreg:$0x3] =	wrdreg s9  }
0xe: {  	s21 =	sshll.u32 s18, $0x4;
	s26 =	sadd.s32 $0x10, s7;
	[dreg:$0x4] =	wrdreg s25  }
0xf: {  	s10 =	sadd.s32 $0x20, s7;
	s13 =	sadd.s32 $0x30, s7;
	[dreg:$0x5] =	wrdreg s26  }
0x10: {  	s15 =	sadd.s32 $0x40, s7;
	s23 =	sadd.s32 $0x3, s8;
	[dreg:$0x6] =	wrdreg s10  }
0x11: {  	s8 =	sadd.s32 $0x4, s8;
	[dreg:$0x7] =	wrdreg s13;
	s14 =	sadd.s32 s12, s24  }
0x12: {  	[dreg:$0x8] =	wrdreg s15;
	s10 =	sshll.u32 s16, $0x4;
	s20 =	sadd.s32 s12, s19  }
0x13: {  	s24 =	sshll.u32 s23, $0x4;
	s25 =	sshll.u32 s8, $0xE;
	s9 =	sshrl.u32 s14, $0x3  }
0x14: {  	s8 =	sshll.u32 s8, $0x4;
	s10 =	sadd.s32 s2, s10;
	s9 =	sadd.s32 s0, s9  }
0x15: {  	s19 =	sadd.s32 s2, s24;
	[dreg:$0x9] =	wrdreg s9;
	s9 =	sadd.s32 s12, s17  }
0x16: {  	[dreg:$0xa] =	wrdreg s10;
	s10 =	sshrl.u32 s20, $0x3;
	s9 =	sshrl.u32 s9, $0x3  }
0x17: {  	s24 =	simm.s32 $0x18100;
	s22 =	sadd.s32 s0, s10;
	s9 =	sadd.s32 s0, s9  }
0x18: {  	s10 =	sadd.s32 s12, s25;
	[dreg:$0xb] =	wrdreg s9;
	s9 =	sadd.s32 s2, s21  }
0x19: {  	s25 =	simm.s32 $0x1;
	[dreg:$0xc] =	wrdreg s9;
	s9 =	sshll.u32 s23, $0xE  }
0x1a: {  	[dreg:$0xd] =	wrdreg s22;
	s26 =	sshrl.u32 s10, $0x3;
	s9 =	sadd.s32 s12, s9  }
0x1b: {  	s22 =	sadd.s32 s0, s26;
	s26 =	simm.s32 $0x80;
	s9 =	sshrl.u32 s9, $0x3  }
0x1c: {  	v0 =	vimm.f32 $0.0e+00;
	v1 =	vimm.f32 $1.000000000e+00;
	s21 =	sadd.s32 s2, s8;
	s23 =	simm.s32 $0x18080;
	s20 =	sadd.s32 s0, s9  }
.LBB2_1:
0x1d: {  	s0 =	simm.s32 $0x0;
	s2 =	simm.s32 $0x200  }
.LBB2_2:
0x1e: {  	p0 =	sne.s32 s2, $0xFE00;
	[tilespmem:s0+$0x70] =	vst v0  }
0x1f: {  	[tilespmem:s0+$0x0] =	vst v0  }
0x20: {  	[tilespmem:s0+$0x10] =	vst v0  }
.Ltmp0:
0x21: {  	[tilespmem:s0+$0x20] =	vst v0;
	(pc) =	sbr.rel @p0 .LBB2_2-.Ltmp0, $4  }
0x22: {  	[tilespmem:s0+$0x30] =	vst v0  }
0x23: {  	[tilespmem:s0+$0x40] =	vst v0  }
0x24: {  	[tilespmem:s0+$0x50] =	vst v0  }
0x25: {  	[tilespmem:s0+$0x60] =	vst v0;
	s0 =	sshra.s32 s2, $0x2;
	s2 =	sadd.s32 $0x200, s2  }
0x26: {  	[tilespmem:s0+$0x70] =	vst v0  }
0x27: {  	[tilespmem:s0+$0x0] =	vst v0  }
0x28: {  	[tilespmem:s0+$0x10] =	vst v0  }
0x29: {  	[tilespmem:s0+$0x20] =	vst v0  }
0x2a: {  	[tilespmem:s0+$0x30] =	vst v0  }
0x2b: {  	[tilespmem:s0+$0x40] =	vst v0  }
0x2c: {  	[tilespmem:s0+$0x50] =	vst v0  }
0x2d: {  	[tilespmem:s0+$0x60] =	vst v0  }
0x2e: {  	s15 =	simm.s32 $0x0;
	_ =	strace $0x80000048  }
0x2f: {  	[tilespmem:s23], [sflag:$0x1] =	stream.linear.gather [hbm4b:s7+s15], $0x80, $0x200038;
	[tilespmem:$0x18180] =	vst v63  }
0x30: {  	_ =	strace $0x90000048  }
0x31: {  	_ =	strace $0x80000049  }
0x32: {  	s2 =	rddreg [dreg:$0x5]  }
0x33: {  	[tilespmem:s24], [sflag:$0x2] =	stream.linear.gather [hbm4b:s2+s15], $0x80, $0x200038;
	[tilespmem:$0x18180] =	vst v63  }
0x34: {  	_ =	strace $0x90000049  }
0x35: {  	_ =	strace $0x8000004A  }
0x36: {  	_ =	swait.ge [sflag:s25], $0x80  }
0x37: {  	[sflag:s25] =	ssyncset.done $0x0  }
0x38: {  	[sflag:s25] =	ssyncadd.s32 $0xFFFFFF80  }
0x39: {  	_ =	strace $0x9000004A  }
0x3a: {  	_ =	strace $0x8000004B  }
0x3b: {  	[spmem:s1] =	stream.indirect.scatter [tilespmem:s15], [sflag:$0x3], $0x80, s23, s26, $0x2000b8;
	[tilespmem:$0x18180] =	vst v63  }
0x3c: {  	_ =	swait.ge [sflag:s28], $0x4000  }
0x3d: {  	[sflag:s28] =	ssyncset.done $0x0  }
0x3e: {  	[sflag:s28] =	ssyncadd.s32 $0xFFFFC000  }
0x3f: {  	_ =	strace $0x9000004B  }
0x40: {  	_ =	strace $0x80000049  }
0x41: {  	s16 =	rddreg [dreg:$0x6]  }
0x42: {  	[tilespmem:s23], [sflag:$0x1] =	stream.linear.gather [hbm4b:s16+s15], $0x80, $0x200038;
	[tilespmem:$0x18180] =	vst v63  }
0x43: {  	_ =	strace $0x90000049  }
0x44: {  	_ =	strace $0x8000004A  }
0x45: {  	_ =	swait.ge [sflag:s29], $0x80  }
0x46: {  	[sflag:s29] =	ssyncset.done $0x0  }
0x47: {  	[sflag:s29] =	ssyncadd.s32 $0xFFFFFF80  }
0x48: {  	_ =	strace $0x9000004A  }
0x49: {  	_ =	strace $0x8000004B  }
0x4a: {  	[spmem:s1] =	stream.indirect.scatter [tilespmem:s15], [sflag:$0x3], $0x80, s24, s26, $0x2000b8;
	[tilespmem:$0x18180] =	vst v63  }
0x4b: {  	_ =	swait.ge [sflag:s28], $0x4000  }
0x4c: {  	[sflag:s28] =	ssyncset.done $0x0  }
0x4d: {  	[sflag:s28] =	ssyncadd.s32 $0xFFFFC000  }
0x4e: {  	_ =	strace $0x9000004B  }
0x4f: {  	_ =	strace $0x80000049  }
0x50: {  	s17 =	rddreg [dreg:$0x7]  }
0x51: {  	[tilespmem:s24], [sflag:$0x2] =	stream.linear.gather [hbm4b:s17+s15], $0x80, $0x200038;
	[tilespmem:$0x18180] =	vst v63  }
0x52: {  	_ =	strace $0x90000049  }
0x53: {  	_ =	strace $0x8000004A  }
0x54: {  	_ =	swait.ge [sflag:s25], $0x80  }
0x55: {  	[sflag:s25] =	ssyncset.done $0x0  }
0x56: {  	[sflag:s25] =	ssyncadd.s32 $0xFFFFFF80  }
0x57: {  	_ =	strace $0x9000004A  }
0x58: {  	_ =	strace $0x8000004B  }
0x59: {  	[spmem:s1] =	stream.indirect.scatter [tilespmem:s15], [sflag:$0x3], $0x80, s23, s26, $0x2000b8;
	[tilespmem:$0x18180] =	vst v63  }
0x5a: {  	_ =	swait.ge [sflag:s28], $0x4000  }
0x5b: {  	[sflag:s28] =	ssyncset.done $0x0  }
0x5c: {  	[sflag:s28] =	ssyncadd.s32 $0xFFFFC000  }
0x5d: {  	_ =	strace $0x9000004B  }
0x5e: {  	_ =	strace $0x80000049  }
0x5f: {  	s18 =	rddreg [dreg:$0x8]  }
0x60: {  	[tilespmem:s23], [sflag:$0x1] =	stream.linear.gather [hbm4b:s18+s15], $0x80, $0x200038;
	[tilespmem:$0x18180] =	vst v63  }
0x61: {  	_ =	strace $0x90000049  }
0x62: {  	_ =	strace $0x8000004A  }
0x63: {  	_ =	swait.ge [sflag:s29], $0x80  }
0x64: {  	[sflag:s29] =	ssyncset.done $0x0  }
0x65: {  	[sflag:s29] =	ssyncadd.s32 $0xFFFFFF80  }
0x66: {  	_ =	strace $0x9000004A  }
0x67: {  	_ =	strace $0x8000004B  }
0x68: {  	[spmem:s1] =	stream.indirect.scatter [tilespmem:s15], [sflag:$0x3], $0x80, s24, s26, $0x2000b8;
	[tilespmem:$0x18180] =	vst v63  }
0x69: {  	_ =	swait.ge [sflag:s28], $0x4000  }
0x6a: {  	[sflag:s28] =	ssyncset.done $0x0  }
0x6b: {  	[sflag:s28] =	ssyncadd.s32 $0xFFFFC000  }
0x6c: {  	_ =	strace $0x9000004B  }
0x6d: {  	_ =	strace $0x8000004A  }
0x6e: {  	_ =	swait.ge [sflag:s25], $0x80  }
0x6f: {  	[sflag:s25] =	ssyncset.done $0x0  }
0x70: {  	[sflag:s25] =	ssyncadd.s32 $0xFFFFFF80  }
0x71: {  	_ =	strace $0x9000004A  }
0x72: {  	_ =	strace $0x8000004B  }
0x73: {  	[spmem:s1] =	stream.indirect.scatter [tilespmem:s15], [sflag:$0x3], $0x80, s23, s26, $0x2000b8;
	[tilespmem:$0x18180] =	vst v63  }
0x74: {  	_ =	swait.ge [sflag:s28], $0x4000  }
0x75: {  	[sflag:s28] =	ssyncset.done $0x0  }
0x76: {  	[sflag:s28] =	ssyncadd.s32 $0xFFFFC000  }
0x77: {  	s0 =	simm.s32 $0x0;
	s2 =	simm.s32 $0x200;
	_ =	strace $0x9000004B  }
.LBB2_4:
0x78: {  	p0 =	sne.s32 s2, $0xFE00;
	[tilespmem:s0+$0x70] =	vst v1  }
0x79: {  	[tilespmem:s0+$0x0] =	vst v1  }
0x7a: {  	[tilespmem:s0+$0x10] =	vst v1  }
.Ltmp1:
0x7b: {  	[tilespmem:s0+$0x20] =	vst v1;
	(pc) =	sbr.rel @p0 .LBB2_4-.Ltmp1, $4  }
0x7c: {  	[tilespmem:s0+$0x30] =	vst v1  }
0x7d: {  	[tilespmem:s0+$0x40] =	vst v1  }
0x7e: {  	[tilespmem:s0+$0x50] =	vst v1  }
0x7f: {  	[tilespmem:s0+$0x60] =	vst v1;
	s0 =	sshra.s32 s2, $0x2;
	s2 =	sadd.s32 $0x200, s2  }
0x80: {  	[tilespmem:s0+$0x70] =	vst v1  }
0x81: {  	[tilespmem:s0+$0x0] =	vst v1  }
0x82: {  	[tilespmem:s0+$0x10] =	vst v1  }
0x83: {  	[tilespmem:s0+$0x20] =	vst v1  }
0x84: {  	[tilespmem:s0+$0x30] =	vst v1  }
0x85: {  	[tilespmem:s0+$0x40] =	vst v1  }
0x86: {  	[tilespmem:s0+$0x50] =	vst v1;
	s14 =	simm.s32 $0x0;
	s13 =	simm.s32 $0x1  }
0x87: {  	[tilespmem:s0+$0x60] =	vst v1;
	p0 =	por $0x0, $0x0;
	s8 =	simm.s32 $0x1;
	s15 =	simm.s32 $0x0  }
0x88: {  	s10 =	simm.s32 $0x4C;
	[bflag:$0x0] =	sbarrier.arrive $0xFFFF;
	s13 =	simm.s32 @p0 $0x0  }
0x89: {  	s16 =	sand.u32 $0x80, s15;
	_ =	strace $0x8000004C;
	p0 =	seq.s32 s13, $0x0  }
0x8a: {  	p1 =	sne.s32 s13, $0x0;
	s2 =	rddreg [dreg:$0x3];
	s9 =	sadd.s32 @!p0 s5, s13  }
0x8b: {  	[tilespmem:s23], [sflag:$0x1] =	stream.linear.gather [hbm4b:s2+s14], $0x80, $0x200038;
	[tilespmem:$0x18180] =	vst v63  }
0x8c: {  	s8 =	sand.u32 @!p0 $0x1, s8;
	s14 =	sand.u32 $0x1, s14;
	s2 =	sadd.s32 $0x18080, s16  }
0x8d: {  	s0 =	sshll.u32 @!p0 s9, $0x8;
	s9 =	simm.s32 $0x1;
	s11 =	sshll.u32 @!p0 s8, $0x7  }
0x8e: {  	s8 =	sadd.s32 @!p0 $0x1, s8;
	s16 =	simm.s32 @!p0 $0x0;
	_ =	strace $0x9000004C  }
0x8f: {  	s0 =	sor.u32 @!p0 s6, s0;
	s9 =	simm.s32 @!p1 $0x0;
	s11 =	sadd.s32 @!p0 $0x18080, s11  }
0x90: {  	s18 =	sadd.s32 $0x1, s14;
	s0 =	sshrl.u32 @!p0 s0, $0x3;
	_ =	strace @!p0 $0x8000004D  }
0x91: {  	s12 =	sadd.s32 @!p0 s4, s0;
	s0 =	sadd.s32 $0x0, s9;
	s9 =	sadd.s32 $0x1, s9  }
0x92: {  	[tilespmem:s11], [sflag:s8] =	stream.linear.gather @!p0 [hbm4b:s12+s16], $0x80, $0x200038;
	[tilespmem:$0x18180] =	vst v63  }
0x93: {  	s15 =	sshll.u32 s0, $0x7;
	s8 =	sand.u32 $0x1, s0;
	s11 =	sadd.s32 $0x1, s13  }
0x94: {  	s17 =	sand.u32 $0x80, s15;
	_ =	strace @!p0 $0x9000004D;
	p0 =	seq.s32 s11, $0x4F  }
0x95: {  	s12 =	sadd.s32 $0x18080, s17;
	_ =	strace $0x8000004E;
	s11 =	simm.s32 @p0 $0x0  }
0x96: {  	p0 =	seq.s32 s13, s11;
	p1 =	sne.s32 s13, s11;
	_ =	swait.ge [sflag:s18], $0x80  }
0x97: {  	s13 =	sadd.s32 @!p0 s5, s11;
	s14 =	sand.u32 @!p0 $0x1, s9;
	[sflag:s18] =	ssyncset.done $0x0  }
0x98: {  	s15 =	sshll.u32 @!p0 s13, $0x8;
	s13 =	sshll.u32 @!p0 s14, $0x7;
	[sflag:s18] =	ssyncadd.s32 $0xFFFFFF80  }
.LBB2_6:
0x99: {  	s15 =	sor.u32 @!p0 s6, s15;
	s14 =	sadd.s32 @!p0 $0x1, s14  }
0x9a: {  	_ =	strace $0x9000004E;
	s16 =	smov.u32 s2;
	s2 =	smov.u32 s12  }
0x9b: {  	s17 =	smov.u32 s11;
	s12 =	sshrl.u32 @!p0 s15, $0x3;
	s15 =	simm.s32 $0x1  }
0x9c: {  	_ =	strace $0x8000004F;
	s15 =	simm.s32 @!p1 $0x0  }
0x9d: {  	[spmem:s1] =	stream.indirect.scatter.add.f32 [tilespmem:s3], [sflag:$0x3], $0x80, s16, s26, $0x2000b8;
	[tilespmem:$0x18180] =	vst v63  }
0x9e: {  	s12 =	sadd.s32 @!p0 s4, s12;
	s9 =	sadd.s32 s15, s9;
	_ =	swait.ge [sflag:s28], $0x4000  }
0x9f: {  	s10 =	sadd.s32 $0xFFFFFFFF, s10;
	s0 =	sadd.s32 s15, s0;
	[sflag:s28] =	ssyncset.done $0x0  }
0xa0: {  	s15 =	sand.u32 $0x1, s0;
	s16 =	sshll.u32 s0, $0x7;
	[sflag:s28] =	ssyncadd.s32 $0xFFFFC000  }
0xa1: {  	p2 =	sne.s32 s10, $0x0;
	s16 =	sand.u32 $0x80, s16;
	_ =	strace $0x9000004F  }
0xa2: {  	s13 =	sadd.s32 @!p0 $0x18080, s13;
	s18 =	simm.s32 @!p0 $0x0;
	_ =	strace @!p0 $0x8000004D  }
0xa3: {  	[tilespmem:s13], [sflag:s14] =	stream.linear.gather @!p0 [hbm4b:s12+s18], $0x80, $0x200038;
	[tilespmem:$0x18180] =	vst v63  }
0xa4: {  	s11 =	sadd.s32 $0x1, s11;
	s12 =	sadd.s32 $0x18080, s16;
	_ =	strace @!p0 $0x9000004D  }
.Ltmp2:
0xa5: {  	p0 =	seq.s32 s11, $0x4F;
	_ =	strace $0x8000004E;
	(pc) =	sbr.rel @p2 .LBB2_6-.Ltmp2, $4  }
0xa6: {  	s16 =	sadd.s32 $0x1, s8;
	s8 =	smov.u32 s15;
	s11 =	simm.s32 @p0 $0x0  }
0xa7: {  	p0 =	seq.s32 s17, s11;
	p1 =	sne.s32 s17, s11;
	_ =	swait.ge [sflag:s16], $0x80  }
0xa8: {  	s13 =	sadd.s32 @!p0 s5, s11;
	s14 =	sand.u32 @!p0 $0x1, s9;
	[sflag:s16] =	ssyncset.done $0x0  }
0xa9: {  	s15 =	sshll.u32 @!p0 s13, $0x8;
	s13 =	sshll.u32 @!p0 s14, $0x7;
	[sflag:s16] =	ssyncadd.s32 $0xFFFFFF80  }
0xaa: {  	_ =	strace $0x9000004E  }
0xab: {  	_ =	strace $0x8000004F  }
0xac: {  	[spmem:s1] =	stream.indirect.scatter.add.f32 [tilespmem:s3], [sflag:$0x3], $0x80, s2, s26, $0x2000b8;
	[tilespmem:$0x18180] =	vst v63  }
0xad: {  	_ =	swait.ge [sflag:s28], $0x4000  }
0xae: {  	[sflag:s28] =	ssyncset.done $0x0  }
0xaf: {  	s9 =	sadd.s32 @!p0 $0x1, s14;
	s2 =	sor.u32 @!p0 s6, s15;
	[sflag:s28] =	ssyncadd.s32 $0xFFFFC000  }
0xb0: {  	s10 =	sadd.s32 @!p0 $0x18080, s13;
	s2 =	sshrl.u32 @!p0 s2, $0x3;
	_ =	strace $0x9000004F  }
0xb1: {  	s11 =	simm.s32 @!p0 $0x0;
	s2 =	sadd.s32 @!p0 s4, s2;
	_ =	strace @!p0 $0x8000004D  }
0xb2: {  	[tilespmem:s10], [sflag:s9] =	stream.linear.gather @!p0 [hbm4b:s2+s11], $0x80, $0x200038;
	[tilespmem:$0x18180] =	vst v63  }
0xb3: {  	_ =	strace @!p0 $0x9000004D  }
0xb4: {  	s11 =	sadd.s32 $0x1, s8;
	_ =	strace $0x8000004E  }
0xb5: {  	_ =	swait.ge [sflag:s11], $0x80  }
0xb6: {  	[sflag:s11] =	ssyncset.done $0x0  }
0xb7: {  	[sflag:s11] =	ssyncadd.s32 $0xFFFFFF80  }
0xb8: {  	_ =	strace $0x9000004E  }
0xb9: {  	_ =	strace $0x8000004F  }
0xba: {  	[spmem:s1] =	stream.indirect.scatter.add.f32 [tilespmem:s3], [sflag:$0x3], $0x80, s12, s26, $0x2000b8;
	[tilespmem:$0x18180] =	vst v63  }
0xbb: {  	s2 =	simm.s32 $0x1;
	_ =	swait.ge [sflag:s28], $0x4000  }
0xbc: {  	s2 =	simm.s32 @!p1 $0x0;
	[sflag:s28] =	ssyncset.done $0x0  }
0xbd: {  	s0 =	sadd.s32 s2, s0;
	[sflag:s28] =	ssyncadd.s32 $0xFFFFC000  }
0xbe: {  	s2 =	sand.u32 $0x1, s0;
	_ =	strace $0x9000004F  }
0xbf: {  	s2 =	sadd.s32 $0x1, s2;
	_ =	strace $0x8000004E  }
0xc0: {  	_ =	swait.ge [sflag:s2], $0x80  }
0xc1: {  	[sflag:s2] =	ssyncset.done $0x0  }
0xc2: {  	s0 =	sshll.u32 s0, $0x7;
	[sflag:s2] =	ssyncadd.s32 $0xFFFFFF80  }
0xc3: {  	s0 =	sand.u32 $0x80, s0;
	_ =	strace $0x9000004E  }
0xc4: {  	s0 =	sadd.s32 $0x18080, s0;
	_ =	strace $0x8000004F  }
0xc5: {  	[spmem:s1] =	stream.indirect.scatter.add.f32 [tilespmem:s3], [sflag:$0x3], $0x80, s0, s26, $0x2000b8;
	[tilespmem:$0x18180] =	vst v63  }
0xc6: {  	_ =	swait.ge [sflag:s28], $0x4000  }
0xc7: {  	[sflag:s28] =	ssyncset.done $0x0  }
0xc8: {  	[sflag:s28] =	ssyncadd.s32 $0xFFFFC000  }
0xc9: {  	_ =	strace $0x9000004F  }
0xca: {  	[bflag:$0x0] =	sbarrier.arrive $0xFFFF  }
0xcb: {  	[tilespmem:s30], [sflag:$0x1] =	stream.linear.gather [hbm4b:s7+s3], $0x80, $0x38;
	[tilespmem:$0x18180] =	vst v63  }
0xcc: {  	_ =	swait.ge [sflag:s25], $0x80  }
0xcd: {  	[sflag:s25] =	ssyncset.done $0x0  }
0xce: {  	[sflag:s25] =	ssyncadd.s32 $0xFFFFFF80  }
0xcf: {  	[tilespmem:s3], [sflag:$0x1] =	stream.indirect.gather [spmem:s1], $0x80, s30, s26, $0xb8;
	[tilespmem:$0x18180] =	vst v63  }
0xd0: {  	_ =	swait.ge [sflag:s25], $0x4000  }
0xd1: {  	[sflag:s25] =	ssyncset.done $0x0  }
0xd2: {  	s13 =	rddreg [dreg:$0x9];
	[sflag:s25] =	ssyncadd.s32 $0xFFFFC000  }
0xd3: {  	[hbm4b:s13+s3] =	stream.linear.scatter [tilespmem:s3], [sflag:$0x1], $0x4000, $0x38;
	[tilespmem:$0x18180] =	vst v63  }
0xd4: {  	_ =	swait.ge [sflag:s25], $0x4000  }
0xd5: {  	[sflag:s25] =	ssyncset.done $0x0  }
0xd6: {  	s14 =	rddreg [dreg:$0xa];
	[sflag:s25] =	ssyncadd.s32 $0xFFFFC000  }
0xd7: {  	[tilespmem:s30], [sflag:$0x1] =	stream.linear.gather [hbm4b:s14+s3], $0x80, $0x38;
	[tilespmem:$0x18180] =	vst v63  }
0xd8: {  	_ =	swait.ge [sflag:s25], $0x80  }
0xd9: {  	[sflag:s25] =	ssyncset.done $0x0  }
0xda: {  	[sflag:s25] =	ssyncadd.s32 $0xFFFFFF80  }
0xdb: {  	[tilespmem:s3], [sflag:$0x1] =	stream.indirect.gather [spmem:s1], $0x80, s30, s26, $0xb8;
	[tilespmem:$0x18180] =	vst v63  }
0xdc: {  	_ =	swait.ge [sflag:s25], $0x4000  }
0xdd: {  	[sflag:s25] =	ssyncset.done $0x0  }
0xde: {  	s15 =	rddreg [dreg:$0xb];
	[sflag:s25] =	ssyncadd.s32 $0xFFFFC000  }
0xdf: {  	[hbm4b:s15+s3] =	stream.linear.scatter [tilespmem:s3], [sflag:$0x1], $0x4000, $0x38;
	[tilespmem:$0x18180] =	vst v63  }
0xe0: {  	_ =	swait.ge [sflag:s25], $0x4000  }
0xe1: {  	[sflag:s25] =	ssyncset.done $0x0  }
0xe2: {  	s16 =	rddreg [dreg:$0xc];
	[sflag:s25] =	ssyncadd.s32 $0xFFFFC000  }
0xe3: {  	[tilespmem:s30], [sflag:$0x1] =	stream.linear.gather [hbm4b:s16+s3], $0x80, $0x38;
	[tilespmem:$0x18180] =	vst v63  }
0xe4: {  	_ =	swait.ge [sflag:s25], $0x80  }
0xe5: {  	[sflag:s25] =	ssyncset.done $0x0  }
0xe6: {  	[sflag:s25] =	ssyncadd.s32 $0xFFFFFF80  }
0xe7: {  	[tilespmem:s3], [sflag:$0x1] =	stream.indirect.gather [spmem:s1], $0x80, s30, s26, $0xb8;
	[tilespmem:$0x18180] =	vst v63  }
0xe8: {  	_ =	swait.ge [sflag:s25], $0x4000  }
0xe9: {  	[sflag:s25] =	ssyncset.done $0x0  }
0xea: {  	s17 =	rddreg [dreg:$0xd];
	[sflag:s25] =	ssyncadd.s32 $0xFFFFC000  }
0xeb: {  	[hbm4b:s17+s3] =	stream.linear.scatter [tilespmem:s3], [sflag:$0x1], $0x4000, $0x38;
	[tilespmem:$0x18180] =	vst v63  }
0xec: {  	_ =	swait.ge [sflag:s25], $0x4000  }
0xed: {  	[sflag:s25] =	ssyncset.done $0x0  }
0xee: {  	[sflag:s25] =	ssyncadd.s32 $0xFFFFC000  }
0xef: {  	[tilespmem:s30], [sflag:$0x1] =	stream.linear.gather [hbm4b:s19+s3], $0x80, $0x38;
	[tilespmem:$0x18180] =	vst v63  }
0xf0: {  	_ =	swait.ge [sflag:s25], $0x80  }
0xf1: {  	[sflag:s25] =	ssyncset.done $0x0  }
0xf2: {  	[sflag:s25] =	ssyncadd.s32 $0xFFFFFF80  }
0xf3: {  	[tilespmem:s3], [sflag:$0x1] =	stream.indirect.gather [spmem:s1], $0x80, s30, s26, $0xb8;
	[tilespmem:$0x18180] =	vst v63  }
0xf4: {  	_ =	swait.ge [sflag:s25], $0x4000  }
0xf5: {  	[sflag:s25] =	ssyncset.done $0x0  }
0xf6: {  	[sflag:s25] =	ssyncadd.s32 $0xFFFFC000  }
0xf7: {  	[hbm4b:s20+s3] =	stream.linear.scatter [tilespmem:s3], [sflag:$0x1], $0x4000, $0x38;
	[tilespmem:$0x18180] =	vst v63  }
0xf8: {  	_ =	swait.ge [sflag:s25], $0x4000  }
0xf9: {  	[sflag:s25] =	ssyncset.done $0x0  }
0xfa: {  	[sflag:s25] =	ssyncadd.s32 $0xFFFFC000  }
0xfb: {  	[tilespmem:s30], [sflag:$0x1] =	stream.linear.gather [hbm4b:s21+s3], $0x80, $0x38;
	[tilespmem:$0x18180] =	vst v63  }
0xfc: {  	_ =	swait.ge [sflag:s25], $0x80  }
0xfd: {  	[sflag:s25] =	ssyncset.done $0x0  }
0xfe: {  	[sflag:s25] =	ssyncadd.s32 $0xFFFFFF80  }
0xff: {  	[tilespmem:s3], [sflag:$0x1] =	stream.indirect.gather [spmem:s1], $0x80, s30, s26, $0xb8;
	[tilespmem:$0x18180] =	vst v63  }
0x100: {  	_ =	swait.ge [sflag:s25], $0x4000  }
0x101: {  	[sflag:s25] =	ssyncset.done $0x0  }
0x102: {  	[sflag:s25] =	ssyncadd.s32 $0xFFFFC000  }
0x103: {  	[hbm4b:s22+s3] =	stream.linear.scatter [tilespmem:s3], [sflag:$0x1], $0x4000, $0x38;
	[tilespmem:$0x18180] =	vst v63  }
0x104: {  	_ =	swait.ge [sflag:s25], $0x4000  }
0x105: {  	s31 =	sadd.s32 $0x1, s31;
	s18 =	rddreg [dreg:$0x4]  }
0x106: {  	p0 =	sne.s32 s31, s18  }
.Ltmp3:
0x107: {  	_ = 	snop;
	(pc) =	sbr.rel @p0 .LBB2_1-.Ltmp3, $3  }
0x108: {  	_ =	sdelay $0x1  }
0x109: {  	[sflag:s25] =	ssyncset.done $0x0  }
0x10a: {  	[sflag:s25] =	ssyncadd.s32 $0xFFFFC000  }
0x10b: {  	_ =	sfence.sel $0x180000  }
0x10c: {  	[bflag:$0x0] =	sbarrier.arrive $0xFFFF  }
0x10d: {  	_ =	strace $0x90000047  }
0x10e: {  	s0 =	stileid.u32;
	[bflag:$0x2] =	sbarrier.arrive $0xFFFF  }
0x10f: {  	p0 =	sne.s32 s0, $0x0;
	s0 =	rddreg [dreg:$0x2]  }
0x110: {  	s0 =	sadd.s32 @!p0 $0x100000, s0  }
0x111: {  	[sflag:s0] =	ssyncadd.tile.s32 @!p0 $0x1;
	_ =	shalt  }
.Lfunc_end2:
_tile_overlayer_lowered:
.L_overlay_start_2:
0x112: {  	(tag) =	ssettag $0x2  }
0x113: {  	s0 =	rddreg [dreg:$0x0];
	s2 =	stileid.u32  }
0x114: {  	s1 =	rddreg [dreg:$0x1];
	p0 =	sne.s32 s2, $0x0  }
0x115: {  	s3 =	rddreg [dreg:$0x2];
	[bflag:$0x3] =	sbarrier.arrive $0xFFFF;
	s2 =	simm.s32 @!p0 $0x1C01  }
0x116: {  	[timem:s3], [sflag:s2] =	dma.local @!p0 [hbm:s0], s1  }
0x117: {  	s0 =	simm.s32 @!p0 $0x1  }
0x118: {  	_ =	swait.ge @!p0 [sflag:s0], s1  }
0x119: {  	s1 =	ssub.s32 @!p0 $0x0, s1;
	[sflag:s0] =	ssyncset.done @!p0 $0x0  }
0x11a: {  	[sflag:s0] =	ssyncadd.s32 @!p0 s1  }
0x11b: {  	[bflag:$0x3] =	sbarrier.arrive $0xFFFF  }
0x11c: {  	_ =	shalt  }

</sc_bundles>
